<compile_context>
chip_gen: v7x
topology: tpu7x:2x2x1
jax: 0.10.2.dev20260603
libtpu: 0.0.44.dev20260713+nightly
codegen_flags: <defaults>
</compile_context>

<pallas_src>
import functools

import jax
import jax.numpy as jnp
from jax import lax
from jax.experimental import pallas as pl
from jax.experimental.pallas import tpu as pltpu
from jax.experimental.pallas import tpu_sc as plsc

_LANES = 16


@functools.lru_cache(maxsize=None)
def _make_lookup(V, D, B, H):
    info = plsc.get_sparse_core_info()
    nw = info.num_cores * info.num_subcores
    DG = D // 8
    BT = B // 128
    assert D % 8 == 0 and B % (128 * nw) == 0 and H % 2 == 0
    bt_w = BT // nw
    b_w = bt_w * 128

    mesh = plsc.VectorSubcoreMesh(core_axis_name="c", subcore_axis_name="s")

    @functools.partial(
        pl.kernel,
        mesh=mesh,
        out_type=jax.ShapeDtypeStruct((H, DG, BT * 8, 128), jnp.float32),
        scratch_types=[
            pltpu.VMEM((b_w, H), jnp.int32),
            pltpu.VMEM((H, b_w), jnp.int32),
            [pltpu.VMEM((bt_w * 128, D), jnp.float32) for _ in range(2)],
            [pltpu.VMEM((DG, bt_w * 8, 128), jnp.float32) for _ in range(2)],
            pltpu.SemaphoreType.DMA,
            pltpu.SemaphoreType.DMA,
            pltpu.SemaphoreType.DMA,
            pltpu.SemaphoreType.DMA,
        ],
        compiler_params=pltpu.CompilerParams(
            use_tc_tiling_on_sc=False, needs_layout_passes=False
        ),
    )
    def lookup_kernel(table_hbm, idx_hbm, out_hbm, idxs_v, idx_v, gbufs,
                      tbufs, gsem_a, gsem_b, wsem_a, wsem_b):
        wid = lax.axis_index("s") * info.num_cores + lax.axis_index("c")
        b0 = wid * b_w
        gsems = (gsem_a, gsem_b)
        wsems = (wsem_a, wsem_b)

        pltpu.sync_copy(idx_hbm.at[pl.ds(b0, b_w)], idxs_v)

        iota = lax.iota(jnp.int32, _LANES)
        bls = [iota + (blk * _LANES) for blk in range(128 // _LANES)]

        @plsc.parallel_loop(0, H, unroll=2)
        def _(h):
            h_splat = jnp.full((_LANES,), h, jnp.int32)
            for blk in range(b_w // _LANES):
                bl = iota + (blk * _LANES)
                vals = plsc.load_gather(idxs_v, [bl, h_splat])
                idx_v[h, pl.ds(blk * _LANES, _LANES)] = vals

        def fire_gathers(h, s):
            return [
                pltpu.async_copy(
                    table_hbm.at[idx_v.at[h, pl.ds(j * 128, 128)]],
                    gbufs[s].at[pl.ds(j * 128, 128)],
                    gsems[s],
                )
                for j in range(bt_w)
            ]

        def wait_gathers(s):
            dummy = idx_v.at[0, pl.ds(0, 128)]
            for j in range(bt_w):
                pltpu.make_async_copy(
                    table_hbm.at[dummy],
                    gbufs[s].at[pl.ds(j * 128, 128)],
                    gsems[s],
                ).wait()

        def out_slice(h):
            return out_hbm.at[h, :, pl.ds(wid * bt_w * 8, bt_w * 8)]

        def process(h, s):
            wait_gathers(s)
            tb = tbufs[s]
            gb = gbufs[s]

            @plsc.parallel_loop(0, bt_w * 8, unroll=4)
            def _(t):
                j8 = (t // 8) * 128
                ds_ = t % 8
                for dg in range(DG):
                    d_splat = jnp.full((_LANES,), dg * 8 + ds_, jnp.int32)
                    for blk in range(128 // _LANES):
                        vals = plsc.load_gather(gb, [j8 + bls[blk], d_splat])
                        tb[dg, t, pl.ds(blk * _LANES, _LANES)] = vals

            pltpu.async_copy(tb, out_slice(h), wsems[s])

        def drain_write(s):
            pltpu.make_async_copy(tbufs[s], out_slice(0), wsems[s]).wait()

        fire_gathers(0, 0)

        def body(hh, carry):
            h0 = 2 * hh
            h1 = h0 + 1
            fire_gathers(h1, 1)

            @pl.when(hh >= 1)
            def _():
                drain_write(0)

            process(h0, 0)

            @pl.when(hh < H // 2 - 1)
            def _():
                fire_gathers(h0 + 2, 0)

            @pl.when(hh >= 1)
            def _():
                drain_write(1)

            process(h1, 1)
            return carry

        lax.fori_loop(0, H // 2, body, 0)
        drain_write(0)
        drain_write(1)

    return lookup_kernel


def kernel(tactic_labels, table):
    B, H = tactic_labels.shape
    V, D = table.shape
    idx = tactic_labels.astype(jnp.int32)
    o5 = _make_lookup(V, D, B, H)(table.astype(jnp.float32), idx)
    o5 = o5.reshape(o5.shape[0], o5.shape[1], B // 128, 8, 128)
    return o5.transpose(2, 4, 0, 1, 3).reshape(B, H, D)

# --- scband reference (transcript-rebuilt; emitter-appended) ---
"""Pipeline reference for scband-tactic-embedding-87110526697688 (READ-ONLY COPY).

The authoritative reference and input builder live on the scoring server;
editing this copy changes nothing except your own understanding.
"""

import jax, jax.numpy as jnp
import numpy as np

NUM_TACTICS = 1000000
DIM = 32
BATCH = 16384
HIST = 50

def setup_inputs(seed: int = 0) -> dict:
    key = jax.random.key(seed)
    k_idx, k_tab = jax.random.split(key)
    tactic_labels = jax.random.randint(k_idx, (BATCH, HIST), 0, NUM_TACTICS, dtype=jnp.int64 if jax.config.jax_enable_x64 else jnp.int32)
    # Keras Embedding default initializer is uniform(-0.05, 0.05)
    table = jax.random.uniform(k_tab, (NUM_TACTICS, DIM), dtype=jnp.float32, minval=-0.05, maxval=0.05)
    return {"tactic_labels": tactic_labels, "table": table}

def reference(tactic_labels, table):
    # Embedding lookup: gather rows of the table by index
    return jnp.take(table, tactic_labels, axis=0)

if __name__ == "__main__":
    import jax
    _d = setup_inputs()
    print(jax.jit(kernel)(*tuple(_d.values())))

</pallas_src>

<mosaic_0001>
#map = affine_map<(d0, d1) -> (0, 0)>
#map1 = affine_map<(d0, d1) -> (0, 0, 0, 0)>
module attributes {stable_mosaic.version = 14 : i64} {
  func.func @lookup_kernel(%arg0: i32, %arg1: i32, %arg2: memref<1000000x32xf32, #tpu.memory_space<hbm>>, %arg3: memref<16384x50xi32, #tpu.memory_space<hbm>>, %arg4: memref<50x4x1024x128xf32, #tpu.memory_space<hbm>>, %arg5: memref<512x50xi32, #tpu.memory_space<vmem>>, %arg6: memref<50x512xi32, #tpu.memory_space<vmem>>, %arg7: memref<512x32xf32, #tpu.memory_space<vmem>>, %arg8: memref<512x32xf32, #tpu.memory_space<vmem>>, %arg9: memref<4x32x128xf32, #tpu.memory_space<vmem>>, %arg10: memref<4x32x128xf32, #tpu.memory_space<vmem>>, %arg11: memref<!tpu.dma_semaphore, #tpu.memory_space<semaphore_mem>>, %arg12: memref<!tpu.dma_semaphore, #tpu.memory_space<semaphore_mem>>, %arg13: memref<!tpu.dma_semaphore, #tpu.memory_space<semaphore_mem>>, %arg14: memref<!tpu.dma_semaphore, #tpu.memory_space<semaphore_mem>>) attributes {dimension_semantics = [#tpu.dimension_semantics<core_parallel>, #tpu.dimension_semantics<subcore_parallel>], iteration_bounds = array<i64: 2, 16>, scalar_prefetch = 0 : i64, scratch_operands = 10 : i64, tpu.core_type = #tpu.core_type<sc_vector_subcore>, window_params = [{transform_indices = #map}, {transform_indices = #map}, {transform_indices = #map1}]} {
    %mul3A = arith.constant 2 : i32
    %mul3A_0 = arith.muli %arg1, %mul3A : i32
    %add3A = arith.addi %mul3A_0, %arg0 : i32
    %mul3A_1 = arith.constant 512 : i32
    %mul3A_2 = arith.muli %add3A, %mul3A_1 : i32
    "tpu.region"() ({
      %run_scoped3A = tpu.sem_alloc : memref<!tpu.dma_semaphore, #tpu.memory_space<semaphore_mem>>
      %dma_start3A_98 = arith.constant 0 : i32
      %dma_start3A_99 = tpu.memref_slice %arg3[%mul3A_2, %dma_start3A_98] : memref<16384x50xi32, #tpu.memory_space<hbm>> -> memref<512x50xi32, #tpu.memory_space<hbm>>
      %dma_start3A_100 = arith.constant 0 : i32
      %dma_start3A_101 = tpu.memref_slice %arg3[%mul3A_2, %dma_start3A_100] : memref<16384x50xi32, #tpu.memory_space<hbm>> -> memref<512x50xi32, #tpu.memory_space<hbm>>
      tpu.enqueue_dma source(%dma_start3A_101 : memref<512x50xi32, #tpu.memory_space<hbm>>) target(%arg5 : memref<512x50xi32, #tpu.memory_space<vmem>>) target_semaphore(%run_scoped3A : memref<!tpu.dma_semaphore, #tpu.memory_space<semaphore_mem>>)
      %dma_wait3A_102 = arith.constant 0 : i32
      %dma_wait3A_103 = tpu.memref_slice %arg3[%mul3A_2, %dma_wait3A_102] : memref<16384x50xi32, #tpu.memory_space<hbm>> -> memref<512x50xi32, #tpu.memory_space<hbm>>
      %dma_wait3A_104 = arith.constant 0 : i32
      %dma_wait3A_105 = tpu.memref_slice %arg3[%mul3A_2, %dma_wait3A_104] : memref<16384x50xi32, #tpu.memory_space<hbm>> -> memref<512x50xi32, #tpu.memory_space<hbm>>
      tpu.wait_dma2 semaphore(%run_scoped3A : memref<!tpu.dma_semaphore, #tpu.memory_space<semaphore_mem>>) src(%dma_wait3A_105 : memref<512x50xi32, #tpu.memory_space<hbm>>) dst(%arg5 : memref<512x50xi32, #tpu.memory_space<vmem>>)
      tpu.yield
    }) : () -> ()
    %iota3A = tpu.iota {dimensions = array<i32: 0>} : vector<16xi32>
    %add3A_3 = arith.constant 0 : i32
    %add3A_4 = vector.broadcast %add3A_3 : i32 to vector<16xi32>
    %add3A_5 = arith.addi %iota3A, %add3A_4 : vector<16xi32>
    %add3A_6 = arith.constant 16 : i32
    %add3A_7 = vector.broadcast %add3A_6 : i32 to vector<16xi32>
    %add3A_8 = arith.addi %iota3A, %add3A_7 : vector<16xi32>
    %add3A_9 = arith.constant 32 : i32
    %add3A_10 = vector.broadcast %add3A_9 : i32 to vector<16xi32>
    %add3A_11 = arith.addi %iota3A, %add3A_10 : vector<16xi32>
    %add3A_12 = arith.constant 48 : i32
    %add3A_13 = vector.broadcast %add3A_12 : i32 to vector<16xi32>
    %add3A_14 = arith.addi %iota3A, %add3A_13 : vector<16xi32>
    %add3A_15 = arith.constant 64 : i32
    %add3A_16 = vector.broadcast %add3A_15 : i32 to vector<16xi32>
    %add3A_17 = arith.addi %iota3A, %add3A_16 : vector<16xi32>
    %add3A_18 = arith.constant 80 : i32
    %add3A_19 = vector.broadcast %add3A_18 : i32 to vector<16xi32>
    %add3A_20 = arith.addi %iota3A, %add3A_19 : vector<16xi32>
    %add3A_21 = arith.constant 96 : i32
    %add3A_22 = vector.broadcast %add3A_21 : i32 to vector<16xi32>
    %add3A_23 = arith.addi %iota3A, %add3A_22 : vector<16xi32>
    %add3A_24 = arith.constant 112 : i32
    %add3A_25 = vector.broadcast %add3A_24 : i32 to vector<16xi32>
    %add3A_26 = arith.addi %iota3A, %add3A_25 : vector<16xi32>
    %parallel_loop3A = arith.constant 0 : i32
    %parallel_loop3A_27 = arith.constant 50 : i32
    %parallel_loop3A_28 = arith.constant 1 : i32
    scf.for %parallel_loop3A_98 = %parallel_loop3A to %parallel_loop3A_27 step %parallel_loop3A_28  : i32 {
      %parallel_loop3A_99 = vector.broadcast %parallel_loop3A_98 : i32 to vector<16xi32>
      %parallel_loop3A_100 = arith.constant 0 : i32
      %parallel_loop3A_101 = vector.broadcast %parallel_loop3A_100 : i32 to vector<16xi32>
      %parallel_loop3A_102 = arith.addi %iota3A, %parallel_loop3A_101 : vector<16xi32>
      %parallel_loop3A_103 = tpu.vector_load_idx %arg5[%parallel_loop3A_102, %parallel_loop3A_99] : memref<512x50xi32, #tpu.memory_space<vmem>>[vector<16xi32>, vector<16xi32>], vector<16xi32>,
      %parallel_loop3A_104 = arith.index_cast %parallel_loop3A_98 : i32 to index
      %parallel_loop3A_105 = arith.constant 0 : index
      %parallel_loop3A_106 = tpu.vector_load %arg6[%parallel_loop3A_104, %parallel_loop3A_105] {strides = array<i32>} : memref<50x512xi32, #tpu.memory_space<vmem>>, vector<16xi32>,
      tpu.vector_store %arg6[%parallel_loop3A_104, %parallel_loop3A_105], %parallel_loop3A_103 {strides = array<i32>} : memref<50x512xi32, #tpu.memory_space<vmem>>, vector<16xi32>,
      %parallel_loop3A_107 = arith.constant 16 : i32
      %parallel_loop3A_108 = vector.broadcast %parallel_loop3A_107 : i32 to vector<16xi32>
      %parallel_loop3A_109 = arith.addi %iota3A, %parallel_loop3A_108 : vector<16xi32>
      %parallel_loop3A_110 = tpu.vector_load_idx %arg5[%parallel_loop3A_109, %parallel_loop3A_99] : memref<512x50xi32, #tpu.memory_space<vmem>>[vector<16xi32>, vector<16xi32>], vector<16xi32>,
      %parallel_loop3A_111 = arith.index_cast %parallel_loop3A_98 : i32 to index
      %parallel_loop3A_112 = arith.constant 16 : index
      %parallel_loop3A_113 = tpu.vector_load %arg6[%parallel_loop3A_111, %parallel_loop3A_112] {strides = array<i32>} : memref<50x512xi32, #tpu.memory_space<vmem>>, vector<16xi32>,
      tpu.vector_store %arg6[%parallel_loop3A_111, %parallel_loop3A_112], %parallel_loop3A_110 {strides = array<i32>} : memref<50x512xi32, #tpu.memory_space<vmem>>, vector<16xi32>,
      %parallel_loop3A_114 = arith.constant 32 : i32
      %parallel_loop3A_115 = vector.broadcast %parallel_loop3A_114 : i32 to vector<16xi32>
      %parallel_loop3A_116 = arith.addi %iota3A, %parallel_loop3A_115 : vector<16xi32>
      %parallel_loop3A_117 = tpu.vector_load_idx %arg5[%parallel_loop3A_116, %parallel_loop3A_99] : memref<512x50xi32, #tpu.memory_space<vmem>>[vector<16xi32>, vector<16xi32>], vector<16xi32>,
      %parallel_loop3A_118 = arith.index_cast %parallel_loop3A_98 : i32 to index
      %parallel_loop3A_119 = arith.constant 32 : index
      %parallel_loop3A_120 = tpu.vector_load %arg6[%parallel_loop3A_118, %parallel_loop3A_119] {strides = array<i32>} : memref<50x512xi32, #tpu.memory_space<vmem>>, vector<16xi32>,
      tpu.vector_store %arg6[%parallel_loop3A_118, %parallel_loop3A_119], %parallel_loop3A_117 {strides = array<i32>} : memref<50x512xi32, #tpu.memory_space<vmem>>, vector<16xi32>,
      %parallel_loop3A_121 = arith.constant 48 : i32
      %parallel_loop3A_122 = vector.broadcast %parallel_loop3A_121 : i32 to vector<16xi32>
      %parallel_loop3A_123 = arith.addi %iota3A, %parallel_loop3A_122 : vector<16xi32>
      %parallel_loop3A_124 = tpu.vector_load_idx %arg5[%parallel_loop3A_123, %parallel_loop3A_99] : memref<512x50xi32, #tpu.memory_space<vmem>>[vector<16xi32>, vector<16xi32>], vector<16xi32>,
      %parallel_loop3A_125 = arith.index_cast %parallel_loop3A_98 : i32 to index
      %parallel_loop3A_126 = arith.constant 48 : index
      %parallel_loop3A_127 = tpu.vector_load %arg6[%parallel_loop3A_125, %parallel_loop3A_126] {strides = array<i32>} : memref<50x512xi32, #tpu.memory_space<vmem>>, vector<16xi32>,
      tpu.vector_store %arg6[%parallel_loop3A_125, %parallel_loop3A_126], %parallel_loop3A_124 {strides = array<i32>} : memref<50x512xi32, #tpu.memory_space<vmem>>, vector<16xi32>,
      %parallel_loop3A_128 = arith.constant 64 : i32
      %parallel_loop3A_129 = vector.broadcast %parallel_loop3A_128 : i32 to vector<16xi32>
      %parallel_loop3A_130 = arith.addi %iota3A, %parallel_loop3A_129 : vector<16xi32>
      %parallel_loop3A_131 = tpu.vector_load_idx %arg5[%parallel_loop3A_130, %parallel_loop3A_99] : memref<512x50xi32, #tpu.memory_space<vmem>>[vector<16xi32>, vector<16xi32>], vector<16xi32>,
      %parallel_loop3A_132 = arith.index_cast %parallel_loop3A_98 : i32 to index
      %parallel_loop3A_133 = arith.constant 64 : index
      %parallel_loop3A_134 = tpu.vector_load %arg6[%parallel_loop3A_132, %parallel_loop3A_133] {strides = array<i32>} : memref<50x512xi32, #tpu.memory_space<vmem>>, vector<16xi32>,
      tpu.vector_store %arg6[%parallel_loop3A_132, %parallel_loop3A_133], %parallel_loop3A_131 {strides = array<i32>} : memref<50x512xi32, #tpu.memory_space<vmem>>, vector<16xi32>,
      %parallel_loop3A_135 = arith.constant 80 : i32
      %parallel_loop3A_136 = vector.broadcast %parallel_loop3A_135 : i32 to vector<16xi32>
      %parallel_loop3A_137 = arith.addi %iota3A, %parallel_loop3A_136 : vector<16xi32>
      %parallel_loop3A_138 = tpu.vector_load_idx %arg5[%parallel_loop3A_137, %parallel_loop3A_99] : memref<512x50xi32, #tpu.memory_space<vmem>>[vector<16xi32>, vector<16xi32>], vector<16xi32>,
      %parallel_loop3A_139 = arith.index_cast %parallel_loop3A_98 : i32 to index
      %parallel_loop3A_140 = arith.constant 80 : index
      %parallel_loop3A_141 = tpu.vector_load %arg6[%parallel_loop3A_139, %parallel_loop3A_140] {strides = array<i32>} : memref<50x512xi32, #tpu.memory_space<vmem>>, vector<16xi32>,
      tpu.vector_store %arg6[%parallel_loop3A_139, %parallel_loop3A_140], %parallel_loop3A_138 {strides = array<i32>} : memref<50x512xi32, #tpu.memory_space<vmem>>, vector<16xi32>,
      %parallel_loop3A_142 = arith.constant 96 : i32
      %parallel_loop3A_143 = vector.broadcast %parallel_loop3A_142 : i32 to vector<16xi32>
      %parallel_loop3A_144 = arith.addi %iota3A, %parallel_loop3A_143 : vector<16xi32>
      %parallel_loop3A_145 = tpu.vector_load_idx %arg5[%parallel_loop3A_144, %parallel_loop3A_99] : memref<512x50xi32, #tpu.memory_space<vmem>>[vector<16xi32>, vector<16xi32>], vector<16xi32>,
      %parallel_loop3A_146 = arith.index_cast %parallel_loop3A_98 : i32 to index
      %parallel_loop3A_147 = arith.constant 96 : index
      %parallel_loop3A_148 = tpu.vector_load %arg6[%parallel_loop3A_146, %parallel_loop3A_147] {strides = array<i32>} : memref<50x512xi32, #tpu.memory_space<vmem>>, vector<16xi32>,
      tpu.vector_store %arg6[%parallel_loop3A_146, %parallel_loop3A_147], %parallel_loop3A_145 {strides = array<i32>} : memref<50x512xi32, #tpu.memory_space<vmem>>, vector<16xi32>,
      %parallel_loop3A_149 = arith.constant 112 : i32
      %parallel_loop3A_150 = vector.broadcast %parallel_loop3A_149 : i32 to vector<16xi32>
      %parallel_loop3A_151 = arith.addi %iota3A, %parallel_loop3A_150 : vector<16xi32>
      %parallel_loop3A_152 = tpu.vector_load_idx %arg5[%parallel_loop3A_151, %parallel_loop3A_99] : memref<512x50xi32, #tpu.memory_space<vmem>>[vector<16xi32>, vector<16xi32>], vector<16xi32>,
      %parallel_loop3A_153 = arith.index_cast %parallel_loop3A_98 : i32 to index
      %parallel_loop3A_154 = arith.constant 112 : index
      %parallel_loop3A_155 = tpu.vector_load %arg6[%parallel_loop3A_153, %parallel_loop3A_154] {strides = array<i32>} : memref<50x512xi32, #tpu.memory_space<vmem>>, vector<16xi32>,
      tpu.vector_store %arg6[%parallel_loop3A_153, %parallel_loop3A_154], %parallel_loop3A_152 {strides = array<i32>} : memref<50x512xi32, #tpu.memory_space<vmem>>, vector<16xi32>,
      %parallel_loop3A_156 = arith.constant 128 : i32
      %parallel_loop3A_157 = vector.broadcast %parallel_loop3A_156 : i32 to vector<16xi32>
      %parallel_loop3A_158 = arith.addi %iota3A, %parallel_loop3A_157 : vector<16xi32>
      %parallel_loop3A_159 = tpu.vector_load_idx %arg5[%parallel_loop3A_158, %parallel_loop3A_99] : memref<512x50xi32, #tpu.memory_space<vmem>>[vector<16xi32>, vector<16xi32>], vector<16xi32>,
      %parallel_loop3A_160 = arith.index_cast %parallel_loop3A_98 : i32 to index
      %parallel_loop3A_161 = arith.constant 128 : index
      %parallel_loop3A_162 = tpu.vector_load %arg6[%parallel_loop3A_160, %parallel_loop3A_161] {strides = array<i32>} : memref<50x512xi32, #tpu.memory_space<vmem>>, vector<16xi32>,
      tpu.vector_store %arg6[%parallel_loop3A_160, %parallel_loop3A_161], %parallel_loop3A_159 {strides = array<i32>} : memref<50x512xi32, #tpu.memory_space<vmem>>, vector<16xi32>,
      %parallel_loop3A_163 = arith.constant 144 : i32
      %parallel_loop3A_164 = vector.broadcast %parallel_loop3A_163 : i32 to vector<16xi32>
      %parallel_loop3A_165 = arith.addi %iota3A, %parallel_loop3A_164 : vector<16xi32>
      %parallel_loop3A_166 = tpu.vector_load_idx %arg5[%parallel_loop3A_165, %parallel_loop3A_99] : memref<512x50xi32, #tpu.memory_space<vmem>>[vector<16xi32>, vector<16xi32>], vector<16xi32>,
      %parallel_loop3A_167 = arith.index_cast %parallel_loop3A_98 : i32 to index
      %parallel_loop3A_168 = arith.constant 144 : index
      %parallel_loop3A_169 = tpu.vector_load %arg6[%parallel_loop3A_167, %parallel_loop3A_168] {strides = array<i32>} : memref<50x512xi32, #tpu.memory_space<vmem>>, vector<16xi32>,
      tpu.vector_store %arg6[%parallel_loop3A_167, %parallel_loop3A_168], %parallel_loop3A_166 {strides = array<i32>} : memref<50x512xi32, #tpu.memory_space<vmem>>, vector<16xi32>,
      %parallel_loop3A_170 = arith.constant 160 : i32
      %parallel_loop3A_171 = vector.broadcast %parallel_loop3A_170 : i32 to vector<16xi32>
      %parallel_loop3A_172 = arith.addi %iota3A, %parallel_loop3A_171 : vector<16xi32>
      %parallel_loop3A_173 = tpu.vector_load_idx %arg5[%parallel_loop3A_172, %parallel_loop3A_99] : memref<512x50xi32, #tpu.memory_space<vmem>>[vector<16xi32>, vector<16xi32>], vector<16xi32>,
      %parallel_loop3A_174 = arith.index_cast %parallel_loop3A_98 : i32 to index
      %parallel_loop3A_175 = arith.constant 160 : index
      %parallel_loop3A_176 = tpu.vector_load %arg6[%parallel_loop3A_174, %parallel_loop3A_175] {strides = array<i32>} : memref<50x512xi32, #tpu.memory_space<vmem>>, vector<16xi32>,
      tpu.vector_store %arg6[%parallel_loop3A_174, %parallel_loop3A_175], %parallel_loop3A_173 {strides = array<i32>} : memref<50x512xi32, #tpu.memory_space<vmem>>, vector<16xi32>,
      %parallel_loop3A_177 = arith.constant 176 : i32
      %parallel_loop3A_178 = vector.broadcast %parallel_loop3A_177 : i32 to vector<16xi32>
      %parallel_loop3A_179 = arith.addi %iota3A, %parallel_loop3A_178 : vector<16xi32>
      %parallel_loop3A_180 = tpu.vector_load_idx %arg5[%parallel_loop3A_179, %parallel_loop3A_99] : memref<512x50xi32, #tpu.memory_space<vmem>>[vector<16xi32>, vector<16xi32>], vector<16xi32>,
      %parallel_loop3A_181 = arith.index_cast %parallel_loop3A_98 : i32 to index
      %parallel_loop3A_182 = arith.constant 176 : index
      %parallel_loop3A_183 = tpu.vector_load %arg6[%parallel_loop3A_181, %parallel_loop3A_182] {strides = array<i32>} : memref<50x512xi32, #tpu.memory_space<vmem>>, vector<16xi32>,
      tpu.vector_store %arg6[%parallel_loop3A_181, %parallel_loop3A_182], %parallel_loop3A_180 {strides = array<i32>} : memref<50x512xi32, #tpu.memory_space<vmem>>, vector<16xi32>,
      %parallel_loop3A_184 = arith.constant 192 : i32
      %parallel_loop3A_185 = vector.broadcast %parallel_loop3A_184 : i32 to vector<16xi32>
      %parallel_loop3A_186 = arith.addi %iota3A, %parallel_loop3A_185 : vector<16xi32>
      %parallel_loop3A_187 = tpu.vector_load_idx %arg5[%parallel_loop3A_186, %parallel_loop3A_99] : memref<512x50xi32, #tpu.memory_space<vmem>>[vector<16xi32>, vector<16xi32>], vector<16xi32>,
      %parallel_loop3A_188 = arith.index_cast %parallel_loop3A_98 : i32 to index
      %parallel_loop3A_189 = arith.constant 192 : index
      %parallel_loop3A_190 = tpu.vector_load %arg6[%parallel_loop3A_188, %parallel_loop3A_189] {strides = array<i32>} : memref<50x512xi32, #tpu.memory_space<vmem>>, vector<16xi32>,
      tpu.vector_store %arg6[%parallel_loop3A_188, %parallel_loop3A_189], %parallel_loop3A_187 {strides = array<i32>} : memref<50x512xi32, #tpu.memory_space<vmem>>, vector<16xi32>,
      %parallel_loop3A_191 = arith.constant 208 : i32
      %parallel_loop3A_192 = vector.broadcast %parallel_loop3A_191 : i32 to vector<16xi32>
      %parallel_loop3A_193 = arith.addi %iota3A, %parallel_loop3A_192 : vector<16xi32>
      %parallel_loop3A_194 = tpu.vector_load_idx %arg5[%parallel_loop3A_193, %parallel_loop3A_99] : memref<512x50xi32, #tpu.memory_space<vmem>>[vector<16xi32>, vector<16xi32>], vector<16xi32>,
      %parallel_loop3A_195 = arith.index_cast %parallel_loop3A_98 : i32 to index
      %parallel_loop3A_196 = arith.constant 208 : index
      %parallel_loop3A_197 = tpu.vector_load %arg6[%parallel_loop3A_195, %parallel_loop3A_196] {strides = array<i32>} : memref<50x512xi32, #tpu.memory_space<vmem>>, vector<16xi32>,
      tpu.vector_store %arg6[%parallel_loop3A_195, %parallel_loop3A_196], %parallel_loop3A_194 {strides = array<i32>} : memref<50x512xi32, #tpu.memory_space<vmem>>, vector<16xi32>,
      %parallel_loop3A_198 = arith.constant 224 : i32
      %parallel_loop3A_199 = vector.broadcast %parallel_loop3A_198 : i32 to vector<16xi32>
      %parallel_loop3A_200 = arith.addi %iota3A, %parallel_loop3A_199 : vector<16xi32>
      %parallel_loop3A_201 = tpu.vector_load_idx %arg5[%parallel_loop3A_200, %parallel_loop3A_99] : memref<512x50xi32, #tpu.memory_space<vmem>>[vector<16xi32>, vector<16xi32>], vector<16xi32>,
      %parallel_loop3A_202 = arith.index_cast %parallel_loop3A_98 : i32 to index
      %parallel_loop3A_203 = arith.constant 224 : index
      %parallel_loop3A_204 = tpu.vector_load %arg6[%parallel_loop3A_202, %parallel_loop3A_203] {strides = array<i32>} : memref<50x512xi32, #tpu.memory_space<vmem>>, vector<16xi32>,
      tpu.vector_store %arg6[%parallel_loop3A_202, %parallel_loop3A_203], %parallel_loop3A_201 {strides = array<i32>} : memref<50x512xi32, #tpu.memory_space<vmem>>, vector<16xi32>,
      %parallel_loop3A_205 = arith.constant 240 : i32
      %parallel_loop3A_206 = vector.broadcast %parallel_loop3A_205 : i32 to vector<16xi32>
      %parallel_loop3A_207 = arith.addi %iota3A, %parallel_loop3A_206 : vector<16xi32>
      %parallel_loop3A_208 = tpu.vector_load_idx %arg5[%parallel_loop3A_207, %parallel_loop3A_99] : memref<512x50xi32, #tpu.memory_space<vmem>>[vector<16xi32>, vector<16xi32>], vector<16xi32>,
      %parallel_loop3A_209 = arith.index_cast %parallel_loop3A_98 : i32 to index
      %parallel_loop3A_210 = arith.constant 240 : index
      %parallel_loop3A_211 = tpu.vector_load %arg6[%parallel_loop3A_209, %parallel_loop3A_210] {strides = array<i32>} : memref<50x512xi32, #tpu.memory_space<vmem>>, vector<16xi32>,
      tpu.vector_store %arg6[%parallel_loop3A_209, %parallel_loop3A_210], %parallel_loop3A_208 {strides = array<i32>} : memref<50x512xi32, #tpu.memory_space<vmem>>, vector<16xi32>,
      %parallel_loop3A_212 = arith.constant 256 : i32
      %parallel_loop3A_213 = vector.broadcast %parallel_loop3A_212 : i32 to vector<16xi32>
      %parallel_loop3A_214 = arith.addi %iota3A, %parallel_loop3A_213 : vector<16xi32>
      %parallel_loop3A_215 = tpu.vector_load_idx %arg5[%parallel_loop3A_214, %parallel_loop3A_99] : memref<512x50xi32, #tpu.memory_space<vmem>>[vector<16xi32>, vector<16xi32>], vector<16xi32>,
      %parallel_loop3A_216 = arith.index_cast %parallel_loop3A_98 : i32 to index
      %parallel_loop3A_217 = arith.constant 256 : index
      %parallel_loop3A_218 = tpu.vector_load %arg6[%parallel_loop3A_216, %parallel_loop3A_217] {strides = array<i32>} : memref<50x512xi32, #tpu.memory_space<vmem>>, vector<16xi32>,
      tpu.vector_store %arg6[%parallel_loop3A_216, %parallel_loop3A_217], %parallel_loop3A_215 {strides = array<i32>} : memref<50x512xi32, #tpu.memory_space<vmem>>, vector<16xi32>,
      %parallel_loop3A_219 = arith.constant 272 : i32
      %parallel_loop3A_220 = vector.broadcast %parallel_loop3A_219 : i32 to vector<16xi32>
      %parallel_loop3A_221 = arith.addi %iota3A, %parallel_loop3A_220 : vector<16xi32>
      %parallel_loop3A_222 = tpu.vector_load_idx %arg5[%parallel_loop3A_221, %parallel_loop3A_99] : memref<512x50xi32, #tpu.memory_space<vmem>>[vector<16xi32>, vector<16xi32>], vector<16xi32>,
      %parallel_loop3A_223 = arith.index_cast %parallel_loop3A_98 : i32 to index
      %parallel_loop3A_224 = arith.constant 272 : index
      %parallel_loop3A_225 = tpu.vector_load %arg6[%parallel_loop3A_223, %parallel_loop3A_224] {strides = array<i32>} : memref<50x512xi32, #tpu.memory_space<vmem>>, vector<16xi32>,
      tpu.vector_store %arg6[%parallel_loop3A_223, %parallel_loop3A_224], %parallel_loop3A_222 {strides = array<i32>} : memref<50x512xi32, #tpu.memory_space<vmem>>, vector<16xi32>,
      %parallel_loop3A_226 = arith.constant 288 : i32
      %parallel_loop3A_227 = vector.broadcast %parallel_loop3A_226 : i32 to vector<16xi32>
      %parallel_loop3A_228 = arith.addi %iota3A, %parallel_loop3A_227 : vector<16xi32>
      %parallel_loop3A_229 = tpu.vector_load_idx %arg5[%parallel_loop3A_228, %parallel_loop3A_99] : memref<512x50xi32, #tpu.memory_space<vmem>>[vector<16xi32>, vector<16xi32>], vector<16xi32>,
      %parallel_loop3A_230 = arith.index_cast %parallel_loop3A_98 : i32 to index
      %parallel_loop3A_231 = arith.constant 288 : index
      %parallel_loop3A_232 = tpu.vector_load %arg6[%parallel_loop3A_230, %parallel_loop3A_231] {strides = array<i32>} : memref<50x512xi32, #tpu.memory_space<vmem>>, vector<16xi32>,
      tpu.vector_store %arg6[%parallel_loop3A_230, %parallel_loop3A_231], %parallel_loop3A_229 {strides = array<i32>} : memref<50x512xi32, #tpu.memory_space<vmem>>, vector<16xi32>,
      %parallel_loop3A_233 = arith.constant 304 : i32
      %parallel_loop3A_234 = vector.broadcast %parallel_loop3A_233 : i32 to vector<16xi32>
      %parallel_loop3A_235 = arith.addi %iota3A, %parallel_loop3A_234 : vector<16xi32>
      %parallel_loop3A_236 = tpu.vector_load_idx %arg5[%parallel_loop3A_235, %parallel_loop3A_99] : memref<512x50xi32, #tpu.memory_space<vmem>>[vector<16xi32>, vector<16xi32>], vector<16xi32>,
      %parallel_loop3A_237 = arith.index_cast %parallel_loop3A_98 : i32 to index
      %parallel_loop3A_238 = arith.constant 304 : index
      %parallel_loop3A_239 = tpu.vector_load %arg6[%parallel_loop3A_237, %parallel_loop3A_238] {strides = array<i32>} : memref<50x512xi32, #tpu.memory_space<vmem>>, vector<16xi32>,
      tpu.vector_store %arg6[%parallel_loop3A_237, %parallel_loop3A_238], %parallel_loop3A_236 {strides = array<i32>} : memref<50x512xi32, #tpu.memory_space<vmem>>, vector<16xi32>,
      %parallel_loop3A_240 = arith.constant 320 : i32
      %parallel_loop3A_241 = vector.broadcast %parallel_loop3A_240 : i32 to vector<16xi32>
      %parallel_loop3A_242 = arith.addi %iota3A, %parallel_loop3A_241 : vector<16xi32>
      %parallel_loop3A_243 = tpu.vector_load_idx %arg5[%parallel_loop3A_242, %parallel_loop3A_99] : memref<512x50xi32, #tpu.memory_space<vmem>>[vector<16xi32>, vector<16xi32>], vector<16xi32>,
      %parallel_loop3A_244 = arith.index_cast %parallel_loop3A_98 : i32 to index
      %parallel_loop3A_245 = arith.constant 320 : index
      %parallel_loop3A_246 = tpu.vector_load %arg6[%parallel_loop3A_244, %parallel_loop3A_245] {strides = array<i32>} : memref<50x512xi32, #tpu.memory_space<vmem>>, vector<16xi32>,
      tpu.vector_store %arg6[%parallel_loop3A_244, %parallel_loop3A_245], %parallel_loop3A_243 {strides = array<i32>} : memref<50x512xi32, #tpu.memory_space<vmem>>, vector<16xi32>,
      %parallel_loop3A_247 = arith.constant 336 : i32
      %parallel_loop3A_248 = vector.broadcast %parallel_loop3A_247 : i32 to vector<16xi32>
      %parallel_loop3A_249 = arith.addi %iota3A, %parallel_loop3A_248 : vector<16xi32>
      %parallel_loop3A_250 = tpu.vector_load_idx %arg5[%parallel_loop3A_249, %parallel_loop3A_99] : memref<512x50xi32, #tpu.memory_space<vmem>>[vector<16xi32>, vector<16xi32>], vector<16xi32>,
      %parallel_loop3A_251 = arith.index_cast %parallel_loop3A_98 : i32 to index
      %parallel_loop3A_252 = arith.constant 336 : index
      %parallel_loop3A_253 = tpu.vector_load %arg6[%parallel_loop3A_251, %parallel_loop3A_252] {strides = array<i32>} : memref<50x512xi32, #tpu.memory_space<vmem>>, vector<16xi32>,
      tpu.vector_store %arg6[%parallel_loop3A_251, %parallel_loop3A_252], %parallel_loop3A_250 {strides = array<i32>} : memref<50x512xi32, #tpu.memory_space<vmem>>, vector<16xi32>,
      %parallel_loop3A_254 = arith.constant 352 : i32
      %parallel_loop3A_255 = vector.broadcast %parallel_loop3A_254 : i32 to vector<16xi32>
      %parallel_loop3A_256 = arith.addi %iota3A, %parallel_loop3A_255 : vector<16xi32>
      %parallel_loop3A_257 = tpu.vector_load_idx %arg5[%parallel_loop3A_256, %parallel_loop3A_99] : memref<512x50xi32, #tpu.memory_space<vmem>>[vector<16xi32>, vector<16xi32>], vector<16xi32>,
      %parallel_loop3A_258 = arith.index_cast %parallel_loop3A_98 : i32 to index
      %parallel_loop3A_259 = arith.constant 352 : index
      %parallel_loop3A_260 = tpu.vector_load %arg6[%parallel_loop3A_258, %parallel_loop3A_259] {strides = array<i32>} : memref<50x512xi32, #tpu.memory_space<vmem>>, vector<16xi32>,
      tpu.vector_store %arg6[%parallel_loop3A_258, %parallel_loop3A_259], %parallel_loop3A_257 {strides = array<i32>} : memref<50x512xi32, #tpu.memory_space<vmem>>, vector<16xi32>,
      %parallel_loop3A_261 = arith.constant 368 : i32
      %parallel_loop3A_262 = vector.broadcast %parallel_loop3A_261 : i32 to vector<16xi32>
      %parallel_loop3A_263 = arith.addi %iota3A, %parallel_loop3A_262 : vector<16xi32>
      %parallel_loop3A_264 = tpu.vector_load_idx %arg5[%parallel_loop3A_263, %parallel_loop3A_99] : memref<512x50xi32, #tpu.memory_space<vmem>>[vector<16xi32>, vector<16xi32>], vector<16xi32>,
      %parallel_loop3A_265 = arith.index_cast %parallel_loop3A_98 : i32 to index
      %parallel_loop3A_266 = arith.constant 368 : index
      %parallel_loop3A_267 = tpu.vector_load %arg6[%parallel_loop3A_265, %parallel_loop3A_266] {strides = array<i32>} : memref<50x512xi32, #tpu.memory_space<vmem>>, vector<16xi32>,
      tpu.vector_store %arg6[%parallel_loop3A_265, %parallel_loop3A_266], %parallel_loop3A_264 {strides = array<i32>} : memref<50x512xi32, #tpu.memory_space<vmem>>, vector<16xi32>,
      %parallel_loop3A_268 = arith.constant 384 : i32
      %parallel_loop3A_269 = vector.broadcast %parallel_loop3A_268 : i32 to vector<16xi32>
      %parallel_loop3A_270 = arith.addi %iota3A, %parallel_loop3A_269 : vector<16xi32>
      %parallel_loop3A_271 = tpu.vector_load_idx %arg5[%parallel_loop3A_270, %parallel_loop3A_99] : memref<512x50xi32, #tpu.memory_space<vmem>>[vector<16xi32>, vector<16xi32>], vector<16xi32>,
      %parallel_loop3A_272 = arith.index_cast %parallel_loop3A_98 : i32 to index
      %parallel_loop3A_273 = arith.constant 384 : index
      %parallel_loop3A_274 = tpu.vector_load %arg6[%parallel_loop3A_272, %parallel_loop3A_273] {strides = array<i32>} : memref<50x512xi32, #tpu.memory_space<vmem>>, vector<16xi32>,
      tpu.vector_store %arg6[%parallel_loop3A_272, %parallel_loop3A_273], %parallel_loop3A_271 {strides = array<i32>} : memref<50x512xi32, #tpu.memory_space<vmem>>, vector<16xi32>,
      %parallel_loop3A_275 = arith.constant 400 : i32
      %parallel_loop3A_276 = vector.broadcast %parallel_loop3A_275 : i32 to vector<16xi32>
      %parallel_loop3A_277 = arith.addi %iota3A, %parallel_loop3A_276 : vector<16xi32>
      %parallel_loop3A_278 = tpu.vector_load_idx %arg5[%parallel_loop3A_277, %parallel_loop3A_99] : memref<512x50xi32, #tpu.memory_space<vmem>>[vector<16xi32>, vector<16xi32>], vector<16xi32>,
      %parallel_loop3A_279 = arith.index_cast %parallel_loop3A_98 : i32 to index
      %parallel_loop3A_280 = arith.constant 400 : index
      %parallel_loop3A_281 = tpu.vector_load %arg6[%parallel_loop3A_279, %parallel_loop3A_280] {strides = array<i32>} : memref<50x512xi32, #tpu.memory_space<vmem>>, vector<16xi32>,
      tpu.vector_store %arg6[%parallel_loop3A_279, %parallel_loop3A_280], %parallel_loop3A_278 {strides = array<i32>} : memref<50x512xi32, #tpu.memory_space<vmem>>, vector<16xi32>,
      %parallel_loop3A_282 = arith.constant 416 : i32
      %parallel_loop3A_283 = vector.broadcast %parallel_loop3A_282 : i32 to vector<16xi32>
      %parallel_loop3A_284 = arith.addi %iota3A, %parallel_loop3A_283 : vector<16xi32>
      %parallel_loop3A_285 = tpu.vector_load_idx %arg5[%parallel_loop3A_284, %parallel_loop3A_99] : memref<512x50xi32, #tpu.memory_space<vmem>>[vector<16xi32>, vector<16xi32>], vector<16xi32>,
      %parallel_loop3A_286 = arith.index_cast %parallel_loop3A_98 : i32 to index
      %parallel_loop3A_287 = arith.constant 416 : index
      %parallel_loop3A_288 = tpu.vector_load %arg6[%parallel_loop3A_286, %parallel_loop3A_287] {strides = array<i32>} : memref<50x512xi32, #tpu.memory_space<vmem>>, vector<16xi32>,
      tpu.vector_store %arg6[%parallel_loop3A_286, %parallel_loop3A_287], %parallel_loop3A_285 {strides = array<i32>} : memref<50x512xi32, #tpu.memory_space<vmem>>, vector<16xi32>,
      %parallel_loop3A_289 = arith.constant 432 : i32
      %parallel_loop3A_290 = vector.broadcast %parallel_loop3A_289 : i32 to vector<16xi32>
      %parallel_loop3A_291 = arith.addi %iota3A, %parallel_loop3A_290 : vector<16xi32>
      %parallel_loop3A_292 = tpu.vector_load_idx %arg5[%parallel_loop3A_291, %parallel_loop3A_99] : memref<512x50xi32, #tpu.memory_space<vmem>>[vector<16xi32>, vector<16xi32>], vector<16xi32>,
      %parallel_loop3A_293 = arith.index_cast %parallel_loop3A_98 : i32 to index
      %parallel_loop3A_294 = arith.constant 432 : index
      %parallel_loop3A_295 = tpu.vector_load %arg6[%parallel_loop3A_293, %parallel_loop3A_294] {strides = array<i32>} : memref<50x512xi32, #tpu.memory_space<vmem>>, vector<16xi32>,
      tpu.vector_store %arg6[%parallel_loop3A_293, %parallel_loop3A_294], %parallel_loop3A_292 {strides = array<i32>} : memref<50x512xi32, #tpu.memory_space<vmem>>, vector<16xi32>,
      %parallel_loop3A_296 = arith.constant 448 : i32
      %parallel_loop3A_297 = vector.broadcast %parallel_loop3A_296 : i32 to vector<16xi32>
      %parallel_loop3A_298 = arith.addi %iota3A, %parallel_loop3A_297 : vector<16xi32>
      %parallel_loop3A_299 = tpu.vector_load_idx %arg5[%parallel_loop3A_298, %parallel_loop3A_99] : memref<512x50xi32, #tpu.memory_space<vmem>>[vector<16xi32>, vector<16xi32>], vector<16xi32>,
      %parallel_loop3A_300 = arith.index_cast %parallel_loop3A_98 : i32 to index
      %parallel_loop3A_301 = arith.constant 448 : index
      %parallel_loop3A_302 = tpu.vector_load %arg6[%parallel_loop3A_300, %parallel_loop3A_301] {strides = array<i32>} : memref<50x512xi32, #tpu.memory_space<vmem>>, vector<16xi32>,
      tpu.vector_store %arg6[%parallel_loop3A_300, %parallel_loop3A_301], %parallel_loop3A_299 {strides = array<i32>} : memref<50x512xi32, #tpu.memory_space<vmem>>, vector<16xi32>,
      %parallel_loop3A_303 = arith.constant 464 : i32
      %parallel_loop3A_304 = vector.broadcast %parallel_loop3A_303 : i32 to vector<16xi32>
      %parallel_loop3A_305 = arith.addi %iota3A, %parallel_loop3A_304 : vector<16xi32>
      %parallel_loop3A_306 = tpu.vector_load_idx %arg5[%parallel_loop3A_305, %parallel_loop3A_99] : memref<512x50xi32, #tpu.memory_space<vmem>>[vector<16xi32>, vector<16xi32>], vector<16xi32>,
      %parallel_loop3A_307 = arith.index_cast %parallel_loop3A_98 : i32 to index
      %parallel_loop3A_308 = arith.constant 464 : index
      %parallel_loop3A_309 = tpu.vector_load %arg6[%parallel_loop3A_307, %parallel_loop3A_308] {strides = array<i32>} : memref<50x512xi32, #tpu.memory_space<vmem>>, vector<16xi32>,
      tpu.vector_store %arg6[%parallel_loop3A_307, %parallel_loop3A_308], %parallel_loop3A_306 {strides = array<i32>} : memref<50x512xi32, #tpu.memory_space<vmem>>, vector<16xi32>,
      %parallel_loop3A_310 = arith.constant 480 : i32
      %parallel_loop3A_311 = vector.broadcast %parallel_loop3A_310 : i32 to vector<16xi32>
      %parallel_loop3A_312 = arith.addi %iota3A, %parallel_loop3A_311 : vector<16xi32>
      %parallel_loop3A_313 = tpu.vector_load_idx %arg5[%parallel_loop3A_312, %parallel_loop3A_99] : memref<512x50xi32, #tpu.memory_space<vmem>>[vector<16xi32>, vector<16xi32>], vector<16xi32>,
      %parallel_loop3A_314 = arith.index_cast %parallel_loop3A_98 : i32 to index
      %parallel_loop3A_315 = arith.constant 480 : index
      %parallel_loop3A_316 = tpu.vector_load %arg6[%parallel_loop3A_314, %parallel_loop3A_315] {strides = array<i32>} : memref<50x512xi32, #tpu.memory_space<vmem>>, vector<16xi32>,
      tpu.vector_store %arg6[%parallel_loop3A_314, %parallel_loop3A_315], %parallel_loop3A_313 {strides = array<i32>} : memref<50x512xi32, #tpu.memory_space<vmem>>, vector<16xi32>,
      %parallel_loop3A_317 = arith.constant 496 : i32
      %parallel_loop3A_318 = vector.broadcast %parallel_loop3A_317 : i32 to vector<16xi32>
      %parallel_loop3A_319 = arith.addi %iota3A, %parallel_loop3A_318 : vector<16xi32>
      %parallel_loop3A_320 = tpu.vector_load_idx %arg5[%parallel_loop3A_319, %parallel_loop3A_99] : memref<512x50xi32, #tpu.memory_space<vmem>>[vector<16xi32>, vector<16xi32>], vector<16xi32>,
      %parallel_loop3A_321 = arith.index_cast %parallel_loop3A_98 : i32 to index
      %parallel_loop3A_322 = arith.constant 496 : index
      %parallel_loop3A_323 = tpu.vector_load %arg6[%parallel_loop3A_321, %parallel_loop3A_322] {strides = array<i32>} : memref<50x512xi32, #tpu.memory_space<vmem>>, vector<16xi32>,
      tpu.vector_store %arg6[%parallel_loop3A_321, %parallel_loop3A_322], %parallel_loop3A_320 {strides = array<i32>} : memref<50x512xi32, #tpu.memory_space<vmem>>, vector<16xi32>,
    } {sc.loop_unroll_factor = 2 : i64, sc.parallel_access}
    %dma_start3A = arith.constant 0 : i32
    %dma_start3A_29 = arith.constant 0 : i32
    %dma_start3A_30 = arith.constant 0 : i32
    %dma_start3A_31 = tpu.memref_slice %arg7[%dma_start3A_29, %dma_start3A_30] : memref<512x32xf32, #tpu.memory_space<vmem>> -> memref<128x32xf32, #tpu.memory_space<vmem>>
    %dma_start3A_32 = arith.constant 0 : i32
    %dma_start3A_33 = tpu.memref_slice %arg6[%dma_start3A, %dma_start3A_32] : memref<50x512xi32, #tpu.memory_space<vmem>> -> memref<1x128xi32, #tpu.memory_space<vmem>>
    %dma_start3A_34 = tpu.memref_squeeze %dma_start3A_33 : memref<1x128xi32, #tpu.memory_space<vmem>> -> memref<128xi32, #tpu.memory_space<vmem>>
    %dma_start3A_35 = arith.constant 0 : i32
    %dma_start3A_36 = arith.constant 0 : i32
    %dma_start3A_37 = tpu.memref_slice %arg2[%dma_start3A_35, %dma_start3A_36] : memref<1000000x32xf32, #tpu.memory_space<hbm>> -> memref<1000000x32xf32, #tpu.memory_space<hbm>>
    tpu.enqueue_indirect_dma source(%dma_start3A_37 : memref<1000000x32xf32, #tpu.memory_space<hbm>>) target(%dma_start3A_31 : memref<128x32xf32, #tpu.memory_space<vmem>>) offsets(%dma_start3A_34 : memref<128xi32, #tpu.memory_space<vmem>>) semaphore(%arg11 : memref<!tpu.dma_semaphore, #tpu.memory_space<semaphore_mem>>)
    %dma_start3A_38 = arith.constant 0 : i32
    %dma_start3A_39 = arith.constant 128 : i32
    %dma_start3A_40 = arith.constant 0 : i32
    %dma_start3A_41 = tpu.memref_slice %arg7[%dma_start3A_39, %dma_start3A_40] : memref<512x32xf32, #tpu.memory_space<vmem>> -> memref<128x32xf32, #tpu.memory_space<vmem>>
    %dma_start3A_42 = arith.constant 128 : i32
    %dma_start3A_43 = tpu.memref_slice %arg6[%dma_start3A_38, %dma_start3A_42] : memref<50x512xi32, #tpu.memory_space<vmem>> -> memref<1x128xi32, #tpu.memory_space<vmem>>
    %dma_start3A_44 = tpu.memref_squeeze %dma_start3A_43 : memref<1x128xi32, #tpu.memory_space<vmem>> -> memref<128xi32, #tpu.memory_space<vmem>>
    %dma_start3A_45 = arith.constant 0 : i32
    %dma_start3A_46 = arith.constant 0 : i32
    %dma_start3A_47 = tpu.memref_slice %arg2[%dma_start3A_45, %dma_start3A_46] : memref<1000000x32xf32, #tpu.memory_space<hbm>> -> memref<1000000x32xf32, #tpu.memory_space<hbm>>
    tpu.enqueue_indirect_dma source(%dma_start3A_47 : memref<1000000x32xf32, #tpu.memory_space<hbm>>) target(%dma_start3A_41 : memref<128x32xf32, #tpu.memory_space<vmem>>) offsets(%dma_start3A_44 : memref<128xi32, #tpu.memory_space<vmem>>) semaphore(%arg11 : memref<!tpu.dma_semaphore, #tpu.memory_space<semaphore_mem>>)
    %dma_start3A_48 = arith.constant 0 : i32
    %dma_start3A_49 = arith.constant 256 : i32
    %dma_start3A_50 = arith.constant 0 : i32
    %dma_start3A_51 = tpu.memref_slice %arg7[%dma_start3A_49, %dma_start3A_50] : memref<512x32xf32, #tpu.memory_space<vmem>> -> memref<128x32xf32, #tpu.memory_space<vmem>>
    %dma_start3A_52 = arith.constant 256 : i32
    %dma_start3A_53 = tpu.memref_slice %arg6[%dma_start3A_48, %dma_start3A_52] : memref<50x512xi32, #tpu.memory_space<vmem>> -> memref<1x128xi32, #tpu.memory_space<vmem>>
    %dma_start3A_54 = tpu.memref_squeeze %dma_start3A_53 : memref<1x128xi32, #tpu.memory_space<vmem>> -> memref<128xi32, #tpu.memory_space<vmem>>
    %dma_start3A_55 = arith.constant 0 : i32
    %dma_start3A_56 = arith.constant 0 : i32
    %dma_start3A_57 = tpu.memref_slice %arg2[%dma_start3A_55, %dma_start3A_56] : memref<1000000x32xf32, #tpu.memory_space<hbm>> -> memref<1000000x32xf32, #tpu.memory_space<hbm>>
    tpu.enqueue_indirect_dma source(%dma_start3A_57 : memref<1000000x32xf32, #tpu.memory_space<hbm>>) target(%dma_start3A_51 : memref<128x32xf32, #tpu.memory_space<vmem>>) offsets(%dma_start3A_54 : memref<128xi32, #tpu.memory_space<vmem>>) semaphore(%arg11 : memref<!tpu.dma_semaphore, #tpu.memory_space<semaphore_mem>>)
    %dma_start3A_58 = arith.constant 0 : i32
    %dma_start3A_59 = arith.constant 384 : i32
    %dma_start3A_60 = arith.constant 0 : i32
    %dma_start3A_61 = tpu.memref_slice %arg7[%dma_start3A_59, %dma_start3A_60] : memref<512x32xf32, #tpu.memory_space<vmem>> -> memref<128x32xf32, #tpu.memory_space<vmem>>
    %dma_start3A_62 = arith.constant 384 : i32
    %dma_start3A_63 = tpu.memref_slice %arg6[%dma_start3A_58, %dma_start3A_62] : memref<50x512xi32, #tpu.memory_space<vmem>> -> memref<1x128xi32, #tpu.memory_space<vmem>>
    %dma_start3A_64 = tpu.memref_squeeze %dma_start3A_63 : memref<1x128xi32, #tpu.memory_space<vmem>> -> memref<128xi32, #tpu.memory_space<vmem>>
    %dma_start3A_65 = arith.constant 0 : i32
    %dma_start3A_66 = arith.constant 0 : i32
    %dma_start3A_67 = tpu.memref_slice %arg2[%dma_start3A_65, %dma_start3A_66] : memref<1000000x32xf32, #tpu.memory_space<hbm>> -> memref<1000000x32xf32, #tpu.memory_space<hbm>>
    tpu.enqueue_indirect_dma source(%dma_start3A_67 : memref<1000000x32xf32, #tpu.memory_space<hbm>>) target(%dma_start3A_61 : memref<128x32xf32, #tpu.memory_space<vmem>>) offsets(%dma_start3A_64 : memref<128xi32, #tpu.memory_space<vmem>>) semaphore(%arg11 : memref<!tpu.dma_semaphore, #tpu.memory_space<semaphore_mem>>)
    %scan3A = arith.constant 0 : i32
    %scan3A_68 = arith.constant 0 : i32
    %scan3A_69 = arith.constant 25 : i32
    %scan3A_70 = arith.addi %scan3A_68, %scan3A_69 : i32
    %scan3A_71 = arith.constant 1 : i32
    scf.for %scan3A_98 = %scan3A_68 to %scan3A_70 step %scan3A_71  : i32 {
      %mul3A_99 = arith.constant 2 : i32
      %mul3A_100 = arith.muli %mul3A_99, %scan3A_98 : i32
      %add3A_101 = arith.constant 1 : i32
      %add3A_102 = arith.addi %mul3A_100, %add3A_101 : i32
      %dma_start3A_103 = arith.constant 0 : i32
      %dma_start3A_104 = arith.constant 0 : i32
      %dma_start3A_105 = tpu.memref_slice %arg8[%dma_start3A_103, %dma_start3A_104] : memref<512x32xf32, #tpu.memory_space<vmem>> -> memref<128x32xf32, #tpu.memory_space<vmem>>
      %dma_start3A_106 = arith.constant 0 : i32
      %dma_start3A_107 = tpu.memref_slice %arg6[%add3A_102, %dma_start3A_106] : memref<50x512xi32, #tpu.memory_space<vmem>> -> memref<1x128xi32, #tpu.memory_space<vmem>>
      %dma_start3A_108 = tpu.memref_squeeze %dma_start3A_107 : memref<1x128xi32, #tpu.memory_space<vmem>> -> memref<128xi32, #tpu.memory_space<vmem>>
      %dma_start3A_109 = arith.constant 0 : i32
      %dma_start3A_110 = arith.constant 0 : i32
      %dma_start3A_111 = tpu.memref_slice %arg2[%dma_start3A_109, %dma_start3A_110] : memref<1000000x32xf32, #tpu.memory_space<hbm>> -> memref<1000000x32xf32, #tpu.memory_space<hbm>>
      tpu.enqueue_indirect_dma source(%dma_start3A_111 : memref<1000000x32xf32, #tpu.memory_space<hbm>>) target(%dma_start3A_105 : memref<128x32xf32, #tpu.memory_space<vmem>>) offsets(%dma_start3A_108 : memref<128xi32, #tpu.memory_space<vmem>>) semaphore(%arg12 : memref<!tpu.dma_semaphore, #tpu.memory_space<semaphore_mem>>)
      %dma_start3A_112 = arith.constant 128 : i32
      %dma_start3A_113 = arith.constant 0 : i32
      %dma_start3A_114 = tpu.memref_slice %arg8[%dma_start3A_112, %dma_start3A_113] : memref<512x32xf32, #tpu.memory_space<vmem>> -> memref<128x32xf32, #tpu.memory_space<vmem>>
      %dma_start3A_115 = arith.constant 128 : i32
      %dma_start3A_116 = tpu.memref_slice %arg6[%add3A_102, %dma_start3A_115] : memref<50x512xi32, #tpu.memory_space<vmem>> -> memref<1x128xi32, #tpu.memory_space<vmem>>
      %dma_start3A_117 = tpu.memref_squeeze %dma_start3A_116 : memref<1x128xi32, #tpu.memory_space<vmem>> -> memref<128xi32, #tpu.memory_space<vmem>>
      %dma_start3A_118 = arith.constant 0 : i32
      %dma_start3A_119 = arith.constant 0 : i32
      %dma_start3A_120 = tpu.memref_slice %arg2[%dma_start3A_118, %dma_start3A_119] : memref<1000000x32xf32, #tpu.memory_space<hbm>> -> memref<1000000x32xf32, #tpu.memory_space<hbm>>
      tpu.enqueue_indirect_dma source(%dma_start3A_120 : memref<1000000x32xf32, #tpu.memory_space<hbm>>) target(%dma_start3A_114 : memref<128x32xf32, #tpu.memory_space<vmem>>) offsets(%dma_start3A_117 : memref<128xi32, #tpu.memory_space<vmem>>) semaphore(%arg12 : memref<!tpu.dma_semaphore, #tpu.memory_space<semaphore_mem>>)
      %dma_start3A_121 = arith.constant 256 : i32
      %dma_start3A_122 = arith.constant 0 : i32
      %dma_start3A_123 = tpu.memref_slice %arg8[%dma_start3A_121, %dma_start3A_122] : memref<512x32xf32, #tpu.memory_space<vmem>> -> memref<128x32xf32, #tpu.memory_space<vmem>>
      %dma_start3A_124 = arith.constant 256 : i32
      %dma_start3A_125 = tpu.memref_slice %arg6[%add3A_102, %dma_start3A_124] : memref<50x512xi32, #tpu.memory_space<vmem>> -> memref<1x128xi32, #tpu.memory_space<vmem>>
      %dma_start3A_126 = tpu.memref_squeeze %dma_start3A_125 : memref<1x128xi32, #tpu.memory_space<vmem>> -> memref<128xi32, #tpu.memory_space<vmem>>
      %dma_start3A_127 = arith.constant 0 : i32
      %dma_start3A_128 = arith.constant 0 : i32
      %dma_start3A_129 = tpu.memref_slice %arg2[%dma_start3A_127, %dma_start3A_128] : memref<1000000x32xf32, #tpu.memory_space<hbm>> -> memref<1000000x32xf32, #tpu.memory_space<hbm>>
      tpu.enqueue_indirect_dma source(%dma_start3A_129 : memref<1000000x32xf32, #tpu.memory_space<hbm>>) target(%dma_start3A_123 : memref<128x32xf32, #tpu.memory_space<vmem>>) offsets(%dma_start3A_126 : memref<128xi32, #tpu.memory_space<vmem>>) semaphore(%arg12 : memref<!tpu.dma_semaphore, #tpu.memory_space<semaphore_mem>>)
      %dma_start3A_130 = arith.constant 384 : i32
      %dma_start3A_131 = arith.constant 0 : i32
      %dma_start3A_132 = tpu.memref_slice %arg8[%dma_start3A_130, %dma_start3A_131] : memref<512x32xf32, #tpu.memory_space<vmem>> -> memref<128x32xf32, #tpu.memory_space<vmem>>
      %dma_start3A_133 = arith.constant 384 : i32
      %dma_start3A_134 = tpu.memref_slice %arg6[%add3A_102, %dma_start3A_133] : memref<50x512xi32, #tpu.memory_space<vmem>> -> memref<1x128xi32, #tpu.memory_space<vmem>>
      %dma_start3A_135 = tpu.memref_squeeze %dma_start3A_134 : memref<1x128xi32, #tpu.memory_space<vmem>> -> memref<128xi32, #tpu.memory_space<vmem>>
      %dma_start3A_136 = arith.constant 0 : i32
      %dma_start3A_137 = arith.constant 0 : i32
      %dma_start3A_138 = tpu.memref_slice %arg2[%dma_start3A_136, %dma_start3A_137] : memref<1000000x32xf32, #tpu.memory_space<hbm>> -> memref<1000000x32xf32, #tpu.memory_space<hbm>>
      tpu.enqueue_indirect_dma source(%dma_start3A_138 : memref<1000000x32xf32, #tpu.memory_space<hbm>>) target(%dma_start3A_132 : memref<128x32xf32, #tpu.memory_space<vmem>>) offsets(%dma_start3A_135 : memref<128xi32, #tpu.memory_space<vmem>>) semaphore(%arg12 : memref<!tpu.dma_semaphore, #tpu.memory_space<semaphore_mem>>)
      %ge3A = arith.constant 1 : i32
      %ge3A_139 = arith.cmpi sge, %scan3A_98, %ge3A : i32
      %convert_element_type3A = arith.extui %ge3A_139 : i1 to i32
      %cond3A = arith.constant 0 : i32
      %cond3A_140 = arith.cmpi ne, %convert_element_type3A, %cond3A : i32
      scf.if %cond3A_140 {
        %mul3A_260 = arith.constant 4 : i32
        %mul3A_261 = arith.muli %add3A, %mul3A_260 : i32
        %mul3A_262 = arith.constant 8 : i32
        %mul3A_263 = arith.muli %mul3A_261, %mul3A_262 : i32
        %dma_wait3A_264 = arith.constant 0 : i32
        %dma_wait3A_265 = arith.constant 0 : i32
        %dma_wait3A_266 = arith.constant 0 : i32
        %dma_wait3A_267 = tpu.memref_slice %arg4[%dma_wait3A_264, %dma_wait3A_265, %mul3A_263, %dma_wait3A_266] : memref<50x4x1024x128xf32, #tpu.memory_space<hbm>> -> memref<1x4x32x128xf32, #tpu.memory_space<hbm>>
        %dma_wait3A_268 = tpu.memref_squeeze %dma_wait3A_267 : memref<1x4x32x128xf32, #tpu.memory_space<hbm>> -> memref<4x32x128xf32, #tpu.memory_space<hbm>>
        %dma_wait3A_269 = arith.constant 0 : i32
        %dma_wait3A_270 = arith.constant 0 : i32
        %dma_wait3A_271 = tpu.memref_slice %arg4[%dma_wait3A_264, %dma_wait3A_269, %mul3A_263, %dma_wait3A_270] : memref<50x4x1024x128xf32, #tpu.memory_space<hbm>> -> memref<1x4x32x128xf32, #tpu.memory_space<hbm>>
        %dma_wait3A_272 = tpu.memref_squeeze %dma_wait3A_271 : memref<1x4x32x128xf32, #tpu.memory_space<hbm>> -> memref<4x32x128xf32, #tpu.memory_space<hbm>>
        tpu.wait_dma2 semaphore(%arg13 : memref<!tpu.dma_semaphore, #tpu.memory_space<semaphore_mem>>) src(%arg9 : memref<4x32x128xf32, #tpu.memory_space<vmem>>) dst(%dma_wait3A_272 : memref<4x32x128xf32, #tpu.memory_space<hbm>>)
      } else {
      }
      %dma_wait3A_141 = arith.constant 0 : i32
      %dma_wait3A_142 = arith.constant 0 : i32
      %dma_wait3A_143 = arith.constant 0 : i32
      %dma_wait3A_144 = tpu.memref_slice %arg7[%dma_wait3A_142, %dma_wait3A_143] : memref<512x32xf32, #tpu.memory_space<vmem>> -> memref<128x32xf32, #tpu.memory_space<vmem>>
      %dma_wait3A_145 = arith.constant 0 : i32
      %dma_wait3A_146 = tpu.memref_slice %arg6[%dma_wait3A_141, %dma_wait3A_145] : memref<50x512xi32, #tpu.memory_space<vmem>> -> memref<1x128xi32, #tpu.memory_space<vmem>>
      %dma_wait3A_147 = tpu.memref_squeeze %dma_wait3A_146 : memref<1x128xi32, #tpu.memory_space<vmem>> -> memref<128xi32, #tpu.memory_space<vmem>>
      %dma_wait3A_148 = arith.constant 0 : i32
      %dma_wait3A_149 = arith.constant 0 : i32
      %dma_wait3A_150 = tpu.memref_slice %arg2[%dma_wait3A_148, %dma_wait3A_149] : memref<1000000x32xf32, #tpu.memory_space<hbm>> -> memref<1000000x32xf32, #tpu.memory_space<hbm>>
      tpu.wait_indirect_dma semaphore(%arg11 : memref<!tpu.dma_semaphore, #tpu.memory_space<semaphore_mem>>) src(%dma_wait3A_150 : memref<1000000x32xf32, #tpu.memory_space<hbm>>) dst(%dma_wait3A_144 : memref<128x32xf32, #tpu.memory_space<vmem>>)
      %dma_wait3A_151 = arith.constant 0 : i32
      %dma_wait3A_152 = arith.constant 128 : i32
      %dma_wait3A_153 = arith.constant 0 : i32
      %dma_wait3A_154 = tpu.memref_slice %arg7[%dma_wait3A_152, %dma_wait3A_153] : memref<512x32xf32, #tpu.memory_space<vmem>> -> memref<128x32xf32, #tpu.memory_space<vmem>>
      %dma_wait3A_155 = arith.constant 0 : i32
      %dma_wait3A_156 = tpu.memref_slice %arg6[%dma_wait3A_151, %dma_wait3A_155] : memref<50x512xi32, #tpu.memory_space<vmem>> -> memref<1x128xi32, #tpu.memory_space<vmem>>
      %dma_wait3A_157 = tpu.memref_squeeze %dma_wait3A_156 : memref<1x128xi32, #tpu.memory_space<vmem>> -> memref<128xi32, #tpu.memory_space<vmem>>
      %dma_wait3A_158 = arith.constant 0 : i32
      %dma_wait3A_159 = arith.constant 0 : i32
      %dma_wait3A_160 = tpu.memref_slice %arg2[%dma_wait3A_158, %dma_wait3A_159] : memref<1000000x32xf32, #tpu.memory_space<hbm>> -> memref<1000000x32xf32, #tpu.memory_space<hbm>>
      tpu.wait_indirect_dma semaphore(%arg11 : memref<!tpu.dma_semaphore, #tpu.memory_space<semaphore_mem>>) src(%dma_wait3A_160 : memref<1000000x32xf32, #tpu.memory_space<hbm>>) dst(%dma_wait3A_154 : memref<128x32xf32, #tpu.memory_space<vmem>>)
      %dma_wait3A_161 = arith.constant 0 : i32
      %dma_wait3A_162 = arith.constant 256 : i32
      %dma_wait3A_163 = arith.constant 0 : i32
      %dma_wait3A_164 = tpu.memref_slice %arg7[%dma_wait3A_162, %dma_wait3A_163] : memref<512x32xf32, #tpu.memory_space<vmem>> -> memref<128x32xf32, #tpu.memory_space<vmem>>
      %dma_wait3A_165 = arith.constant 0 : i32
      %dma_wait3A_166 = tpu.memref_slice %arg6[%dma_wait3A_161, %dma_wait3A_165] : memref<50x512xi32, #tpu.memory_space<vmem>> -> memref<1x128xi32, #tpu.memory_space<vmem>>
      %dma_wait3A_167 = tpu.memref_squeeze %dma_wait3A_166 : memref<1x128xi32, #tpu.memory_space<vmem>> -> memref<128xi32, #tpu.memory_space<vmem>>
      %dma_wait3A_168 = arith.constant 0 : i32
      %dma_wait3A_169 = arith.constant 0 : i32
      %dma_wait3A_170 = tpu.memref_slice %arg2[%dma_wait3A_168, %dma_wait3A_169] : memref<1000000x32xf32, #tpu.memory_space<hbm>> -> memref<1000000x32xf32, #tpu.memory_space<hbm>>
      tpu.wait_indirect_dma semaphore(%arg11 : memref<!tpu.dma_semaphore, #tpu.memory_space<semaphore_mem>>) src(%dma_wait3A_170 : memref<1000000x32xf32, #tpu.memory_space<hbm>>) dst(%dma_wait3A_164 : memref<128x32xf32, #tpu.memory_space<vmem>>)
      %dma_wait3A_171 = arith.constant 0 : i32
      %dma_wait3A_172 = arith.constant 384 : i32
      %dma_wait3A_173 = arith.constant 0 : i32
      %dma_wait3A_174 = tpu.memref_slice %arg7[%dma_wait3A_172, %dma_wait3A_173] : memref<512x32xf32, #tpu.memory_space<vmem>> -> memref<128x32xf32, #tpu.memory_space<vmem>>
      %dma_wait3A_175 = arith.constant 0 : i32
      %dma_wait3A_176 = tpu.memref_slice %arg6[%dma_wait3A_171, %dma_wait3A_175] : memref<50x512xi32, #tpu.memory_space<vmem>> -> memref<1x128xi32, #tpu.memory_space<vmem>>
      %dma_wait3A_177 = tpu.memref_squeeze %dma_wait3A_176 : memref<1x128xi32, #tpu.memory_space<vmem>> -> memref<128xi32, #tpu.memory_space<vmem>>
      %dma_wait3A_178 = arith.constant 0 : i32
      %dma_wait3A_179 = arith.constant 0 : i32
      %dma_wait3A_180 = tpu.memref_slice %arg2[%dma_wait3A_178, %dma_wait3A_179] : memref<1000000x32xf32, #tpu.memory_space<hbm>> -> memref<1000000x32xf32, #tpu.memory_space<hbm>>
      tpu.wait_indirect_dma semaphore(%arg11 : memref<!tpu.dma_semaphore, #tpu.memory_space<semaphore_mem>>) src(%dma_wait3A_180 : memref<1000000x32xf32, #tpu.memory_space<hbm>>) dst(%dma_wait3A_174 : memref<128x32xf32, #tpu.memory_space<vmem>>)
      %parallel_loop3A_181 = arith.constant 0 : i32
      %parallel_loop3A_182 = arith.constant 32 : i32
      %parallel_loop3A_183 = arith.constant 1 : i32
      scf.for %parallel_loop3A_260 = %parallel_loop3A_181 to %parallel_loop3A_182 step %parallel_loop3A_183  : i32 {
        %parallel_loop3A_261 = arith.constant 8 : i32
        %parallel_loop3A_262 = arith.divsi %parallel_loop3A_260, %parallel_loop3A_261 : i32
        %parallel_loop3A_263 = arith.constant 0 : i32
        %parallel_loop3A_264 = arith.cmpi sgt, %parallel_loop3A_260, %parallel_loop3A_263 : i32
        %parallel_loop3A_265 = arith.extui %parallel_loop3A_264 : i1 to i32
        %parallel_loop3A_266 = arith.constant 0 : i32
        %parallel_loop3A_267 = arith.cmpi slt, %parallel_loop3A_260, %parallel_loop3A_266 : i32
        %parallel_loop3A_268 = arith.extui %parallel_loop3A_267 : i1 to i32
        %parallel_loop3A_269 = arith.subi %parallel_loop3A_265, %parallel_loop3A_268 : i32
        %parallel_loop3A_270 = arith.constant 0 : i32
        %parallel_loop3A_271 = arith.cmpi sgt, %parallel_loop3A_261, %parallel_loop3A_270 : i32
        %parallel_loop3A_272 = arith.extui %parallel_loop3A_271 : i1 to i32
        %parallel_loop3A_273 = arith.constant 0 : i32
        %parallel_loop3A_274 = arith.cmpi slt, %parallel_loop3A_261, %parallel_loop3A_273 : i32
        %parallel_loop3A_275 = arith.extui %parallel_loop3A_274 : i1 to i32
        %parallel_loop3A_276 = arith.subi %parallel_loop3A_272, %parallel_loop3A_275 : i32
        %parallel_loop3A_277 = arith.cmpi ne, %parallel_loop3A_269, %parallel_loop3A_276 : i32
        %parallel_loop3A_278 = arith.remsi %parallel_loop3A_260, %parallel_loop3A_261 : i32
        %parallel_loop3A_279 = arith.constant 0 : i32
        %parallel_loop3A_280 = arith.cmpi ne, %parallel_loop3A_278, %parallel_loop3A_279 : i32
        %parallel_loop3A_281 = arith.andi %parallel_loop3A_277, %parallel_loop3A_280 : i1
        %parallel_loop3A_282 = arith.constant 1 : i32
        %parallel_loop3A_283 = arith.subi %parallel_loop3A_262, %parallel_loop3A_282 : i32
        %parallel_loop3A_284 = arith.select %parallel_loop3A_281, %parallel_loop3A_283, %parallel_loop3A_262 : i32
        %parallel_loop3A_285 = arith.constant 128 : i32
        %parallel_loop3A_286 = arith.muli %parallel_loop3A_284, %parallel_loop3A_285 : i32
        %parallel_loop3A_287 = arith.constant 8 : i32
        %parallel_loop3A_288 = arith.constant 0 : i32
        %parallel_loop3A_289 = arith.cmpi eq, %parallel_loop3A_287, %parallel_loop3A_288 : i32
        %parallel_loop3A_290 = arith.constant 1 : i32
        %parallel_loop3A_291 = arith.select %parallel_loop3A_289, %parallel_loop3A_290, %parallel_loop3A_287 : i32
        %parallel_loop3A_292 = arith.remsi %parallel_loop3A_260, %parallel_loop3A_291 : i32
        %parallel_loop3A_293 = arith.constant 0 : i32
        %parallel_loop3A_294 = arith.cmpi ne, %parallel_loop3A_292, %parallel_loop3A_293 : i32
        %parallel_loop3A_295 = arith.constant 0 : i32
        %parallel_loop3A_296 = arith.cmpi slt, %parallel_loop3A_292, %parallel_loop3A_295 : i32
        %parallel_loop3A_297 = arith.constant 0 : i32
        %parallel_loop3A_298 = arith.cmpi slt, %parallel_loop3A_291, %parallel_loop3A_297 : i32
        %parallel_loop3A_299 = arith.xori %parallel_loop3A_296, %parallel_loop3A_298 : i1
        %parallel_loop3A_300 = arith.andi %parallel_loop3A_299, %parallel_loop3A_294 : i1
        %parallel_loop3A_301 = arith.addi %parallel_loop3A_292, %parallel_loop3A_291 : i32
        %parallel_loop3A_302 = arith.select %parallel_loop3A_300, %parallel_loop3A_301, %parallel_loop3A_292 : i32
        %parallel_loop3A_303 = arith.constant 0 : i32
        %parallel_loop3A_304 = arith.addi %parallel_loop3A_303, %parallel_loop3A_302 : i32
        %parallel_loop3A_305 = vector.broadcast %parallel_loop3A_304 : i32 to vector<16xi32>
        %parallel_loop3A_306 = vector.broadcast %parallel_loop3A_286 : i32 to vector<16xi32>
        %parallel_loop3A_307 = arith.addi %parallel_loop3A_306, %add3A_5 : vector<16xi32>
        %parallel_loop3A_308 = tpu.vector_load_idx %arg7[%parallel_loop3A_307, %parallel_loop3A_305] : memref<512x32xf32, #tpu.memory_space<vmem>>[vector<16xi32>, vector<16xi32>], vector<16xf32>,
        %parallel_loop3A_309 = arith.constant 0 : i32
        %parallel_loop3A_310 = arith.index_cast %parallel_loop3A_309 : i32 to index
        %parallel_loop3A_311 = arith.index_cast %parallel_loop3A_260 : i32 to index
        %parallel_loop3A_312 = arith.constant 0 : index
        %parallel_loop3A_313 = tpu.vector_load %arg9[%parallel_loop3A_310, %parallel_loop3A_311, %parallel_loop3A_312] {strides = array<i32>} : memref<4x32x128xf32, #tpu.memory_space<vmem>>, vector<16xf32>,
        tpu.vector_store %arg9[%parallel_loop3A_310, %parallel_loop3A_311, %parallel_loop3A_312], %parallel_loop3A_308 {strides = array<i32>} : memref<4x32x128xf32, #tpu.memory_space<vmem>>, vector<16xf32>,
        %parallel_loop3A_314 = vector.broadcast %parallel_loop3A_286 : i32 to vector<16xi32>
        %parallel_loop3A_315 = arith.addi %parallel_loop3A_314, %add3A_8 : vector<16xi32>
        %parallel_loop3A_316 = tpu.vector_load_idx %arg7[%parallel_loop3A_315, %parallel_loop3A_305] : memref<512x32xf32, #tpu.memory_space<vmem>>[vector<16xi32>, vector<16xi32>], vector<16xf32>,
        %parallel_loop3A_317 = arith.constant 0 : i32
        %parallel_loop3A_318 = arith.index_cast %parallel_loop3A_317 : i32 to index
        %parallel_loop3A_319 = arith.index_cast %parallel_loop3A_260 : i32 to index
        %parallel_loop3A_320 = arith.constant 16 : index
        %parallel_loop3A_321 = tpu.vector_load %arg9[%parallel_loop3A_318, %parallel_loop3A_319, %parallel_loop3A_320] {strides = array<i32>} : memref<4x32x128xf32, #tpu.memory_space<vmem>>, vector<16xf32>,
        tpu.vector_store %arg9[%parallel_loop3A_318, %parallel_loop3A_319, %parallel_loop3A_320], %parallel_loop3A_316 {strides = array<i32>} : memref<4x32x128xf32, #tpu.memory_space<vmem>>, vector<16xf32>,
        %parallel_loop3A_322 = vector.broadcast %parallel_loop3A_286 : i32 to vector<16xi32>
        %parallel_loop3A_323 = arith.addi %parallel_loop3A_322, %add3A_11 : vector<16xi32>
        %parallel_loop3A_324 = tpu.vector_load_idx %arg7[%parallel_loop3A_323, %parallel_loop3A_305] : memref<512x32xf32, #tpu.memory_space<vmem>>[vector<16xi32>, vector<16xi32>], vector<16xf32>,
        %parallel_loop3A_325 = arith.constant 0 : i32
        %parallel_loop3A_326 = arith.index_cast %parallel_loop3A_325 : i32 to index
        %parallel_loop3A_327 = arith.index_cast %parallel_loop3A_260 : i32 to index
        %parallel_loop3A_328 = arith.constant 32 : index
        %parallel_loop3A_329 = tpu.vector_load %arg9[%parallel_loop3A_326, %parallel_loop3A_327, %parallel_loop3A_328] {strides = array<i32>} : memref<4x32x128xf32, #tpu.memory_space<vmem>>, vector<16xf32>,
        tpu.vector_store %arg9[%parallel_loop3A_326, %parallel_loop3A_327, %parallel_loop3A_328], %parallel_loop3A_324 {strides = array<i32>} : memref<4x32x128xf32, #tpu.memory_space<vmem>>, vector<16xf32>,
        %parallel_loop3A_330 = vector.broadcast %parallel_loop3A_286 : i32 to vector<16xi32>
        %parallel_loop3A_331 = arith.addi %parallel_loop3A_330, %add3A_14 : vector<16xi32>
        %parallel_loop3A_332 = tpu.vector_load_idx %arg7[%parallel_loop3A_331, %parallel_loop3A_305] : memref<512x32xf32, #tpu.memory_space<vmem>>[vector<16xi32>, vector<16xi32>], vector<16xf32>,
        %parallel_loop3A_333 = arith.constant 0 : i32
        %parallel_loop3A_334 = arith.index_cast %parallel_loop3A_333 : i32 to index
        %parallel_loop3A_335 = arith.index_cast %parallel_loop3A_260 : i32 to index
        %parallel_loop3A_336 = arith.constant 48 : index
        %parallel_loop3A_337 = tpu.vector_load %arg9[%parallel_loop3A_334, %parallel_loop3A_335, %parallel_loop3A_336] {strides = array<i32>} : memref<4x32x128xf32, #tpu.memory_space<vmem>>, vector<16xf32>,
        tpu.vector_store %arg9[%parallel_loop3A_334, %parallel_loop3A_335, %parallel_loop3A_336], %parallel_loop3A_332 {strides = array<i32>} : memref<4x32x128xf32, #tpu.memory_space<vmem>>, vector<16xf32>,
        %parallel_loop3A_338 = vector.broadcast %parallel_loop3A_286 : i32 to vector<16xi32>
        %parallel_loop3A_339 = arith.addi %parallel_loop3A_338, %add3A_17 : vector<16xi32>
        %parallel_loop3A_340 = tpu.vector_load_idx %arg7[%parallel_loop3A_339, %parallel_loop3A_305] : memref<512x32xf32, #tpu.memory_space<vmem>>[vector<16xi32>, vector<16xi32>], vector<16xf32>,
        %parallel_loop3A_341 = arith.constant 0 : i32
        %parallel_loop3A_342 = arith.index_cast %parallel_loop3A_341 : i32 to index
        %parallel_loop3A_343 = arith.index_cast %parallel_loop3A_260 : i32 to index
        %parallel_loop3A_344 = arith.constant 64 : index
        %parallel_loop3A_345 = tpu.vector_load %arg9[%parallel_loop3A_342, %parallel_loop3A_343, %parallel_loop3A_344] {strides = array<i32>} : memref<4x32x128xf32, #tpu.memory_space<vmem>>, vector<16xf32>,
        tpu.vector_store %arg9[%parallel_loop3A_342, %parallel_loop3A_343, %parallel_loop3A_344], %parallel_loop3A_340 {strides = array<i32>} : memref<4x32x128xf32, #tpu.memory_space<vmem>>, vector<16xf32>,
        %parallel_loop3A_346 = vector.broadcast %parallel_loop3A_286 : i32 to vector<16xi32>
        %parallel_loop3A_347 = arith.addi %parallel_loop3A_346, %add3A_20 : vector<16xi32>
        %parallel_loop3A_348 = tpu.vector_load_idx %arg7[%parallel_loop3A_347, %parallel_loop3A_305] : memref<512x32xf32, #tpu.memory_space<vmem>>[vector<16xi32>, vector<16xi32>], vector<16xf32>,
        %parallel_loop3A_349 = arith.constant 0 : i32
        %parallel_loop3A_350 = arith.index_cast %parallel_loop3A_349 : i32 to index
        %parallel_loop3A_351 = arith.index_cast %parallel_loop3A_260 : i32 to index
        %parallel_loop3A_352 = arith.constant 80 : index
        %parallel_loop3A_353 = tpu.vector_load %arg9[%parallel_loop3A_350, %parallel_loop3A_351, %parallel_loop3A_352] {strides = array<i32>} : memref<4x32x128xf32, #tpu.memory_space<vmem>>, vector<16xf32>,
        tpu.vector_store %arg9[%parallel_loop3A_350, %parallel_loop3A_351, %parallel_loop3A_352], %parallel_loop3A_348 {strides = array<i32>} : memref<4x32x128xf32, #tpu.memory_space<vmem>>, vector<16xf32>,
        %parallel_loop3A_354 = vector.broadcast %parallel_loop3A_286 : i32 to vector<16xi32>
        %parallel_loop3A_355 = arith.addi %parallel_loop3A_354, %add3A_23 : vector<16xi32>
        %parallel_loop3A_356 = tpu.vector_load_idx %arg7[%parallel_loop3A_355, %parallel_loop3A_305] : memref<512x32xf32, #tpu.memory_space<vmem>>[vector<16xi32>, vector<16xi32>], vector<16xf32>,
        %parallel_loop3A_357 = arith.constant 0 : i32
        %parallel_loop3A_358 = arith.index_cast %parallel_loop3A_357 : i32 to index
        %parallel_loop3A_359 = arith.index_cast %parallel_loop3A_260 : i32 to index
        %parallel_loop3A_360 = arith.constant 96 : index
        %parallel_loop3A_361 = tpu.vector_load %arg9[%parallel_loop3A_358, %parallel_loop3A_359, %parallel_loop3A_360] {strides = array<i32>} : memref<4x32x128xf32, #tpu.memory_space<vmem>>, vector<16xf32>,
        tpu.vector_store %arg9[%parallel_loop3A_358, %parallel_loop3A_359, %parallel_loop3A_360], %parallel_loop3A_356 {strides = array<i32>} : memref<4x32x128xf32, #tpu.memory_space<vmem>>, vector<16xf32>,
        %parallel_loop3A_362 = vector.broadcast %parallel_loop3A_286 : i32 to vector<16xi32>
        %parallel_loop3A_363 = arith.addi %parallel_loop3A_362, %add3A_26 : vector<16xi32>
        %parallel_loop3A_364 = tpu.vector_load_idx %arg7[%parallel_loop3A_363, %parallel_loop3A_305] : memref<512x32xf32, #tpu.memory_space<vmem>>[vector<16xi32>, vector<16xi32>], vector<16xf32>,
        %parallel_loop3A_365 = arith.constant 0 : i32
        %parallel_loop3A_366 = arith.index_cast %parallel_loop3A_365 : i32 to index
        %parallel_loop3A_367 = arith.index_cast %parallel_loop3A_260 : i32 to index
        %parallel_loop3A_368 = arith.constant 112 : index
        %parallel_loop3A_369 = tpu.vector_load %arg9[%parallel_loop3A_366, %parallel_loop3A_367, %parallel_loop3A_368] {strides = array<i32>} : memref<4x32x128xf32, #tpu.memory_space<vmem>>, vector<16xf32>,
        tpu.vector_store %arg9[%parallel_loop3A_366, %parallel_loop3A_367, %parallel_loop3A_368], %parallel_loop3A_364 {strides = array<i32>} : memref<4x32x128xf32, #tpu.memory_space<vmem>>, vector<16xf32>,
        %parallel_loop3A_370 = arith.constant 8 : i32
        %parallel_loop3A_371 = arith.addi %parallel_loop3A_370, %parallel_loop3A_302 : i32
        %parallel_loop3A_372 = vector.broadcast %parallel_loop3A_371 : i32 to vector<16xi32>
        %parallel_loop3A_373 = vector.broadcast %parallel_loop3A_286 : i32 to vector<16xi32>
        %parallel_loop3A_374 = arith.addi %parallel_loop3A_373, %add3A_5 : vector<16xi32>
        %parallel_loop3A_375 = tpu.vector_load_idx %arg7[%parallel_loop3A_374, %parallel_loop3A_372] : memref<512x32xf32, #tpu.memory_space<vmem>>[vector<16xi32>, vector<16xi32>], vector<16xf32>,
        %parallel_loop3A_376 = arith.constant 1 : i32
        %parallel_loop3A_377 = arith.index_cast %parallel_loop3A_376 : i32 to index
        %parallel_loop3A_378 = arith.index_cast %parallel_loop3A_260 : i32 to index
        %parallel_loop3A_379 = arith.constant 0 : index
        %parallel_loop3A_380 = tpu.vector_load %arg9[%parallel_loop3A_377, %parallel_loop3A_378, %parallel_loop3A_379] {strides = array<i32>} : memref<4x32x128xf32, #tpu.memory_space<vmem>>, vector<16xf32>,
        tpu.vector_store %arg9[%parallel_loop3A_377, %parallel_loop3A_378, %parallel_loop3A_379], %parallel_loop3A_375 {strides = array<i32>} : memref<4x32x128xf32, #tpu.memory_space<vmem>>, vector<16xf32>,
        %parallel_loop3A_381 = vector.broadcast %parallel_loop3A_286 : i32 to vector<16xi32>
        %parallel_loop3A_382 = arith.addi %parallel_loop3A_381, %add3A_8 : vector<16xi32>
        %parallel_loop3A_383 = tpu.vector_load_idx %arg7[%parallel_loop3A_382, %parallel_loop3A_372] : memref<512x32xf32, #tpu.memory_space<vmem>>[vector<16xi32>, vector<16xi32>], vector<16xf32>,
        %parallel_loop3A_384 = arith.constant 1 : i32
        %parallel_loop3A_385 = arith.index_cast %parallel_loop3A_384 : i32 to index
        %parallel_loop3A_386 = arith.index_cast %parallel_loop3A_260 : i32 to index
        %parallel_loop3A_387 = arith.constant 16 : index
        %parallel_loop3A_388 = tpu.vector_load %arg9[%parallel_loop3A_385, %parallel_loop3A_386, %parallel_loop3A_387] {strides = array<i32>} : memref<4x32x128xf32, #tpu.memory_space<vmem>>, vector<16xf32>,
        tpu.vector_store %arg9[%parallel_loop3A_385, %parallel_loop3A_386, %parallel_loop3A_387], %parallel_loop3A_383 {strides = array<i32>} : memref<4x32x128xf32, #tpu.memory_space<vmem>>, vector<16xf32>,
        %parallel_loop3A_389 = vector.broadcast %parallel_loop3A_286 : i32 to vector<16xi32>
        %parallel_loop3A_390 = arith.addi %parallel_loop3A_389, %add3A_11 : vector<16xi32>
        %parallel_loop3A_391 = tpu.vector_load_idx %arg7[%parallel_loop3A_390, %parallel_loop3A_372] : memref<512x32xf32, #tpu.memory_space<vmem>>[vector<16xi32>, vector<16xi32>], vector<16xf32>,
        %parallel_loop3A_392 = arith.constant 1 : i32
        %parallel_loop3A_393 = arith.index_cast %parallel_loop3A_392 : i32 to index
        %parallel_loop3A_394 = arith.index_cast %parallel_loop3A_260 : i32 to index
        %parallel_loop3A_395 = arith.constant 32 : index
        %parallel_loop3A_396 = tpu.vector_load %arg9[%parallel_loop3A_393, %parallel_loop3A_394, %parallel_loop3A_395] {strides = array<i32>} : memref<4x32x128xf32, #tpu.memory_space<vmem>>, vector<16xf32>,
        tpu.vector_store %arg9[%parallel_loop3A_393, %parallel_loop3A_394, %parallel_loop3A_395], %parallel_loop3A_391 {strides = array<i32>} : memref<4x32x128xf32, #tpu.memory_space<vmem>>, vector<16xf32>,
        %parallel_loop3A_397 = vector.broadcast %parallel_loop3A_286 : i32 to vector<16xi32>
        %parallel_loop3A_398 = arith.addi %parallel_loop3A_397, %add3A_14 : vector<16xi32>
        %parallel_loop3A_399 = tpu.vector_load_idx %arg7[%parallel_loop3A_398, %parallel_loop3A_372] : memref<512x32xf32, #tpu.memory_space<vmem>>[vector<16xi32>, vector<16xi32>], vector<16xf32>,
        %parallel_loop3A_400 = arith.constant 1 : i32
        %parallel_loop3A_401 = arith.index_cast %parallel_loop3A_400 : i32 to index
        %parallel_loop3A_402 = arith.index_cast %parallel_loop3A_260 : i32 to index
        %parallel_loop3A_403 = arith.constant 48 : index
        %parallel_loop3A_404 = tpu.vector_load %arg9[%parallel_loop3A_401, %parallel_loop3A_402, %parallel_loop3A_403] {strides = array<i32>} : memref<4x32x128xf32, #tpu.memory_space<vmem>>, vector<16xf32>,
        tpu.vector_store %arg9[%parallel_loop3A_401, %parallel_loop3A_402, %parallel_loop3A_403], %parallel_loop3A_399 {strides = array<i32>} : memref<4x32x128xf32, #tpu.memory_space<vmem>>, vector<16xf32>,
        %parallel_loop3A_405 = vector.broadcast %parallel_loop3A_286 : i32 to vector<16xi32>
        %parallel_loop3A_406 = arith.addi %parallel_loop3A_405, %add3A_17 : vector<16xi32>
        %parallel_loop3A_407 = tpu.vector_load_idx %arg7[%parallel_loop3A_406, %parallel_loop3A_372] : memref<512x32xf32, #tpu.memory_space<vmem>>[vector<16xi32>, vector<16xi32>], vector<16xf32>,
        %parallel_loop3A_408 = arith.constant 1 : i32
        %parallel_loop3A_409 = arith.index_cast %parallel_loop3A_408 : i32 to index
        %parallel_loop3A_410 = arith.index_cast %parallel_loop3A_260 : i32 to index
        %parallel_loop3A_411 = arith.constant 64 : index
        %parallel_loop3A_412 = tpu.vector_load %arg9[%parallel_loop3A_409, %parallel_loop3A_410, %parallel_loop3A_411] {strides = array<i32>} : memref<4x32x128xf32, #tpu.memory_space<vmem>>, vector<16xf32>,
        tpu.vector_store %arg9[%parallel_loop3A_409, %parallel_loop3A_410, %parallel_loop3A_411], %parallel_loop3A_407 {strides = array<i32>} : memref<4x32x128xf32, #tpu.memory_space<vmem>>, vector<16xf32>,
        %parallel_loop3A_413 = vector.broadcast %parallel_loop3A_286 : i32 to vector<16xi32>
        %parallel_loop3A_414 = arith.addi %parallel_loop3A_413, %add3A_20 : vector<16xi32>
        %parallel_loop3A_415 = tpu.vector_load_idx %arg7[%parallel_loop3A_414, %parallel_loop3A_372] : memref<512x32xf32, #tpu.memory_space<vmem>>[vector<16xi32>, vector<16xi32>], vector<16xf32>,
        %parallel_loop3A_416 = arith.constant 1 : i32
        %parallel_loop3A_417 = arith.index_cast %parallel_loop3A_416 : i32 to index
        %parallel_loop3A_418 = arith.index_cast %parallel_loop3A_260 : i32 to index
        %parallel_loop3A_419 = arith.constant 80 : index
        %parallel_loop3A_420 = tpu.vector_load %arg9[%parallel_loop3A_417, %parallel_loop3A_418, %parallel_loop3A_419] {strides = array<i32>} : memref<4x32x128xf32, #tpu.memory_space<vmem>>, vector<16xf32>,
        tpu.vector_store %arg9[%parallel_loop3A_417, %parallel_loop3A_418, %parallel_loop3A_419], %parallel_loop3A_415 {strides = array<i32>} : memref<4x32x128xf32, #tpu.memory_space<vmem>>, vector<16xf32>,
        %parallel_loop3A_421 = vector.broadcast %parallel_loop3A_286 : i32 to vector<16xi32>
        %parallel_loop3A_422 = arith.addi %parallel_loop3A_421, %add3A_23 : vector<16xi32>
        %parallel_loop3A_423 = tpu.vector_load_idx %arg7[%parallel_loop3A_422, %parallel_loop3A_372] : memref<512x32xf32, #tpu.memory_space<vmem>>[vector<16xi32>, vector<16xi32>], vector<16xf32>,
        %parallel_loop3A_424 = arith.constant 1 : i32
        %parallel_loop3A_425 = arith.index_cast %parallel_loop3A_424 : i32 to index
        %parallel_loop3A_426 = arith.index_cast %parallel_loop3A_260 : i32 to index
        %parallel_loop3A_427 = arith.constant 96 : index
        %parallel_loop3A_428 = tpu.vector_load %arg9[%parallel_loop3A_425, %parallel_loop3A_426, %parallel_loop3A_427] {strides = array<i32>} : memref<4x32x128xf32, #tpu.memory_space<vmem>>, vector<16xf32>,
        tpu.vector_store %arg9[%parallel_loop3A_425, %parallel_loop3A_426, %parallel_loop3A_427], %parallel_loop3A_423 {strides = array<i32>} : memref<4x32x128xf32, #tpu.memory_space<vmem>>, vector<16xf32>,
        %parallel_loop3A_429 = vector.broadcast %parallel_loop3A_286 : i32 to vector<16xi32>
        %parallel_loop3A_430 = arith.addi %parallel_loop3A_429, %add3A_26 : vector<16xi32>
        %parallel_loop3A_431 = tpu.vector_load_idx %arg7[%parallel_loop3A_430, %parallel_loop3A_372] : memref<512x32xf32, #tpu.memory_space<vmem>>[vector<16xi32>, vector<16xi32>], vector<16xf32>,
        %parallel_loop3A_432 = arith.constant 1 : i32
        %parallel_loop3A_433 = arith.index_cast %parallel_loop3A_432 : i32 to index
        %parallel_loop3A_434 = arith.index_cast %parallel_loop3A_260 : i32 to index
        %parallel_loop3A_435 = arith.constant 112 : index
        %parallel_loop3A_436 = tpu.vector_load %arg9[%parallel_loop3A_433, %parallel_loop3A_434, %parallel_loop3A_435] {strides = array<i32>} : memref<4x32x128xf32, #tpu.memory_space<vmem>>, vector<16xf32>,
        tpu.vector_store %arg9[%parallel_loop3A_433, %parallel_loop3A_434, %parallel_loop3A_435], %parallel_loop3A_431 {strides = array<i32>} : memref<4x32x128xf32, #tpu.memory_space<vmem>>, vector<16xf32>,
        %parallel_loop3A_437 = arith.constant 16 : i32
        %parallel_loop3A_438 = arith.addi %parallel_loop3A_437, %parallel_loop3A_302 : i32
        %parallel_loop3A_439 = vector.broadcast %parallel_loop3A_438 : i32 to vector<16xi32>
        %parallel_loop3A_440 = vector.broadcast %parallel_loop3A_286 : i32 to vector<16xi32>
        %parallel_loop3A_441 = arith.addi %parallel_loop3A_440, %add3A_5 : vector<16xi32>
        %parallel_loop3A_442 = tpu.vector_load_idx %arg7[%parallel_loop3A_441, %parallel_loop3A_439] : memref<512x32xf32, #tpu.memory_space<vmem>>[vector<16xi32>, vector<16xi32>], vector<16xf32>,
        %parallel_loop3A_443 = arith.constant 2 : i32
        %parallel_loop3A_444 = arith.index_cast %parallel_loop3A_443 : i32 to index
        %parallel_loop3A_445 = arith.index_cast %parallel_loop3A_260 : i32 to index
        %parallel_loop3A_446 = arith.constant 0 : index
        %parallel_loop3A_447 = tpu.vector_load %arg9[%parallel_loop3A_444, %parallel_loop3A_445, %parallel_loop3A_446] {strides = array<i32>} : memref<4x32x128xf32, #tpu.memory_space<vmem>>, vector<16xf32>,
        tpu.vector_store %arg9[%parallel_loop3A_444, %parallel_loop3A_445, %parallel_loop3A_446], %parallel_loop3A_442 {strides = array<i32>} : memref<4x32x128xf32, #tpu.memory_space<vmem>>, vector<16xf32>,
        %parallel_loop3A_448 = vector.broadcast %parallel_loop3A_286 : i32 to vector<16xi32>
        %parallel_loop3A_449 = arith.addi %parallel_loop3A_448, %add3A_8 : vector<16xi32>
        %parallel_loop3A_450 = tpu.vector_load_idx %arg7[%parallel_loop3A_449, %parallel_loop3A_439] : memref<512x32xf32, #tpu.memory_space<vmem>>[vector<16xi32>, vector<16xi32>], vector<16xf32>,
        %parallel_loop3A_451 = arith.constant 2 : i32
        %parallel_loop3A_452 = arith.index_cast %parallel_loop3A_451 : i32 to index
        %parallel_loop3A_453 = arith.index_cast %parallel_loop3A_260 : i32 to index
        %parallel_loop3A_454 = arith.constant 16 : index
        %parallel_loop3A_455 = tpu.vector_load %arg9[%parallel_loop3A_452, %parallel_loop3A_453, %parallel_loop3A_454] {strides = array<i32>} : memref<4x32x128xf32, #tpu.memory_space<vmem>>, vector<16xf32>,
        tpu.vector_store %arg9[%parallel_loop3A_452, %parallel_loop3A_453, %parallel_loop3A_454], %parallel_loop3A_450 {strides = array<i32>} : memref<4x32x128xf32, #tpu.memory_space<vmem>>, vector<16xf32>,
        %parallel_loop3A_456 = vector.broadcast %parallel_loop3A_286 : i32 to vector<16xi32>
        %parallel_loop3A_457 = arith.addi %parallel_loop3A_456, %add3A_11 : vector<16xi32>
        %parallel_loop3A_458 = tpu.vector_load_idx %arg7[%parallel_loop3A_457, %parallel_loop3A_439] : memref<512x32xf32, #tpu.memory_space<vmem>>[vector<16xi32>, vector<16xi32>], vector<16xf32>,
        %parallel_loop3A_459 = arith.constant 2 : i32
        %parallel_loop3A_460 = arith.index_cast %parallel_loop3A_459 : i32 to index
        %parallel_loop3A_461 = arith.index_cast %parallel_loop3A_260 : i32 to index
        %parallel_loop3A_462 = arith.constant 32 : index
        %parallel_loop3A_463 = tpu.vector_load %arg9[%parallel_loop3A_460, %parallel_loop3A_461, %parallel_loop3A_462] {strides = array<i32>} : memref<4x32x128xf32, #tpu.memory_space<vmem>>, vector<16xf32>,
        tpu.vector_store %arg9[%parallel_loop3A_460, %parallel_loop3A_461, %parallel_loop3A_462], %parallel_loop3A_458 {strides = array<i32>} : memref<4x32x128xf32, #tpu.memory_space<vmem>>, vector<16xf32>,
        %parallel_loop3A_464 = vector.broadcast %parallel_loop3A_286 : i32 to vector<16xi32>
        %parallel_loop3A_465 = arith.addi %parallel_loop3A_464, %add3A_14 : vector<16xi32>
        %parallel_loop3A_466 = tpu.vector_load_idx %arg7[%parallel_loop3A_465, %parallel_loop3A_439] : memref<512x32xf32, #tpu.memory_space<vmem>>[vector<16xi32>, vector<16xi32>], vector<16xf32>,
        %parallel_loop3A_467 = arith.constant 2 : i32
        %parallel_loop3A_468 = arith.index_cast %parallel_loop3A_467 : i32 to index
        %parallel_loop3A_469 = arith.index_cast %parallel_loop3A_260 : i32 to index
        %parallel_loop3A_470 = arith.constant 48 : index
        %parallel_loop3A_471 = tpu.vector_load %arg9[%parallel_loop3A_468, %parallel_loop3A_469, %parallel_loop3A_470] {strides = array<i32>} : memref<4x32x128xf32, #tpu.memory_space<vmem>>, vector<16xf32>,
        tpu.vector_store %arg9[%parallel_loop3A_468, %parallel_loop3A_469, %parallel_loop3A_470], %parallel_loop3A_466 {strides = array<i32>} : memref<4x32x128xf32, #tpu.memory_space<vmem>>, vector<16xf32>,
        %parallel_loop3A_472 = vector.broadcast %parallel_loop3A_286 : i32 to vector<16xi32>
        %parallel_loop3A_473 = arith.addi %parallel_loop3A_472, %add3A_17 : vector<16xi32>
        %parallel_loop3A_474 = tpu.vector_load_idx %arg7[%parallel_loop3A_473, %parallel_loop3A_439] : memref<512x32xf32, #tpu.memory_space<vmem>>[vector<16xi32>, vector<16xi32>], vector<16xf32>,
        %parallel_loop3A_475 = arith.constant 2 : i32
        %parallel_loop3A_476 = arith.index_cast %parallel_loop3A_475 : i32 to index
        %parallel_loop3A_477 = arith.index_cast %parallel_loop3A_260 : i32 to index
        %parallel_loop3A_478 = arith.constant 64 : index
        %parallel_loop3A_479 = tpu.vector_load %arg9[%parallel_loop3A_476, %parallel_loop3A_477, %parallel_loop3A_478] {strides = array<i32>} : memref<4x32x128xf32, #tpu.memory_space<vmem>>, vector<16xf32>,
        tpu.vector_store %arg9[%parallel_loop3A_476, %parallel_loop3A_477, %parallel_loop3A_478], %parallel_loop3A_474 {strides = array<i32>} : memref<4x32x128xf32, #tpu.memory_space<vmem>>, vector<16xf32>,
        %parallel_loop3A_480 = vector.broadcast %parallel_loop3A_286 : i32 to vector<16xi32>
        %parallel_loop3A_481 = arith.addi %parallel_loop3A_480, %add3A_20 : vector<16xi32>
        %parallel_loop3A_482 = tpu.vector_load_idx %arg7[%parallel_loop3A_481, %parallel_loop3A_439] : memref<512x32xf32, #tpu.memory_space<vmem>>[vector<16xi32>, vector<16xi32>], vector<16xf32>,
        %parallel_loop3A_483 = arith.constant 2 : i32
        %parallel_loop3A_484 = arith.index_cast %parallel_loop3A_483 : i32 to index
        %parallel_loop3A_485 = arith.index_cast %parallel_loop3A_260 : i32 to index
        %parallel_loop3A_486 = arith.constant 80 : index
        %parallel_loop3A_487 = tpu.vector_load %arg9[%parallel_loop3A_484, %parallel_loop3A_485, %parallel_loop3A_486] {strides = array<i32>} : memref<4x32x128xf32, #tpu.memory_space<vmem>>, vector<16xf32>,
        tpu.vector_store %arg9[%parallel_loop3A_484, %parallel_loop3A_485, %parallel_loop3A_486], %parallel_loop3A_482 {strides = array<i32>} : memref<4x32x128xf32, #tpu.memory_space<vmem>>, vector<16xf32>,
        %parallel_loop3A_488 = vector.broadcast %parallel_loop3A_286 : i32 to vector<16xi32>
        %parallel_loop3A_489 = arith.addi %parallel_loop3A_488, %add3A_23 : vector<16xi32>
        %parallel_loop3A_490 = tpu.vector_load_idx %arg7[%parallel_loop3A_489, %parallel_loop3A_439] : memref<512x32xf32, #tpu.memory_space<vmem>>[vector<16xi32>, vector<16xi32>], vector<16xf32>,
        %parallel_loop3A_491 = arith.constant 2 : i32
        %parallel_loop3A_492 = arith.index_cast %parallel_loop3A_491 : i32 to index
        %parallel_loop3A_493 = arith.index_cast %parallel_loop3A_260 : i32 to index
        %parallel_loop3A_494 = arith.constant 96 : index
        %parallel_loop3A_495 = tpu.vector_load %arg9[%parallel_loop3A_492, %parallel_loop3A_493, %parallel_loop3A_494] {strides = array<i32>} : memref<4x32x128xf32, #tpu.memory_space<vmem>>, vector<16xf32>,
        tpu.vector_store %arg9[%parallel_loop3A_492, %parallel_loop3A_493, %parallel_loop3A_494], %parallel_loop3A_490 {strides = array<i32>} : memref<4x32x128xf32, #tpu.memory_space<vmem>>, vector<16xf32>,
        %parallel_loop3A_496 = vector.broadcast %parallel_loop3A_286 : i32 to vector<16xi32>
        %parallel_loop3A_497 = arith.addi %parallel_loop3A_496, %add3A_26 : vector<16xi32>
        %parallel_loop3A_498 = tpu.vector_load_idx %arg7[%parallel_loop3A_497, %parallel_loop3A_439] : memref<512x32xf32, #tpu.memory_space<vmem>>[vector<16xi32>, vector<16xi32>], vector<16xf32>,
        %parallel_loop3A_499 = arith.constant 2 : i32
        %parallel_loop3A_500 = arith.index_cast %parallel_loop3A_499 : i32 to index
        %parallel_loop3A_501 = arith.index_cast %parallel_loop3A_260 : i32 to index
        %parallel_loop3A_502 = arith.constant 112 : index
        %parallel_loop3A_503 = tpu.vector_load %arg9[%parallel_loop3A_500, %parallel_loop3A_501, %parallel_loop3A_502] {strides = array<i32>} : memref<4x32x128xf32, #tpu.memory_space<vmem>>, vector<16xf32>,
        tpu.vector_store %arg9[%parallel_loop3A_500, %parallel_loop3A_501, %parallel_loop3A_502], %parallel_loop3A_498 {strides = array<i32>} : memref<4x32x128xf32, #tpu.memory_space<vmem>>, vector<16xf32>,
        %parallel_loop3A_504 = arith.constant 24 : i32
        %parallel_loop3A_505 = arith.addi %parallel_loop3A_504, %parallel_loop3A_302 : i32
        %parallel_loop3A_506 = vector.broadcast %parallel_loop3A_505 : i32 to vector<16xi32>
        %parallel_loop3A_507 = vector.broadcast %parallel_loop3A_286 : i32 to vector<16xi32>
        %parallel_loop3A_508 = arith.addi %parallel_loop3A_507, %add3A_5 : vector<16xi32>
        %parallel_loop3A_509 = tpu.vector_load_idx %arg7[%parallel_loop3A_508, %parallel_loop3A_506] : memref<512x32xf32, #tpu.memory_space<vmem>>[vector<16xi32>, vector<16xi32>], vector<16xf32>,
        %parallel_loop3A_510 = arith.constant 3 : i32
        %parallel_loop3A_511 = arith.index_cast %parallel_loop3A_510 : i32 to index
        %parallel_loop3A_512 = arith.index_cast %parallel_loop3A_260 : i32 to index
        %parallel_loop3A_513 = arith.constant 0 : index
        %parallel_loop3A_514 = tpu.vector_load %arg9[%parallel_loop3A_511, %parallel_loop3A_512, %parallel_loop3A_513] {strides = array<i32>} : memref<4x32x128xf32, #tpu.memory_space<vmem>>, vector<16xf32>,
        tpu.vector_store %arg9[%parallel_loop3A_511, %parallel_loop3A_512, %parallel_loop3A_513], %parallel_loop3A_509 {strides = array<i32>} : memref<4x32x128xf32, #tpu.memory_space<vmem>>, vector<16xf32>,
        %parallel_loop3A_515 = vector.broadcast %parallel_loop3A_286 : i32 to vector<16xi32>
        %parallel_loop3A_516 = arith.addi %parallel_loop3A_515, %add3A_8 : vector<16xi32>
        %parallel_loop3A_517 = tpu.vector_load_idx %arg7[%parallel_loop3A_516, %parallel_loop3A_506] : memref<512x32xf32, #tpu.memory_space<vmem>>[vector<16xi32>, vector<16xi32>], vector<16xf32>,
        %parallel_loop3A_518 = arith.constant 3 : i32
        %parallel_loop3A_519 = arith.index_cast %parallel_loop3A_518 : i32 to index
        %parallel_loop3A_520 = arith.index_cast %parallel_loop3A_260 : i32 to index
        %parallel_loop3A_521 = arith.constant 16 : index
        %parallel_loop3A_522 = tpu.vector_load %arg9[%parallel_loop3A_519, %parallel_loop3A_520, %parallel_loop3A_521] {strides = array<i32>} : memref<4x32x128xf32, #tpu.memory_space<vmem>>, vector<16xf32>,
        tpu.vector_store %arg9[%parallel_loop3A_519, %parallel_loop3A_520, %parallel_loop3A_521], %parallel_loop3A_517 {strides = array<i32>} : memref<4x32x128xf32, #tpu.memory_space<vmem>>, vector<16xf32>,
        %parallel_loop3A_523 = vector.broadcast %parallel_loop3A_286 : i32 to vector<16xi32>
        %parallel_loop3A_524 = arith.addi %parallel_loop3A_523, %add3A_11 : vector<16xi32>
        %parallel_loop3A_525 = tpu.vector_load_idx %arg7[%parallel_loop3A_524, %parallel_loop3A_506] : memref<512x32xf32, #tpu.memory_space<vmem>>[vector<16xi32>, vector<16xi32>], vector<16xf32>,
        %parallel_loop3A_526 = arith.constant 3 : i32
        %parallel_loop3A_527 = arith.index_cast %parallel_loop3A_526 : i32 to index
        %parallel_loop3A_528 = arith.index_cast %parallel_loop3A_260 : i32 to index
        %parallel_loop3A_529 = arith.constant 32 : index
        %parallel_loop3A_530 = tpu.vector_load %arg9[%parallel_loop3A_527, %parallel_loop3A_528, %parallel_loop3A_529] {strides = array<i32>} : memref<4x32x128xf32, #tpu.memory_space<vmem>>, vector<16xf32>,
        tpu.vector_store %arg9[%parallel_loop3A_527, %parallel_loop3A_528, %parallel_loop3A_529], %parallel_loop3A_525 {strides = array<i32>} : memref<4x32x128xf32, #tpu.memory_space<vmem>>, vector<16xf32>,
        %parallel_loop3A_531 = vector.broadcast %parallel_loop3A_286 : i32 to vector<16xi32>
        %parallel_loop3A_532 = arith.addi %parallel_loop3A_531, %add3A_14 : vector<16xi32>
        %parallel_loop3A_533 = tpu.vector_load_idx %arg7[%parallel_loop3A_532, %parallel_loop3A_506] : memref<512x32xf32, #tpu.memory_space<vmem>>[vector<16xi32>, vector<16xi32>], vector<16xf32>,
        %parallel_loop3A_534 = arith.constant 3 : i32
        %parallel_loop3A_535 = arith.index_cast %parallel_loop3A_534 : i32 to index
        %parallel_loop3A_536 = arith.index_cast %parallel_loop3A_260 : i32 to index
        %parallel_loop3A_537 = arith.constant 48 : index
        %parallel_loop3A_538 = tpu.vector_load %arg9[%parallel_loop3A_535, %parallel_loop3A_536, %parallel_loop3A_537] {strides = array<i32>} : memref<4x32x128xf32, #tpu.memory_space<vmem>>, vector<16xf32>,
        tpu.vector_store %arg9[%parallel_loop3A_535, %parallel_loop3A_536, %parallel_loop3A_537], %parallel_loop3A_533 {strides = array<i32>} : memref<4x32x128xf32, #tpu.memory_space<vmem>>, vector<16xf32>,
        %parallel_loop3A_539 = vector.broadcast %parallel_loop3A_286 : i32 to vector<16xi32>
        %parallel_loop3A_540 = arith.addi %parallel_loop3A_539, %add3A_17 : vector<16xi32>
        %parallel_loop3A_541 = tpu.vector_load_idx %arg7[%parallel_loop3A_540, %parallel_loop3A_506] : memref<512x32xf32, #tpu.memory_space<vmem>>[vector<16xi32>, vector<16xi32>], vector<16xf32>,
        %parallel_loop3A_542 = arith.constant 3 : i32
        %parallel_loop3A_543 = arith.index_cast %parallel_loop3A_542 : i32 to index
        %parallel_loop3A_544 = arith.index_cast %parallel_loop3A_260 : i32 to index
        %parallel_loop3A_545 = arith.constant 64 : index
        %parallel_loop3A_546 = tpu.vector_load %arg9[%parallel_loop3A_543, %parallel_loop3A_544, %parallel_loop3A_545] {strides = array<i32>} : memref<4x32x128xf32, #tpu.memory_space<vmem>>, vector<16xf32>,
        tpu.vector_store %arg9[%parallel_loop3A_543, %parallel_loop3A_544, %parallel_loop3A_545], %parallel_loop3A_541 {strides = array<i32>} : memref<4x32x128xf32, #tpu.memory_space<vmem>>, vector<16xf32>,
        %parallel_loop3A_547 = vector.broadcast %parallel_loop3A_286 : i32 to vector<16xi32>
        %parallel_loop3A_548 = arith.addi %parallel_loop3A_547, %add3A_20 : vector<16xi32>
        %parallel_loop3A_549 = tpu.vector_load_idx %arg7[%parallel_loop3A_548, %parallel_loop3A_506] : memref<512x32xf32, #tpu.memory_space<vmem>>[vector<16xi32>, vector<16xi32>], vector<16xf32>,
        %parallel_loop3A_550 = arith.constant 3 : i32
        %parallel_loop3A_551 = arith.index_cast %parallel_loop3A_550 : i32 to index
        %parallel_loop3A_552 = arith.index_cast %parallel_loop3A_260 : i32 to index
        %parallel_loop3A_553 = arith.constant 80 : index
        %parallel_loop3A_554 = tpu.vector_load %arg9[%parallel_loop3A_551, %parallel_loop3A_552, %parallel_loop3A_553] {strides = array<i32>} : memref<4x32x128xf32, #tpu.memory_space<vmem>>, vector<16xf32>,
        tpu.vector_store %arg9[%parallel_loop3A_551, %parallel_loop3A_552, %parallel_loop3A_553], %parallel_loop3A_549 {strides = array<i32>} : memref<4x32x128xf32, #tpu.memory_space<vmem>>, vector<16xf32>,
        %parallel_loop3A_555 = vector.broadcast %parallel_loop3A_286 : i32 to vector<16xi32>
        %parallel_loop3A_556 = arith.addi %parallel_loop3A_555, %add3A_23 : vector<16xi32>
        %parallel_loop3A_557 = tpu.vector_load_idx %arg7[%parallel_loop3A_556, %parallel_loop3A_506] : memref<512x32xf32, #tpu.memory_space<vmem>>[vector<16xi32>, vector<16xi32>], vector<16xf32>,
        %parallel_loop3A_558 = arith.constant 3 : i32
        %parallel_loop3A_559 = arith.index_cast %parallel_loop3A_558 : i32 to index
        %parallel_loop3A_560 = arith.index_cast %parallel_loop3A_260 : i32 to index
        %parallel_loop3A_561 = arith.constant 96 : index
        %parallel_loop3A_562 = tpu.vector_load %arg9[%parallel_loop3A_559, %parallel_loop3A_560, %parallel_loop3A_561] {strides = array<i32>} : memref<4x32x128xf32, #tpu.memory_space<vmem>>, vector<16xf32>,
        tpu.vector_store %arg9[%parallel_loop3A_559, %parallel_loop3A_560, %parallel_loop3A_561], %parallel_loop3A_557 {strides = array<i32>} : memref<4x32x128xf32, #tpu.memory_space<vmem>>, vector<16xf32>,
        %parallel_loop3A_563 = vector.broadcast %parallel_loop3A_286 : i32 to vector<16xi32>
        %parallel_loop3A_564 = arith.addi %parallel_loop3A_563, %add3A_26 : vector<16xi32>
        %parallel_loop3A_565 = tpu.vector_load_idx %arg7[%parallel_loop3A_564, %parallel_loop3A_506] : memref<512x32xf32, #tpu.memory_space<vmem>>[vector<16xi32>, vector<16xi32>], vector<16xf32>,
        %parallel_loop3A_566 = arith.constant 3 : i32
        %parallel_loop3A_567 = arith.index_cast %parallel_loop3A_566 : i32 to index
        %parallel_loop3A_568 = arith.index_cast %parallel_loop3A_260 : i32 to index
        %parallel_loop3A_569 = arith.constant 112 : index
        %parallel_loop3A_570 = tpu.vector_load %arg9[%parallel_loop3A_567, %parallel_loop3A_568, %parallel_loop3A_569] {strides = array<i32>} : memref<4x32x128xf32, #tpu.memory_space<vmem>>, vector<16xf32>,
        tpu.vector_store %arg9[%parallel_loop3A_567, %parallel_loop3A_568, %parallel_loop3A_569], %parallel_loop3A_565 {strides = array<i32>} : memref<4x32x128xf32, #tpu.memory_space<vmem>>, vector<16xf32>,
      } {sc.loop_unroll_factor = 4 : i64, sc.parallel_access}
      %mul3A_184 = arith.constant 4 : i32
      %mul3A_185 = arith.muli %add3A, %mul3A_184 : i32
      %mul3A_186 = arith.constant 8 : i32
      %mul3A_187 = arith.muli %mul3A_185, %mul3A_186 : i32
      %dma_start3A_188 = arith.constant 0 : i32
      %dma_start3A_189 = arith.constant 0 : i32
      %dma_start3A_190 = tpu.memref_slice %arg4[%mul3A_100, %dma_start3A_188, %mul3A_187, %dma_start3A_189] : memref<50x4x1024x128xf32, #tpu.memory_space<hbm>> -> memref<1x4x32x128xf32, #tpu.memory_space<hbm>>
      %dma_start3A_191 = tpu.memref_squeeze %dma_start3A_190 : memref<1x4x32x128xf32, #tpu.memory_space<hbm>> -> memref<4x32x128xf32, #tpu.memory_space<hbm>>
      %dma_start3A_192 = arith.constant 0 : i32
      %dma_start3A_193 = arith.constant 0 : i32
      %dma_start3A_194 = tpu.memref_slice %arg4[%mul3A_100, %dma_start3A_192, %mul3A_187, %dma_start3A_193] : memref<50x4x1024x128xf32, #tpu.memory_space<hbm>> -> memref<1x4x32x128xf32, #tpu.memory_space<hbm>>
      %dma_start3A_195 = tpu.memref_squeeze %dma_start3A_194 : memref<1x4x32x128xf32, #tpu.memory_space<hbm>> -> memref<4x32x128xf32, #tpu.memory_space<hbm>>
      tpu.enqueue_dma source(%arg9 : memref<4x32x128xf32, #tpu.memory_space<vmem>>) target(%dma_start3A_195 : memref<4x32x128xf32, #tpu.memory_space<hbm>>) target_semaphore(%arg13 : memref<!tpu.dma_semaphore, #tpu.memory_space<semaphore_mem>>)
      %lt3A = arith.constant 24 : i32
      %lt3A_196 = arith.cmpi slt, %scan3A_98, %lt3A : i32
      %convert_element_type3A_197 = arith.extui %lt3A_196 : i1 to i32
      %cond3A_198 = arith.constant 0 : i32
      %cond3A_199 = arith.cmpi ne, %convert_element_type3A_197, %cond3A_198 : i32
      scf.if %cond3A_199 {
        %add3A_260 = arith.constant 2 : i32
        %add3A_261 = arith.addi %mul3A_100, %add3A_260 : i32
        %dma_start3A_262 = arith.constant 0 : i32
        %dma_start3A_263 = arith.constant 0 : i32
        %dma_start3A_264 = tpu.memref_slice %arg7[%dma_start3A_262, %dma_start3A_263] : memref<512x32xf32, #tpu.memory_space<vmem>> -> memref<128x32xf32, #tpu.memory_space<vmem>>
        %dma_start3A_265 = arith.constant 0 : i32
        %dma_start3A_266 = tpu.memref_slice %arg6[%add3A_261, %dma_start3A_265] : memref<50x512xi32, #tpu.memory_space<vmem>> -> memref<1x128xi32, #tpu.memory_space<vmem>>
        %dma_start3A_267 = tpu.memref_squeeze %dma_start3A_266 : memref<1x128xi32, #tpu.memory_space<vmem>> -> memref<128xi32, #tpu.memory_space<vmem>>
        %dma_start3A_268 = arith.constant 0 : i32
        %dma_start3A_269 = arith.constant 0 : i32
        %dma_start3A_270 = tpu.memref_slice %arg2[%dma_start3A_268, %dma_start3A_269] : memref<1000000x32xf32, #tpu.memory_space<hbm>> -> memref<1000000x32xf32, #tpu.memory_space<hbm>>
        tpu.enqueue_indirect_dma source(%dma_start3A_270 : memref<1000000x32xf32, #tpu.memory_space<hbm>>) target(%dma_start3A_264 : memref<128x32xf32, #tpu.memory_space<vmem>>) offsets(%dma_start3A_267 : memref<128xi32, #tpu.memory_space<vmem>>) semaphore(%arg11 : memref<!tpu.dma_semaphore, #tpu.memory_space<semaphore_mem>>)
        %dma_start3A_271 = arith.constant 128 : i32
        %dma_start3A_272 = arith.constant 0 : i32
        %dma_start3A_273 = tpu.memref_slice %arg7[%dma_start3A_271, %dma_start3A_272] : memref<512x32xf32, #tpu.memory_space<vmem>> -> memref<128x32xf32, #tpu.memory_space<vmem>>
        %dma_start3A_274 = arith.constant 128 : i32
        %dma_start3A_275 = tpu.memref_slice %arg6[%add3A_261, %dma_start3A_274] : memref<50x512xi32, #tpu.memory_space<vmem>> -> memref<1x128xi32, #tpu.memory_space<vmem>>
        %dma_start3A_276 = tpu.memref_squeeze %dma_start3A_275 : memref<1x128xi32, #tpu.memory_space<vmem>> -> memref<128xi32, #tpu.memory_space<vmem>>
        %dma_start3A_277 = arith.constant 0 : i32
        %dma_start3A_278 = arith.constant 0 : i32
        %dma_start3A_279 = tpu.memref_slice %arg2[%dma_start3A_277, %dma_start3A_278] : memref<1000000x32xf32, #tpu.memory_space<hbm>> -> memref<1000000x32xf32, #tpu.memory_space<hbm>>
        tpu.enqueue_indirect_dma source(%dma_start3A_279 : memref<1000000x32xf32, #tpu.memory_space<hbm>>) target(%dma_start3A_273 : memref<128x32xf32, #tpu.memory_space<vmem>>) offsets(%dma_start3A_276 : memref<128xi32, #tpu.memory_space<vmem>>) semaphore(%arg11 : memref<!tpu.dma_semaphore, #tpu.memory_space<semaphore_mem>>)
        %dma_start3A_280 = arith.constant 256 : i32
        %dma_start3A_281 = arith.constant 0 : i32
        %dma_start3A_282 = tpu.memref_slice %arg7[%dma_start3A_280, %dma_start3A_281] : memref<512x32xf32, #tpu.memory_space<vmem>> -> memref<128x32xf32, #tpu.memory_space<vmem>>
        %dma_start3A_283 = arith.constant 256 : i32
        %dma_start3A_284 = tpu.memref_slice %arg6[%add3A_261, %dma_start3A_283] : memref<50x512xi32, #tpu.memory_space<vmem>> -> memref<1x128xi32, #tpu.memory_space<vmem>>
        %dma_start3A_285 = tpu.memref_squeeze %dma_start3A_284 : memref<1x128xi32, #tpu.memory_space<vmem>> -> memref<128xi32, #tpu.memory_space<vmem>>
        %dma_start3A_286 = arith.constant 0 : i32
        %dma_start3A_287 = arith.constant 0 : i32
        %dma_start3A_288 = tpu.memref_slice %arg2[%dma_start3A_286, %dma_start3A_287] : memref<1000000x32xf32, #tpu.memory_space<hbm>> -> memref<1000000x32xf32, #tpu.memory_space<hbm>>
        tpu.enqueue_indirect_dma source(%dma_start3A_288 : memref<1000000x32xf32, #tpu.memory_space<hbm>>) target(%dma_start3A_282 : memref<128x32xf32, #tpu.memory_space<vmem>>) offsets(%dma_start3A_285 : memref<128xi32, #tpu.memory_space<vmem>>) semaphore(%arg11 : memref<!tpu.dma_semaphore, #tpu.memory_space<semaphore_mem>>)
        %dma_start3A_289 = arith.constant 384 : i32
        %dma_start3A_290 = arith.constant 0 : i32
        %dma_start3A_291 = tpu.memref_slice %arg7[%dma_start3A_289, %dma_start3A_290] : memref<512x32xf32, #tpu.memory_space<vmem>> -> memref<128x32xf32, #tpu.memory_space<vmem>>
        %dma_start3A_292 = arith.constant 384 : i32
        %dma_start3A_293 = tpu.memref_slice %arg6[%add3A_261, %dma_start3A_292] : memref<50x512xi32, #tpu.memory_space<vmem>> -> memref<1x128xi32, #tpu.memory_space<vmem>>
        %dma_start3A_294 = tpu.memref_squeeze %dma_start3A_293 : memref<1x128xi32, #tpu.memory_space<vmem>> -> memref<128xi32, #tpu.memory_space<vmem>>
        %dma_start3A_295 = arith.constant 0 : i32
        %dma_start3A_296 = arith.constant 0 : i32
        %dma_start3A_297 = tpu.memref_slice %arg2[%dma_start3A_295, %dma_start3A_296] : memref<1000000x32xf32, #tpu.memory_space<hbm>> -> memref<1000000x32xf32, #tpu.memory_space<hbm>>
        tpu.enqueue_indirect_dma source(%dma_start3A_297 : memref<1000000x32xf32, #tpu.memory_space<hbm>>) target(%dma_start3A_291 : memref<128x32xf32, #tpu.memory_space<vmem>>) offsets(%dma_start3A_294 : memref<128xi32, #tpu.memory_space<vmem>>) semaphore(%arg11 : memref<!tpu.dma_semaphore, #tpu.memory_space<semaphore_mem>>)
      } else {
      }
      %ge3A_200 = arith.constant 1 : i32
      %ge3A_201 = arith.cmpi sge, %scan3A_98, %ge3A_200 : i32
      %convert_element_type3A_202 = arith.extui %ge3A_201 : i1 to i32
      %cond3A_203 = arith.constant 0 : i32
      %cond3A_204 = arith.cmpi ne, %convert_element_type3A_202, %cond3A_203 : i32
      scf.if %cond3A_204 {
        %mul3A_260 = arith.constant 4 : i32
        %mul3A_261 = arith.muli %add3A, %mul3A_260 : i32
        %mul3A_262 = arith.constant 8 : i32
        %mul3A_263 = arith.muli %mul3A_261, %mul3A_262 : i32
        %dma_wait3A_264 = arith.constant 0 : i32
        %dma_wait3A_265 = arith.constant 0 : i32
        %dma_wait3A_266 = arith.constant 0 : i32
        %dma_wait3A_267 = tpu.memref_slice %arg4[%dma_wait3A_264, %dma_wait3A_265, %mul3A_263, %dma_wait3A_266] : memref<50x4x1024x128xf32, #tpu.memory_space<hbm>> -> memref<1x4x32x128xf32, #tpu.memory_space<hbm>>
        %dma_wait3A_268 = tpu.memref_squeeze %dma_wait3A_267 : memref<1x4x32x128xf32, #tpu.memory_space<hbm>> -> memref<4x32x128xf32, #tpu.memory_space<hbm>>
        %dma_wait3A_269 = arith.constant 0 : i32
        %dma_wait3A_270 = arith.constant 0 : i32
        %dma_wait3A_271 = tpu.memref_slice %arg4[%dma_wait3A_264, %dma_wait3A_269, %mul3A_263, %dma_wait3A_270] : memref<50x4x1024x128xf32, #tpu.memory_space<hbm>> -> memref<1x4x32x128xf32, #tpu.memory_space<hbm>>
        %dma_wait3A_272 = tpu.memref_squeeze %dma_wait3A_271 : memref<1x4x32x128xf32, #tpu.memory_space<hbm>> -> memref<4x32x128xf32, #tpu.memory_space<hbm>>
        tpu.wait_dma2 semaphore(%arg14 : memref<!tpu.dma_semaphore, #tpu.memory_space<semaphore_mem>>) src(%arg10 : memref<4x32x128xf32, #tpu.memory_space<vmem>>) dst(%dma_wait3A_272 : memref<4x32x128xf32, #tpu.memory_space<hbm>>)
      } else {
      }
      %dma_wait3A_205 = arith.constant 0 : i32
      %dma_wait3A_206 = arith.constant 0 : i32
      %dma_wait3A_207 = arith.constant 0 : i32
      %dma_wait3A_208 = tpu.memref_slice %arg8[%dma_wait3A_206, %dma_wait3A_207] : memref<512x32xf32, #tpu.memory_space<vmem>> -> memref<128x32xf32, #tpu.memory_space<vmem>>
      %dma_wait3A_209 = arith.constant 0 : i32
      %dma_wait3A_210 = tpu.memref_slice %arg6[%dma_wait3A_205, %dma_wait3A_209] : memref<50x512xi32, #tpu.memory_space<vmem>> -> memref<1x128xi32, #tpu.memory_space<vmem>>
      %dma_wait3A_211 = tpu.memref_squeeze %dma_wait3A_210 : memref<1x128xi32, #tpu.memory_space<vmem>> -> memref<128xi32, #tpu.memory_space<vmem>>
      %dma_wait3A_212 = arith.constant 0 : i32
      %dma_wait3A_213 = arith.constant 0 : i32
      %dma_wait3A_214 = tpu.memref_slice %arg2[%dma_wait3A_212, %dma_wait3A_213] : memref<1000000x32xf32, #tpu.memory_space<hbm>> -> memref<1000000x32xf32, #tpu.memory_space<hbm>>
      tpu.wait_indirect_dma semaphore(%arg12 : memref<!tpu.dma_semaphore, #tpu.memory_space<semaphore_mem>>) src(%dma_wait3A_214 : memref<1000000x32xf32, #tpu.memory_space<hbm>>) dst(%dma_wait3A_208 : memref<128x32xf32, #tpu.memory_space<vmem>>)
      %dma_wait3A_215 = arith.constant 0 : i32
      %dma_wait3A_216 = arith.constant 128 : i32
      %dma_wait3A_217 = arith.constant 0 : i32
      %dma_wait3A_218 = tpu.memref_slice %arg8[%dma_wait3A_216, %dma_wait3A_217] : memref<512x32xf32, #tpu.memory_space<vmem>> -> memref<128x32xf32, #tpu.memory_space<vmem>>
      %dma_wait3A_219 = arith.constant 0 : i32
      %dma_wait3A_220 = tpu.memref_slice %arg6[%dma_wait3A_215, %dma_wait3A_219] : memref<50x512xi32, #tpu.memory_space<vmem>> -> memref<1x128xi32, #tpu.memory_space<vmem>>
      %dma_wait3A_221 = tpu.memref_squeeze %dma_wait3A_220 : memref<1x128xi32, #tpu.memory_space<vmem>> -> memref<128xi32, #tpu.memory_space<vmem>>
      %dma_wait3A_222 = arith.constant 0 : i32
      %dma_wait3A_223 = arith.constant 0 : i32
      %dma_wait3A_224 = tpu.memref_slice %arg2[%dma_wait3A_222, %dma_wait3A_223] : memref<1000000x32xf32, #tpu.memory_space<hbm>> -> memref<1000000x32xf32, #tpu.memory_space<hbm>>
      tpu.wait_indirect_dma semaphore(%arg12 : memref<!tpu.dma_semaphore, #tpu.memory_space<semaphore_mem>>) src(%dma_wait3A_224 : memref<1000000x32xf32, #tpu.memory_space<hbm>>) dst(%dma_wait3A_218 : memref<128x32xf32, #tpu.memory_space<vmem>>)
      %dma_wait3A_225 = arith.constant 0 : i32
      %dma_wait3A_226 = arith.constant 256 : i32
      %dma_wait3A_227 = arith.constant 0 : i32
      %dma_wait3A_228 = tpu.memref_slice %arg8[%dma_wait3A_226, %dma_wait3A_227] : memref<512x32xf32, #tpu.memory_space<vmem>> -> memref<128x32xf32, #tpu.memory_space<vmem>>
      %dma_wait3A_229 = arith.constant 0 : i32
      %dma_wait3A_230 = tpu.memref_slice %arg6[%dma_wait3A_225, %dma_wait3A_229] : memref<50x512xi32, #tpu.memory_space<vmem>> -> memref<1x128xi32, #tpu.memory_space<vmem>>
      %dma_wait3A_231 = tpu.memref_squeeze %dma_wait3A_230 : memref<1x128xi32, #tpu.memory_space<vmem>> -> memref<128xi32, #tpu.memory_space<vmem>>
      %dma_wait3A_232 = arith.constant 0 : i32
      %dma_wait3A_233 = arith.constant 0 : i32
      %dma_wait3A_234 = tpu.memref_slice %arg2[%dma_wait3A_232, %dma_wait3A_233] : memref<1000000x32xf32, #tpu.memory_space<hbm>> -> memref<1000000x32xf32, #tpu.memory_space<hbm>>
      tpu.wait_indirect_dma semaphore(%arg12 : memref<!tpu.dma_semaphore, #tpu.memory_space<semaphore_mem>>) src(%dma_wait3A_234 : memref<1000000x32xf32, #tpu.memory_space<hbm>>) dst(%dma_wait3A_228 : memref<128x32xf32, #tpu.memory_space<vmem>>)
      %dma_wait3A_235 = arith.constant 0 : i32
      %dma_wait3A_236 = arith.constant 384 : i32
      %dma_wait3A_237 = arith.constant 0 : i32
      %dma_wait3A_238 = tpu.memref_slice %arg8[%dma_wait3A_236, %dma_wait3A_237] : memref<512x32xf32, #tpu.memory_space<vmem>> -> memref<128x32xf32, #tpu.memory_space<vmem>>
      %dma_wait3A_239 = arith.constant 0 : i32
      %dma_wait3A_240 = tpu.memref_slice %arg6[%dma_wait3A_235, %dma_wait3A_239] : memref<50x512xi32, #tpu.memory_space<vmem>> -> memref<1x128xi32, #tpu.memory_space<vmem>>
      %dma_wait3A_241 = tpu.memref_squeeze %dma_wait3A_240 : memref<1x128xi32, #tpu.memory_space<vmem>> -> memref<128xi32, #tpu.memory_space<vmem>>
      %dma_wait3A_242 = arith.constant 0 : i32
      %dma_wait3A_243 = arith.constant 0 : i32
      %dma_wait3A_244 = tpu.memref_slice %arg2[%dma_wait3A_242, %dma_wait3A_243] : memref<1000000x32xf32, #tpu.memory_space<hbm>> -> memref<1000000x32xf32, #tpu.memory_space<hbm>>
      tpu.wait_indirect_dma semaphore(%arg12 : memref<!tpu.dma_semaphore, #tpu.memory_space<semaphore_mem>>) src(%dma_wait3A_244 : memref<1000000x32xf32, #tpu.memory_space<hbm>>) dst(%dma_wait3A_238 : memref<128x32xf32, #tpu.memory_space<vmem>>)
      %parallel_loop3A_245 = arith.constant 0 : i32
      %parallel_loop3A_246 = arith.constant 32 : i32
      %parallel_loop3A_247 = arith.constant 1 : i32
      scf.for %parallel_loop3A_260 = %parallel_loop3A_245 to %parallel_loop3A_246 step %parallel_loop3A_247  : i32 {
        %parallel_loop3A_261 = arith.constant 8 : i32
        %parallel_loop3A_262 = arith.divsi %parallel_loop3A_260, %parallel_loop3A_261 : i32
        %parallel_loop3A_263 = arith.constant 0 : i32
        %parallel_loop3A_264 = arith.cmpi sgt, %parallel_loop3A_260, %parallel_loop3A_263 : i32
        %parallel_loop3A_265 = arith.extui %parallel_loop3A_264 : i1 to i32
        %parallel_loop3A_266 = arith.constant 0 : i32
        %parallel_loop3A_267 = arith.cmpi slt, %parallel_loop3A_260, %parallel_loop3A_266 : i32
        %parallel_loop3A_268 = arith.extui %parallel_loop3A_267 : i1 to i32
        %parallel_loop3A_269 = arith.subi %parallel_loop3A_265, %parallel_loop3A_268 : i32
        %parallel_loop3A_270 = arith.constant 0 : i32
        %parallel_loop3A_271 = arith.cmpi sgt, %parallel_loop3A_261, %parallel_loop3A_270 : i32
        %parallel_loop3A_272 = arith.extui %parallel_loop3A_271 : i1 to i32
        %parallel_loop3A_273 = arith.constant 0 : i32
        %parallel_loop3A_274 = arith.cmpi slt, %parallel_loop3A_261, %parallel_loop3A_273 : i32
        %parallel_loop3A_275 = arith.extui %parallel_loop3A_274 : i1 to i32
        %parallel_loop3A_276 = arith.subi %parallel_loop3A_272, %parallel_loop3A_275 : i32
        %parallel_loop3A_277 = arith.cmpi ne, %parallel_loop3A_269, %parallel_loop3A_276 : i32
        %parallel_loop3A_278 = arith.remsi %parallel_loop3A_260, %parallel_loop3A_261 : i32
        %parallel_loop3A_279 = arith.constant 0 : i32
        %parallel_loop3A_280 = arith.cmpi ne, %parallel_loop3A_278, %parallel_loop3A_279 : i32
        %parallel_loop3A_281 = arith.andi %parallel_loop3A_277, %parallel_loop3A_280 : i1
        %parallel_loop3A_282 = arith.constant 1 : i32
        %parallel_loop3A_283 = arith.subi %parallel_loop3A_262, %parallel_loop3A_282 : i32
        %parallel_loop3A_284 = arith.select %parallel_loop3A_281, %parallel_loop3A_283, %parallel_loop3A_262 : i32
        %parallel_loop3A_285 = arith.constant 128 : i32
        %parallel_loop3A_286 = arith.muli %parallel_loop3A_284, %parallel_loop3A_285 : i32
        %parallel_loop3A_287 = arith.constant 8 : i32
        %parallel_loop3A_288 = arith.constant 0 : i32
        %parallel_loop3A_289 = arith.cmpi eq, %parallel_loop3A_287, %parallel_loop3A_288 : i32
        %parallel_loop3A_290 = arith.constant 1 : i32
        %parallel_loop3A_291 = arith.select %parallel_loop3A_289, %parallel_loop3A_290, %parallel_loop3A_287 : i32
        %parallel_loop3A_292 = arith.remsi %parallel_loop3A_260, %parallel_loop3A_291 : i32
        %parallel_loop3A_293 = arith.constant 0 : i32
        %parallel_loop3A_294 = arith.cmpi ne, %parallel_loop3A_292, %parallel_loop3A_293 : i32
        %parallel_loop3A_295 = arith.constant 0 : i32
        %parallel_loop3A_296 = arith.cmpi slt, %parallel_loop3A_292, %parallel_loop3A_295 : i32
        %parallel_loop3A_297 = arith.constant 0 : i32
        %parallel_loop3A_298 = arith.cmpi slt, %parallel_loop3A_291, %parallel_loop3A_297 : i32
        %parallel_loop3A_299 = arith.xori %parallel_loop3A_296, %parallel_loop3A_298 : i1
        %parallel_loop3A_300 = arith.andi %parallel_loop3A_299, %parallel_loop3A_294 : i1
        %parallel_loop3A_301 = arith.addi %parallel_loop3A_292, %parallel_loop3A_291 : i32
        %parallel_loop3A_302 = arith.select %parallel_loop3A_300, %parallel_loop3A_301, %parallel_loop3A_292 : i32
        %parallel_loop3A_303 = arith.constant 0 : i32
        %parallel_loop3A_304 = arith.addi %parallel_loop3A_303, %parallel_loop3A_302 : i32
        %parallel_loop3A_305 = vector.broadcast %parallel_loop3A_304 : i32 to vector<16xi32>
        %parallel_loop3A_306 = vector.broadcast %parallel_loop3A_286 : i32 to vector<16xi32>
        %parallel_loop3A_307 = arith.addi %parallel_loop3A_306, %add3A_5 : vector<16xi32>
        %parallel_loop3A_308 = tpu.vector_load_idx %arg8[%parallel_loop3A_307, %parallel_loop3A_305] : memref<512x32xf32, #tpu.memory_space<vmem>>[vector<16xi32>, vector<16xi32>], vector<16xf32>,
        %parallel_loop3A_309 = arith.constant 0 : i32
        %parallel_loop3A_310 = arith.index_cast %parallel_loop3A_309 : i32 to index
        %parallel_loop3A_311 = arith.index_cast %parallel_loop3A_260 : i32 to index
        %parallel_loop3A_312 = arith.constant 0 : index
        %parallel_loop3A_313 = tpu.vector_load %arg10[%parallel_loop3A_310, %parallel_loop3A_311, %parallel_loop3A_312] {strides = array<i32>} : memref<4x32x128xf32, #tpu.memory_space<vmem>>, vector<16xf32>,
        tpu.vector_store %arg10[%parallel_loop3A_310, %parallel_loop3A_311, %parallel_loop3A_312], %parallel_loop3A_308 {strides = array<i32>} : memref<4x32x128xf32, #tpu.memory_space<vmem>>, vector<16xf32>,
        %parallel_loop3A_314 = vector.broadcast %parallel_loop3A_286 : i32 to vector<16xi32>
        %parallel_loop3A_315 = arith.addi %parallel_loop3A_314, %add3A_8 : vector<16xi32>
        %parallel_loop3A_316 = tpu.vector_load_idx %arg8[%parallel_loop3A_315, %parallel_loop3A_305] : memref<512x32xf32, #tpu.memory_space<vmem>>[vector<16xi32>, vector<16xi32>], vector<16xf32>,
        %parallel_loop3A_317 = arith.constant 0 : i32
        %parallel_loop3A_318 = arith.index_cast %parallel_loop3A_317 : i32 to index
        %parallel_loop3A_319 = arith.index_cast %parallel_loop3A_260 : i32 to index
        %parallel_loop3A_320 = arith.constant 16 : index
        %parallel_loop3A_321 = tpu.vector_load %arg10[%parallel_loop3A_318, %parallel_loop3A_319, %parallel_loop3A_320] {strides = array<i32>} : memref<4x32x128xf32, #tpu.memory_space<vmem>>, vector<16xf32>,
        tpu.vector_store %arg10[%parallel_loop3A_318, %parallel_loop3A_319, %parallel_loop3A_320], %parallel_loop3A_316 {strides = array<i32>} : memref<4x32x128xf32, #tpu.memory_space<vmem>>, vector<16xf32>,
        %parallel_loop3A_322 = vector.broadcast %parallel_loop3A_286 : i32 to vector<16xi32>
        %parallel_loop3A_323 = arith.addi %parallel_loop3A_322, %add3A_11 : vector<16xi32>
        %parallel_loop3A_324 = tpu.vector_load_idx %arg8[%parallel_loop3A_323, %parallel_loop3A_305] : memref<512x32xf32, #tpu.memory_space<vmem>>[vector<16xi32>, vector<16xi32>], vector<16xf32>,
        %parallel_loop3A_325 = arith.constant 0 : i32
        %parallel_loop3A_326 = arith.index_cast %parallel_loop3A_325 : i32 to index
        %parallel_loop3A_327 = arith.index_cast %parallel_loop3A_260 : i32 to index
        %parallel_loop3A_328 = arith.constant 32 : index
        %parallel_loop3A_329 = tpu.vector_load %arg10[%parallel_loop3A_326, %parallel_loop3A_327, %parallel_loop3A_328] {strides = array<i32>} : memref<4x32x128xf32, #tpu.memory_space<vmem>>, vector<16xf32>,
        tpu.vector_store %arg10[%parallel_loop3A_326, %parallel_loop3A_327, %parallel_loop3A_328], %parallel_loop3A_324 {strides = array<i32>} : memref<4x32x128xf32, #tpu.memory_space<vmem>>, vector<16xf32>,
        %parallel_loop3A_330 = vector.broadcast %parallel_loop3A_286 : i32 to vector<16xi32>
        %parallel_loop3A_331 = arith.addi %parallel_loop3A_330, %add3A_14 : vector<16xi32>
        %parallel_loop3A_332 = tpu.vector_load_idx %arg8[%parallel_loop3A_331, %parallel_loop3A_305] : memref<512x32xf32, #tpu.memory_space<vmem>>[vector<16xi32>, vector<16xi32>], vector<16xf32>,
        %parallel_loop3A_333 = arith.constant 0 : i32
        %parallel_loop3A_334 = arith.index_cast %parallel_loop3A_333 : i32 to index
        %parallel_loop3A_335 = arith.index_cast %parallel_loop3A_260 : i32 to index
        %parallel_loop3A_336 = arith.constant 48 : index
        %parallel_loop3A_337 = tpu.vector_load %arg10[%parallel_loop3A_334, %parallel_loop3A_335, %parallel_loop3A_336] {strides = array<i32>} : memref<4x32x128xf32, #tpu.memory_space<vmem>>, vector<16xf32>,
        tpu.vector_store %arg10[%parallel_loop3A_334, %parallel_loop3A_335, %parallel_loop3A_336], %parallel_loop3A_332 {strides = array<i32>} : memref<4x32x128xf32, #tpu.memory_space<vmem>>, vector<16xf32>,
        %parallel_loop3A_338 = vector.broadcast %parallel_loop3A_286 : i32 to vector<16xi32>
        %parallel_loop3A_339 = arith.addi %parallel_loop3A_338, %add3A_17 : vector<16xi32>
        %parallel_loop3A_340 = tpu.vector_load_idx %arg8[%parallel_loop3A_339, %parallel_loop3A_305] : memref<512x32xf32, #tpu.memory_space<vmem>>[vector<16xi32>, vector<16xi32>], vector<16xf32>,
        %parallel_loop3A_341 = arith.constant 0 : i32
        %parallel_loop3A_342 = arith.index_cast %parallel_loop3A_341 : i32 to index
        %parallel_loop3A_343 = arith.index_cast %parallel_loop3A_260 : i32 to index
        %parallel_loop3A_344 = arith.constant 64 : index
        %parallel_loop3A_345 = tpu.vector_load %arg10[%parallel_loop3A_342, %parallel_loop3A_343, %parallel_loop3A_344] {strides = array<i32>} : memref<4x32x128xf32, #tpu.memory_space<vmem>>, vector<16xf32>,
        tpu.vector_store %arg10[%parallel_loop3A_342, %parallel_loop3A_343, %parallel_loop3A_344], %parallel_loop3A_340 {strides = array<i32>} : memref<4x32x128xf32, #tpu.memory_space<vmem>>, vector<16xf32>,
        %parallel_loop3A_346 = vector.broadcast %parallel_loop3A_286 : i32 to vector<16xi32>
        %parallel_loop3A_347 = arith.addi %parallel_loop3A_346, %add3A_20 : vector<16xi32>
        %parallel_loop3A_348 = tpu.vector_load_idx %arg8[%parallel_loop3A_347, %parallel_loop3A_305] : memref<512x32xf32, #tpu.memory_space<vmem>>[vector<16xi32>, vector<16xi32>], vector<16xf32>,
        %parallel_loop3A_349 = arith.constant 0 : i32
        %parallel_loop3A_350 = arith.index_cast %parallel_loop3A_349 : i32 to index
        %parallel_loop3A_351 = arith.index_cast %parallel_loop3A_260 : i32 to index
        %parallel_loop3A_352 = arith.constant 80 : index
        %parallel_loop3A_353 = tpu.vector_load %arg10[%parallel_loop3A_350, %parallel_loop3A_351, %parallel_loop3A_352] {strides = array<i32>} : memref<4x32x128xf32, #tpu.memory_space<vmem>>, vector<16xf32>,
        tpu.vector_store %arg10[%parallel_loop3A_350, %parallel_loop3A_351, %parallel_loop3A_352], %parallel_loop3A_348 {strides = array<i32>} : memref<4x32x128xf32, #tpu.memory_space<vmem>>, vector<16xf32>,
        %parallel_loop3A_354 = vector.broadcast %parallel_loop3A_286 : i32 to vector<16xi32>
        %parallel_loop3A_355 = arith.addi %parallel_loop3A_354, %add3A_23 : vector<16xi32>
        %parallel_loop3A_356 = tpu.vector_load_idx %arg8[%parallel_loop3A_355, %parallel_loop3A_305] : memref<512x32xf32, #tpu.memory_space<vmem>>[vector<16xi32>, vector<16xi32>], vector<16xf32>,
        %parallel_loop3A_357 = arith.constant 0 : i32
        %parallel_loop3A_358 = arith.index_cast %parallel_loop3A_357 : i32 to index
        %parallel_loop3A_359 = arith.index_cast %parallel_loop3A_260 : i32 to index
        %parallel_loop3A_360 = arith.constant 96 : index
        %parallel_loop3A_361 = tpu.vector_load %arg10[%parallel_loop3A_358, %parallel_loop3A_359, %parallel_loop3A_360] {strides = array<i32>} : memref<4x32x128xf32, #tpu.memory_space<vmem>>, vector<16xf32>,
        tpu.vector_store %arg10[%parallel_loop3A_358, %parallel_loop3A_359, %parallel_loop3A_360], %parallel_loop3A_356 {strides = array<i32>} : memref<4x32x128xf32, #tpu.memory_space<vmem>>, vector<16xf32>,
        %parallel_loop3A_362 = vector.broadcast %parallel_loop3A_286 : i32 to vector<16xi32>
        %parallel_loop3A_363 = arith.addi %parallel_loop3A_362, %add3A_26 : vector<16xi32>
        %parallel_loop3A_364 = tpu.vector_load_idx %arg8[%parallel_loop3A_363, %parallel_loop3A_305] : memref<512x32xf32, #tpu.memory_space<vmem>>[vector<16xi32>, vector<16xi32>], vector<16xf32>,
        %parallel_loop3A_365 = arith.constant 0 : i32
        %parallel_loop3A_366 = arith.index_cast %parallel_loop3A_365 : i32 to index
        %parallel_loop3A_367 = arith.index_cast %parallel_loop3A_260 : i32 to index
        %parallel_loop3A_368 = arith.constant 112 : index
        %parallel_loop3A_369 = tpu.vector_load %arg10[%parallel_loop3A_366, %parallel_loop3A_367, %parallel_loop3A_368] {strides = array<i32>} : memref<4x32x128xf32, #tpu.memory_space<vmem>>, vector<16xf32>,
        tpu.vector_store %arg10[%parallel_loop3A_366, %parallel_loop3A_367, %parallel_loop3A_368], %parallel_loop3A_364 {strides = array<i32>} : memref<4x32x128xf32, #tpu.memory_space<vmem>>, vector<16xf32>,
        %parallel_loop3A_370 = arith.constant 8 : i32
        %parallel_loop3A_371 = arith.addi %parallel_loop3A_370, %parallel_loop3A_302 : i32
        %parallel_loop3A_372 = vector.broadcast %parallel_loop3A_371 : i32 to vector<16xi32>
        %parallel_loop3A_373 = vector.broadcast %parallel_loop3A_286 : i32 to vector<16xi32>
        %parallel_loop3A_374 = arith.addi %parallel_loop3A_373, %add3A_5 : vector<16xi32>
        %parallel_loop3A_375 = tpu.vector_load_idx %arg8[%parallel_loop3A_374, %parallel_loop3A_372] : memref<512x32xf32, #tpu.memory_space<vmem>>[vector<16xi32>, vector<16xi32>], vector<16xf32>,
        %parallel_loop3A_376 = arith.constant 1 : i32
        %parallel_loop3A_377 = arith.index_cast %parallel_loop3A_376 : i32 to index
        %parallel_loop3A_378 = arith.index_cast %parallel_loop3A_260 : i32 to index
        %parallel_loop3A_379 = arith.constant 0 : index
        %parallel_loop3A_380 = tpu.vector_load %arg10[%parallel_loop3A_377, %parallel_loop3A_378, %parallel_loop3A_379] {strides = array<i32>} : memref<4x32x128xf32, #tpu.memory_space<vmem>>, vector<16xf32>,
        tpu.vector_store %arg10[%parallel_loop3A_377, %parallel_loop3A_378, %parallel_loop3A_379], %parallel_loop3A_375 {strides = array<i32>} : memref<4x32x128xf32, #tpu.memory_space<vmem>>, vector<16xf32>,
        %parallel_loop3A_381 = vector.broadcast %parallel_loop3A_286 : i32 to vector<16xi32>
        %parallel_loop3A_382 = arith.addi %parallel_loop3A_381, %add3A_8 : vector<16xi32>
        %parallel_loop3A_383 = tpu.vector_load_idx %arg8[%parallel_loop3A_382, %parallel_loop3A_372] : memref<512x32xf32, #tpu.memory_space<vmem>>[vector<16xi32>, vector<16xi32>], vector<16xf32>,
        %parallel_loop3A_384 = arith.constant 1 : i32
        %parallel_loop3A_385 = arith.index_cast %parallel_loop3A_384 : i32 to index
        %parallel_loop3A_386 = arith.index_cast %parallel_loop3A_260 : i32 to index
        %parallel_loop3A_387 = arith.constant 16 : index
        %parallel_loop3A_388 = tpu.vector_load %arg10[%parallel_loop3A_385, %parallel_loop3A_386, %parallel_loop3A_387] {strides = array<i32>} : memref<4x32x128xf32, #tpu.memory_space<vmem>>, vector<16xf32>,
        tpu.vector_store %arg10[%parallel_loop3A_385, %parallel_loop3A_386, %parallel_loop3A_387], %parallel_loop3A_383 {strides = array<i32>} : memref<4x32x128xf32, #tpu.memory_space<vmem>>, vector<16xf32>,
        %parallel_loop3A_389 = vector.broadcast %parallel_loop3A_286 : i32 to vector<16xi32>
        %parallel_loop3A_390 = arith.addi %parallel_loop3A_389, %add3A_11 : vector<16xi32>
        %parallel_loop3A_391 = tpu.vector_load_idx %arg8[%parallel_loop3A_390, %parallel_loop3A_372] : memref<512x32xf32, #tpu.memory_space<vmem>>[vector<16xi32>, vector<16xi32>], vector<16xf32>,
        %parallel_loop3A_392 = arith.constant 1 : i32
        %parallel_loop3A_393 = arith.index_cast %parallel_loop3A_392 : i32 to index
        %parallel_loop3A_394 = arith.index_cast %parallel_loop3A_260 : i32 to index
        %parallel_loop3A_395 = arith.constant 32 : index
        %parallel_loop3A_396 = tpu.vector_load %arg10[%parallel_loop3A_393, %parallel_loop3A_394, %parallel_loop3A_395] {strides = array<i32>} : memref<4x32x128xf32, #tpu.memory_space<vmem>>, vector<16xf32>,
        tpu.vector_store %arg10[%parallel_loop3A_393, %parallel_loop3A_394, %parallel_loop3A_395], %parallel_loop3A_391 {strides = array<i32>} : memref<4x32x128xf32, #tpu.memory_space<vmem>>, vector<16xf32>,
        %parallel_loop3A_397 = vector.broadcast %parallel_loop3A_286 : i32 to vector<16xi32>
        %parallel_loop3A_398 = arith.addi %parallel_loop3A_397, %add3A_14 : vector<16xi32>
        %parallel_loop3A_399 = tpu.vector_load_idx %arg8[%parallel_loop3A_398, %parallel_loop3A_372] : memref<512x32xf32, #tpu.memory_space<vmem>>[vector<16xi32>, vector<16xi32>], vector<16xf32>,
        %parallel_loop3A_400 = arith.constant 1 : i32
        %parallel_loop3A_401 = arith.index_cast %parallel_loop3A_400 : i32 to index
        %parallel_loop3A_402 = arith.index_cast %parallel_loop3A_260 : i32 to index
        %parallel_loop3A_403 = arith.constant 48 : index
        %parallel_loop3A_404 = tpu.vector_load %arg10[%parallel_loop3A_401, %parallel_loop3A_402, %parallel_loop3A_403] {strides = array<i32>} : memref<4x32x128xf32, #tpu.memory_space<vmem>>, vector<16xf32>,
        tpu.vector_store %arg10[%parallel_loop3A_401, %parallel_loop3A_402, %parallel_loop3A_403], %parallel_loop3A_399 {strides = array<i32>} : memref<4x32x128xf32, #tpu.memory_space<vmem>>, vector<16xf32>,
        %parallel_loop3A_405 = vector.broadcast %parallel_loop3A_286 : i32 to vector<16xi32>
        %parallel_loop3A_406 = arith.addi %parallel_loop3A_405, %add3A_17 : vector<16xi32>
        %parallel_loop3A_407 = tpu.vector_load_idx %arg8[%parallel_loop3A_406, %parallel_loop3A_372] : memref<512x32xf32, #tpu.memory_space<vmem>>[vector<16xi32>, vector<16xi32>], vector<16xf32>,
        %parallel_loop3A_408 = arith.constant 1 : i32
        %parallel_loop3A_409 = arith.index_cast %parallel_loop3A_408 : i32 to index
        %parallel_loop3A_410 = arith.index_cast %parallel_loop3A_260 : i32 to index
        %parallel_loop3A_411 = arith.constant 64 : index
        %parallel_loop3A_412 = tpu.vector_load %arg10[%parallel_loop3A_409, %parallel_loop3A_410, %parallel_loop3A_411] {strides = array<i32>} : memref<4x32x128xf32, #tpu.memory_space<vmem>>, vector<16xf32>,
        tpu.vector_store %arg10[%parallel_loop3A_409, %parallel_loop3A_410, %parallel_loop3A_411], %parallel_loop3A_407 {strides = array<i32>} : memref<4x32x128xf32, #tpu.memory_space<vmem>>, vector<16xf32>,
        %parallel_loop3A_413 = vector.broadcast %parallel_loop3A_286 : i32 to vector<16xi32>
        %parallel_loop3A_414 = arith.addi %parallel_loop3A_413, %add3A_20 : vector<16xi32>
        %parallel_loop3A_415 = tpu.vector_load_idx %arg8[%parallel_loop3A_414, %parallel_loop3A_372] : memref<512x32xf32, #tpu.memory_space<vmem>>[vector<16xi32>, vector<16xi32>], vector<16xf32>,
        %parallel_loop3A_416 = arith.constant 1 : i32
        %parallel_loop3A_417 = arith.index_cast %parallel_loop3A_416 : i32 to index
        %parallel_loop3A_418 = arith.index_cast %parallel_loop3A_260 : i32 to index
        %parallel_loop3A_419 = arith.constant 80 : index
        %parallel_loop3A_420 = tpu.vector_load %arg10[%parallel_loop3A_417, %parallel_loop3A_418, %parallel_loop3A_419] {strides = array<i32>} : memref<4x32x128xf32, #tpu.memory_space<vmem>>, vector<16xf32>,
        tpu.vector_store %arg10[%parallel_loop3A_417, %parallel_loop3A_418, %parallel_loop3A_419], %parallel_loop3A_415 {strides = array<i32>} : memref<4x32x128xf32, #tpu.memory_space<vmem>>, vector<16xf32>,
        %parallel_loop3A_421 = vector.broadcast %parallel_loop3A_286 : i32 to vector<16xi32>
        %parallel_loop3A_422 = arith.addi %parallel_loop3A_421, %add3A_23 : vector<16xi32>
        %parallel_loop3A_423 = tpu.vector_load_idx %arg8[%parallel_loop3A_422, %parallel_loop3A_372] : memref<512x32xf32, #tpu.memory_space<vmem>>[vector<16xi32>, vector<16xi32>], vector<16xf32>,
        %parallel_loop3A_424 = arith.constant 1 : i32
        %parallel_loop3A_425 = arith.index_cast %parallel_loop3A_424 : i32 to index
        %parallel_loop3A_426 = arith.index_cast %parallel_loop3A_260 : i32 to index
        %parallel_loop3A_427 = arith.constant 96 : index
        %parallel_loop3A_428 = tpu.vector_load %arg10[%parallel_loop3A_425, %parallel_loop3A_426, %parallel_loop3A_427] {strides = array<i32>} : memref<4x32x128xf32, #tpu.memory_space<vmem>>, vector<16xf32>,
        tpu.vector_store %arg10[%parallel_loop3A_425, %parallel_loop3A_426, %parallel_loop3A_427], %parallel_loop3A_423 {strides = array<i32>} : memref<4x32x128xf32, #tpu.memory_space<vmem>>, vector<16xf32>,
        %parallel_loop3A_429 = vector.broadcast %parallel_loop3A_286 : i32 to vector<16xi32>
        %parallel_loop3A_430 = arith.addi %parallel_loop3A_429, %add3A_26 : vector<16xi32>
        %parallel_loop3A_431 = tpu.vector_load_idx %arg8[%parallel_loop3A_430, %parallel_loop3A_372] : memref<512x32xf32, #tpu.memory_space<vmem>>[vector<16xi32>, vector<16xi32>], vector<16xf32>,
        %parallel_loop3A_432 = arith.constant 1 : i32
        %parallel_loop3A_433 = arith.index_cast %parallel_loop3A_432 : i32 to index
        %parallel_loop3A_434 = arith.index_cast %parallel_loop3A_260 : i32 to index
        %parallel_loop3A_435 = arith.constant 112 : index
        %parallel_loop3A_436 = tpu.vector_load %arg10[%parallel_loop3A_433, %parallel_loop3A_434, %parallel_loop3A_435] {strides = array<i32>} : memref<4x32x128xf32, #tpu.memory_space<vmem>>, vector<16xf32>,
        tpu.vector_store %arg10[%parallel_loop3A_433, %parallel_loop3A_434, %parallel_loop3A_435], %parallel_loop3A_431 {strides = array<i32>} : memref<4x32x128xf32, #tpu.memory_space<vmem>>, vector<16xf32>,
        %parallel_loop3A_437 = arith.constant 16 : i32
        %parallel_loop3A_438 = arith.addi %parallel_loop3A_437, %parallel_loop3A_302 : i32
        %parallel_loop3A_439 = vector.broadcast %parallel_loop3A_438 : i32 to vector<16xi32>
        %parallel_loop3A_440 = vector.broadcast %parallel_loop3A_286 : i32 to vector<16xi32>
        %parallel_loop3A_441 = arith.addi %parallel_loop3A_440, %add3A_5 : vector<16xi32>
        %parallel_loop3A_442 = tpu.vector_load_idx %arg8[%parallel_loop3A_441, %parallel_loop3A_439] : memref<512x32xf32, #tpu.memory_space<vmem>>[vector<16xi32>, vector<16xi32>], vector<16xf32>,
        %parallel_loop3A_443 = arith.constant 2 : i32
        %parallel_loop3A_444 = arith.index_cast %parallel_loop3A_443 : i32 to index
        %parallel_loop3A_445 = arith.index_cast %parallel_loop3A_260 : i32 to index
        %parallel_loop3A_446 = arith.constant 0 : index
        %parallel_loop3A_447 = tpu.vector_load %arg10[%parallel_loop3A_444, %parallel_loop3A_445, %parallel_loop3A_446] {strides = array<i32>} : memref<4x32x128xf32, #tpu.memory_space<vmem>>, vector<16xf32>,
        tpu.vector_store %arg10[%parallel_loop3A_444, %parallel_loop3A_445, %parallel_loop3A_446], %parallel_loop3A_442 {strides = array<i32>} : memref<4x32x128xf32, #tpu.memory_space<vmem>>, vector<16xf32>,
        %parallel_loop3A_448 = vector.broadcast %parallel_loop3A_286 : i32 to vector<16xi32>
        %parallel_loop3A_449 = arith.addi %parallel_loop3A_448, %add3A_8 : vector<16xi32>
        %parallel_loop3A_450 = tpu.vector_load_idx %arg8[%parallel_loop3A_449, %parallel_loop3A_439] : memref<512x32xf32, #tpu.memory_space<vmem>>[vector<16xi32>, vector<16xi32>], vector<16xf32>,
        %parallel_loop3A_451 = arith.constant 2 : i32
        %parallel_loop3A_452 = arith.index_cast %parallel_loop3A_451 : i32 to index
        %parallel_loop3A_453 = arith.index_cast %parallel_loop3A_260 : i32 to index
        %parallel_loop3A_454 = arith.constant 16 : index
        %parallel_loop3A_455 = tpu.vector_load %arg10[%parallel_loop3A_452, %parallel_loop3A_453, %parallel_loop3A_454] {strides = array<i32>} : memref<4x32x128xf32, #tpu.memory_space<vmem>>, vector<16xf32>,
        tpu.vector_store %arg10[%parallel_loop3A_452, %parallel_loop3A_453, %parallel_loop3A_454], %parallel_loop3A_450 {strides = array<i32>} : memref<4x32x128xf32, #tpu.memory_space<vmem>>, vector<16xf32>,
        %parallel_loop3A_456 = vector.broadcast %parallel_loop3A_286 : i32 to vector<16xi32>
        %parallel_loop3A_457 = arith.addi %parallel_loop3A_456, %add3A_11 : vector<16xi32>
        %parallel_loop3A_458 = tpu.vector_load_idx %arg8[%parallel_loop3A_457, %parallel_loop3A_439] : memref<512x32xf32, #tpu.memory_space<vmem>>[vector<16xi32>, vector<16xi32>], vector<16xf32>,
        %parallel_loop3A_459 = arith.constant 2 : i32
        %parallel_loop3A_460 = arith.index_cast %parallel_loop3A_459 : i32 to index
        %parallel_loop3A_461 = arith.index_cast %parallel_loop3A_260 : i32 to index
        %parallel_loop3A_462 = arith.constant 32 : index
        %parallel_loop3A_463 = tpu.vector_load %arg10[%parallel_loop3A_460, %parallel_loop3A_461, %parallel_loop3A_462] {strides = array<i32>} : memref<4x32x128xf32, #tpu.memory_space<vmem>>, vector<16xf32>,
        tpu.vector_store %arg10[%parallel_loop3A_460, %parallel_loop3A_461, %parallel_loop3A_462], %parallel_loop3A_458 {strides = array<i32>} : memref<4x32x128xf32, #tpu.memory_space<vmem>>, vector<16xf32>,
        %parallel_loop3A_464 = vector.broadcast %parallel_loop3A_286 : i32 to vector<16xi32>
        %parallel_loop3A_465 = arith.addi %parallel_loop3A_464, %add3A_14 : vector<16xi32>
        %parallel_loop3A_466 = tpu.vector_load_idx %arg8[%parallel_loop3A_465, %parallel_loop3A_439] : memref<512x32xf32, #tpu.memory_space<vmem>>[vector<16xi32>, vector<16xi32>], vector<16xf32>,
        %parallel_loop3A_467 = arith.constant 2 : i32
        %parallel_loop3A_468 = arith.index_cast %parallel_loop3A_467 : i32 to index
        %parallel_loop3A_469 = arith.index_cast %parallel_loop3A_260 : i32 to index
        %parallel_loop3A_470 = arith.constant 48 : index
        %parallel_loop3A_471 = tpu.vector_load %arg10[%parallel_loop3A_468, %parallel_loop3A_469, %parallel_loop3A_470] {strides = array<i32>} : memref<4x32x128xf32, #tpu.memory_space<vmem>>, vector<16xf32>,
        tpu.vector_store %arg10[%parallel_loop3A_468, %parallel_loop3A_469, %parallel_loop3A_470], %parallel_loop3A_466 {strides = array<i32>} : memref<4x32x128xf32, #tpu.memory_space<vmem>>, vector<16xf32>,
        %parallel_loop3A_472 = vector.broadcast %parallel_loop3A_286 : i32 to vector<16xi32>
        %parallel_loop3A_473 = arith.addi %parallel_loop3A_472, %add3A_17 : vector<16xi32>
        %parallel_loop3A_474 = tpu.vector_load_idx %arg8[%parallel_loop3A_473, %parallel_loop3A_439] : memref<512x32xf32, #tpu.memory_space<vmem>>[vector<16xi32>, vector<16xi32>], vector<16xf32>,
        %parallel_loop3A_475 = arith.constant 2 : i32
        %parallel_loop3A_476 = arith.index_cast %parallel_loop3A_475 : i32 to index
        %parallel_loop3A_477 = arith.index_cast %parallel_loop3A_260 : i32 to index
        %parallel_loop3A_478 = arith.constant 64 : index
        %parallel_loop3A_479 = tpu.vector_load %arg10[%parallel_loop3A_476, %parallel_loop3A_477, %parallel_loop3A_478] {strides = array<i32>} : memref<4x32x128xf32, #tpu.memory_space<vmem>>, vector<16xf32>,
        tpu.vector_store %arg10[%parallel_loop3A_476, %parallel_loop3A_477, %parallel_loop3A_478], %parallel_loop3A_474 {strides = array<i32>} : memref<4x32x128xf32, #tpu.memory_space<vmem>>, vector<16xf32>,
        %parallel_loop3A_480 = vector.broadcast %parallel_loop3A_286 : i32 to vector<16xi32>
        %parallel_loop3A_481 = arith.addi %parallel_loop3A_480, %add3A_20 : vector<16xi32>
        %parallel_loop3A_482 = tpu.vector_load_idx %arg8[%parallel_loop3A_481, %parallel_loop3A_439] : memref<512x32xf32, #tpu.memory_space<vmem>>[vector<16xi32>, vector<16xi32>], vector<16xf32>,
        %parallel_loop3A_483 = arith.constant 2 : i32
        %parallel_loop3A_484 = arith.index_cast %parallel_loop3A_483 : i32 to index
        %parallel_loop3A_485 = arith.index_cast %parallel_loop3A_260 : i32 to index
        %parallel_loop3A_486 = arith.constant 80 : index
        %parallel_loop3A_487 = tpu.vector_load %arg10[%parallel_loop3A_484, %parallel_loop3A_485, %parallel_loop3A_486] {strides = array<i32>} : memref<4x32x128xf32, #tpu.memory_space<vmem>>, vector<16xf32>,
        tpu.vector_store %arg10[%parallel_loop3A_484, %parallel_loop3A_485, %parallel_loop3A_486], %parallel_loop3A_482 {strides = array<i32>} : memref<4x32x128xf32, #tpu.memory_space<vmem>>, vector<16xf32>,
        %parallel_loop3A_488 = vector.broadcast %parallel_loop3A_286 : i32 to vector<16xi32>
        %parallel_loop3A_489 = arith.addi %parallel_loop3A_488, %add3A_23 : vector<16xi32>
        %parallel_loop3A_490 = tpu.vector_load_idx %arg8[%parallel_loop3A_489, %parallel_loop3A_439] : memref<512x32xf32, #tpu.memory_space<vmem>>[vector<16xi32>, vector<16xi32>], vector<16xf32>,
        %parallel_loop3A_491 = arith.constant 2 : i32
        %parallel_loop3A_492 = arith.index_cast %parallel_loop3A_491 : i32 to index
        %parallel_loop3A_493 = arith.index_cast %parallel_loop3A_260 : i32 to index
        %parallel_loop3A_494 = arith.constant 96 : index
        %parallel_loop3A_495 = tpu.vector_load %arg10[%parallel_loop3A_492, %parallel_loop3A_493, %parallel_loop3A_494] {strides = array<i32>} : memref<4x32x128xf32, #tpu.memory_space<vmem>>, vector<16xf32>,
        tpu.vector_store %arg10[%parallel_loop3A_492, %parallel_loop3A_493, %parallel_loop3A_494], %parallel_loop3A_490 {strides = array<i32>} : memref<4x32x128xf32, #tpu.memory_space<vmem>>, vector<16xf32>,
        %parallel_loop3A_496 = vector.broadcast %parallel_loop3A_286 : i32 to vector<16xi32>
        %parallel_loop3A_497 = arith.addi %parallel_loop3A_496, %add3A_26 : vector<16xi32>
        %parallel_loop3A_498 = tpu.vector_load_idx %arg8[%parallel_loop3A_497, %parallel_loop3A_439] : memref<512x32xf32, #tpu.memory_space<vmem>>[vector<16xi32>, vector<16xi32>], vector<16xf32>,
        %parallel_loop3A_499 = arith.constant 2 : i32
        %parallel_loop3A_500 = arith.index_cast %parallel_loop3A_499 : i32 to index
        %parallel_loop3A_501 = arith.index_cast %parallel_loop3A_260 : i32 to index
        %parallel_loop3A_502 = arith.constant 112 : index
        %parallel_loop3A_503 = tpu.vector_load %arg10[%parallel_loop3A_500, %parallel_loop3A_501, %parallel_loop3A_502] {strides = array<i32>} : memref<4x32x128xf32, #tpu.memory_space<vmem>>, vector<16xf32>,
        tpu.vector_store %arg10[%parallel_loop3A_500, %parallel_loop3A_501, %parallel_loop3A_502], %parallel_loop3A_498 {strides = array<i32>} : memref<4x32x128xf32, #tpu.memory_space<vmem>>, vector<16xf32>,
        %parallel_loop3A_504 = arith.constant 24 : i32
        %parallel_loop3A_505 = arith.addi %parallel_loop3A_504, %parallel_loop3A_302 : i32
        %parallel_loop3A_506 = vector.broadcast %parallel_loop3A_505 : i32 to vector<16xi32>
        %parallel_loop3A_507 = vector.broadcast %parallel_loop3A_286 : i32 to vector<16xi32>
        %parallel_loop3A_508 = arith.addi %parallel_loop3A_507, %add3A_5 : vector<16xi32>
        %parallel_loop3A_509 = tpu.vector_load_idx %arg8[%parallel_loop3A_508, %parallel_loop3A_506] : memref<512x32xf32, #tpu.memory_space<vmem>>[vector<16xi32>, vector<16xi32>], vector<16xf32>,
        %parallel_loop3A_510 = arith.constant 3 : i32
        %parallel_loop3A_511 = arith.index_cast %parallel_loop3A_510 : i32 to index
        %parallel_loop3A_512 = arith.index_cast %parallel_loop3A_260 : i32 to index
        %parallel_loop3A_513 = arith.constant 0 : index
        %parallel_loop3A_514 = tpu.vector_load %arg10[%parallel_loop3A_511, %parallel_loop3A_512, %parallel_loop3A_513] {strides = array<i32>} : memref<4x32x128xf32, #tpu.memory_space<vmem>>, vector<16xf32>,
        tpu.vector_store %arg10[%parallel_loop3A_511, %parallel_loop3A_512, %parallel_loop3A_513], %parallel_loop3A_509 {strides = array<i32>} : memref<4x32x128xf32, #tpu.memory_space<vmem>>, vector<16xf32>,
        %parallel_loop3A_515 = vector.broadcast %parallel_loop3A_286 : i32 to vector<16xi32>
        %parallel_loop3A_516 = arith.addi %parallel_loop3A_515, %add3A_8 : vector<16xi32>
        %parallel_loop3A_517 = tpu.vector_load_idx %arg8[%parallel_loop3A_516, %parallel_loop3A_506] : memref<512x32xf32, #tpu.memory_space<vmem>>[vector<16xi32>, vector<16xi32>], vector<16xf32>,
        %parallel_loop3A_518 = arith.constant 3 : i32
        %parallel_loop3A_519 = arith.index_cast %parallel_loop3A_518 : i32 to index
        %parallel_loop3A_520 = arith.index_cast %parallel_loop3A_260 : i32 to index
        %parallel_loop3A_521 = arith.constant 16 : index
        %parallel_loop3A_522 = tpu.vector_load %arg10[%parallel_loop3A_519, %parallel_loop3A_520, %parallel_loop3A_521] {strides = array<i32>} : memref<4x32x128xf32, #tpu.memory_space<vmem>>, vector<16xf32>,
        tpu.vector_store %arg10[%parallel_loop3A_519, %parallel_loop3A_520, %parallel_loop3A_521], %parallel_loop3A_517 {strides = array<i32>} : memref<4x32x128xf32, #tpu.memory_space<vmem>>, vector<16xf32>,
        %parallel_loop3A_523 = vector.broadcast %parallel_loop3A_286 : i32 to vector<16xi32>
        %parallel_loop3A_524 = arith.addi %parallel_loop3A_523, %add3A_11 : vector<16xi32>
        %parallel_loop3A_525 = tpu.vector_load_idx %arg8[%parallel_loop3A_524, %parallel_loop3A_506] : memref<512x32xf32, #tpu.memory_space<vmem>>[vector<16xi32>, vector<16xi32>], vector<16xf32>,
        %parallel_loop3A_526 = arith.constant 3 : i32
        %parallel_loop3A_527 = arith.index_cast %parallel_loop3A_526 : i32 to index
        %parallel_loop3A_528 = arith.index_cast %parallel_loop3A_260 : i32 to index
        %parallel_loop3A_529 = arith.constant 32 : index
        %parallel_loop3A_530 = tpu.vector_load %arg10[%parallel_loop3A_527, %parallel_loop3A_528, %parallel_loop3A_529] {strides = array<i32>} : memref<4x32x128xf32, #tpu.memory_space<vmem>>, vector<16xf32>,
        tpu.vector_store %arg10[%parallel_loop3A_527, %parallel_loop3A_528, %parallel_loop3A_529], %parallel_loop3A_525 {strides = array<i32>} : memref<4x32x128xf32, #tpu.memory_space<vmem>>, vector<16xf32>,
        %parallel_loop3A_531 = vector.broadcast %parallel_loop3A_286 : i32 to vector<16xi32>
        %parallel_loop3A_532 = arith.addi %parallel_loop3A_531, %add3A_14 : vector<16xi32>
        %parallel_loop3A_533 = tpu.vector_load_idx %arg8[%parallel_loop3A_532, %parallel_loop3A_506] : memref<512x32xf32, #tpu.memory_space<vmem>>[vector<16xi32>, vector<16xi32>], vector<16xf32>,
        %parallel_loop3A_534 = arith.constant 3 : i32
        %parallel_loop3A_535 = arith.index_cast %parallel_loop3A_534 : i32 to index
        %parallel_loop3A_536 = arith.index_cast %parallel_loop3A_260 : i32 to index
        %parallel_loop3A_537 = arith.constant 48 : index
        %parallel_loop3A_538 = tpu.vector_load %arg10[%parallel_loop3A_535, %parallel_loop3A_536, %parallel_loop3A_537] {strides = array<i32>} : memref<4x32x128xf32, #tpu.memory_space<vmem>>, vector<16xf32>,
        tpu.vector_store %arg10[%parallel_loop3A_535, %parallel_loop3A_536, %parallel_loop3A_537], %parallel_loop3A_533 {strides = array<i32>} : memref<4x32x128xf32, #tpu.memory_space<vmem>>, vector<16xf32>,
        %parallel_loop3A_539 = vector.broadcast %parallel_loop3A_286 : i32 to vector<16xi32>
        %parallel_loop3A_540 = arith.addi %parallel_loop3A_539, %add3A_17 : vector<16xi32>
        %parallel_loop3A_541 = tpu.vector_load_idx %arg8[%parallel_loop3A_540, %parallel_loop3A_506] : memref<512x32xf32, #tpu.memory_space<vmem>>[vector<16xi32>, vector<16xi32>], vector<16xf32>,
        %parallel_loop3A_542 = arith.constant 3 : i32
        %parallel_loop3A_543 = arith.index_cast %parallel_loop3A_542 : i32 to index
        %parallel_loop3A_544 = arith.index_cast %parallel_loop3A_260 : i32 to index
        %parallel_loop3A_545 = arith.constant 64 : index
        %parallel_loop3A_546 = tpu.vector_load %arg10[%parallel_loop3A_543, %parallel_loop3A_544, %parallel_loop3A_545] {strides = array<i32>} : memref<4x32x128xf32, #tpu.memory_space<vmem>>, vector<16xf32>,
        tpu.vector_store %arg10[%parallel_loop3A_543, %parallel_loop3A_544, %parallel_loop3A_545], %parallel_loop3A_541 {strides = array<i32>} : memref<4x32x128xf32, #tpu.memory_space<vmem>>, vector<16xf32>,
        %parallel_loop3A_547 = vector.broadcast %parallel_loop3A_286 : i32 to vector<16xi32>
        %parallel_loop3A_548 = arith.addi %parallel_loop3A_547, %add3A_20 : vector<16xi32>
        %parallel_loop3A_549 = tpu.vector_load_idx %arg8[%parallel_loop3A_548, %parallel_loop3A_506] : memref<512x32xf32, #tpu.memory_space<vmem>>[vector<16xi32>, vector<16xi32>], vector<16xf32>,
        %parallel_loop3A_550 = arith.constant 3 : i32
        %parallel_loop3A_551 = arith.index_cast %parallel_loop3A_550 : i32 to index
        %parallel_loop3A_552 = arith.index_cast %parallel_loop3A_260 : i32 to index
        %parallel_loop3A_553 = arith.constant 80 : index
        %parallel_loop3A_554 = tpu.vector_load %arg10[%parallel_loop3A_551, %parallel_loop3A_552, %parallel_loop3A_553] {strides = array<i32>} : memref<4x32x128xf32, #tpu.memory_space<vmem>>, vector<16xf32>,
        tpu.vector_store %arg10[%parallel_loop3A_551, %parallel_loop3A_552, %parallel_loop3A_553], %parallel_loop3A_549 {strides = array<i32>} : memref<4x32x128xf32, #tpu.memory_space<vmem>>, vector<16xf32>,
        %parallel_loop3A_555 = vector.broadcast %parallel_loop3A_286 : i32 to vector<16xi32>
        %parallel_loop3A_556 = arith.addi %parallel_loop3A_555, %add3A_23 : vector<16xi32>
        %parallel_loop3A_557 = tpu.vector_load_idx %arg8[%parallel_loop3A_556, %parallel_loop3A_506] : memref<512x32xf32, #tpu.memory_space<vmem>>[vector<16xi32>, vector<16xi32>], vector<16xf32>,
        %parallel_loop3A_558 = arith.constant 3 : i32
        %parallel_loop3A_559 = arith.index_cast %parallel_loop3A_558 : i32 to index
        %parallel_loop3A_560 = arith.index_cast %parallel_loop3A_260 : i32 to index
        %parallel_loop3A_561 = arith.constant 96 : index
        %parallel_loop3A_562 = tpu.vector_load %arg10[%parallel_loop3A_559, %parallel_loop3A_560, %parallel_loop3A_561] {strides = array<i32>} : memref<4x32x128xf32, #tpu.memory_space<vmem>>, vector<16xf32>,
        tpu.vector_store %arg10[%parallel_loop3A_559, %parallel_loop3A_560, %parallel_loop3A_561], %parallel_loop3A_557 {strides = array<i32>} : memref<4x32x128xf32, #tpu.memory_space<vmem>>, vector<16xf32>,
        %parallel_loop3A_563 = vector.broadcast %parallel_loop3A_286 : i32 to vector<16xi32>
        %parallel_loop3A_564 = arith.addi %parallel_loop3A_563, %add3A_26 : vector<16xi32>
        %parallel_loop3A_565 = tpu.vector_load_idx %arg8[%parallel_loop3A_564, %parallel_loop3A_506] : memref<512x32xf32, #tpu.memory_space<vmem>>[vector<16xi32>, vector<16xi32>], vector<16xf32>,
        %parallel_loop3A_566 = arith.constant 3 : i32
        %parallel_loop3A_567 = arith.index_cast %parallel_loop3A_566 : i32 to index
        %parallel_loop3A_568 = arith.index_cast %parallel_loop3A_260 : i32 to index
        %parallel_loop3A_569 = arith.constant 112 : index
        %parallel_loop3A_570 = tpu.vector_load %arg10[%parallel_loop3A_567, %parallel_loop3A_568, %parallel_loop3A_569] {strides = array<i32>} : memref<4x32x128xf32, #tpu.memory_space<vmem>>, vector<16xf32>,
        tpu.vector_store %arg10[%parallel_loop3A_567, %parallel_loop3A_568, %parallel_loop3A_569], %parallel_loop3A_565 {strides = array<i32>} : memref<4x32x128xf32, #tpu.memory_space<vmem>>, vector<16xf32>,
      } {sc.loop_unroll_factor = 4 : i64, sc.parallel_access}
      %mul3A_248 = arith.constant 4 : i32
      %mul3A_249 = arith.muli %add3A, %mul3A_248 : i32
      %mul3A_250 = arith.constant 8 : i32
      %mul3A_251 = arith.muli %mul3A_249, %mul3A_250 : i32
      %dma_start3A_252 = arith.constant 0 : i32
      %dma_start3A_253 = arith.constant 0 : i32
      %dma_start3A_254 = tpu.memref_slice %arg4[%add3A_102, %dma_start3A_252, %mul3A_251, %dma_start3A_253] : memref<50x4x1024x128xf32, #tpu.memory_space<hbm>> -> memref<1x4x32x128xf32, #tpu.memory_space<hbm>>
      %dma_start3A_255 = tpu.memref_squeeze %dma_start3A_254 : memref<1x4x32x128xf32, #tpu.memory_space<hbm>> -> memref<4x32x128xf32, #tpu.memory_space<hbm>>
      %dma_start3A_256 = arith.constant 0 : i32
      %dma_start3A_257 = arith.constant 0 : i32
      %dma_start3A_258 = tpu.memref_slice %arg4[%add3A_102, %dma_start3A_256, %mul3A_251, %dma_start3A_257] : memref<50x4x1024x128xf32, #tpu.memory_space<hbm>> -> memref<1x4x32x128xf32, #tpu.memory_space<hbm>>
      %dma_start3A_259 = tpu.memref_squeeze %dma_start3A_258 : memref<1x4x32x128xf32, #tpu.memory_space<hbm>> -> memref<4x32x128xf32, #tpu.memory_space<hbm>>
      tpu.enqueue_dma source(%arg10 : memref<4x32x128xf32, #tpu.memory_space<vmem>>) target(%dma_start3A_259 : memref<4x32x128xf32, #tpu.memory_space<hbm>>) target_semaphore(%arg14 : memref<!tpu.dma_semaphore, #tpu.memory_space<semaphore_mem>>)
    }
    %scan3A_72 = arith.constant 25 : i32
    %mul3A_73 = arith.constant 4 : i32
    %mul3A_74 = arith.muli %add3A, %mul3A_73 : i32
    %mul3A_75 = arith.constant 8 : i32
    %mul3A_76 = arith.muli %mul3A_74, %mul3A_75 : i32
    %dma_wait3A = arith.constant 0 : i32
    %dma_wait3A_77 = arith.constant 0 : i32
    %dma_wait3A_78 = arith.constant 0 : i32
    %dma_wait3A_79 = tpu.memref_slice %arg4[%dma_wait3A, %dma_wait3A_77, %mul3A_76, %dma_wait3A_78] : memref<50x4x1024x128xf32, #tpu.memory_space<hbm>> -> memref<1x4x32x128xf32, #tpu.memory_space<hbm>>
    %dma_wait3A_80 = tpu.memref_squeeze %dma_wait3A_79 : memref<1x4x32x128xf32, #tpu.memory_space<hbm>> -> memref<4x32x128xf32, #tpu.memory_space<hbm>>
    %dma_wait3A_81 = arith.constant 0 : i32
    %dma_wait3A_82 = arith.constant 0 : i32
    %dma_wait3A_83 = tpu.memref_slice %arg4[%dma_wait3A, %dma_wait3A_81, %mul3A_76, %dma_wait3A_82] : memref<50x4x1024x128xf32, #tpu.memory_space<hbm>> -> memref<1x4x32x128xf32, #tpu.memory_space<hbm>>
    %dma_wait3A_84 = tpu.memref_squeeze %dma_wait3A_83 : memref<1x4x32x128xf32, #tpu.memory_space<hbm>> -> memref<4x32x128xf32, #tpu.memory_space<hbm>>
    tpu.wait_dma2 semaphore(%arg13 : memref<!tpu.dma_semaphore, #tpu.memory_space<semaphore_mem>>) src(%arg9 : memref<4x32x128xf32, #tpu.memory_space<vmem>>) dst(%dma_wait3A_84 : memref<4x32x128xf32, #tpu.memory_space<hbm>>)
    %mul3A_85 = arith.constant 4 : i32
    %mul3A_86 = arith.muli %add3A, %mul3A_85 : i32
    %mul3A_87 = arith.constant 8 : i32
    %mul3A_88 = arith.muli %mul3A_86, %mul3A_87 : i32
    %dma_wait3A_89 = arith.constant 0 : i32
    %dma_wait3A_90 = arith.constant 0 : i32
    %dma_wait3A_91 = arith.constant 0 : i32
    %dma_wait3A_92 = tpu.memref_slice %arg4[%dma_wait3A_89, %dma_wait3A_90, %mul3A_88, %dma_wait3A_91] : memref<50x4x1024x128xf32, #tpu.memory_space<hbm>> -> memref<1x4x32x128xf32, #tpu.memory_space<hbm>>
    %dma_wait3A_93 = tpu.memref_squeeze %dma_wait3A_92 : memref<1x4x32x128xf32, #tpu.memory_space<hbm>> -> memref<4x32x128xf32, #tpu.memory_space<hbm>>
    %dma_wait3A_94 = arith.constant 0 : i32
    %dma_wait3A_95 = arith.constant 0 : i32
    %dma_wait3A_96 = tpu.memref_slice %arg4[%dma_wait3A_89, %dma_wait3A_94, %mul3A_88, %dma_wait3A_95] : memref<50x4x1024x128xf32, #tpu.memory_space<hbm>> -> memref<1x4x32x128xf32, #tpu.memory_space<hbm>>
    %dma_wait3A_97 = tpu.memref_squeeze %dma_wait3A_96 : memref<1x4x32x128xf32, #tpu.memory_space<hbm>> -> memref<4x32x128xf32, #tpu.memory_space<hbm>>
    tpu.wait_dma2 semaphore(%arg14 : memref<!tpu.dma_semaphore, #tpu.memory_space<semaphore_mem>>) src(%arg10 : memref<4x32x128xf32, #tpu.memory_space<vmem>>) dst(%dma_wait3A_97 : memref<4x32x128xf32, #tpu.memory_space<hbm>>)
    return
  }
}

</mosaic_0001>

<sc_bundles>
// kernel: kernel.3.cloned.1.call-start
scs
__scs_entry_jumppad:
0x0: {  	(pc) =	sbr.rel $0x88, $3  }
0x1: {  	(tag) =	ssettag $0x0;
	lr =	simm.s32 $0x1  }
0x2: {  	[smem:$0x3F9F] =	sst lr;
	_ =	strace $0xD0000000  }
0x3: {  	_ = 	snop  }
0x4: {  	_ = 	snop  }
0x5: {  	_ = 	snop  }
0x6: {  	_ = 	snop  }
0x7: {  	_ = 	snop  }
__scs_overlays_trampoline_lowered:
0x8: {  	[smem:$0x3FAE] =	sst s0  }
0x9: {  	[smem:$0x3FAF] =	sst s1  }
0xa: {  	[smem:$0x3FB0] =	sst s2  }
0xb: {  	[smem:$0x3FB1] =	sst s3  }
0xc: {  	[smem:$0x3FB2] =	sst s4  }
0xd: {  	[smem:$0x3FB3] =	sst s5  }
0xe: {  	[smem:$0x3FB4] =	sst s6  }
0xf: {  	[smem:$0x3FB5] =	sst s7  }
0x10: {  	[smem:$0x3FB6] =	sst s8  }
0x11: {  	[smem:$0x3FB7] =	sst s9;
	s0 =	simm.s32 @!p0 $0x0  }
0x12: {  	s1 =	sld [smem:$0x3F9D];
	s0 =	simm.s32 @p0 $0x1  }
0x13: {  	[smem:$0x3FB8] =	sst s0;
	s0 =	simm.s32 @!p1 $0x0  }
0x14: {  	s2 =	sld [smem:$0x3F9C];
	s0 =	simm.s32 @p1 $0x1  }
0x15: {  	[smem:$0x3FB9] =	sst s0;
	s0 =	simm.s32 @!p2 $0x0  }
0x16: {  	s3 =	sld [smem:$0x3FDB];
	s0 =	simm.s32 @p2 $0x1  }
0x17: {  	s4 =	simm.s32 $0x1BF5;
	[smem:$0x3FBB] =	sst s0  }
0x18: {  	s0 =	sld [smem:$0x3F9E];
	_ =	swait.ge [sflag:s4], $0x0  }
0x19: {  	s7 =	sld [smem:$0x3F9F]  }
0x1a: {  	s8 =	sadd.s32 $0xFFFFE003, lr  }
0x1b: {  	s9 =	sadd.s32 $0xFFFFFEF7, lr;
	s5 =	simm.s32 $0xFFFFFFFF;
	p2 =	slt.u32 s8, $0xFFFFF086  }
0x1c: {  	p1 =	slt.u32 s9, $0xF7A;
	s5 =	simm.s32 @!p2 $0x0  }
0x1d: {  	s5 =	simm.s32 @p1 $0x1;
	p0 =	seq.s32 s7, s2  }
0x1e: {  	s7 =	smul.u32 @!p0 $0xF7A, s2;
	p2 =	seq.s32 @!p0 s5, $0x0  }
0x1f: {  	s9 =	smul.u32 $0xF7A, s1;
	s8 =	simm.s32 @!p0 $0x1BF5;
	p2 =	por !p2, p0  }
0x20: {  	[sflag:s8] =	ssyncset.s32 @!p0 $0xFFFFF086;
	s6 =	sadd.s32 @!p0 s3, s7;
	s7 =	simm.s32 @!p0 $0x108  }
0x21: {  	s3 =	sadd.s32 s3, s9;
	s6 =	sadd.s32 @!p0 $0x88, s6;
	s7 =	simm.s32 @p2 $0x1082  }
0x22: {  	[simem:s7], [sflag:s8] =	dma.local @!p0 [hbm:s6], $0xF7A  }
0x23: {  	s9 =	sor.u32 $0xD0000000, s2;
	s6 =	simm.s32 $0x108;
	_ =	swait.ge @!p0 [sflag:s8], $0x0  }
0x24: {  	s3 =	sadd.s32 $0x88, s3;
	s6 =	simm.s32 @!p1 $0x1082;
	[sflag:s4] =	ssyncset.s32 $0xFFFFF086  }
0x25: {  	[simem:s6], [sflag:s4] =	dma.local [hbm:s3], $0xF7A  }
0x26: {  	[smem:$0x3F9F] =	sst s1;
	(tag) =	ssettag s2;
	_ =	strace s9  }
0x27: {  	s1 =	sld [smem:$0x3FAF]  }
0x28: {  	s2 =	sld [smem:$0x3FB0]  }
0x29: {  	s4 =	sld [smem:$0x3FB2]  }
0x2a: {  	p0 =	seq.s32 s5, $0x0;
	s5 =	sld [smem:$0x3FB3]  }
0x2b: {  	s6 =	sld [smem:$0x3FB4]  }
0x2c: {  	s7 =	sld [smem:$0x3FB5]  }
0x2d: {  	s3 =	simm.s32 $0x108;
	s8 =	sld [smem:$0x3FB6]  }
0x2e: {  	s3 =	simm.s32 @!p0 $0x1082;
	s9 =	sld [smem:$0x3FB7]  }
0x2f: {  	lr =	sadd.s32 s0, s3;
	s0 =	sld [smem:$0x3FAE]  }
0x30: {  	s3 =	sld [smem:$0x3FB1]  }
0x31: {  	[smem:$0x3FBA] =	sst s10  }
0x32: {  	s10 =	sld [smem:$0x3FB8];
	_ =	sdelay $0x3  }
0x33: {  	p0 =	seq.s32 s10, $0x1;
	s10 =	sld [smem:$0x3FBA];
	_ =	sdelay $0x3  }
0x34: {  	[smem:$0x3FBA] =	sst s10  }
0x35: {  	s10 =	sld [smem:$0x3FB9];
	_ =	sdelay $0x3  }
0x36: {  	p1 =	seq.s32 s10, $0x1;
	s10 =	sld [smem:$0x3FBA];
	_ =	sdelay $0x3  }
0x37: {  	[smem:$0x3FBA] =	sst s10  }
0x38: {  	s10 =	sld [smem:$0x3FBB]  }
0x39: {  	_ = 	snop;
	(pc) =	sbr.ind lr, $3  }
0x3a: {  	_ = 	snop  }
0x3b: {  	_ = 	snop  }
0x3c: {  	p2 =	seq.s32 s10, $0x1;
	s10 =	sld [smem:$0x3FBA]  }
0x3d: {  	_ =	shalt  }
0x3e: {  	_ =	shalt  }
0x3f: {  	_ =	shalt  }
0x40: {  	_ =	shalt  }
0x41: {  	_ =	shalt  }
0x42: {  	_ =	shalt  }
0x43: {  	_ =	shalt  }
0x44: {  	_ =	shalt  }
0x45: {  	_ =	shalt  }
0x46: {  	_ =	shalt  }
0x47: {  	_ =	shalt  }
0x48: {  	_ =	shalt  }
0x49: {  	_ =	shalt  }
0x4a: {  	_ =	shalt  }
0x4b: {  	_ =	shalt  }
0x4c: {  	_ =	shalt  }
0x4d: {  	_ =	shalt  }
0x4e: {  	_ =	shalt  }
0x4f: {  	_ =	shalt  }
0x50: {  	_ =	shalt  }
0x51: {  	_ =	shalt  }
0x52: {  	_ =	shalt  }
0x53: {  	_ =	shalt  }
0x54: {  	_ =	shalt  }
0x55: {  	_ =	shalt  }
0x56: {  	_ =	shalt  }
0x57: {  	_ =	shalt  }
0x58: {  	_ =	shalt  }
0x59: {  	_ =	shalt  }
0x5a: {  	_ =	shalt  }
0x5b: {  	_ =	shalt  }
0x5c: {  	_ =	shalt  }
0x5d: {  	_ =	shalt  }
0x5e: {  	_ =	shalt  }
0x5f: {  	_ =	shalt  }
0x60: {  	_ =	shalt  }
0x61: {  	_ =	shalt  }
0x62: {  	_ =	shalt  }
0x63: {  	_ =	shalt  }
0x64: {  	_ =	shalt  }
0x65: {  	_ =	shalt  }
0x66: {  	_ =	shalt  }
0x67: {  	_ =	shalt  }
0x68: {  	_ =	shalt  }
0x69: {  	_ =	shalt  }
0x6a: {  	_ =	shalt  }
0x6b: {  	_ =	shalt  }
0x6c: {  	_ =	shalt  }
0x6d: {  	_ =	shalt  }
0x6e: {  	_ =	shalt  }
0x6f: {  	_ =	shalt  }
0x70: {  	_ =	shalt  }
0x71: {  	_ =	shalt  }
0x72: {  	_ =	shalt  }
0x73: {  	_ =	shalt  }
0x74: {  	_ =	shalt  }
0x75: {  	_ =	shalt  }
0x76: {  	_ =	shalt  }
0x77: {  	_ =	shalt  }
0x78: {  	_ =	shalt  }
0x79: {  	_ =	shalt  }
0x7a: {  	_ =	shalt  }
0x7b: {  	_ =	shalt  }
0x7c: {  	_ =	shalt  }
0x7d: {  	_ =	shalt  }
0x7e: {  	_ =	shalt  }
0x7f: {  	_ =	shalt  }
0x80: {  	_ =	shalt  }
0x81: {  	_ =	shalt  }
0x82: {  	_ =	shalt  }
0x83: {  	_ =	shalt  }
0x84: {  	_ =	shalt  }
0x85: {  	_ =	shalt  }
0x86: {  	_ =	shalt  }
0x87: {  	_ =	shalt  }
.Lfunc_end0:
.L_simem_size_0:
called_computation_lowered:
.L_overlay_start_0:
0x88: {  	s2 =	sld [smem:$0x3FD9]  }
0x89: {  	s3 =	sld [smem:$0x3FFE];
	_ =	sdelay $0x1  }
0x8a: {  	s1 =	srdreg.scid  }
0x8b: {  	s0 =	sand.u32 $0x1, s1  }
0x8c: {  	s17 =	sshll.u32 s0, $0xA;
	s2 =	sadd.s32 s3, s2  }
0x8d: {  	s2 =	sadd.s32 s2, s17  }
0x8e: {  	[smem:$0x3FC6] =	sst s2  }
0x8f: {  	_ = 	snop  }
0x90: {  	s2 =	sld [smem:$0x3FD0];
	(tm) =	ssettm $0x1  }
0x91: {  	s18 =	sld [smem:$0x3FFB];
	_ =	sdelay $0x3  }
0x92: {  	_ =	strace s18  }
0x93: {  	s3 =	sld [smem:$0x3FFC];
	_ =	sdelay $0x3  }
0x94: {  	_ =	strace s3  }
0x95: {  	s3 =	sld [smem:$0x3FFD];
	_ =	sdelay $0x3  }
0x96: {  	_ =	strace s3  }
0x97: {  	_ =	strace $0x8FFFFFFF  }
0x98: {  	s19 =	sld [smem:$0x3FDB];
	_ =	sdelay $0x1  }
0x99: {  	s4 =	simm.s32 $_scs_section_size  }
0x9a: {  	s5 =	simm.s32 $_size__tile_overlayer_lowered;
	s6 =	simm.s32 $_tile_overlayer_lowered  }
0x9b: {  	s22 =	simm.s32 $0x1BFF;
	s21 =	sshll.u32 s6, $0x1;
	s3 =	sadd.s32 s4, s19  }
0x9c: {  	s7 =	simm.s32 $0x0;
	s20 =	sshll.u32 s5, $0x1;
	s5 =	sadd.s32 s21, s3  }
0x9d: {  	[timem:s7], [sflag:s22] =	dma.local [hbm:s5], s20  }
0x9e: {  	_ =	swait.ge [sflag:s22], s20  }
0x9f: {  	s4 =	ssub.s32 $0x0, s20;
	[sflag:s22] =	ssyncset.done $0x0  }
0xa0: {  	[sflag:s22] =	ssyncadd.s32 s4;
	_ =	sdelay $0x1  }
0xa1: {  	s23 =	simm.s32 $0x1B8B  }
0xa2: {  	_ =	swait.ge [sflag:s23], $0x1  }
0xa3: {  	[sflag:s23] =	ssyncset.done $0x0  }
0xa4: {  	s25 =	simm.s32 $0x1B8E;
	s24 =	sld [smem:$0x3FFE];
	[sflag:s23] =	ssyncadd.s32 $0xFFFFFFFF  }
0xa5: {  	s26 =	simm.s32 $execute0_lowered;
	[smem:$0x3FD2] =	sst s25  }
0xa6: {  	s5 =	sshll.u32 s26, $0x1;
	_ =	strace $0x80000046;
	[dreg:$0x1] =	wrdreg $0xFFFFFFFF  }
0xa7: {  	s28 =	simm.s32 $_size_execute0_lowered;
	s3 =	sadd.s32 s3, s5;
	[dreg:$0x0] =	wrdreg $0x0  }
0xa8: {  	s5 =	sshll.u32 s28, $0x1;
	[dreg:$0x2] =	wrdreg s3  }
0xa9: {  	[dreg:$0x3] =	wrdreg s5  }
0xaa: {  	[dreg:$0x4] =	wrdreg $0xC0  }
0xab: {  	_ =	task [dreg:s7], $0x5FFFF  }
0xac: {  	[dreg:$0x1] =	wrdreg $0xFFFFFFFF  }
0xad: {  	[dreg:$0x0] =	wrdreg $0x60  }
0xae: {  	[dreg:$0x2] =	wrdreg s24  }
0xaf: {  	[dreg:$0x3] =	wrdreg s2  }
0xb0: {  	[dreg:$0x4] =	wrdreg $0x9  }
0xb1: {  	_ =	task.clear_ibuf [dreg:s7], $0x5FFFF;
	_ =	strace $0x90000046  }
0xb2: {  	s29 =	simm.s32 $0x9;
	_ =	strace $0x80000048  }
0xb3: {  	_ =	swait.ge [sflag:s29], $0x1  }
0xb4: {  	[sflag:s29] =	ssyncadd.s32 $0xFFFFFFFF  }
0xb5: {  	_ =	strace $0x90000048  }
0xb6: {  	_ =	sfence  }
0xb7: {  	s30 =	sld [smem:$0x0];
	_ =	sdelay $0x2  }
0xb8: {  	s31 =	sshll.u32 s1, $0xD;
	s1 =	sshrl.u32 s1, $0x2  }
0xb9: {  	s3 =	sand.u32 $0x4000, s31;
	s1 =	sadd.s32 s1, s30  }
0xba: {  	s0 =	sor.u32 s3, s0;
	s1 =	sshll.u32 s1, $0x11  }
0xbb: {  	s0 =	sor.u32 s1, s0  }
0xbc: {  	s0 =	sadd.s32 $0x8F2B, s0  }
0xbd: {  	[sflag:s0] =	ssyncadd.remote.s32 $0x1  }
0xbe: {  	_ =	sfence.sel $0xFFFF  }
0xbf: {  	[dreg:$0x0] =	wrdreg $0xFFFFFFFF;
	(pc) =	sbr.abs _section_cstart, $3  }
0xc0: {  	[dreg:$0x1] =	wrdreg $0xFFFFFFFF  }
0xc1: {  	_ =	task.clear_ibuf [dreg:s7], $0x2FFFF;
	_ =	strace $0x9FFFFFFF  }
0xc2: {  	(tm) =	ssettm $0x7FFFFFFF  }
0xc3: {  	_ =	shalt  }
tec
execute0_lowered:
.L_overlay_start_1:
0x0: {  	(tag) =	ssettag $0x1  }
0x1: {  	v0 =	vlaneseq.u32;
	s3 =	stileid.u32  }
0x2: {  	s0 =	rddreg [dreg:$0x0];
	v6 =	vmul.u32 $0x38, v0;
	s4 =	sshll.u32 s3, $0x1;
	s3 =	simm.s32 $0x0  }
0x3: {  	[smem:$0x7FF] =	sst s3  }
0x4: {  	s2 =	rddreg [dreg:$0x1];
	v7 =	vadd.s32 $0x380, v6;
	_ =	strace $0x80000047;
	[tilespmem:$0x1FEC0] =	vst v6  }
0x5: {  	v8 =	vadd.s32 $0x700, v6;
	[tilespmem:$0x1FED0] =	vst v7  }
0x6: {  	v9 =	vadd.s32 $0xA80, v6;
	[tilespmem:$0x1FEE0] =	vst v8  }
0x7: {  	v10 =	vadd.s32 $0xE00, v6;
	[tilespmem:$0x1FEF0] =	vst v9  }
0x8: {  	v11 =	vadd.s32 $0x1180, v6;
	[tilespmem:$0x1FF00] =	vst v10  }
0x9: {  	v12 =	vadd.s32 $0x1500, v6;
	[tilespmem:$0x1FF10] =	vst v11  }
0xa: {  	v13 =	vadd.s32 $0x1880, v6;
	[tilespmem:$0x1FF20] =	vst v12  }
0xb: {  	v14 =	vor.u32 $0x1C00, v6;
	[tilespmem:$0x1FF30] =	vst v13  }
0xc: {  	v15 =	vadd.s32 $0x1F80, v6;
	[tilespmem:$0x1FF40] =	vst v14  }
0xd: {  	v16 =	vadd.s32 $0x2300, v6;
	[tilespmem:$0x1FF50] =	vst v15  }
0xe: {  	v27 =	vmul.u32 $0x20, v0;
	v17 =	vadd.s32 $0x2680, v6;
	[tilespmem:$0x1FF60] =	vst v16  }
0xf: {  	s1 =	srdreg.scid;
	v18 =	vadd.s32 $0x2A00, v6;
	v19 =	vadd.s32 $0x2D80, v6;
	v59 =	vadd.s32 $0x3100, v6;
	[tilespmem:$0x1FF70] =	vst v17  }
0x10: {  	s9 =	simm.s32 $0x80;
	s11 =	simm.s32 $0xD400;
	s18 =	simm.s32 $0x11400;
	v60 =	vadd.s32 $0x3480, v6;
	v61 =	vor.u32 $0x3800, v6;
	v62 =	vadd.s32 $0x3B80, v6;
	[tilespmem:$0x1FF80] =	vst v18  }
0x11: {  	s22 =	simm.s32 $0x1;
	s23 =	simm.s32 $0x1000;
	s1 =	sand.u32 $0x1, s1;
	v63 =	vadd.s32 $0x3F00, v6;
	v58 =	vadd.s32 $0x4280, v6;
	v20 =	vadd.s32 $0x4600, v6;
	[tilespmem:$0x1FF90] =	vst v19  }
0x12: {  	s24 =	simm.s32 $0x20000;
	s5 =	sor.u32 s1, s4;
	s1 =	ssub.s32 $0x2, s1;
	v21 =	vadd.s32 $0x4980, v6;
	v22 =	vadd.s32 $0x4D00, v6;
	v23 =	vadd.s32 $0x5080, v6;
	[tilespmem:$0x1FFA0] =	vst v59  }
0x13: {  	s25 =	simm.s32 $0x15400;
	s6 =	smul.u32 $0xE00, s5;
	s29 =	sshrl.u32 s1, $0x1;
	v24 =	vor.u32 $0x5400, v6;
	v25 =	vadd.s32 $0x5780, v6;
	v26 =	vadd.s32 $0x5B00, v6;
	[tilespmem:$0x1FFB0] =	vst v60  }
0x14: {  	s26 =	simm.s32 $0x2;
	s28 =	simm.s32 $0x19400;
	v28 =	vadd.s32 $0x5E80, v6;
	v29 =	vadd.s32 $0x6200, v6;
	v30 =	vadd.s32 $0x6580, v6;
	s1 =	ssub.s32 s1, s29;
	[tilespmem:$0x1FFC0] =	vst v61  }
0x15: {  	s4 =	sadd.s32 $0xF42A00, s0;
	v31 =	vadd.s32 $0x6900, v6;
	v32 =	vadd.s32 $0x6C80, v6;
	v33 =	vor.u32 $0xE00, v27;
	[tilespmem:$0x1FFD0] =	vst v62;
	s0 =	sadd.s32 s6, s0;
	s31 =	smax.u32 s1, $0x1  }
0x16: {  	s30 =	simm.s32 $0x4;
	v34 =	vor.u32 $0xC00, v27;
	v35 =	vor.u32 $0xA00, v27;
	v36 =	vor.u32 $0x800, v27;
	[tilespmem:$0x1FFE0] =	vst v63;
	s0 =	sadd.s32 $0x600, s0;
	[dreg:$0x4] =	wrdreg s31  }
0x17: {  	v37 =	vor.u32 $0x600, v27;
	v38 =	vor.u32 $0x400, v27;
	v39 =	vor.u32 $0x200, v27;
	[tilespmem:$0x1FFF0] =	vst v58;
	s6 =	sshll.u32 s5, $0xC;
	s1 =	simm.s32 $0x0;
	[dreg:$0x3] =	wrdreg s0  }
.LBB2_1:
0x18: {  	s0 =	simm.s32 $0x1  }
0x19: {  	v0 =	vmov s0  }
0x1a: {  	[dreg:$0x5] =	wrdreg s1;
	v46 =	vand.u32 $0x3F, v0  }
0x1b: {  	s15 =	rddreg [dreg:$0x3];
	s16 =	simm.s32 $0x5;
	v0 =	vadd.s32 v6, v46  }
0x1c: {  	[tilespmem:s3], [sflag:$0x5] =	stream.linear.gather [hbm4b:s15+s3], $0x7000, $0x38;
	[tilespmem:$0x1D400] =	vst v63  }
0x1d: {  	_ =	swait.ge [sflag:s16], $0x7000  }
0x1e: {  	v1 =	vmov s3;
	[sflag:s16] =	ssyncset.done $0x0  }
0x1f: {  	v47 =	vand.u32 $0x3E, v1;
	[sflag:s16] =	ssyncadd.s32 $0xFFFF9000  }
0x20: {  	v1 =	vadd.s32 v6, v47;
	v0 =	vld.idx.msk [tilespmem:v0+s3+$0x0], $0xffff  }
0x21: {  	v2 =	vadd.s32 v7, v46;
	_ =	sdelay $0x2  }
0x22: {  	s5 =	simm.s32 $0x7200  }
0x23: {  	v1 =	vld.idx.msk [tilespmem:v1+s3+$0x0], $0xffff;
	[tilespmem:s5+$0x0] =	vst v0  }
0x24: {  	v0 =	vadd.s32 v7, v47;
	v2 =	vld.idx.msk [tilespmem:v2+s3+$0x0], $0xffff  }
0x25: {  	v3 =	vadd.s32 v8, v46;
	_ =	sdelay $0x2  }
0x26: {  	[tilespmem:s5+$0xFFFFFE00] =	vst v1  }
0x27: {  	v0 =	vld.idx.msk [tilespmem:v0+s3+$0x0], $0xffff;
	[tilespmem:s5+$0x10] =	vst v2  }
0x28: {  	v1 =	vadd.s32 v8, v47;
	v2 =	vld.idx.msk [tilespmem:v3+s3+$0x0], $0xffff  }
0x29: {  	v3 =	vadd.s32 v9, v46;
	_ =	sdelay $0x2  }
0x2a: {  	[tilespmem:s5+$0xFFFFFE10] =	vst v0  }
0x2b: {  	v0 =	vld.idx.msk [tilespmem:v1+s3+$0x0], $0xffff;
	[tilespmem:s5+$0x20] =	vst v2  }
0x2c: {  	v1 =	vadd.s32 v9, v47;
	v2 =	vld.idx.msk [tilespmem:v3+s3+$0x0], $0xffff  }
0x2d: {  	v3 =	vadd.s32 v10, v46;
	_ =	sdelay $0x2  }
0x2e: {  	[tilespmem:s5+$0xFFFFFE20] =	vst v0  }
0x2f: {  	v0 =	vld.idx.msk [tilespmem:v1+s3+$0x0], $0xffff;
	[tilespmem:s5+$0x30] =	vst v2  }
0x30: {  	v1 =	vadd.s32 v10, v47;
	v2 =	vld.idx.msk [tilespmem:v3+s3+$0x0], $0xffff  }
0x31: {  	v3 =	vadd.s32 v11, v46;
	_ =	sdelay $0x2  }
0x32: {  	[tilespmem:s5+$0xFFFFFE30] =	vst v0  }
0x33: {  	v0 =	vld.idx.msk [tilespmem:v1+s3+$0x0], $0xffff;
	[tilespmem:s5+$0x40] =	vst v2  }
0x34: {  	v1 =	vadd.s32 v11, v47;
	v2 =	vld.idx.msk [tilespmem:v3+s3+$0x0], $0xffff  }
0x35: {  	v3 =	vadd.s32 v12, v46;
	_ =	sdelay $0x2  }
0x36: {  	[tilespmem:s5+$0xFFFFFE40] =	vst v0  }
0x37: {  	v0 =	vld.idx.msk [tilespmem:v1+s3+$0x0], $0xffff;
	[tilespmem:s5+$0x50] =	vst v2  }
0x38: {  	v1 =	vadd.s32 v12, v47;
	v2 =	vld.idx.msk [tilespmem:v3+s3+$0x0], $0xffff  }
0x39: {  	v3 =	vadd.s32 v13, v46;
	_ =	sdelay $0x2  }
0x3a: {  	[tilespmem:s5+$0xFFFFFE50] =	vst v0  }
0x3b: {  	v0 =	vld.idx.msk [tilespmem:v1+s3+$0x0], $0xffff;
	[tilespmem:s5+$0x60] =	vst v2  }
0x3c: {  	v1 =	vadd.s32 v13, v47;
	v2 =	vld.idx.msk [tilespmem:v3+s3+$0x0], $0xffff  }
0x3d: {  	v3 =	vadd.s32 v14, v46;
	_ =	sdelay $0x2  }
0x3e: {  	[tilespmem:s5+$0xFFFFFE60] =	vst v0  }
0x3f: {  	s17 =	simm.s32 $0x3;
	v0 =	vld.idx.msk [tilespmem:v1+s3+$0x0], $0xffff;
	[tilespmem:s5+$0x70] =	vst v2  }
0x40: {  	v1 =	vadd.s32 v14, v47;
	v2 =	vld.idx.msk [tilespmem:v3+s3+$0x0], $0xffff;
	v3 =	vmov s17  }
0x41: {  	v44 =	vand.u32 $0x3F, v3;
	v3 =	vadd.s32 v15, v46  }
0x42: {  	s19 =	simm.s32 $0x2;
	v4 =	vadd.s32 v6, v44  }
0x43: {  	v5 =	vmov s19  }
0x44: {  	v40 =	vand.u32 $0x3E, v5;
	[tilespmem:s5+$0xFFFFFE70] =	vst v0  }
0x45: {  	v0 =	vadd.s32 v6, v40;
	v1 =	vld.idx.msk [tilespmem:v1+s3+$0x0], $0xffff;
	[tilespmem:s5+$0x80] =	vst v2  }
0x46: {  	v2 =	vadd.s32 v15, v47;
	v3 =	vld.idx.msk [tilespmem:v3+s3+$0x0], $0xffff  }
0x47: {  	v5 =	vadd.s32 v16, v46;
	v4 =	vld.idx.msk [tilespmem:v4+s3+$0x0], $0xffff  }
0x48: {  	v41 =	vadd.s32 v7, v44;
	_ =	sdelay $0x1  }
0x49: {  	v0 =	vld.idx.msk [tilespmem:v0+s3+$0x0], $0xffff;
	[tilespmem:s5+$0xFFFFFE80] =	vst v1  }
0x4a: {  	s0 =	simm.s32 $0x7600;
	v1 =	vld.idx.msk [tilespmem:v2+s3+$0x0], $0xffff;
	v2 =	vadd.s32 v7, v40;
	[tilespmem:s5+$0x90] =	vst v3  }
0x4b: {  	v3 =	vadd.s32 v16, v47;
	[tilespmem:s0+$0x0] =	vst v4;
	v4 =	vld.idx.msk [tilespmem:v5+s3+$0x0], $0xffff  }
0x4c: {  	v50 =	vadd.s32 v17, v46;
	v5 =	vld.idx.msk [tilespmem:v41+s3+$0x0], $0xffff  }
0x4d: {  	v42 =	vadd.s32 v8, v44  }
0x4e: {  	[tilespmem:s0+$0xFFFFFE00] =	vst v0  }
0x4f: {  	v0 =	vld.idx.msk [tilespmem:v2+s3+$0x0], $0xffff;
	[tilespmem:s5+$0xFFFFFE90] =	vst v1  }
0x50: {  	v2 =	vadd.s32 v8, v40;
	v1 =	vld.idx.msk [tilespmem:v3+s3+$0x0], $0xffff;
	[tilespmem:s5+$0xA0] =	vst v4  }
0x51: {  	v3 =	vadd.s32 v17, v47;
	[tilespmem:s0+$0x10] =	vst v5;
	v4 =	vld.idx.msk [tilespmem:v50+s3+$0x0], $0xffff  }
0x52: {  	v51 =	vadd.s32 v18, v46;
	v5 =	vld.idx.msk [tilespmem:v42+s3+$0x0], $0xffff  }
0x53: {  	v52 =	vadd.s32 v9, v44  }
0x54: {  	[tilespmem:s0+$0xFFFFFE10] =	vst v0  }
0x55: {  	v0 =	vld.idx.msk [tilespmem:v2+s3+$0x0], $0xffff;
	[tilespmem:s5+$0xFFFFFEA0] =	vst v1  }
0x56: {  	v2 =	vadd.s32 v9, v40;
	v1 =	vld.idx.msk [tilespmem:v3+s3+$0x0], $0xffff;
	[tilespmem:s5+$0xB0] =	vst v4  }
0x57: {  	v3 =	vadd.s32 v18, v47;
	[tilespmem:s0+$0x20] =	vst v5;
	v4 =	vld.idx.msk [tilespmem:v51+s3+$0x0], $0xffff  }
0x58: {  	v53 =	vadd.s32 v19, v46;
	v5 =	vld.idx.msk [tilespmem:v52+s3+$0x0], $0xffff  }
0x59: {  	v54 =	vadd.s32 v10, v44  }
0x5a: {  	[tilespmem:s0+$0xFFFFFE20] =	vst v0  }
0x5b: {  	v0 =	vld.idx.msk [tilespmem:v2+s3+$0x0], $0xffff;
	[tilespmem:s5+$0xFFFFFEB0] =	vst v1  }
0x5c: {  	v2 =	vadd.s32 v10, v40;
	v1 =	vld.idx.msk [tilespmem:v3+s3+$0x0], $0xffff;
	[tilespmem:s5+$0xC0] =	vst v4  }
0x5d: {  	v3 =	vadd.s32 v19, v47;
	[tilespmem:s0+$0x30] =	vst v5;
	v4 =	vld.idx.msk [tilespmem:v53+s3+$0x0], $0xffff  }
0x5e: {  	v55 =	vadd.s32 v59, v46;
	v5 =	vld.idx.msk [tilespmem:v54+s3+$0x0], $0xffff  }
0x5f: {  	v56 =	vadd.s32 v11, v44  }
0x60: {  	[tilespmem:s0+$0xFFFFFE30] =	vst v0  }
0x61: {  	v0 =	vld.idx.msk [tilespmem:v2+s3+$0x0], $0xffff;
	[tilespmem:s5+$0xFFFFFEC0] =	vst v1  }
0x62: {  	v2 =	vadd.s32 v11, v40;
	v1 =	vld.idx.msk [tilespmem:v3+s3+$0x0], $0xffff;
	[tilespmem:s5+$0xD0] =	vst v4  }
0x63: {  	v3 =	vadd.s32 v59, v47;
	[tilespmem:s0+$0x40] =	vst v5;
	v4 =	vld.idx.msk [tilespmem:v55+s3+$0x0], $0xffff  }
0x64: {  	v57 =	vadd.s32 v60, v46;
	v5 =	vld.idx.msk [tilespmem:v56+s3+$0x0], $0xffff  }
0x65: {  	v45 =	vadd.s32 v12, v44  }
0x66: {  	[tilespmem:s0+$0xFFFFFE40] =	vst v0  }
0x67: {  	v0 =	vld.idx.msk [tilespmem:v2+s3+$0x0], $0xffff;
	[tilespmem:s5+$0xFFFFFED0] =	vst v1  }
0x68: {  	v2 =	vadd.s32 v12, v40;
	v1 =	vld.idx.msk [tilespmem:v3+s3+$0x0], $0xffff;
	[tilespmem:s5+$0xE0] =	vst v4  }
0x69: {  	v3 =	vadd.s32 v60, v47;
	[tilespmem:s0+$0x50] =	vst v5;
	v4 =	vld.idx.msk [tilespmem:v57+s3+$0x0], $0xffff  }
0x6a: {  	v48 =	vadd.s32 v61, v46;
	v5 =	vld.idx.msk [tilespmem:v45+s3+$0x0], $0xffff  }
0x6b: {  	v49 =	vadd.s32 v13, v44  }
0x6c: {  	[tilespmem:s0+$0xFFFFFE50] =	vst v0  }
0x6d: {  	v0 =	vld.idx.msk [tilespmem:v2+s3+$0x0], $0xffff;
	[tilespmem:s5+$0xFFFFFEE0] =	vst v1  }
0x6e: {  	v2 =	vadd.s32 v13, v40;
	v1 =	vld.idx.msk [tilespmem:v3+s3+$0x0], $0xffff;
	[tilespmem:s5+$0xF0] =	vst v4  }
0x6f: {  	v3 =	vadd.s32 v61, v47;
	[tilespmem:s0+$0x60] =	vst v5;
	v4 =	vld.idx.msk [tilespmem:v48+s3+$0x0], $0xffff  }
0x70: {  	v50 =	vadd.s32 v62, v46;
	v5 =	vld.idx.msk [tilespmem:v49+s3+$0x0], $0xffff  }
0x71: {  	v51 =	vadd.s32 v14, v44  }
0x72: {  	[tilespmem:s0+$0xFFFFFE60] =	vst v0  }
0x73: {  	v0 =	vld.idx.msk [tilespmem:v2+s3+$0x0], $0xffff;
	[tilespmem:s5+$0xFFFFFEF0] =	vst v1  }
0x74: {  	v2 =	vadd.s32 v14, v40;
	v1 =	vld.idx.msk [tilespmem:v3+s3+$0x0], $0xffff;
	[tilespmem:s5+$0x100] =	vst v4  }
0x75: {  	s20 =	simm.s32 $0x5;
	v3 =	vadd.s32 v62, v47;
	[tilespmem:s0+$0x70] =	vst v5;
	v4 =	vld.idx.msk [tilespmem:v50+s3+$0x0], $0xffff  }
0x76: {  	s7 =	simm.s32 $0x4;
	v43 =	vadd.s32 v63, v46;
	v52 =	vmov s20;
	v5 =	vld.idx.msk [tilespmem:v51+s3+$0x0], $0xffff  }
0x77: {  	v42 =	vand.u32 $0x3F, v52;
	v45 =	vmov s7;
	v48 =	vadd.s32 v15, v44  }
0x78: {  	v41 =	vand.u32 $0x3E, v45;
	[tilespmem:s0+$0xFFFFFE70] =	vst v0;
	v0 =	vadd.s32 v6, v42  }
0x79: {  	v45 =	vadd.s32 v6, v41;
	v2 =	vld.idx.msk [tilespmem:v2+s3+$0x0], $0xffff;
	[tilespmem:s5+$0xFFFFFF00] =	vst v1  }
0x7a: {  	v1 =	vld.idx.msk [tilespmem:v3+s3+$0x0], $0xffff;
	v3 =	vadd.s32 v15, v40;
	[tilespmem:s5+$0x110] =	vst v4  }
0x7b: {  	v4 =	vadd.s32 v63, v47;
	[tilespmem:s0+$0x80] =	vst v5;
	v5 =	vld.idx.msk [tilespmem:v43+s3+$0x0], $0xffff  }
0x7c: {  	v54 =	vadd.s32 v58, v46;
	v53 =	vld.idx.msk [tilespmem:v48+s3+$0x0], $0xffff  }
0x7d: {  	v49 =	vadd.s32 v16, v44;
	v0 =	vld.idx.msk [tilespmem:v0+s3+$0x0], $0xffff  }
0x7e: {  	v45 =	vld.idx.msk [tilespmem:v45+s3+$0x0], $0xffff;
	[tilespmem:s0+$0xFFFFFE80] =	vst v2;
	v2 =	vadd.s32 v7, v42  }
0x7f: {  	[tilespmem:s5+$0xFFFFFF10] =	vst v1;
	v1 =	vld.idx.msk [tilespmem:v3+s3+$0x0], $0xffff;
	v3 =	vadd.s32 v7, v41  }
0x80: {  	v50 =	vadd.s32 v16, v40;
	v4 =	vld.idx.msk [tilespmem:v4+s3+$0x0], $0xffff;
	[tilespmem:s5+$0x120] =	vst v5  }
0x81: {  	s1 =	simm.s32 $0x7A00;
	v5 =	vadd.s32 v58, v47;
	[tilespmem:s0+$0x90] =	vst v53;
	v55 =	vld.idx.msk [tilespmem:v54+s3+$0x0], $0xffff  }
0x82: {  	v56 =	vadd.s32 v20, v46;
	[tilespmem:s1+$0x0] =	vst v0;
	v0 =	vld.idx.msk [tilespmem:v49+s3+$0x0], $0xffff  }
0x83: {  	v57 =	vadd.s32 v17, v44;
	[tilespmem:s1+$0xFFFFFE00] =	vst v45;
	v2 =	vld.idx.msk [tilespmem:v2+s3+$0x0], $0xffff  }
0x84: {  	v3 =	vld.idx.msk [tilespmem:v3+s3+$0x0], $0xffff;
	[tilespmem:s0+$0xFFFFFE90] =	vst v1;
	v1 =	vadd.s32 v8, v42  }
0x85: {  	v52 =	vld.idx.msk [tilespmem:v50+s3+$0x0], $0xffff;
	[tilespmem:s5+$0xFFFFFF20] =	vst v4;
	v4 =	vadd.s32 v8, v41  }
0x86: {  	v53 =	vadd.s32 v17, v40;
	v5 =	vld.idx.msk [tilespmem:v5+s3+$0x0], $0xffff;
	[tilespmem:s5+$0x130] =	vst v55  }
0x87: {  	[tilespmem:s0+$0xA0] =	vst v0;
	v0 =	vadd.s32 v20, v47;
	v43 =	vld.idx.msk [tilespmem:v56+s3+$0x0], $0xffff  }
0x88: {  	v54 =	vadd.s32 v21, v46;
	[tilespmem:s1+$0x10] =	vst v2;
	v2 =	vld.idx.msk [tilespmem:v57+s3+$0x0], $0xffff  }
0x89: {  	[tilespmem:s1+$0xFFFFFE10] =	vst v3;
	v1 =	vld.idx.msk [tilespmem:v1+s3+$0x0], $0xffff;
	v3 =	vadd.s32 v18, v44  }
0x8a: {  	v55 =	vadd.s32 v9, v42;
	v4 =	vld.idx.msk [tilespmem:v4+s3+$0x0], $0xffff;
	[tilespmem:s0+$0xFFFFFEA0] =	vst v52  }
0x8b: {  	v49 =	vld.idx.msk [tilespmem:v53+s3+$0x0], $0xffff;
	[tilespmem:s5+$0xFFFFFF30] =	vst v5;
	v5 =	vadd.s32 v9, v41  }
0x8c: {  	v56 =	vadd.s32 v18, v40;
	v0 =	vld.idx.msk [tilespmem:v0+s3+$0x0], $0xffff;
	[tilespmem:s5+$0x140] =	vst v43  }
0x8d: {  	[tilespmem:s0+$0xB0] =	vst v2;
	v2 =	vadd.s32 v21, v47;
	v43 =	vld.idx.msk [tilespmem:v54+s3+$0x0], $0xffff  }
0x8e: {  	[tilespmem:s1+$0x20] =	vst v1;
	v1 =	vld.idx.msk [tilespmem:v3+s3+$0x0], $0xffff;
	v3 =	vadd.s32 v22, v46  }
0x8f: {  	v57 =	vadd.s32 v19, v44;
	[tilespmem:s1+$0xFFFFFE20] =	vst v4;
	v4 =	vld.idx.msk [tilespmem:v55+s3+$0x0], $0xffff  }
0x90: {  	v54 =	vadd.s32 v10, v42;
	v5 =	vld.idx.msk [tilespmem:v5+s3+$0x0], $0xffff;
	[tilespmem:s0+$0xFFFFFEB0] =	vst v49  }
0x91: {  	s21 =	simm.s32 $0x6;
	v49 =	vld.idx.msk [tilespmem:v56+s3+$0x0], $0xffff;
	[tilespmem:s5+$0xFFFFFF40] =	vst v0;
	v0 =	vadd.s32 v10, v41  }
0x92: {  	v51 =	vadd.s32 v19, v40;
	v55 =	vmov s21;
	v2 =	vld.idx.msk [tilespmem:v2+s3+$0x0], $0xffff;
	[tilespmem:s5+$0x150] =	vst v43  }
0x93: {  	v43 =	vand.u32 $0x3E, v55;
	[tilespmem:s0+$0xC0] =	vst v1;
	v1 =	vadd.s32 v22, v47;
	v3 =	vld.idx.msk [tilespmem:v3+s3+$0x0], $0xffff  }
0x94: {  	v50 =	vadd.s32 v6, v43;
	[tilespmem:s1+$0x30] =	vst v4;
	v4 =	vld.idx.msk [tilespmem:v57+s3+$0x0], $0xffff  }
0x95: {  	v45 =	vadd.s32 v23, v46;
	[tilespmem:s1+$0xFFFFFE30] =	vst v5;
	v5 =	vld.idx.msk [tilespmem:v54+s3+$0x0], $0xffff  }
0x96: {  	v56 =	vadd.s32 v59, v44;
	[tilespmem:s0+$0xFFFFFEC0] =	vst v49;
	v0 =	vld.idx.msk [tilespmem:v0+s3+$0x0], $0xffff  }
0x97: {  	v57 =	vadd.s32 v11, v42;
	v51 =	vld.idx.msk [tilespmem:v51+s3+$0x0], $0xffff;
	[tilespmem:s5+$0xFFFFFF50] =	vst v2  }
0x98: {  	v2 =	vadd.s32 v11, v41;
	v1 =	vld.idx.msk [tilespmem:v1+s3+$0x0], $0xffff  }
0x99: {  	v52 =	vadd.s32 v59, v40;
	v50 =	vld.idx.msk [tilespmem:v50+s3+$0x0], $0xffff;
	[tilespmem:s5+$0x160] =	vst v3  }
0x9a: {  	v3 =	vadd.s32 v23, v47;
	[tilespmem:s0+$0xD0] =	vst v4;
	v4 =	vld.idx.msk [tilespmem:v45+s3+$0x0], $0xffff  }
0x9b: {  	[tilespmem:s1+$0x40] =	vst v5;
	v45 =	vadd.s32 v24, v46;
	v5 =	vld.idx.msk [tilespmem:v56+s3+$0x0], $0xffff  }
0x9c: {  	v56 =	vadd.s32 v60, v44;
	[tilespmem:s1+$0xFFFFFE40] =	vst v0;
	v0 =	vld.idx.msk [tilespmem:v57+s3+$0x0], $0xffff  }
0x9d: {  	[tilespmem:s0+$0xFFFFFED0] =	vst v51;
	v57 =	vadd.s32 v12, v42;
	v2 =	vld.idx.msk [tilespmem:v2+s3+$0x0], $0xffff  }
0x9e: {  	v51 =	vld.idx.msk [tilespmem:v52+s3+$0x0], $0xffff;
	[tilespmem:s5+$0xFFFFFF60] =	vst v1;
	v1 =	vadd.s32 v12, v41  }
0x9f: {  	v52 =	vadd.s32 v60, v40;
	v3 =	vld.idx.msk [tilespmem:v3+s3+$0x0], $0xffff;
	[tilespmem:s5+$0x170] =	vst v4  }
0xa0: {  	v4 =	vadd.s32 v24, v47;
	[tilespmem:s0+$0xE0] =	vst v5;
	v5 =	vld.idx.msk [tilespmem:v45+s3+$0x0], $0xffff  }
0xa1: {  	v45 =	vadd.s32 v25, v46;
	[tilespmem:s1+$0x50] =	vst v0;
	v0 =	vld.idx.msk [tilespmem:v56+s3+$0x0], $0xffff  }
0xa2: {  	v56 =	vadd.s32 v61, v44;
	[tilespmem:s1+$0xFFFFFE50] =	vst v2;
	v2 =	vld.idx.msk [tilespmem:v57+s3+$0x0], $0xffff  }
0xa3: {  	[tilespmem:s0+$0xFFFFFEE0] =	vst v51;
	v57 =	vadd.s32 v13, v42;
	v1 =	vld.idx.msk [tilespmem:v1+s3+$0x0], $0xffff  }
0xa4: {  	v51 =	vld.idx.msk [tilespmem:v52+s3+$0x0], $0xffff;
	[tilespmem:s5+$0xFFFFFF70] =	vst v3;
	v3 =	vadd.s32 v13, v41  }
0xa5: {  	v52 =	vadd.s32 v61, v40;
	v4 =	vld.idx.msk [tilespmem:v4+s3+$0x0], $0xffff;
	[tilespmem:s5+$0x180] =	vst v5  }
0xa6: {  	[tilespmem:s0+$0xF0] =	vst v0;
	v0 =	vadd.s32 v25, v47;
	v5 =	vld.idx.msk [tilespmem:v45+s3+$0x0], $0xffff  }
0xa7: {  	v45 =	vadd.s32 v26, v46;
	[tilespmem:s1+$0x60] =	vst v2;
	v2 =	vld.idx.msk [tilespmem:v56+s3+$0x0], $0xffff  }
0xa8: {  	v56 =	vadd.s32 v62, v44;
	[tilespmem:s1+$0xFFFFFE60] =	vst v1;
	v1 =	vld.idx.msk [tilespmem:v57+s3+$0x0], $0xffff  }
0xa9: {  	[tilespmem:s0+$0xFFFFFEF0] =	vst v51;
	v57 =	vadd.s32 v14, v42;
	v3 =	vld.idx.msk [tilespmem:v3+s3+$0x0], $0xffff  }
0xaa: {  	v51 =	vld.idx.msk [tilespmem:v52+s3+$0x0], $0xffff;
	[tilespmem:s5+$0xFFFFFF80] =	vst v4;
	v4 =	vadd.s32 v14, v41  }
0xab: {  	v52 =	vadd.s32 v62, v40;
	v0 =	vld.idx.msk [tilespmem:v0+s3+$0x0], $0xffff;
	[tilespmem:s5+$0x190] =	vst v5  }
0xac: {  	[tilespmem:s0+$0x100] =	vst v2;
	v2 =	vadd.s32 v26, v47;
	v5 =	vld.idx.msk [tilespmem:v45+s3+$0x0], $0xffff  }
0xad: {  	s29 =	simm.s32 $0x7;
	v48 =	vadd.s32 v28, v46;
	[tilespmem:s1+$0x70] =	vst v1;
	v1 =	vld.idx.msk [tilespmem:v56+s3+$0x0], $0xffff  }
0xae: {  	v56 =	vmov s29;
	[tilespmem:s1+$0xFFFFFE70] =	vst v3;
	v3 =	vld.idx.msk [tilespmem:v57+s3+$0x0], $0xffff;
	v57 =	vadd.s32 v63, v44  }
0xaf: {  	[tilespmem:s0+$0xFFFFFF00] =	vst v51;
	v45 =	vand.u32 $0x3F, v56;
	v56 =	vadd.s32 v15, v42;
	v4 =	vld.idx.msk [tilespmem:v4+s3+$0x0], $0xffff  }
0xb0: {  	v52 =	vld.idx.msk [tilespmem:v52+s3+$0x0], $0xffff;
	[tilespmem:s5+$0xFFFFFF90] =	vst v0;
	v0 =	vadd.s32 v6, v45  }
0xb1: {  	v53 =	vadd.s32 v15, v41;
	v2 =	vld.idx.msk [tilespmem:v2+s3+$0x0], $0xffff;
	[tilespmem:s5+$0x1A0] =	vst v5  }
0xb2: {  	v5 =	vadd.s32 v63, v40;
	[tilespmem:s0+$0x110] =	vst v1;
	v1 =	vld.idx.msk [tilespmem:v48+s3+$0x0], $0xffff  }
0xb3: {  	s10 =	simm.s32 $0x7E00;
	v48 =	vadd.s32 v28, v47;
	[tilespmem:s1+$0x80] =	vst v3;
	v3 =	vld.idx.msk [tilespmem:v57+s3+$0x0], $0xffff  }
0xb4: {  	[tilespmem:s10+$0xFFFFFE00] =	vst v50;
	v51 =	vadd.s32 v29, v46;
	v49 =	vld.idx.msk [tilespmem:v56+s3+$0x0], $0xffff  }
0xb5: {  	v54 =	vadd.s32 v7, v43;
	[tilespmem:s1+$0xFFFFFE80] =	vst v4;
	v0 =	vld.idx.msk [tilespmem:v0+s3+$0x0], $0xffff  }
0xb6: {  	v4 =	vadd.s32 v58, v44;
	[tilespmem:s0+$0xFFFFFF10] =	vst v52;
	v52 =	vld.idx.msk [tilespmem:v53+s3+$0x0], $0xffff  }
0xb7: {  	v57 =	vadd.s32 v16, v42;
	[tilespmem:s5+$0xFFFFFFA0] =	vst v2;
	v5 =	vld.idx.msk [tilespmem:v5+s3+$0x0], $0xffff  }
0xb8: {  	v2 =	vadd.s32 v7, v45;
	v55 =	vld.idx.msk [tilespmem:v48+s3+$0x0], $0xffff;
	[tilespmem:s5+$0x1B0] =	vst v1  }
0xb9: {  	v1 =	vadd.s32 v16, v41;
	[tilespmem:s0+$0x120] =	vst v3;
	v3 =	vld.idx.msk [tilespmem:v51+s3+$0x0], $0xffff  }
0xba: {  	v48 =	vadd.s32 v58, v40;
	v51 =	vld.idx.msk [tilespmem:v54+s3+$0x0], $0xffff;
	[tilespmem:s1+$0x90] =	vst v49  }
0xbb: {  	v4 =	vld.idx.msk [tilespmem:v4+s3+$0x0], $0xffff;
	v49 =	vadd.s32 v30, v46;
	[tilespmem:s10+$0x0] =	vst v0  }
0xbc: {  	v50 =	vadd.s32 v20, v44;
	v0 =	vld.idx.msk [tilespmem:v57+s3+$0x0], $0xffff;
	[tilespmem:s1+$0xFFFFFE90] =	vst v52  }
0xbd: {  	v56 =	vadd.s32 v17, v42;
	v2 =	vld.idx.msk [tilespmem:v2+s3+$0x0], $0xffff;
	[tilespmem:s0+$0xFFFFFF20] =	vst v5  }
0xbe: {  	v5 =	vadd.s32 v8, v43;
	v1 =	vld.idx.msk [tilespmem:v1+s3+$0x0], $0xffff;
	[tilespmem:s5+$0x1C0] =	vst v3  }
0xbf: {  	v57 =	vadd.s32 v8, v45;
	v48 =	vld.idx.msk [tilespmem:v48+s3+$0x0], $0xffff;
	[tilespmem:s10+$0xFFFFFE10] =	vst v51  }
0xc0: {  	v3 =	vadd.s32 v17, v41;
	[tilespmem:s0+$0x130] =	vst v4;
	v4 =	vld.idx.msk [tilespmem:v49+s3+$0x0], $0xffff  }
0xc1: {  	[tilespmem:s1+$0xA0] =	vst v0;
	v0 =	vadd.s32 v20, v40;
	v49 =	vld.idx.msk [tilespmem:v50+s3+$0x0], $0xffff  }
0xc2: {  	[tilespmem:s10+$0x10] =	vst v2;
	v2 =	vld.idx.msk [tilespmem:v56+s3+$0x0], $0xffff;
	v56 =	vadd.s32 v31, v46  }
0xc3: {  	v52 =	vadd.s32 v21, v44;
	[tilespmem:s5+$0xFFFFFFB0] =	vst v55;
	v5 =	vld.idx.msk [tilespmem:v5+s3+$0x0], $0xffff  }
0xc4: {  	v51 =	vld.idx.msk [tilespmem:v57+s3+$0x0], $0xffff;
	[tilespmem:s1+$0xFFFFFEA0] =	vst v1;
	v1 =	vadd.s32 v18, v42  }
0xc5: {  	v54 =	vadd.s32 v9, v43;
	[tilespmem:s0+$0xFFFFFF30] =	vst v48;
	v3 =	vld.idx.msk [tilespmem:v3+s3+$0x0], $0xffff  }
0xc6: {  	v57 =	vadd.s32 v9, v45;
	[tilespmem:s5+$0x1D0] =	vst v4;
	v0 =	vld.idx.msk [tilespmem:v0+s3+$0x0], $0xffff  }
0xc7: {  	v4 =	vadd.s32 v18, v41;
	[tilespmem:s0+$0x140] =	vst v49;
	v56 =	vld.idx.msk [tilespmem:v56+s3+$0x0], $0xffff  }
0xc8: {  	[tilespmem:s1+$0xB0] =	vst v2;
	v2 =	vadd.s32 v21, v40;
	v50 =	vld.idx.msk [tilespmem:v52+s3+$0x0], $0xffff  }
0xc9: {  	v46 =	vadd.s32 v32, v46;
	[tilespmem:s10+$0xFFFFFE20] =	vst v5;
	v1 =	vld.idx.msk [tilespmem:v1+s3+$0x0], $0xffff  }
0xca: {  	[tilespmem:s10+$0x20] =	vst v51;
	v51 =	vadd.s32 v22, v44;
	v48 =	vld.idx.msk [tilespmem:v54+s3+$0x0], $0xffff  }
0xcb: {  	v5 =	vld.idx.msk [tilespmem:v57+s3+$0x0], $0xffff;
	[tilespmem:s1+$0xFFFFFEB0] =	vst v3;
	v3 =	vadd.s32 v19, v42  }
0xcc: {  	v57 =	vadd.s32 v10, v45;
	v4 =	vld.idx.msk [tilespmem:v4+s3+$0x0], $0xffff;
	[tilespmem:s0+$0xFFFFFF40] =	vst v0  }
0xcd: {  	s31 =	simm.s32 $0x8;
	v0 =	vadd.s32 v10, v43;
	v2 =	vld.idx.msk [tilespmem:v2+s3+$0x0], $0xffff;
	[tilespmem:s5+$0x1E0] =	vst v56  }
0xce: {  	v53 =	vadd.s32 v19, v41;
	v56 =	vmov s31;
	[tilespmem:s0+$0x150] =	vst v50;
	v50 =	vld.idx.msk [tilespmem:v46+s3+$0x0], $0xffff  }
0xcf: {  	v46 =	vand.u32 $0x3E, v56;
	[tilespmem:s1+$0xC0] =	vst v1;
	v1 =	vadd.s32 v22, v40;
	v49 =	vld.idx.msk [tilespmem:v51+s3+$0x0], $0xffff  }
0xd0: {  	v51 =	vadd.s32 v6, v46;
	[tilespmem:s10+$0x30] =	vst v5;
	v3 =	vld.idx.msk [tilespmem:v3+s3+$0x0], $0xffff  }
0xd1: {  	v52 =	vadd.s32 v23, v44;
	[tilespmem:s10+$0xFFFFFE30] =	vst v48;
	v5 =	vld.idx.msk [tilespmem:v57+s3+$0x0], $0xffff  }
0xd2: {  	[tilespmem:s1+$0xFFFFFEC0] =	vst v4;
	v4 =	vadd.s32 v59, v42;
	v0 =	vld.idx.msk [tilespmem:v0+s3+$0x0], $0xffff  }
0xd3: {  	v57 =	vadd.s32 v11, v45;
	v53 =	vld.idx.msk [tilespmem:v53+s3+$0x0], $0xffff;
	[tilespmem:s0+$0xFFFFFF50] =	vst v2  }
0xd4: {  	v2 =	vadd.s32 v11, v43;
	v1 =	vld.idx.msk [tilespmem:v1+s3+$0x0], $0xffff;
	[tilespmem:s5+$0x1F0] =	vst v50  }
0xd5: {  	v56 =	vadd.s32 v59, v41;
	[tilespmem:s0+$0x160] =	vst v49;
	v48 =	vld.idx.msk [tilespmem:v51+s3+$0x0], $0xffff  }
0xd6: {  	[tilespmem:s1+$0xD0] =	vst v3;
	v3 =	vadd.s32 v23, v40;
	v49 =	vld.idx.msk [tilespmem:v52+s3+$0x0], $0xffff  }
0xd7: {  	[tilespmem:s10+$0x40] =	vst v5;
	v4 =	vld.idx.msk [tilespmem:v4+s3+$0x0], $0xffff;
	v5 =	vadd.s32 v29, v47  }
0xd8: {  	v51 =	vadd.s32 v24, v44;
	[tilespmem:s10+$0xFFFFFE40] =	vst v0;
	v0 =	vld.idx.msk [tilespmem:v57+s3+$0x0], $0xffff  }
0xd9: {  	v52 =	vadd.s32 v60, v42;
	[tilespmem:s1+$0xFFFFFED0] =	vst v53;
	v2 =	vld.idx.msk [tilespmem:v2+s3+$0x0], $0xffff  }
0xda: {  	v57 =	vadd.s32 v12, v45;
	v50 =	vld.idx.msk [tilespmem:v56+s3+$0x0], $0xffff;
	[tilespmem:s0+$0xFFFFFF60] =	vst v1  }
0xdb: {  	v1 =	vadd.s32 v12, v43;
	v3 =	vld.idx.msk [tilespmem:v3+s3+$0x0], $0xffff;
	[tilespmem:s0+$0x170] =	vst v49  }
0xdc: {  	v54 =	vadd.s32 v60, v41;
	v5 =	vld.idx.msk [tilespmem:v5+s3+$0x0], $0xffff;
	[tilespmem:s1+$0xE0] =	vst v4  }
0xdd: {  	v4 =	vadd.s32 v24, v40;
	v49 =	vld.idx.msk [tilespmem:v51+s3+$0x0], $0xffff;
	[tilespmem:s10+$0x50] =	vst v0  }
0xde: {  	v51 =	vadd.s32 v30, v47;
	v0 =	vld.idx.msk [tilespmem:v52+s3+$0x0], $0xffff;
	[tilespmem:s10+$0xFFFFFE50] =	vst v2  }
0xdf: {  	v52 =	vadd.s32 v25, v44;
	v2 =	vld.idx.msk [tilespmem:v57+s3+$0x0], $0xffff;
	[tilespmem:s1+$0xFFFFFEE0] =	vst v50  }
0xe0: {  	v50 =	vadd.s32 v61, v42;
	v1 =	vld.idx.msk [tilespmem:v1+s3+$0x0], $0xffff;
	[tilespmem:s0+$0xFFFFFF70] =	vst v3  }
0xe1: {  	v57 =	vadd.s32 v13, v45;
	v54 =	vld.idx.msk [tilespmem:v54+s3+$0x0], $0xffff;
	[tilespmem:s5+$0xFFFFFFC0] =	vst v5  }
0xe2: {  	v3 =	vadd.s32 v13, v43;
	v4 =	vld.idx.msk [tilespmem:v4+s3+$0x0], $0xffff;
	[tilespmem:s0+$0x180] =	vst v49  }
0xe3: {  	v5 =	vadd.s32 v61, v41;
	v49 =	vld.idx.msk [tilespmem:v51+s3+$0x0], $0xffff;
	[tilespmem:s1+$0xF0] =	vst v0  }
0xe4: {  	v0 =	vadd.s32 v25, v40;
	v52 =	vld.idx.msk [tilespmem:v52+s3+$0x0], $0xffff;
	[tilespmem:s10+$0x60] =	vst v2  }
0xe5: {  	v55 =	vadd.s32 v31, v47;
	v2 =	vld.idx.msk [tilespmem:v50+s3+$0x0], $0xffff;
	[tilespmem:s10+$0xFFFFFE60] =	vst v1  }
0xe6: {  	v53 =	vld.idx.msk [tilespmem:v57+s3+$0x0], $0xffff;
	v1 =	vadd.s32 v26, v44;
	[tilespmem:s1+$0xFFFFFEF0] =	vst v54  }
0xe7: {  	v56 =	vld.idx.msk [tilespmem:v3+s3+$0x0], $0xffff;
	v3 =	vadd.s32 v62, v42;
	[tilespmem:s0+$0xFFFFFF80] =	vst v4  }
0xe8: {  	v57 =	vadd.s32 v14, v45;
	v51 =	vld.idx.msk [tilespmem:v5+s3+$0x0], $0xffff;
	[tilespmem:s5+$0xFFFFFFD0] =	vst v49  }
0xe9: {  	v50 =	vld.idx.msk [tilespmem:v0+s3+$0x0], $0xffff;
	[tilespmem:s0+$0x190] =	vst v52;
	v52 =	vadd.s32 v14, v43  }
0xea: {  	v49 =	vadd.s32 v62, v41;
	v4 =	vld.idx.msk [tilespmem:v55+s3+$0x0], $0xffff  }
0xeb: {  	[tilespmem:s1+$0x100] =	vst v2;
	v5 =	vld.idx.msk [tilespmem:v1+s3+$0x0], $0xffff;
	v1 =	vadd.s32 v26, v40  }
0xec: {  	v2 =	vadd.s32 v32, v47;
	[tilespmem:s10+$0x70] =	vst v53;
	v3 =	vld.idx.msk [tilespmem:v3+s3+$0x0], $0xffff  }
0xed: {  	s8 =	simm.s32 $0x9;
	s7 =	simm.s32 $0xA;
	v0 =	vadd.s32 v28, v44;
	[tilespmem:s10+$0xFFFFFE70] =	vst v56;
	v53 =	vld.idx.msk [tilespmem:v57+s3+$0x0], $0xffff  }
.LBB2_2:
0xee: {  	p0 =	slt.u32 s7, $0x30;
	v47 =	vmov s8;
	v52 =	vld.idx.msk [tilespmem:v52+s3+$0x0], $0xffff;
	[tilespmem:s1+$0xFFFFFF00] =	vst v51;
	v51 =	vadd.s32 v63, v42  }
0xef: {  	v54 =	vadd.s32 v15, v45;
	v47 =	vand.u32 $0x3F, v47;
	v49 =	vld.idx.msk [tilespmem:v49+s3+$0x0], $0xffff;
	[tilespmem:s0+$0xFFFFFF90] =	vst v50  }
0xf0: {  	v50 =	vadd.s32 v6, v47;
	v1 =	vld.idx.msk [tilespmem:v1+s3+$0x0], $0xffff;
	[tilespmem:s5+$0xFFFFFFE0] =	vst v4  }
0xf1: {  	v4 =	vadd.s32 v15, v43;
	[tilespmem:s0+$0x1A0] =	vst v5;
	v2 =	vld.idx.msk [tilespmem:v2+s3+$0x0], $0xffff  }
0xf2: {  	v5 =	vadd.s32 v63, v41;
	[tilespmem:s1+$0x110] =	vst v3;
	v3 =	vld.idx.msk [tilespmem:v0+s3+$0x0], $0xffff  }
0xf3: {  	v0 =	vadd.s32 v28, v40;
	[tilespmem:s10+$0x80] =	vst v53;
	v51 =	vld.idx.msk [tilespmem:v51+s3+$0x0], $0xffff  }
0xf4: {  	v53 =	vadd.s32 v29, v44;
	[tilespmem:s10+$0xFFFFFE80] =	vst v52;
	v52 =	vld.idx.msk [tilespmem:v54+s3+$0x0], $0xffff  }
0xf5: {  	v50 =	vld.idx.msk [tilespmem:v50+s3+$0x0], $0xffff;
	[tilespmem:s1+$0xFFFFFF10] =	vst v49;
	v49 =	vadd.s32 v58, v42  }
0xf6: {  	v54 =	vadd.s32 v16, v45;
	v4 =	vld.idx.msk [tilespmem:v4+s3+$0x0], $0xffff;
	[tilespmem:s0+$0xFFFFFFA0] =	vst v1  }
0xf7: {  	v1 =	vadd.s32 v7, v47;
	v5 =	vld.idx.msk [tilespmem:v5+s3+$0x0], $0xffff;
	[tilespmem:s5+$0xFFFFFFF0] =	vst v2;
	s5 =	smov.u32 s0;
	s0 =	smov.u32 s1;
	s1 =	smov.u32 s10  }
0xf8: {  	v2 =	vadd.s32 v7, v46;
	v0 =	vld.idx.msk [tilespmem:v0+s3+$0x0], $0xffff;
	[tilespmem:s5+$0x1B0] =	vst v3  }
0xf9: {  	v3 =	vadd.s32 v16, v43;
	[tilespmem:s0+$0x120] =	vst v51;
	v51 =	vld.idx.msk [tilespmem:v53+s3+$0x0], $0xffff  }
0xfa: {  	s10 =	sadd.s32 $0x400, s10;
	[tilespmem:s1+$0x90] =	vst v52;
	v52 =	vadd.s32 v58, v41;
	v49 =	vld.idx.msk [tilespmem:v49+s3+$0x0], $0xffff  }
0xfb: {  	v53 =	vadd.s32 v30, v44;
	[tilespmem:s10+$0x0] =	vst v50;
	v50 =	vld.idx.msk [tilespmem:v54+s3+$0x0], $0xffff  }
0xfc: {  	[tilespmem:s10+$0xFFFFFE00] =	vst v48;
	v1 =	vld.idx.msk [tilespmem:v1+s3+$0x0], $0xffff;
	v48 =	vadd.s32 v20, v42  }
0xfd: {  	v2 =	vld.idx.msk [tilespmem:v2+s3+$0x0], $0xffff;
	[tilespmem:s1+$0xFFFFFE90] =	vst v4;
	v4 =	vadd.s32 v17, v45  }
0xfe: {  	v54 =	vadd.s32 v8, v47;
	v3 =	vld.idx.msk [tilespmem:v3+s3+$0x0], $0xffff;
	[tilespmem:s0+$0xFFFFFF20] =	vst v5  }
0xff: {  	v5 =	vadd.s32 v8, v46;
	v52 =	vld.idx.msk [tilespmem:v52+s3+$0x0], $0xffff;
	[tilespmem:s5+$0x1C0] =	vst v51  }
0x100: {  	v51 =	vadd.s32 v17, v43;
	[tilespmem:s0+$0x130] =	vst v49;
	v49 =	vld.idx.msk [tilespmem:v53+s3+$0x0], $0xffff  }
0x101: {  	[tilespmem:s1+$0xA0] =	vst v50;
	v50 =	vadd.s32 v20, v41;
	v48 =	vld.idx.msk [tilespmem:v48+s3+$0x0], $0xffff  }
0x102: {  	[tilespmem:s10+$0x10] =	vst v1;
	v1 =	vld.idx.msk [tilespmem:v4+s3+$0x0], $0xffff;
	v4 =	vadd.s32 v31, v44  }
0x103: {  	v53 =	vadd.s32 v21, v42;
	[tilespmem:s10+$0xFFFFFE10] =	vst v2;
	v2 =	vld.idx.msk [tilespmem:v54+s3+$0x0], $0xffff  }
0x104: {  	v5 =	vld.idx.msk [tilespmem:v5+s3+$0x0], $0xffff;
	[tilespmem:s1+$0xFFFFFEA0] =	vst v3;
	v3 =	vadd.s32 v18, v45  }
0x105: {  	v54 =	vadd.s32 v9, v47;
	v51 =	vld.idx.msk [tilespmem:v51+s3+$0x0], $0xffff;
	[tilespmem:s0+$0xFFFFFF30] =	vst v52  }
0x106: {  	v52 =	vadd.s32 v9, v46;
	v50 =	vld.idx.msk [tilespmem:v50+s3+$0x0], $0xffff;
	[tilespmem:s5+$0x1D0] =	vst v49  }
0x107: {  	v49 =	vadd.s32 v18, v43;
	[tilespmem:s0+$0x140] =	vst v48;
	v4 =	vld.idx.msk [tilespmem:v4+s3+$0x0], $0xffff  }
0x108: {  	[tilespmem:s1+$0xB0] =	vst v1;
	v1 =	vadd.s32 v21, v41;
	v48 =	vld.idx.msk [tilespmem:v53+s3+$0x0], $0xffff  }
0x109: {  	[tilespmem:s10+$0x20] =	vst v2;
	v2 =	vld.idx.msk [tilespmem:v3+s3+$0x0], $0xffff;
	v3 =	vadd.s32 v32, v44;
	v44 =	vmovc v42;
	v42 =	vmov v45;
	v45 =	vmov v47  }
0x10a: {  	[tilespmem:s10+$0xFFFFFE20] =	vst v5;
	v5 =	vld.idx.msk [tilespmem:v54+s3+$0x0], $0xffff;
	v53 =	vadd.s32 v22, v44  }
0x10b: {  	v52 =	vld.idx.msk [tilespmem:v52+s3+$0x0], $0xffff;
	[tilespmem:s1+$0xFFFFFEB0] =	vst v51;
	v51 =	vadd.s32 v19, v42  }
0x10c: {  	v54 =	vadd.s32 v10, v45;
	v49 =	vld.idx.msk [tilespmem:v49+s3+$0x0], $0xffff;
	[tilespmem:s0+$0xFFFFFF40] =	vst v50  }
0x10d: {  	v50 =	vadd.s32 v10, v46;
	v1 =	vld.idx.msk [tilespmem:v1+s3+$0x0], $0xffff;
	[tilespmem:s5+$0x1E0] =	vst v4  }
0x10e: {  	v55 =	vadd.s32 v19, v43;
	v4 =	vmov s7;
	[tilespmem:s0+$0x150] =	vst v48;
	v3 =	vld.idx.msk [tilespmem:v3+s3+$0x0], $0xffff  }
0x10f: {  	v47 =	vand.u32 $0x3E, v4;
	[tilespmem:s1+$0xC0] =	vst v2;
	v2 =	vadd.s32 v22, v41;
	v4 =	vld.idx.msk [tilespmem:v53+s3+$0x0], $0xffff  }
0x110: {  	v48 =	vadd.s32 v6, v47;
	[tilespmem:s10+$0x30] =	vst v5;
	v5 =	vld.idx.msk [tilespmem:v51+s3+$0x0], $0xffff  }
0x111: {  	[tilespmem:s10+$0xFFFFFE30] =	vst v52;
	v51 =	vld.idx.msk [tilespmem:v54+s3+$0x0], $0xffff;
	v52 =	vadd.s32 v23, v44  }
0x112: {  	v50 =	vld.idx.msk [tilespmem:v50+s3+$0x0], $0xffff;
	[tilespmem:s1+$0xFFFFFEC0] =	vst v49;
	v49 =	vadd.s32 v59, v42  }
0x113: {  	v53 =	vadd.s32 v11, v45;
	v54 =	vld.idx.msk [tilespmem:v55+s3+$0x0], $0xffff;
	[tilespmem:s0+$0xFFFFFF50] =	vst v1  }
0x114: {  	v1 =	vadd.s32 v11, v46;
	v2 =	vld.idx.msk [tilespmem:v2+s3+$0x0], $0xffff;
	[tilespmem:s5+$0x1F0] =	vst v3  }
0x115: {  	v3 =	vadd.s32 v59, v43;
	v48 =	vld.idx.msk [tilespmem:v48+s3+$0x0], $0xffff;
	[tilespmem:s0+$0x160] =	vst v4  }
0x116: {  	v4 =	vadd.s32 v23, v41;
	[tilespmem:s1+$0xD0] =	vst v5;
	v5 =	vld.idx.msk [tilespmem:v52+s3+$0x0], $0xffff  }
0x117: {  	[tilespmem:s10+$0x40] =	vst v51;
	v49 =	vld.idx.msk [tilespmem:v49+s3+$0x0], $0xffff;
	v51 =	vadd.s32 v29, v40  }
0x118: {  	v52 =	vadd.s32 v24, v44;
	[tilespmem:s10+$0xFFFFFE40] =	vst v50;
	v50 =	vld.idx.msk [tilespmem:v53+s3+$0x0], $0xffff  }
0x119: {  	v53 =	vadd.s32 v60, v42;
	v1 =	vld.idx.msk [tilespmem:v1+s3+$0x0], $0xffff;
	[tilespmem:s1+$0xFFFFFED0] =	vst v54  }
0x11a: {  	v54 =	vadd.s32 v12, v45;
	v3 =	vld.idx.msk [tilespmem:v3+s3+$0x0], $0xffff;
	[tilespmem:s0+$0xFFFFFF60] =	vst v2  }
0x11b: {  	v2 =	vadd.s32 v12, v46;
	v4 =	vld.idx.msk [tilespmem:v4+s3+$0x0], $0xffff;
	[tilespmem:s5+$0xFFFFFFB0] =	vst v0  }
0x11c: {  	v0 =	vadd.s32 v60, v43;
	[tilespmem:s0+$0x170] =	vst v5;
	v5 =	vld.idx.msk [tilespmem:v51+s3+$0x0], $0xffff  }
0x11d: {  	[tilespmem:s1+$0xE0] =	vst v49;
	v49 =	vadd.s32 v24, v41;
	v51 =	vld.idx.msk [tilespmem:v52+s3+$0x0], $0xffff  }
0x11e: {  	v52 =	vadd.s32 v30, v40;
	[tilespmem:s10+$0x50] =	vst v50;
	v50 =	vld.idx.msk [tilespmem:v53+s3+$0x0], $0xffff  }
0x11f: {  	v53 =	vadd.s32 v25, v44;
	[tilespmem:s10+$0xFFFFFE50] =	vst v1;
	v1 =	vld.idx.msk [tilespmem:v54+s3+$0x0], $0xffff  }
0x120: {  	v2 =	vld.idx.msk [tilespmem:v2+s3+$0x0], $0xffff;
	[tilespmem:s1+$0xFFFFFEE0] =	vst v3;
	v3 =	vadd.s32 v61, v42  }
0x121: {  	v54 =	vadd.s32 v13, v45;
	v0 =	vld.idx.msk [tilespmem:v0+s3+$0x0], $0xffff;
	[tilespmem:s0+$0xFFFFFF70] =	vst v4  }
0x122: {  	v4 =	vadd.s32 v13, v46;
	v49 =	vld.idx.msk [tilespmem:v49+s3+$0x0], $0xffff;
	[tilespmem:s5+$0xFFFFFFC0] =	vst v5  }
0x123: {  	v5 =	vadd.s32 v61, v43;
	[tilespmem:s0+$0x180] =	vst v51;
	v55 =	vld.idx.msk [tilespmem:v52+s3+$0x0], $0xffff  }
0x124: {  	[tilespmem:s1+$0xF0] =	vst v50;
	v50 =	vadd.s32 v25, v41;
	v53 =	vld.idx.msk [tilespmem:v53+s3+$0x0], $0xffff  }
0x125: {  	[tilespmem:s10+$0x60] =	vst v1;
	v1 =	vld.idx.msk [tilespmem:v3+s3+$0x0], $0xffff;
	v3 =	vadd.s32 v31, v40  }
0x126: {  	[tilespmem:s10+$0xFFFFFE60] =	vst v2;
	v2 =	vld.idx.msk [tilespmem:v54+s3+$0x0], $0xffff;
	v54 =	vadd.s32 v26, v44  }
0x127: {  	v56 =	vld.idx.msk [tilespmem:v4+s3+$0x0], $0xffff;
	[tilespmem:s1+$0xFFFFFEF0] =	vst v0;
	v0 =	vadd.s32 v62, v42  }
0x128: {  	v57 =	vadd.s32 v14, v45;
	v51 =	vld.idx.msk [tilespmem:v5+s3+$0x0], $0xffff;
	[tilespmem:s0+$0xFFFFFF80] =	vst v49  }
.Ltmp0:
0x129: {  	v52 =	vadd.s32 v14, v46;
	v50 =	vld.idx.msk [tilespmem:v50+s3+$0x0], $0xffff;
	[tilespmem:s5+$0xFFFFFFD0] =	vst v55;
	(pc) =	sbr.rel @p0 .LBB2_2-.Ltmp0, $4  }
0x12a: {  	v49 =	vadd.s32 v62, v43;
	[tilespmem:s0+$0x190] =	vst v53;
	v4 =	vld.idx.msk [tilespmem:v3+s3+$0x0], $0xffff  }
0x12b: {  	[tilespmem:s1+$0x100] =	vst v1;
	v1 =	vadd.s32 v26, v41;
	v5 =	vld.idx.msk [tilespmem:v54+s3+$0x0], $0xffff  }
0x12c: {  	[tilespmem:s10+$0x70] =	vst v2;
	v3 =	vld.idx.msk [tilespmem:v0+s3+$0x0], $0xffff;
	v2 =	vadd.s32 v32, v40;
	v40 =	vmovc v41;
	v41 =	vmov v43;
	v43 =	vmov v46  }
0x12d: {  	s8 =	sadd.s32 $0x1, s7;
	s7 =	sadd.s32 $0x2, s7;
	v0 =	vadd.s32 v28, v44;
	v46 =	vmov v47;
	[tilespmem:s10+$0xFFFFFE70] =	vst v56;
	v53 =	vld.idx.msk [tilespmem:v57+s3+$0x0], $0xffff  }
0x12e: {  	v47 =	vmov s8  }
0x12f: {  	v47 =	vand.u32 $0x3F, v47  }
0x130: {  	v54 =	vadd.s32 v6, v47;
	_ =	sdelay $0x4  }
0x131: {  	v56 =	vadd.s32 v7, v46;
	v54 =	vld.idx.msk [tilespmem:v54+s3+$0x0], $0xffff  }
0x132: {  	v55 =	vadd.s32 v7, v47;
	_ =	sdelay $0x1  }
0x133: {  	s7 =	sadd.s32 $0x400, s10  }
0x134: {  	[tilespmem:s7+$0xFFFFFE00] =	vst v48  }
0x135: {  	v6 =	vld.idx.msk [tilespmem:v56+s3+$0x0], $0xffff;
	[tilespmem:s7+$0x0] =	vst v54  }
0x136: {  	v7 =	vadd.s32 v8, v47;
	v8 =	vadd.s32 v8, v46;
	v48 =	vld.idx.msk [tilespmem:v55+s3+$0x0], $0xffff;
	_ =	sdelay $0x3  }
0x137: {  	[tilespmem:s7+$0xFFFFFE10] =	vst v6  }
0x138: {  	v54 =	vld.idx.msk [tilespmem:v8+s3+$0x0], $0xffff;
	[tilespmem:s7+$0x10] =	vst v48  }
0x139: {  	v48 =	vld.idx.msk [tilespmem:v7+s3+$0x0], $0xffff;
	v7 =	vadd.s32 v9, v46  }
0x13a: {  	v6 =	vadd.s32 v9, v47;
	_ =	sdelay $0x2  }
0x13b: {  	[tilespmem:s7+$0xFFFFFE20] =	vst v54  }
0x13c: {  	[tilespmem:s7+$0x20] =	vst v48;
	v54 =	vld.idx.msk [tilespmem:v7+s3+$0x0], $0xffff  }
0x13d: {  	v9 =	vadd.s32 v10, v46;
	v48 =	vld.idx.msk [tilespmem:v6+s3+$0x0], $0xffff  }
0x13e: {  	v8 =	vadd.s32 v10, v47;
	_ =	sdelay $0x2  }
0x13f: {  	[tilespmem:s7+$0xFFFFFE30] =	vst v54  }
0x140: {  	[tilespmem:s7+$0x30] =	vst v48;
	v54 =	vld.idx.msk [tilespmem:v9+s3+$0x0], $0xffff  }
0x141: {  	v6 =	vadd.s32 v11, v46;
	v48 =	vld.idx.msk [tilespmem:v8+s3+$0x0], $0xffff  }
0x142: {  	v10 =	vadd.s32 v11, v47;
	_ =	sdelay $0x2  }
0x143: {  	[tilespmem:s7+$0xFFFFFE40] =	vst v54  }
0x144: {  	[tilespmem:s7+$0x40] =	vst v48;
	v54 =	vld.idx.msk [tilespmem:v6+s3+$0x0], $0xffff  }
0x145: {  	v8 =	vadd.s32 v12, v46;
	v48 =	vld.idx.msk [tilespmem:v10+s3+$0x0], $0xffff  }
0x146: {  	v7 =	vadd.s32 v12, v47;
	_ =	sdelay $0x2  }
0x147: {  	[tilespmem:s7+$0xFFFFFE50] =	vst v54  }
0x148: {  	[tilespmem:s7+$0x50] =	vst v48;
	v54 =	vld.idx.msk [tilespmem:v8+s3+$0x0], $0xffff  }
0x149: {  	v10 =	vadd.s32 v13, v46;
	v48 =	vld.idx.msk [tilespmem:v7+s3+$0x0], $0xffff  }
0x14a: {  	v9 =	vadd.s32 v13, v47;
	_ =	sdelay $0x2  }
0x14b: {  	[tilespmem:s7+$0xFFFFFE60] =	vst v54  }
0x14c: {  	[tilespmem:s7+$0x60] =	vst v48;
	v54 =	vld.idx.msk [tilespmem:v10+s3+$0x0], $0xffff  }
0x14d: {  	v12 =	vadd.s32 v14, v46;
	v48 =	vld.idx.msk [tilespmem:v9+s3+$0x0], $0xffff  }
0x14e: {  	v11 =	vadd.s32 v14, v47;
	_ =	sdelay $0x2  }
0x14f: {  	v52 =	vld.idx.msk [tilespmem:v52+s3+$0x0], $0xffff;
	v57 =	vadd.s32 v15, v45;
	[tilespmem:s7+$0xFFFFFE70] =	vst v54  }
0x150: {  	v13 =	vadd.s32 v15, v43;
	[tilespmem:s7+$0x70] =	vst v48;
	v9 =	vld.idx.msk [tilespmem:v12+s3+$0x0], $0xffff  }
0x151: {  	v14 =	vld.idx.msk [tilespmem:v11+s3+$0x0], $0xffff;
	v11 =	vadd.s32 v15, v46  }
0x152: {  	v10 =	vadd.s32 v15, v47  }
0x153: {  	[tilespmem:s10+$0x80] =	vst v53  }
0x154: {  	[tilespmem:s10+$0xFFFFFE80] =	vst v52;
	v12 =	vld.idx.msk [tilespmem:v57+s3+$0x0], $0xffff  }
0x155: {  	v48 =	vld.idx.msk [tilespmem:v13+s3+$0x0], $0xffff;
	v13 =	vadd.s32 v16, v45;
	[tilespmem:s7+$0xFFFFFE80] =	vst v9  }
0x156: {  	[tilespmem:s7+$0x80] =	vst v14;
	v14 =	vadd.s32 v16, v43;
	v7 =	vld.idx.msk [tilespmem:v11+s3+$0x0], $0xffff  }
0x157: {  	[tilespmem:s1+$0xFFFFFF00] =	vst v51;
	v9 =	vadd.s32 v16, v46;
	v15 =	vld.idx.msk [tilespmem:v10+s3+$0x0], $0xffff  }
0x158: {  	[tilespmem:s0+$0xFFFFFF90] =	vst v50;
	v8 =	vadd.s32 v16, v47  }
0x159: {  	[tilespmem:s10+$0x90] =	vst v12  }
0x15a: {  	[tilespmem:s10+$0xFFFFFE90] =	vst v48;
	v10 =	vld.idx.msk [tilespmem:v13+s3+$0x0], $0xffff  }
0x15b: {  	v11 =	vadd.s32 v17, v45;
	v12 =	vld.idx.msk [tilespmem:v14+s3+$0x0], $0xffff;
	[tilespmem:s7+$0xFFFFFE90] =	vst v7  }
0x15c: {  	v13 =	vadd.s32 v17, v43;
	[tilespmem:s7+$0x90] =	vst v15;
	v50 =	vld.idx.msk [tilespmem:v9+s3+$0x0], $0xffff  }
0x15d: {  	[tilespmem:s5+$0xFFFFFFE0] =	vst v4;
	v16 =	vadd.s32 v17, v46;
	v14 =	vld.idx.msk [tilespmem:v8+s3+$0x0], $0xffff  }
0x15e: {  	[tilespmem:s0+$0x1A0] =	vst v5;
	v15 =	vadd.s32 v17, v47  }
0x15f: {  	v49 =	vld.idx.msk [tilespmem:v49+s3+$0x0], $0xffff;
	[tilespmem:s10+$0xA0] =	vst v10  }
0x160: {  	v48 =	vld.idx.msk [tilespmem:v11+s3+$0x0], $0xffff;
	[tilespmem:s10+$0xFFFFFEA0] =	vst v12  }
0x161: {  	v17 =	vadd.s32 v18, v45;
	v51 =	vld.idx.msk [tilespmem:v13+s3+$0x0], $0xffff;
	[tilespmem:s7+$0xFFFFFEA0] =	vst v50  }
0x162: {  	v56 =	vadd.s32 v18, v43;
	[tilespmem:s7+$0xA0] =	vst v14;
	v5 =	vld.idx.msk [tilespmem:v16+s3+$0x0], $0xffff  }
0x163: {  	[tilespmem:s1+$0x110] =	vst v3;
	v6 =	vmov v58;
	v58 =	vadd.s32 v18, v46;
	v4 =	vld.idx.msk [tilespmem:v15+s3+$0x0], $0xffff  }
0x164: {  	v1 =	vld.idx.msk [tilespmem:v1+s3+$0x0], $0xffff;
	[tilespmem:s1+$0xFFFFFF10] =	vst v49;
	v57 =	vadd.s32 v18, v47  }
0x165: {  	v2 =	vld.idx.msk [tilespmem:v2+s3+$0x0], $0xffff;
	[tilespmem:s10+$0xB0] =	vst v48  }
0x166: {  	v8 =	vadd.s32 v63, v42;
	v9 =	vld.idx.msk [tilespmem:v17+s3+$0x0], $0xffff;
	[tilespmem:s10+$0xFFFFFEB0] =	vst v51  }
0x167: {  	v10 =	vadd.s32 v19, v45;
	v11 =	vld.idx.msk [tilespmem:v56+s3+$0x0], $0xffff;
	[tilespmem:s7+$0xFFFFFEB0] =	vst v5  }
0x168: {  	v12 =	vadd.s32 v19, v43;
	[tilespmem:s7+$0xB0] =	vst v4;
	v5 =	vld.idx.msk [tilespmem:v58+s3+$0x0], $0xffff  }
0x169: {  	[tilespmem:s0+$0xFFFFFFA0] =	vst v1;
	v14 =	vadd.s32 v19, v46;
	v3 =	vld.idx.msk [tilespmem:v57+s3+$0x0], $0xffff  }
0x16a: {  	v0 =	vld.idx.msk [tilespmem:v0+s3+$0x0], $0xffff;
	[tilespmem:s5+$0xFFFFFFF0] =	vst v2;
	v13 =	vadd.s32 v19, v47  }
0x16b: {  	v48 =	vld.idx.msk [tilespmem:v8+s3+$0x0], $0xffff;
	v16 =	vadd.s32 v29, v44;
	[tilespmem:s10+$0xC0] =	vst v9  }
0x16c: {  	v15 =	vadd.s32 v63, v41;
	v51 =	vld.idx.msk [tilespmem:v10+s3+$0x0], $0xffff;
	[tilespmem:s10+$0xFFFFFEC0] =	vst v11  }
0x16d: {  	v17 =	vadd.s32 v59, v45;
	v4 =	vld.idx.msk [tilespmem:v12+s3+$0x0], $0xffff;
	[tilespmem:s7+$0xFFFFFEC0] =	vst v5  }
0x16e: {  	v56 =	vadd.s32 v59, v43;
	[tilespmem:s7+$0xC0] =	vst v3;
	v2 =	vld.idx.msk [tilespmem:v14+s3+$0x0], $0xffff  }
0x16f: {  	[tilespmem:s0+$0x1B0] =	vst v0;
	v57 =	vadd.s32 v59, v47;
	v59 =	vadd.s32 v59, v46;
	v1 =	vld.idx.msk [tilespmem:v13+s3+$0x0], $0xffff  }
0x170: {  	[tilespmem:s1+$0x120] =	vst v48;
	v50 =	vld.idx.msk [tilespmem:v16+s3+$0x0], $0xffff  }
0x171: {  	v16 =	vadd.s32 v30, v44;
	v58 =	vld.idx.msk [tilespmem:v15+s3+$0x0], $0xffff;
	[tilespmem:s10+$0xD0] =	vst v51  }
0x172: {  	v8 =	vadd.s32 v6, v42;
	v52 =	vld.idx.msk [tilespmem:v17+s3+$0x0], $0xffff;
	[tilespmem:s10+$0xFFFFFED0] =	vst v4  }
0x173: {  	v10 =	vadd.s32 v60, v45;
	v3 =	vld.idx.msk [tilespmem:v56+s3+$0x0], $0xffff;
	[tilespmem:s7+$0xFFFFFED0] =	vst v2  }
0x174: {  	v11 =	vadd.s32 v60, v43;
	[tilespmem:s7+$0xD0] =	vst v1;
	v13 =	vld.idx.msk [tilespmem:v59+s3+$0x0], $0xffff  }
0x175: {  	v15 =	vadd.s32 v60, v46;
	[tilespmem:s0+$0x1C0] =	vst v50;
	v0 =	vld.idx.msk [tilespmem:v57+s3+$0x0], $0xffff  }
0x176: {  	[tilespmem:s1+$0xFFFFFF20] =	vst v58;
	v12 =	vadd.s32 v60, v47;
	v60 =	vld.idx.msk [tilespmem:v16+s3+$0x0], $0xffff  }
0x177: {  	v9 =	vadd.s32 v6, v41;
	v14 =	vld.idx.msk [tilespmem:v8+s3+$0x0], $0xffff;
	[tilespmem:s10+$0xE0] =	vst v52  }
0x178: {  	v17 =	vadd.s32 v20, v42;
	v4 =	vld.idx.msk [tilespmem:v10+s3+$0x0], $0xffff;
	[tilespmem:s10+$0xFFFFFEE0] =	vst v3  }
0x179: {  	v56 =	vadd.s32 v61, v45;
	v1 =	vld.idx.msk [tilespmem:v11+s3+$0x0], $0xffff;
	[tilespmem:s7+$0xFFFFFEE0] =	vst v13  }
0x17a: {  	v57 =	vadd.s32 v61, v43;
	[tilespmem:s7+$0xE0] =	vst v0;
	v59 =	vld.idx.msk [tilespmem:v15+s3+$0x0], $0xffff  }
0x17b: {  	v58 =	vadd.s32 v61, v47;
	[tilespmem:s0+$0x1D0] =	vst v60;
	v61 =	vadd.s32 v61, v46;
	v2 =	vld.idx.msk [tilespmem:v12+s3+$0x0], $0xffff  }
0x17c: {  	v51 =	vld.idx.msk [tilespmem:v9+s3+$0x0], $0xffff;
	[tilespmem:s1+$0x130] =	vst v14  }
0x17d: {  	v8 =	vadd.s32 v20, v41;
	v52 =	vld.idx.msk [tilespmem:v17+s3+$0x0], $0xffff;
	[tilespmem:s10+$0xF0] =	vst v4  }
0x17e: {  	v9 =	vadd.s32 v31, v44;
	v3 =	vld.idx.msk [tilespmem:v56+s3+$0x0], $0xffff;
	[tilespmem:s10+$0xFFFFFEF0] =	vst v1  }
0x17f: {  	v10 =	vadd.s32 v62, v45;
	v0 =	vld.idx.msk [tilespmem:v57+s3+$0x0], $0xffff;
	[tilespmem:s7+$0xFFFFFEF0] =	vst v59  }
0x180: {  	v11 =	vadd.s32 v62, v43;
	[tilespmem:s7+$0xF0] =	vst v2;
	v13 =	vld.idx.msk [tilespmem:v61+s3+$0x0], $0xffff  }
0x181: {  	[tilespmem:s1+$0xFFFFFF30] =	vst v51;
	v15 =	vadd.s32 v62, v46;
	v5 =	vld.idx.msk [tilespmem:v58+s3+$0x0], $0xffff  }
0x182: {  	v14 =	vld.idx.msk [tilespmem:v8+s3+$0x0], $0xffff;
	[tilespmem:s1+$0x140] =	vst v52;
	v12 =	vadd.s32 v62, v47  }
0x183: {  	v17 =	vadd.s32 v21, v41;
	v4 =	vld.idx.msk [tilespmem:v9+s3+$0x0], $0xffff;
	[tilespmem:s10+$0x100] =	vst v3  }
0x184: {  	v16 =	vadd.s32 v21, v42;
	v1 =	vld.idx.msk [tilespmem:v10+s3+$0x0], $0xffff;
	[tilespmem:s10+$0xFFFFFF00] =	vst v0  }
0x185: {  	v54 =	vadd.s32 v63, v45;
	v2 =	vld.idx.msk [tilespmem:v11+s3+$0x0], $0xffff;
	[tilespmem:s7+$0xFFFFFF00] =	vst v13  }
0x186: {  	v55 =	vadd.s32 v63, v43;
	[tilespmem:s7+$0x100] =	vst v5;
	v57 =	vld.idx.msk [tilespmem:v15+s3+$0x0], $0xffff  }
0x187: {  	[tilespmem:s1+$0xFFFFFF40] =	vst v14;
	v59 =	vadd.s32 v63, v46;
	v48 =	vld.idx.msk [tilespmem:v12+s3+$0x0], $0xffff  }
0x188: {  	v56 =	vadd.s32 v63, v47;
	[tilespmem:s0+$0x1E0] =	vst v4;
	v3 =	vld.idx.msk [tilespmem:v17+s3+$0x0], $0xffff  }
0x189: {  	v60 =	vadd.s32 v32, v44;
	v58 =	vld.idx.msk [tilespmem:v16+s3+$0x0], $0xffff;
	[tilespmem:s10+$0x110] =	vst v1  }
0x18a: {  	v61 =	vadd.s32 v22, v42;
	v0 =	vld.idx.msk [tilespmem:v54+s3+$0x0], $0xffff;
	[tilespmem:s10+$0xFFFFFF10] =	vst v2  }
0x18b: {  	v62 =	vadd.s32 v6, v45;
	v5 =	vld.idx.msk [tilespmem:v55+s3+$0x0], $0xffff;
	[tilespmem:s7+$0xFFFFFF10] =	vst v57  }
0x18c: {  	v63 =	vadd.s32 v6, v43;
	[tilespmem:s7+$0x110] =	vst v48;
	v4 =	vld.idx.msk [tilespmem:v59+s3+$0x0], $0xffff  }
0x18d: {  	v9 =	vadd.s32 v6, v46;
	[tilespmem:s1+$0xFFFFFF50] =	vst v3;
	v49 =	vld.idx.msk [tilespmem:v56+s3+$0x0], $0xffff  }
0x18e: {  	v8 =	vadd.s32 v6, v47;
	v44 =	vld.idx.msk [tilespmem:v60+s3+$0x0], $0xffff;
	[tilespmem:s1+$0x150] =	vst v58  }
0x18f: {  	v10 =	vadd.s32 v22, v41;
	v1 =	vld.idx.msk [tilespmem:v61+s3+$0x0], $0xffff;
	[tilespmem:s10+$0x120] =	vst v0  }
0x190: {  	v11 =	vadd.s32 v28, v40;
	v2 =	vld.idx.msk [tilespmem:v62+s3+$0x0], $0xffff;
	[tilespmem:s10+$0xFFFFFF20] =	vst v5  }
0x191: {  	v12 =	vadd.s32 v20, v45;
	v48 =	vld.idx.msk [tilespmem:v63+s3+$0x0], $0xffff;
	[tilespmem:s7+$0xFFFFFF20] =	vst v4  }
0x192: {  	v13 =	vadd.s32 v20, v43;
	[tilespmem:s7+$0x120] =	vst v49;
	v3 =	vld.idx.msk [tilespmem:v9+s3+$0x0], $0xffff  }
0x193: {  	v16 =	vadd.s32 v20, v46;
	[tilespmem:s0+$0x1F0] =	vst v44;
	v50 =	vld.idx.msk [tilespmem:v8+s3+$0x0], $0xffff  }
0x194: {  	v14 =	vadd.s32 v20, v47;
	v15 =	vld.idx.msk [tilespmem:v10+s3+$0x0], $0xffff;
	[tilespmem:s1+$0x160] =	vst v1  }
0x195: {  	v17 =	vadd.s32 v23, v42;
	v0 =	vld.idx.msk [tilespmem:v11+s3+$0x0], $0xffff;
	[tilespmem:s10+$0x130] =	vst v2  }
0x196: {  	v54 =	vadd.s32 v23, v41;
	v5 =	vld.idx.msk [tilespmem:v12+s3+$0x0], $0xffff;
	[tilespmem:s10+$0xFFFFFF30] =	vst v48  }
0x197: {  	v55 =	vadd.s32 v21, v45;
	v49 =	vld.idx.msk [tilespmem:v13+s3+$0x0], $0xffff;
	[tilespmem:s7+$0xFFFFFF30] =	vst v3  }
0x198: {  	v56 =	vadd.s32 v21, v43;
	[tilespmem:s7+$0x130] =	vst v50;
	v1 =	vld.idx.msk [tilespmem:v16+s3+$0x0], $0xffff  }
0x199: {  	[tilespmem:s1+$0xFFFFFF60] =	vst v15;
	v59 =	vadd.s32 v21, v46;
	v4 =	vld.idx.msk [tilespmem:v14+s3+$0x0], $0xffff  }
0x19a: {  	v57 =	vadd.s32 v21, v47;
	v58 =	vld.idx.msk [tilespmem:v17+s3+$0x0], $0xffff;
	[tilespmem:s0+$0xFFFFFFB0] =	vst v0  }
0x19b: {  	v60 =	vadd.s32 v29, v40;
	v2 =	vld.idx.msk [tilespmem:v54+s3+$0x0], $0xffff;
	[tilespmem:s10+$0x140] =	vst v5  }
0x19c: {  	v61 =	vadd.s32 v24, v42;
	v48 =	vld.idx.msk [tilespmem:v55+s3+$0x0], $0xffff;
	[tilespmem:s10+$0xFFFFFF40] =	vst v49  }
0x19d: {  	v62 =	vadd.s32 v22, v45;
	v50 =	vld.idx.msk [tilespmem:v56+s3+$0x0], $0xffff;
	[tilespmem:s7+$0xFFFFFF40] =	vst v1  }
0x19e: {  	v63 =	vadd.s32 v22, v43;
	[tilespmem:s7+$0x140] =	vst v4;
	v0 =	vld.idx.msk [tilespmem:v59+s3+$0x0], $0xffff  }
0x19f: {  	v10 =	vadd.s32 v22, v46;
	[tilespmem:s1+$0x170] =	vst v58;
	v3 =	vld.idx.msk [tilespmem:v57+s3+$0x0], $0xffff  }
0x1a0: {  	v9 =	vld.idx.msk [tilespmem:v60+s3+$0x0], $0xffff;
	v8 =	vadd.s32 v22, v47;
	[tilespmem:s1+$0xFFFFFF70] =	vst v2  }
0x1a1: {  	v11 =	vadd.s32 v24, v41;
	v5 =	vld.idx.msk [tilespmem:v61+s3+$0x0], $0xffff;
	[tilespmem:s10+$0x150] =	vst v48  }
0x1a2: {  	v12 =	vadd.s32 v30, v40;
	v49 =	vld.idx.msk [tilespmem:v62+s3+$0x0], $0xffff;
	[tilespmem:s10+$0xFFFFFF50] =	vst v50  }
0x1a3: {  	v13 =	vadd.s32 v23, v45;
	v4 =	vld.idx.msk [tilespmem:v63+s3+$0x0], $0xffff;
	[tilespmem:s7+$0xFFFFFF50] =	vst v0  }
0x1a4: {  	v14 =	vadd.s32 v23, v43;
	[tilespmem:s7+$0x150] =	vst v3;
	v2 =	vld.idx.msk [tilespmem:v10+s3+$0x0], $0xffff  }
0x1a5: {  	v17 =	vadd.s32 v23, v46;
	[tilespmem:s0+$0xFFFFFFC0] =	vst v9;
	v1 =	vld.idx.msk [tilespmem:v8+s3+$0x0], $0xffff  }
0x1a6: {  	v15 =	vadd.s32 v23, v47;
	v16 =	vld.idx.msk [tilespmem:v11+s3+$0x0], $0xffff;
	[tilespmem:s1+$0x180] =	vst v5  }
0x1a7: {  	v54 =	vadd.s32 v25, v42;
	v48 =	vld.idx.msk [tilespmem:v12+s3+$0x0], $0xffff;
	[tilespmem:s10+$0x160] =	vst v49  }
0x1a8: {  	v55 =	vadd.s32 v25, v41;
	v50 =	vld.idx.msk [tilespmem:v13+s3+$0x0], $0xffff;
	[tilespmem:s10+$0xFFFFFF60] =	vst v4  }
0x1a9: {  	v56 =	vadd.s32 v24, v45;
	v3 =	vld.idx.msk [tilespmem:v14+s3+$0x0], $0xffff;
	[tilespmem:s7+$0xFFFFFF60] =	vst v2  }
0x1aa: {  	v57 =	vadd.s32 v24, v43;
	[tilespmem:s7+$0x160] =	vst v1;
	v5 =	vld.idx.msk [tilespmem:v17+s3+$0x0], $0xffff  }
0x1ab: {  	v60 =	vadd.s32 v24, v46;
	[tilespmem:s1+$0xFFFFFF80] =	vst v16;
	v0 =	vld.idx.msk [tilespmem:v15+s3+$0x0], $0xffff  }
0x1ac: {  	v58 =	vadd.s32 v24, v47;
	v59 =	vld.idx.msk [tilespmem:v54+s3+$0x0], $0xffff;
	[tilespmem:s0+$0xFFFFFFD0] =	vst v48  }
0x1ad: {  	v61 =	vadd.s32 v31, v40;
	v49 =	vld.idx.msk [tilespmem:v55+s3+$0x0], $0xffff;
	[tilespmem:s10+$0x170] =	vst v50  }
0x1ae: {  	v62 =	vadd.s32 v26, v42;
	v4 =	vld.idx.msk [tilespmem:v56+s3+$0x0], $0xffff;
	[tilespmem:s10+$0xFFFFFF70] =	vst v3  }
0x1af: {  	v63 =	vadd.s32 v25, v45;
	v1 =	vld.idx.msk [tilespmem:v57+s3+$0x0], $0xffff;
	[tilespmem:s7+$0xFFFFFF70] =	vst v5  }
0x1b0: {  	v8 =	vadd.s32 v25, v43;
	[tilespmem:s7+$0x170] =	vst v0;
	v10 =	vld.idx.msk [tilespmem:v60+s3+$0x0], $0xffff  }
0x1b1: {  	v12 =	vadd.s32 v25, v46;
	[tilespmem:s1+$0x190] =	vst v59;
	v2 =	vld.idx.msk [tilespmem:v58+s3+$0x0], $0xffff  }
0x1b2: {  	v9 =	vadd.s32 v25, v47;
	v11 =	vld.idx.msk [tilespmem:v61+s3+$0x0], $0xffff;
	[tilespmem:s1+$0xFFFFFF90] =	vst v49  }
0x1b3: {  	v13 =	vadd.s32 v26, v41;
	v50 =	vld.idx.msk [tilespmem:v62+s3+$0x0], $0xffff;
	[tilespmem:s10+$0x180] =	vst v4  }
0x1b4: {  	v14 =	vadd.s32 v32, v40;
	v3 =	vld.idx.msk [tilespmem:v63+s3+$0x0], $0xffff;
	[tilespmem:s10+$0xFFFFFF80] =	vst v1  }
0x1b5: {  	v15 =	vadd.s32 v26, v45;
	v0 =	vld.idx.msk [tilespmem:v8+s3+$0x0], $0xffff;
	[tilespmem:s7+$0xFFFFFF80] =	vst v10  }
0x1b6: {  	v16 =	vadd.s32 v26, v43;
	[tilespmem:s7+$0x180] =	vst v2;
	v44 =	vld.idx.msk [tilespmem:v12+s3+$0x0], $0xffff  }
0x1b7: {  	v53 =	vadd.s32 v26, v46;
	[tilespmem:s0+$0xFFFFFFE0] =	vst v11;
	v5 =	vld.idx.msk [tilespmem:v9+s3+$0x0], $0xffff  }
0x1b8: {  	v17 =	vadd.s32 v26, v47;
	v52 =	vld.idx.msk [tilespmem:v13+s3+$0x0], $0xffff;
	[tilespmem:s1+$0x1A0] =	vst v50  }
0x1b9: {  	v54 =	vadd.s32 v28, v42;
	v4 =	vld.idx.msk [tilespmem:v14+s3+$0x0], $0xffff;
	[tilespmem:s10+$0x190] =	vst v3  }
0x1ba: {  	v55 =	vadd.s32 v28, v41;
	v1 =	vld.idx.msk [tilespmem:v15+s3+$0x0], $0xffff;
	[tilespmem:s10+$0xFFFFFF90] =	vst v0  }
0x1bb: {  	v56 =	vadd.s32 v28, v45;
	v2 =	vld.idx.msk [tilespmem:v16+s3+$0x0], $0xffff;
	[tilespmem:s7+$0xFFFFFF90] =	vst v44  }
0x1bc: {  	v57 =	vadd.s32 v28, v43;
	[tilespmem:s7+$0x190] =	vst v5;
	v59 =	vld.idx.msk [tilespmem:v53+s3+$0x0], $0xffff  }
0x1bd: {  	v61 =	vadd.s32 v28, v46;
	[tilespmem:s1+$0xFFFFFFA0] =	vst v52;
	v40 =	vld.idx.msk [tilespmem:v17+s3+$0x0], $0xffff  }
0x1be: {  	v60 =	vld.idx.msk [tilespmem:v54+s3+$0x0], $0xffff;
	v58 =	vadd.s32 v28, v47;
	[tilespmem:s0+$0xFFFFFFF0] =	vst v4  }
0x1bf: {  	v62 =	vadd.s32 v29, v42;
	v3 =	vld.idx.msk [tilespmem:v55+s3+$0x0], $0xffff;
	[tilespmem:s10+$0x1A0] =	vst v1  }
0x1c0: {  	v63 =	vadd.s32 v29, v41;
	v0 =	vld.idx.msk [tilespmem:v56+s3+$0x0], $0xffff;
	[tilespmem:s10+$0xFFFFFFA0] =	vst v2  }
0x1c1: {  	v8 =	vadd.s32 v29, v45;
	v5 =	vld.idx.msk [tilespmem:v57+s3+$0x0], $0xffff;
	[tilespmem:s7+$0xFFFFFFA0] =	vst v59  }
0x1c2: {  	v9 =	vadd.s32 v29, v43;
	[tilespmem:s7+$0x1A0] =	vst v40;
	v4 =	vld.idx.msk [tilespmem:v61+s3+$0x0], $0xffff  }
0x1c3: {  	v11 =	vadd.s32 v29, v46;
	[tilespmem:s1+$0x1B0] =	vst v60;
	v44 =	vld.idx.msk [tilespmem:v58+s3+$0x0], $0xffff  }
0x1c4: {  	v10 =	vadd.s32 v29, v47;
	v49 =	vld.idx.msk [tilespmem:v62+s3+$0x0], $0xffff;
	[tilespmem:s1+$0xFFFFFFB0] =	vst v3  }
0x1c5: {  	v12 =	vadd.s32 v30, v42;
	v1 =	vld.idx.msk [tilespmem:v63+s3+$0x0], $0xffff;
	[tilespmem:s10+$0x1B0] =	vst v0  }
0x1c6: {  	v13 =	vadd.s32 v30, v41;
	v2 =	vld.idx.msk [tilespmem:v8+s3+$0x0], $0xffff;
	[tilespmem:s10+$0xFFFFFFB0] =	vst v5  }
0x1c7: {  	v14 =	vadd.s32 v30, v45;
	v40 =	vld.idx.msk [tilespmem:v9+s3+$0x0], $0xffff;
	[tilespmem:s7+$0xFFFFFFB0] =	vst v4  }
0x1c8: {  	v15 =	vadd.s32 v30, v43;
	[tilespmem:s7+$0x1B0] =	vst v44;
	v3 =	vld.idx.msk [tilespmem:v11+s3+$0x0], $0xffff  }
0x1c9: {  	[tilespmem:s1+$0x1C0] =	vst v49;
	v17 =	vadd.s32 v30, v46;
	v48 =	vld.idx.msk [tilespmem:v10+s3+$0x0], $0xffff  }
0x1ca: {  	v16 =	vadd.s32 v30, v47;
	v49 =	vld.idx.msk [tilespmem:v12+s3+$0x0], $0xffff;
	[tilespmem:s1+$0xFFFFFFC0] =	vst v1  }
0x1cb: {  	v52 =	vadd.s32 v31, v42;
	v0 =	vld.idx.msk [tilespmem:v13+s3+$0x0], $0xffff;
	[tilespmem:s10+$0x1C0] =	vst v2  }
0x1cc: {  	v53 =	vadd.s32 v31, v41;
	v5 =	vld.idx.msk [tilespmem:v14+s3+$0x0], $0xffff;
	[tilespmem:s10+$0xFFFFFFC0] =	vst v40  }
0x1cd: {  	v54 =	vadd.s32 v31, v45;
	v44 =	vld.idx.msk [tilespmem:v15+s3+$0x0], $0xffff;
	[tilespmem:s7+$0xFFFFFFC0] =	vst v3  }
0x1ce: {  	v55 =	vadd.s32 v31, v43;
	[tilespmem:s7+$0x1C0] =	vst v48;
	v1 =	vld.idx.msk [tilespmem:v17+s3+$0x0], $0xffff  }
0x1cf: {  	[tilespmem:s1+$0x1D0] =	vst v49;
	v57 =	vadd.s32 v31, v46;
	v4 =	vld.idx.msk [tilespmem:v16+s3+$0x0], $0xffff  }
0x1d0: {  	v56 =	vadd.s32 v31, v47;
	v49 =	vld.idx.msk [tilespmem:v52+s3+$0x0], $0xffff;
	[tilespmem:s1+$0xFFFFFFD0] =	vst v0  }
0x1d1: {  	v58 =	vadd.s32 v32, v42;
	v2 =	vld.idx.msk [tilespmem:v53+s3+$0x0], $0xffff;
	[tilespmem:s10+$0x1D0] =	vst v5  }
0x1d2: {  	v59 =	vadd.s32 v32, v41;
	v40 =	vld.idx.msk [tilespmem:v54+s3+$0x0], $0xffff;
	[tilespmem:s10+$0xFFFFFFD0] =	vst v44  }
0x1d3: {  	v60 =	vadd.s32 v32, v45;
	v44 =	vld.idx.msk [tilespmem:v55+s3+$0x0], $0xffff;
	[tilespmem:s7+$0xFFFFFFD0] =	vst v1  }
0x1d4: {  	v61 =	vadd.s32 v32, v43;
	[tilespmem:s7+$0x1D0] =	vst v4;
	v0 =	vld.idx.msk [tilespmem:v57+s3+$0x0], $0xffff  }
0x1d5: {  	v63 =	vadd.s32 v32, v46;
	[tilespmem:s1+$0x1E0] =	vst v49;
	v3 =	vld.idx.msk [tilespmem:v56+s3+$0x0], $0xffff  }
0x1d6: {  	v62 =	vadd.s32 v32, v47;
	v42 =	vld.idx.msk [tilespmem:v58+s3+$0x0], $0xffff;
	[tilespmem:s1+$0xFFFFFFE0] =	vst v2  }
0x1d7: {  	v5 =	vld.idx.msk [tilespmem:v59+s3+$0x0], $0xffff;
	[tilespmem:s10+$0x1E0] =	vst v40  }
0x1d8: {  	v40 =	vld.idx.msk [tilespmem:v60+s3+$0x0], $0xffff;
	[tilespmem:s10+$0xFFFFFFE0] =	vst v44  }
0x1d9: {  	v4 =	vld.idx.msk [tilespmem:v61+s3+$0x0], $0xffff;
	[tilespmem:s7+$0xFFFFFFE0] =	vst v0  }
0x1da: {  	[tilespmem:s7+$0x1E0] =	vst v3;
	v0 =	vld.idx.msk [tilespmem:v63+s3+$0x0], $0xffff  }
0x1db: {  	[tilespmem:s1+$0x1F0] =	vst v42;
	v1 =	vld.idx.msk [tilespmem:v62+s3+$0x0], $0xffff  }
0x1dc: {  	[tilespmem:s1+$0xFFFFFFF0] =	vst v5  }
0x1dd: {  	[tilespmem:s10+$0x1F0] =	vst v40  }
0x1de: {  	[tilespmem:s10+$0xFFFFFFF0] =	vst v4  }
0x1df: {  	[tilespmem:s7+$0xFFFFFFF0] =	vst v0  }
0x1e0: {  	s16 =	simm.s32 $0x7000;
	[tilespmem:s7+$0x1F0] =	vst v1  }
0x1e1: {  	[tilespmem:s11], [sflag:$0x1] =	stream.indirect.gather [hbm4b:s4+s9], $0x20, s16, s9, $0xb8;
	[tilespmem:$0x1D400] =	vst v63  }
0x1e2: {  	s17 =	simm.s32 $0x7080;
	s19 =	simm.s32 $0xE400  }
0x1e3: {  	[tilespmem:s19], [sflag:$0x1] =	stream.indirect.gather [hbm4b:s4+s9], $0x20, s17, s9, $0xb8;
	[tilespmem:$0x1D400] =	vst v63  }
0x1e4: {  	s20 =	simm.s32 $0x7100;
	s21 =	simm.s32 $0xF400;
	s29 =	simm.s32 $0x7180  }
0x1e5: {  	[tilespmem:s21], [sflag:$0x1] =	stream.indirect.gather [hbm4b:s4+s9], $0x20, s20, s9, $0xb8;
	[tilespmem:$0x1D400] =	vst v63  }
0x1e6: {  	s31 =	simm.s32 $0x10400;
	s0 =	simm.s32 $0x0;
	s1 =	simm.s32 $0x0  }
0x1e7: {  	[tilespmem:s31], [sflag:$0x1] =	stream.indirect.gather [hbm4b:s4+s9], $0x20, s29, s9, $0xb8;
	[tilespmem:$0x1D400] =	vst v63  }
.LBB2_4:
0x1e8: {  	s10 =	sshllo.u32 s0, $0x1  }
0x1e9: {  	s5 =	sshll.u32 s10, $0x9  }
0x1ea: {  	s5 =	sand.u32 $0x3FFFFE00, s5  }
0x1eb: {  	s7 =	sadd.s32 $0x7000, s5  }
0x1ec: {  	[tilespmem:s18], [sflag:$0x2] =	stream.indirect.gather [hbm4b:s4+s9], $0x20, s7, s9, $0xb8;
	[tilespmem:$0x1D400] =	vst v63  }
0x1ed: {  	s8 =	simm.s32 $0x12400;
	s31 =	sadd.s32 $0x7080, s5  }
0x1ee: {  	[tilespmem:s8], [sflag:$0x2] =	stream.indirect.gather [hbm4b:s4+s9], $0x20, s31, s9, $0xb8;
	[tilespmem:$0x1D400] =	vst v63  }
0x1ef: {  	s12 =	simm.s32 $0x13400;
	s8 =	sadd.s32 $0x7100, s5  }
0x1f0: {  	[tilespmem:s12], [sflag:$0x2] =	stream.indirect.gather [hbm4b:s4+s9], $0x20, s8, s9, $0xb8;
	[tilespmem:$0x1D400] =	vst v63  }
0x1f1: {  	s13 =	simm.s32 $0x14400;
	p0 =	seq.s32 s0, $0x0;
	s5 =	sadd.s32 $0x7180, s5  }
0x1f2: {  	[tilespmem:s13], [sflag:$0x2] =	stream.indirect.gather [hbm4b:s4+s9], $0x20, s5, s9, $0xb8;
	[tilespmem:$0x1D400] =	vst v63  }
0x1f3: {  	s5 =	simm.s32 @!p0 $0x3  }
0x1f4: {  	_ =	swait.ge @!p0 [sflag:s5], $0x4000  }
0x1f5: {  	[sflag:s5] =	ssyncset.done @!p0 $0x0  }
0x1f6: {  	[sflag:s5] =	ssyncadd.s32 @!p0 $0xFFFFC000  }
0x1f7: {  	_ =	swait.ge [sflag:s22], $0x1000  }
0x1f8: {  	[sflag:s22] =	ssyncset.done $0x0  }
0x1f9: {  	[sflag:s22] =	ssyncadd.s32 $0xFFFFF000  }
0x1fa: {  	s14 =	sand.u32 $0x180, s1;
	_ =	swait.ge [sflag:s22], $0x1000  }
0x1fb: {  	v0 =	vmov s14;
	[sflag:s22] =	ssyncset.done $0x0  }
0x1fc: {  	s15 =	simm.s32 $0x3;
	v0 =	vshll.u32 v0, $0x5;
	[sflag:s22] =	ssyncadd.s32 $0xFFFFF000  }
0x1fd: {  	v46 =	vor.u32 v27, v0;
	s31 =	sand.u32 $0x7, s15;
	_ =	swait.ge [sflag:s22], $0x1000  }
0x1fe: {  	s16 =	simm.s32 $0x1;
	v1 =	vor.u32 s31, v46;
	s8 =	sand.u32 $0x4, s1;
	[sflag:s22] =	ssyncset.done $0x0  }
0x1ff: {  	s17 =	simm.s32 $0x2;
	s29 =	sand.u32 $0x5, s16;
	v2 =	vor.u32 s8, v46;
	[sflag:s22] =	ssyncadd.s32 $0xFFFFF000  }
0x200: {  	s7 =	sand.u32 $0x6, s17;
	v3 =	vor.u32 s29, v46;
	_ =	swait.ge [sflag:s22], $0x1000  }
0x201: {  	v4 =	vor.u32 s7, v46;
	[sflag:s22] =	ssyncset.done $0x0  }
0x202: {  	[sflag:s22] =	ssyncadd.s32 $0xFFFFF000  }
0x203: {  	v47 =	vor.u32 v39, v0;
	v1 =	vld.idx.msk [tilespmem:v1+s11+$0x0], $0xffff  }
0x204: {  	v5 =	vor.u32 s31, v47;
	v2 =	vld.idx.msk [tilespmem:v2+s11+$0x0], $0xffff  }
0x205: {  	v40 =	vor.u32 s8, v47;
	v3 =	vld.idx.msk [tilespmem:v3+s11+$0x0], $0xffff  }
0x206: {  	v41 =	vor.u32 s29, v47;
	v4 =	vld.idx.msk [tilespmem:v4+s11+$0x0], $0xffff  }
0x207: {  	v42 =	vor.u32 s7, v47;
	s12 =	simm.s32 $0x17400  }
0x208: {  	[tilespmem:s12+$0xFFFFE180] =	vst v1  }
0x209: {  	v53 =	vor.u32 v38, v0;
	[tilespmem:s12+$0xFFFFE000] =	vst v2;
	v1 =	vld.idx.msk [tilespmem:v5+s11+$0x0], $0xffff  }
0x20a: {  	v2 =	vor.u32 s31, v53;
	[tilespmem:s12+$0xFFFFE080] =	vst v3;
	v5 =	vld.idx.msk [tilespmem:v40+s11+$0x0], $0xffff  }
0x20b: {  	v3 =	vor.u32 s8, v53;
	[tilespmem:s12+$0xFFFFE100] =	vst v4;
	v8 =	vld.idx.msk [tilespmem:v41+s11+$0x0], $0xffff  }
0x20c: {  	v4 =	vor.u32 s29, v53;
	v9 =	vld.idx.msk [tilespmem:v42+s11+$0x0], $0xffff  }
0x20d: {  	v10 =	vor.u32 s7, v53  }
0x20e: {  	[tilespmem:s12+$0xFFFFE190] =	vst v1  }
0x20f: {  	v52 =	vor.u32 v37, v0;
	[tilespmem:s12+$0xFFFFE010] =	vst v5;
	v1 =	vld.idx.msk [tilespmem:v2+s11+$0x0], $0xffff  }
0x210: {  	[tilespmem:s12+$0xFFFFE090] =	vst v8;
	v2 =	vor.u32 s31, v52;
	v3 =	vld.idx.msk [tilespmem:v3+s11+$0x0], $0xffff  }
0x211: {  	v5 =	vor.u32 s8, v52;
	[tilespmem:s12+$0xFFFFE110] =	vst v9;
	v4 =	vld.idx.msk [tilespmem:v4+s11+$0x0], $0xffff  }
0x212: {  	v11 =	vor.u32 s29, v52;
	v41 =	vld.idx.msk [tilespmem:v10+s11+$0x0], $0xffff  }
0x213: {  	v12 =	vor.u32 s7, v52  }
0x214: {  	[tilespmem:s12+$0xFFFFE1A0] =	vst v1  }
0x215: {  	v51 =	vor.u32 v36, v0;
	[tilespmem:s12+$0xFFFFE020] =	vst v3;
	v1 =	vld.idx.msk [tilespmem:v2+s11+$0x0], $0xffff  }
0x216: {  	[tilespmem:s12+$0xFFFFE0A0] =	vst v4;
	v2 =	vor.u32 s31, v51;
	v3 =	vld.idx.msk [tilespmem:v5+s11+$0x0], $0xffff  }
0x217: {  	v4 =	vor.u32 s8, v51;
	[tilespmem:s12+$0xFFFFE120] =	vst v41;
	v5 =	vld.idx.msk [tilespmem:v11+s11+$0x0], $0xffff  }
0x218: {  	v13 =	vor.u32 s29, v51;
	v41 =	vld.idx.msk [tilespmem:v12+s11+$0x0], $0xffff  }
0x219: {  	v14 =	vor.u32 s7, v51  }
0x21a: {  	[tilespmem:s12+$0xFFFFE1B0] =	vst v1  }
0x21b: {  	v50 =	vor.u32 v35, v0;
	[tilespmem:s12+$0xFFFFE030] =	vst v3;
	v1 =	vld.idx.msk [tilespmem:v2+s11+$0x0], $0xffff  }
0x21c: {  	[tilespmem:s12+$0xFFFFE0B0] =	vst v5;
	v2 =	vor.u32 s31, v50;
	v3 =	vld.idx.msk [tilespmem:v4+s11+$0x0], $0xffff  }
0x21d: {  	[tilespmem:s12+$0xFFFFE130] =	vst v41;
	v4 =	vor.u32 s8, v50;
	v5 =	vld.idx.msk [tilespmem:v13+s11+$0x0], $0xffff  }
0x21e: {  	v15 =	vor.u32 s29, v50;
	v41 =	vld.idx.msk [tilespmem:v14+s11+$0x0], $0xffff  }
0x21f: {  	v16 =	vor.u32 s7, v50  }
0x220: {  	[tilespmem:s12+$0xFFFFE1C0] =	vst v1  }
0x221: {  	v49 =	vor.u32 v34, v0;
	[tilespmem:s12+$0xFFFFE040] =	vst v3;
	v1 =	vld.idx.msk [tilespmem:v2+s11+$0x0], $0xffff  }
0x222: {  	[tilespmem:s12+$0xFFFFE0C0] =	vst v5;
	v2 =	vor.u32 s31, v49;
	v3 =	vld.idx.msk [tilespmem:v4+s11+$0x0], $0xffff  }
0x223: {  	[tilespmem:s12+$0xFFFFE140] =	vst v41;
	v4 =	vor.u32 s8, v49;
	v5 =	vld.idx.msk [tilespmem:v15+s11+$0x0], $0xffff  }
0x224: {  	v17 =	vor.u32 s29, v49;
	v41 =	vld.idx.msk [tilespmem:v16+s11+$0x0], $0xffff  }
0x225: {  	v45 =	vor.u32 s7, v49  }
0x226: {  	[tilespmem:s12+$0xFFFFE1D0] =	vst v1  }
0x227: {  	v48 =	vor.u32 v33, v0;
	[tilespmem:s12+$0xFFFFE050] =	vst v3;
	v1 =	vld.idx.msk [tilespmem:v2+s11+$0x0], $0xffff  }
0x228: {  	v0 =	vor.u32 s31, v48;
	[tilespmem:s12+$0xFFFFE0D0] =	vst v5;
	v2 =	vld.idx.msk [tilespmem:v4+s11+$0x0], $0xffff  }
0x229: {  	v3 =	vor.u32 s8, v48;
	[tilespmem:s12+$0xFFFFE150] =	vst v41;
	v4 =	vld.idx.msk [tilespmem:v17+s11+$0x0], $0xffff  }
0x22a: {  	v5 =	vor.u32 s29, v48;
	v54 =	vld.idx.msk [tilespmem:v45+s11+$0x0], $0xffff  }
0x22b: {  	v55 =	vor.u32 s7, v48  }
0x22c: {  	[tilespmem:s12+$0xFFFFE1E0] =	vst v1  }
0x22d: {  	v1 =	vor.u32 $0x8, v46;
	[tilespmem:s12+$0xFFFFE060] =	vst v2;
	v0 =	vld.idx.msk [tilespmem:v0+s11+$0x0], $0xffff  }
0x22e: {  	[tilespmem:s12+$0xFFFFE0E0] =	vst v4;
	v2 =	vor.u32 s31, v1;
	v3 =	vld.idx.msk [tilespmem:v3+s11+$0x0], $0xffff  }
0x22f: {  	[tilespmem:s12+$0xFFFFE160] =	vst v54;
	v4 =	vor.u32 s8, v1;
	v5 =	vld.idx.msk [tilespmem:v5+s11+$0x0], $0xffff  }
0x230: {  	v56 =	vor.u32 s29, v1;
	v41 =	vld.idx.msk [tilespmem:v55+s11+$0x0], $0xffff  }
0x231: {  	v1 =	vor.u32 s7, v1  }
0x232: {  	[tilespmem:s12+$0xFFFFE1F0] =	vst v0  }
0x233: {  	[tilespmem:s12+$0xFFFFE070] =	vst v3;
	v0 =	vld.idx.msk [tilespmem:v2+s11+$0x0], $0xffff;
	v2 =	vor.u32 $0x8, v47  }
0x234: {  	[tilespmem:s12+$0xFFFFE0F0] =	vst v5;
	v4 =	vld.idx.msk [tilespmem:v4+s11+$0x0], $0xffff;
	v3 =	vor.u32 s31, v2  }
0x235: {  	[tilespmem:s12+$0xFFFFE170] =	vst v41;
	v40 =	vld.idx.msk [tilespmem:v56+s11+$0x0], $0xffff;
	v5 =	vor.u32 s8, v2  }
0x236: {  	v1 =	vld.idx.msk [tilespmem:v1+s11+$0x0], $0xffff;
	v57 =	vor.u32 s29, v2  }
0x237: {  	v2 =	vor.u32 s7, v2  }
0x238: {  	[tilespmem:s12+$0xFFFFF180] =	vst v0  }
0x239: {  	[tilespmem:s12+$0xFFFFF000] =	vst v4;
	v0 =	vld.idx.msk [tilespmem:v3+s11+$0x0], $0xffff;
	v3 =	vor.u32 $0x8, v53  }
0x23a: {  	[tilespmem:s12+$0xFFFFF080] =	vst v40;
	v5 =	vld.idx.msk [tilespmem:v5+s11+$0x0], $0xffff;
	v4 =	vor.u32 s31, v3  }
0x23b: {  	[tilespmem:s12+$0xFFFFF100] =	vst v1;
	v41 =	vld.idx.msk [tilespmem:v57+s11+$0x0], $0xffff;
	v58 =	vor.u32 s8, v3  }
0x23c: {  	v2 =	vld.idx.msk [tilespmem:v2+s11+$0x0], $0xffff;
	v1 =	vor.u32 s29, v3  }
0x23d: {  	v3 =	vor.u32 s7, v3  }
0x23e: {  	[tilespmem:s12+$0xFFFFF190] =	vst v0  }
0x23f: {  	[tilespmem:s12+$0xFFFFF010] =	vst v5;
	v0 =	vld.idx.msk [tilespmem:v4+s11+$0x0], $0xffff;
	v4 =	vor.u32 $0x8, v52  }
0x240: {  	[tilespmem:s12+$0xFFFFF090] =	vst v41;
	v40 =	vld.idx.msk [tilespmem:v58+s11+$0x0], $0xffff;
	v5 =	vor.u32 s31, v4  }
0x241: {  	[tilespmem:s12+$0xFFFFF110] =	vst v2;
	v1 =	vld.idx.msk [tilespmem:v1+s11+$0x0], $0xffff;
	v59 =	vor.u32 s8, v4  }
0x242: {  	v3 =	vld.idx.msk [tilespmem:v3+s11+$0x0], $0xffff;
	v2 =	vor.u32 s29, v4  }
0x243: {  	v4 =	vor.u32 s7, v4  }
0x244: {  	[tilespmem:s12+$0xFFFFF1A0] =	vst v0  }
0x245: {  	[tilespmem:s12+$0xFFFFF020] =	vst v40;
	v0 =	vld.idx.msk [tilespmem:v5+s11+$0x0], $0xffff;
	v5 =	vor.u32 $0x8, v51  }
0x246: {  	[tilespmem:s12+$0xFFFFF0A0] =	vst v1;
	v41 =	vld.idx.msk [tilespmem:v59+s11+$0x0], $0xffff;
	v60 =	vor.u32 s31, v5  }
0x247: {  	[tilespmem:s12+$0xFFFFF120] =	vst v3;
	v2 =	vld.idx.msk [tilespmem:v2+s11+$0x0], $0xffff;
	v1 =	vor.u32 s8, v5  }
0x248: {  	v4 =	vld.idx.msk [tilespmem:v4+s11+$0x0], $0xffff;
	v3 =	vor.u32 s29, v5  }
0x249: {  	v5 =	vor.u32 s7, v5  }
0x24a: {  	[tilespmem:s12+$0xFFFFF1B0] =	vst v0  }
0x24b: {  	v61 =	vor.u32 $0x8, v50;
	[tilespmem:s12+$0xFFFFF030] =	vst v41;
	v0 =	vld.idx.msk [tilespmem:v60+s11+$0x0], $0xffff  }
0x24c: {  	v62 =	vor.u32 s31, v61;
	[tilespmem:s12+$0xFFFFF0B0] =	vst v2;
	v1 =	vld.idx.msk [tilespmem:v1+s11+$0x0], $0xffff  }
0x24d: {  	v2 =	vor.u32 s8, v61;
	[tilespmem:s12+$0xFFFFF130] =	vst v4;
	v3 =	vld.idx.msk [tilespmem:v3+s11+$0x0], $0xffff  }
0x24e: {  	v4 =	vor.u32 s29, v61;
	v5 =	vld.idx.msk [tilespmem:v5+s11+$0x0], $0xffff  }
0x24f: {  	v40 =	vor.u32 s7, v61  }
0x250: {  	[tilespmem:s12+$0xFFFFF1C0] =	vst v0  }
0x251: {  	v63 =	vor.u32 $0x8, v49;
	[tilespmem:s12+$0xFFFFF040] =	vst v1;
	v0 =	vld.idx.msk [tilespmem:v62+s11+$0x0], $0xffff  }
0x252: {  	v1 =	vor.u32 s31, v63;
	[tilespmem:s12+$0xFFFFF0C0] =	vst v3;
	v2 =	vld.idx.msk [tilespmem:v2+s11+$0x0], $0xffff  }
0x253: {  	v3 =	vor.u32 s8, v63;
	[tilespmem:s12+$0xFFFFF140] =	vst v5;
	v4 =	vld.idx.msk [tilespmem:v4+s11+$0x0], $0xffff  }
0x254: {  	v5 =	vor.u32 s29, v63;
	v40 =	vld.idx.msk [tilespmem:v40+s11+$0x0], $0xffff  }
0x255: {  	v41 =	vor.u32 s7, v63  }
0x256: {  	[tilespmem:s12+$0xFFFFF1D0] =	vst v0  }
0x257: {  	[tilespmem:s12+$0xFFFFF050] =	vst v2;
	v0 =	vld.idx.msk [tilespmem:v1+s11+$0x0], $0xffff;
	v1 =	vor.u32 $0x8, v48  }
0x258: {  	[tilespmem:s12+$0xFFFFF0D0] =	vst v4;
	v3 =	vld.idx.msk [tilespmem:v3+s11+$0x0], $0xffff;
	v2 =	vor.u32 s31, v1  }
0x259: {  	[tilespmem:s12+$0xFFFFF150] =	vst v40;
	v5 =	vld.idx.msk [tilespmem:v5+s11+$0x0], $0xffff;
	v4 =	vor.u32 s8, v1  }
0x25a: {  	v41 =	vld.idx.msk [tilespmem:v41+s11+$0x0], $0xffff;
	v8 =	vor.u32 s29, v1  }
0x25b: {  	v1 =	vor.u32 s7, v1  }
0x25c: {  	[tilespmem:s12+$0xFFFFF1E0] =	vst v0  }
0x25d: {  	[tilespmem:s12+$0xFFFFF060] =	vst v3;
	v0 =	vld.idx.msk [tilespmem:v2+s11+$0x0], $0xffff;
	v2 =	vor.u32 $0x10, v46  }
0x25e: {  	[tilespmem:s12+$0xFFFFF0E0] =	vst v5;
	v4 =	vld.idx.msk [tilespmem:v4+s11+$0x0], $0xffff;
	v3 =	vor.u32 s31, v2  }
0x25f: {  	[tilespmem:s12+$0xFFFFF160] =	vst v41;
	v40 =	vld.idx.msk [tilespmem:v8+s11+$0x0], $0xffff;
	v5 =	vor.u32 s8, v2  }
0x260: {  	v1 =	vld.idx.msk [tilespmem:v1+s11+$0x0], $0xffff;
	v9 =	vor.u32 s29, v2  }
0x261: {  	v2 =	vor.u32 s7, v2  }
0x262: {  	[tilespmem:s12+$0xFFFFF1F0] =	vst v0  }
0x263: {  	[tilespmem:s12+$0xFFFFF070] =	vst v4;
	v0 =	vld.idx.msk [tilespmem:v3+s11+$0x0], $0xffff;
	v3 =	vor.u32 $0x10, v47  }
0x264: {  	[tilespmem:s12+$0xFFFFF0F0] =	vst v40;
	v5 =	vld.idx.msk [tilespmem:v5+s11+$0x0], $0xffff;
	v4 =	vor.u32 s31, v3  }
0x265: {  	[tilespmem:s12+$0xFFFFF170] =	vst v1;
	v41 =	vld.idx.msk [tilespmem:v9+s11+$0x0], $0xffff;
	v10 =	vor.u32 s8, v3  }
0x266: {  	v2 =	vld.idx.msk [tilespmem:v2+s11+$0x0], $0xffff;
	v1 =	vor.u32 s29, v3  }
0x267: {  	v3 =	vor.u32 s7, v3  }
0x268: {  	[tilespmem:s12+$0x180] =	vst v0  }
0x269: {  	s19 =	simm.s32 $0x40;
	[tilespmem:s12+$0x0] =	vst v5;
	v0 =	vld.idx.msk [tilespmem:v4+s11+$0x0], $0xffff;
	v4 =	vor.u32 $0x10, v53  }
0x26a: {  	s5 =	sand.u32 $0x180, s19;
	[tilespmem:s12+$0x80] =	vst v41;
	v11 =	vld.idx.msk [tilespmem:v10+s11+$0x0], $0xffff;
	v5 =	vor.u32 s31, v4  }
0x26b: {  	[tilespmem:s12+$0x100] =	vst v2;
	v2 =	vmov s5;
	v1 =	vld.idx.msk [tilespmem:v1+s11+$0x0], $0xffff;
	v12 =	vor.u32 s8, v4  }
0x26c: {  	s20 =	simm.s32 $0x7;
	v3 =	vld.idx.msk [tilespmem:v3+s11+$0x0], $0xffff;
	v54 =	vshll.u32 v2, $0x5;
	v43 =	vor.u32 s29, v4  }
0x26d: {  	s14 =	simm.s32 $0x4;
	s15 =	sand.u32 $0x7, s20;
	v2 =	vor.u32 s7, v4;
	v40 =	vor.u32 v27, v54  }
0x26e: {  	s21 =	simm.s32 $0x5;
	s16 =	sand.u32 $0x4, s14;
	v4 =	vor.u32 s15, v40;
	[tilespmem:s12+$0x190] =	vst v0  }
0x26f: {  	s17 =	sand.u32 $0x5, s21;
	s13 =	simm.s32 $0x6;
	v44 =	vor.u32 s16, v40;
	[tilespmem:s12+$0x10] =	vst v11;
	v0 =	vld.idx.msk [tilespmem:v5+s11+$0x0], $0xffff  }
0x270: {  	s5 =	sand.u32 $0x6, s13;
	v45 =	vor.u32 s17, v40;
	[tilespmem:s12+$0x90] =	vst v1;
	v1 =	vld.idx.msk [tilespmem:v12+s11+$0x0], $0xffff  }
0x271: {  	v14 =	vor.u32 s5, v40;
	[tilespmem:s12+$0x110] =	vst v3;
	v5 =	vor.u32 $0x10, v52;
	v3 =	vld.idx.msk [tilespmem:v43+s11+$0x0], $0xffff  }
0x272: {  	v2 =	vld.idx.msk [tilespmem:v2+s11+$0x0], $0xffff;
	v13 =	vor.u32 s31, v5  }
0x273: {  	v41 =	vor.u32 v39, v54;
	v55 =	vor.u32 s8, v5;
	v4 =	vld.idx.msk [tilespmem:v4+s11+$0x0], $0xffff  }
0x274: {  	v56 =	vor.u32 s15, v41;
	v44 =	vld.idx.msk [tilespmem:v44+s11+$0x0], $0xffff;
	[tilespmem:s12+$0x1A0] =	vst v0  }
0x275: {  	v45 =	vld.idx.msk [tilespmem:v45+s11+$0x0], $0xffff;
	[tilespmem:s12+$0x20] =	vst v1;
	v1 =	vor.u32 s16, v41  }
0x276: {  	v43 =	vld.idx.msk [tilespmem:v14+s11+$0x0], $0xffff;
	v0 =	vor.u32 s29, v5;
	[tilespmem:s12+$0xA0] =	vst v3  }
0x277: {  	s13 =	simm.s32 $0x17600;
	v3 =	vor.u32 s17, v41;
	[tilespmem:s12+$0x120] =	vst v2;
	v42 =	vld.idx.msk [tilespmem:v13+s11+$0x0], $0xffff  }
0x278: {  	v5 =	vor.u32 s7, v5;
	v55 =	vld.idx.msk [tilespmem:v55+s11+$0x0], $0xffff;
	[tilespmem:s13+$0xFFFFE180] =	vst v4  }
0x279: {  	v57 =	vor.u32 $0x10, v51;
	v4 =	vor.u32 s5, v41;
	[tilespmem:s13+$0xFFFFE000] =	vst v44;
	v56 =	vld.idx.msk [tilespmem:v56+s11+$0x0], $0xffff  }
0x27a: {  	v58 =	vor.u32 s31, v57;
	[tilespmem:s13+$0xFFFFE080] =	vst v45;
	v1 =	vld.idx.msk [tilespmem:v1+s11+$0x0], $0xffff  }
0x27b: {  	v15 =	vor.u32 s8, v57;
	[tilespmem:s13+$0xFFFFE100] =	vst v43;
	v0 =	vld.idx.msk [tilespmem:v0+s11+$0x0], $0xffff  }
0x27c: {  	v9 =	vor.u32 s29, v57;
	v3 =	vld.idx.msk [tilespmem:v3+s11+$0x0], $0xffff;
	[tilespmem:s12+$0x1B0] =	vst v42;
	v42 =	vor.u32 v38, v54  }
0x27d: {  	v5 =	vld.idx.msk [tilespmem:v5+s11+$0x0], $0xffff;
	[tilespmem:s12+$0x30] =	vst v55;
	v16 =	vor.u32 s15, v42  }
0x27e: {  	v4 =	vld.idx.msk [tilespmem:v4+s11+$0x0], $0xffff;
	v2 =	vor.u32 s16, v42;
	[tilespmem:s13+$0xFFFFE190] =	vst v56  }
0x27f: {  	v58 =	vld.idx.msk [tilespmem:v58+s11+$0x0], $0xffff;
	v17 =	vor.u32 s17, v42;
	[tilespmem:s13+$0xFFFFE010] =	vst v1  }
0x280: {  	v59 =	vor.u32 $0x10, v50;
	v8 =	vor.u32 s5, v42;
	v61 =	vld.idx.msk [tilespmem:v15+s11+$0x0], $0xffff;
	[tilespmem:s12+$0xB0] =	vst v0  }
0x281: {  	v60 =	vor.u32 s31, v59;
	[tilespmem:s13+$0xFFFFE090] =	vst v3;
	v12 =	vld.idx.msk [tilespmem:v9+s11+$0x0], $0xffff  }
0x282: {  	v14 =	vor.u32 s8, v59;
	[tilespmem:s12+$0x130] =	vst v5;
	v45 =	vld.idx.msk [tilespmem:v16+s11+$0x0], $0xffff  }
0x283: {  	v43 =	vor.u32 v37, v54;
	v1 =	vor.u32 s7, v57;
	[tilespmem:s13+$0xFFFFE110] =	vst v4;
	v2 =	vld.idx.msk [tilespmem:v2+s11+$0x0], $0xffff  }
0x284: {  	v3 =	vor.u32 s15, v43;
	[tilespmem:s12+$0x1C0] =	vst v58;
	v4 =	vld.idx.msk [tilespmem:v17+s11+$0x0], $0xffff  }
0x285: {  	v0 =	vor.u32 s16, v43;
	v56 =	vld.idx.msk [tilespmem:v8+s11+$0x0], $0xffff;
	[tilespmem:s12+$0x40] =	vst v61  }
0x286: {  	v5 =	vor.u32 s17, v43;
	v10 =	vld.idx.msk [tilespmem:v60+s11+$0x0], $0xffff;
	[tilespmem:s12+$0xC0] =	vst v12  }
0x287: {  	v13 =	vor.u32 s5, v43;
	v58 =	vor.u32 $0x10, v49;
	v57 =	vld.idx.msk [tilespmem:v14+s11+$0x0], $0xffff;
	[tilespmem:s13+$0xFFFFE1A0] =	vst v45  }
0x288: {  	v11 =	vor.u32 s31, v58;
	v1 =	vld.idx.msk [tilespmem:v1+s11+$0x0], $0xffff;
	[tilespmem:s13+$0xFFFFE020] =	vst v2  }
0x289: {  	v2 =	vor.u32 s29, v59;
	[tilespmem:s13+$0xFFFFE0A0] =	vst v4;
	v3 =	vld.idx.msk [tilespmem:v3+s11+$0x0], $0xffff  }
0x28a: {  	v44 =	vor.u32 v36, v54;
	[tilespmem:s13+$0xFFFFE120] =	vst v56;
	v59 =	vor.u32 s7, v59;
	v0 =	vld.idx.msk [tilespmem:v0+s11+$0x0], $0xffff  }
0x28b: {  	v4 =	vor.u32 s15, v44;
	[tilespmem:s12+$0x1D0] =	vst v10;
	v5 =	vld.idx.msk [tilespmem:v5+s11+$0x0], $0xffff  }
0x28c: {  	v16 =	vor.u32 s16, v44;
	v63 =	vld.idx.msk [tilespmem:v13+s11+$0x0], $0xffff;
	[tilespmem:s12+$0x50] =	vst v57  }
0x28d: {  	v62 =	vor.u32 $0x10, v48;
	v17 =	vor.u32 s17, v44;
	v55 =	vld.idx.msk [tilespmem:v11+s11+$0x0], $0xffff;
	[tilespmem:s12+$0x140] =	vst v1  }
0x28e: {  	v15 =	vor.u32 s31, v62;
	v2 =	vld.idx.msk [tilespmem:v2+s11+$0x0], $0xffff;
	[tilespmem:s13+$0xFFFFE1B0] =	vst v3  }
0x28f: {  	s19 =	sor.u32 $0x1B, s1;
	v59 =	vld.idx.msk [tilespmem:v59+s11+$0x0], $0xffff;
	v3 =	vor.u32 s5, v44;
	[tilespmem:s13+$0xFFFFE030] =	vst v0  }
0x290: {  	v9 =	vmov s19;
	v45 =	vor.u32 v35, v54;
	v0 =	vor.u32 s8, v58;
	[tilespmem:s13+$0xFFFFE0B0] =	vst v5;
	v4 =	vld.idx.msk [tilespmem:v4+s11+$0x0], $0xffff  }
0x291: {  	v10 =	vand.u32 $0x7, v9;
	v11 =	vor.u32 s15, v45;
	[tilespmem:s13+$0xFFFFE130] =	vst v63;
	v5 =	vld.idx.msk [tilespmem:v16+s11+$0x0], $0xffff  }
0x292: {  	v1 =	vor.u32 s16, v45;
	[tilespmem:s12+$0x1E0] =	vst v55;
	v55 =	vbroadcast v10, $0x0;
	v60 =	vld.idx.msk [tilespmem:v17+s11+$0x0], $0xffff  }
0x293: {  	v6 =	vor.u32 $0x18, v46;
	v14 =	vor.u32 s29, v58;
	v56 =	vld.idx.msk [tilespmem:v15+s11+$0x0], $0xffff;
	[tilespmem:s12+$0xD0] =	vst v2  }
0x294: {  	v12 =	vor.u32 v55, v6;
	[tilespmem:s12+$0x150] =	vst v59;
	v3 =	vld.idx.msk [tilespmem:v3+s11+$0x0], $0xffff  }
0x295: {  	v13 =	vor.u32 s17, v45;
	v0 =	vld.idx.msk [tilespmem:v0+s11+$0x0], $0xffff;
	[tilespmem:s13+$0xFFFFE1C0] =	vst v4  }
0x296: {  	v4 =	vor.u32 s5, v45;
	[tilespmem:s13+$0xFFFFE040] =	vst v5;
	v61 =	vld.idx.msk [tilespmem:v11+s11+$0x0], $0xffff  }
0x297: {  	v5 =	vor.u32 s7, v58;
	[tilespmem:s13+$0xFFFFE0C0] =	vst v60;
	v1 =	vld.idx.msk [tilespmem:v1+s11+$0x0], $0xffff  }
0x298: {  	v46 =	vor.u32 v34, v54;
	v10 =	vor.u32 s8, v62;
	[tilespmem:s12+$0x1F0] =	vst v56;
	v56 =	vld.idx.msk [tilespmem:v14+s11+$0x0], $0xffff  }
0x299: {  	v16 =	vor.u32 s15, v46;
	v15 =	vld.idx.msk [tilespmem:v12+s11+$0x0], $0xffff;
	[tilespmem:s13+$0xFFFFE140] =	vst v3  }
0x29a: {  	v63 =	vor.u32 $0x18, v47;
	v2 =	vor.u32 s16, v46;
	v3 =	vld.idx.msk [tilespmem:v13+s11+$0x0], $0xffff;
	[tilespmem:s12+$0x60] =	vst v0  }
0x29b: {  	v17 =	vor.u32 v55, v63;
	v4 =	vld.idx.msk [tilespmem:v4+s11+$0x0], $0xffff;
	[tilespmem:s13+$0xFFFFE1D0] =	vst v61  }
0x29c: {  	v8 =	vor.u32 s17, v46;
	v5 =	vld.idx.msk [tilespmem:v5+s11+$0x0], $0xffff;
	[tilespmem:s13+$0xFFFFE050] =	vst v1  }
0x29d: {  	v9 =	vor.u32 s5, v46;
	v58 =	vld.idx.msk [tilespmem:v10+s11+$0x0], $0xffff;
	[tilespmem:s12+$0xE0] =	vst v56  }
0x29e: {  	v1 =	vor.u32 s29, v62;
	[tilespmem:s12+$0x1180] =	vst v15;
	v60 =	vld.idx.msk [tilespmem:v16+s11+$0x0], $0xffff  }
0x29f: {  	v47 =	vor.u32 v33, v54;
	v62 =	vor.u32 s7, v62;
	v2 =	vld.idx.msk [tilespmem:v2+s11+$0x0], $0xffff;
	[tilespmem:s13+$0xFFFFE0D0] =	vst v3  }
0x2a0: {  	v57 =	vor.u32 $0x18, v53;
	v11 =	vld.idx.msk [tilespmem:v17+s11+$0x0], $0xffff;
	v3 =	vor.u32 s15, v47;
	[tilespmem:s13+$0xFFFFE150] =	vst v4  }
0x2a1: {  	v7 =	vor.u32 s16, v47;
	v12 =	vor.u32 v55, v57;
	v0 =	vmov s1;
	s29 =	sor.u32 $0x19, s1;
	v4 =	vld.idx.msk [tilespmem:v8+s11+$0x0], $0xffff;
	[tilespmem:s12+$0x160] =	vst v5  }
0x2a2: {  	v13 =	vor.u32 s17, v47;
	v0 =	vand.u32 $0x7, v0;
	v15 =	vmov s29;
	[tilespmem:s12+$0x70] =	vst v58;
	v61 =	vld.idx.msk [tilespmem:v9+s11+$0x0], $0xffff  }
0x2a3: {  	s31 =	sor.u32 $0x1A, s1;
	v53 =	vbroadcast v0, $0x0;
	v0 =	vor.u32 $0x18, v52;
	v52 =	vand.u32 $0x7, v15;
	v1 =	vld.idx.msk [tilespmem:v1+s11+$0x0], $0xffff;
	[tilespmem:s13+$0xFFFFE1E0] =	vst v60  }
0x2a4: {  	v14 =	vor.u32 s5, v47;
	v54 =	vbroadcast v52, $0x0;
	v5 =	vmov s31;
	v62 =	vld.idx.msk [tilespmem:v62+s11+$0x0], $0xffff;
	[tilespmem:s13+$0xFFFFE060] =	vst v2  }
0x2a5: {  	v5 =	vand.u32 $0x7, v5;
	v2 =	vor.u32 v53, v6;
	[tilespmem:s12+$0x1190] =	vst v11;
	v3 =	vld.idx.msk [tilespmem:v3+s11+$0x0], $0xffff  }
0x2a6: {  	v8 =	vor.u32 $0x8, v40;
	v52 =	vbroadcast v5, $0x0;
	v5 =	vor.u32 v54, v6;
	v59 =	vld.idx.msk [tilespmem:v12+s11+$0x0], $0xffff;
	[tilespmem:s13+$0xFFFFE0E0] =	vst v4  }
0x2a7: {  	v4 =	vld.idx.msk [tilespmem:v7+s11+$0x0], $0xffff;
	v7 =	vor.u32 s15, v8;
	[tilespmem:s13+$0xFFFFE160] =	vst v61  }
0x2a8: {  	v16 =	vor.u32 v55, v0;
	v56 =	vld.idx.msk [tilespmem:v13+s11+$0x0], $0xffff;
	[tilespmem:s12+$0xF0] =	vst v1  }
0x2a9: {  	v9 =	vor.u32 s16, v8;
	[tilespmem:s12+$0x170] =	vst v62;
	v60 =	vld.idx.msk [tilespmem:v14+s11+$0x0], $0xffff  }
0x2aa: {  	v17 =	vor.u32 s17, v8;
	v2 =	vld.idx.msk [tilespmem:v2+s11+$0x0], $0xffff;
	[tilespmem:s13+$0xFFFFE1F0] =	vst v3  }
0x2ab: {  	v5 =	vld.idx.msk [tilespmem:v5+s11+$0x0], $0xffff;
	v3 =	vor.u32 s5, v8;
	[tilespmem:s12+$0x11A0] =	vst v59  }
0x2ac: {  	v7 =	vld.idx.msk [tilespmem:v7+s11+$0x0], $0xffff;
	[tilespmem:s13+$0xFFFFE070] =	vst v4;
	v4 =	vor.u32 v52, v6;
	v6 =	vor.u32 $0x8, v41  }
0x2ad: {  	v51 =	vor.u32 $0x18, v51;
	v12 =	vld.idx.msk [tilespmem:v16+s11+$0x0], $0xffff;
	[tilespmem:s13+$0xFFFFE0F0] =	vst v56;
	v13 =	vor.u32 s15, v6  }
0x2ae: {  	v14 =	vor.u32 v55, v51;
	v9 =	vld.idx.msk [tilespmem:v9+s11+$0x0], $0xffff;
	[tilespmem:s13+$0xFFFFE170] =	vst v60  }
0x2af: {  	v1 =	vor.u32 s16, v6;
	v58 =	vld.idx.msk [tilespmem:v17+s11+$0x0], $0xffff;
	[tilespmem:s12+$0x1000] =	vst v2  }
0x2b0: {  	v17 =	vor.u32 v54, v63;
	[tilespmem:s12+$0x1080] =	vst v5;
	v3 =	vld.idx.msk [tilespmem:v3+s11+$0x0], $0xffff  }
0x2b1: {  	v15 =	vor.u32 s17, v6;
	[tilespmem:s13+$0xFFFFF180] =	vst v7;
	v4 =	vld.idx.msk [tilespmem:v4+s11+$0x0], $0xffff  }
0x2b2: {  	v6 =	vor.u32 s5, v6;
	[tilespmem:s12+$0x11B0] =	vst v12;
	v16 =	vld.idx.msk [tilespmem:v13+s11+$0x0], $0xffff  }
0x2b3: {  	v7 =	vor.u32 v53, v63;
	v12 =	vor.u32 $0x8, v42;
	[tilespmem:s13+$0xFFFFF000] =	vst v9;
	v59 =	vld.idx.msk [tilespmem:v14+s11+$0x0], $0xffff  }
0x2b4: {  	v50 =	vor.u32 $0x18, v50;
	v13 =	vor.u32 s15, v12;
	[tilespmem:s13+$0xFFFFF080] =	vst v58;
	v1 =	vld.idx.msk [tilespmem:v1+s11+$0x0], $0xffff  }
0x2b5: {  	v14 =	vor.u32 v55, v50;
	v9 =	vld.idx.msk [tilespmem:v17+s11+$0x0], $0xffff;
	[tilespmem:s13+$0xFFFFF100] =	vst v3  }
0x2b6: {  	v2 =	vor.u32 s16, v12;
	v3 =	vld.idx.msk [tilespmem:v15+s11+$0x0], $0xffff;
	[tilespmem:s12+$0x1100] =	vst v4  }
0x2b7: {  	v5 =	vor.u32 s17, v12;
	v6 =	vld.idx.msk [tilespmem:v6+s11+$0x0], $0xffff;
	[tilespmem:s13+$0xFFFFF190] =	vst v16  }
0x2b8: {  	v15 =	vor.u32 s5, v12;
	v7 =	vld.idx.msk [tilespmem:v7+s11+$0x0], $0xffff;
	[tilespmem:s12+$0x11C0] =	vst v59  }
0x2b9: {  	v16 =	vor.u32 v52, v63;
	v58 =	vld.idx.msk [tilespmem:v13+s11+$0x0], $0xffff;
	[tilespmem:s13+$0xFFFFF010] =	vst v1  }
0x2ba: {  	v17 =	vor.u32 $0x8, v43;
	v1 =	vor.u32 v53, v57;
	v60 =	vld.idx.msk [tilespmem:v14+s11+$0x0], $0xffff;
	[tilespmem:s12+$0x1090] =	vst v9  }
0x2bb: {  	v2 =	vld.idx.msk [tilespmem:v2+s11+$0x0], $0xffff;
	[tilespmem:s13+$0xFFFFF090] =	vst v3;
	v3 =	vor.u32 s15, v17  }
0x2bc: {  	v49 =	vor.u32 $0x18, v49;
	v4 =	vor.u32 s16, v17;
	[tilespmem:s13+$0xFFFFF110] =	vst v6;
	v5 =	vld.idx.msk [tilespmem:v5+s11+$0x0], $0xffff  }
0x2bd: {  	v6 =	vor.u32 v55, v49;
	[tilespmem:s12+$0x1010] =	vst v7;
	v8 =	vld.idx.msk [tilespmem:v15+s11+$0x0], $0xffff  }
0x2be: {  	v13 =	vor.u32 v54, v57;
	v56 =	vld.idx.msk [tilespmem:v16+s11+$0x0], $0xffff;
	[tilespmem:s13+$0xFFFFF1A0] =	vst v58  }
0x2bf: {  	v7 =	vor.u32 s17, v17;
	v1 =	vld.idx.msk [tilespmem:v1+s11+$0x0], $0xffff;
	[tilespmem:s12+$0x11D0] =	vst v60  }
0x2c0: {  	v12 =	vor.u32 s5, v17;
	[tilespmem:s13+$0xFFFFF020] =	vst v2;
	v3 =	vld.idx.msk [tilespmem:v3+s11+$0x0], $0xffff  }
0x2c1: {  	v14 =	vor.u32 $0x8, v44;
	v2 =	vor.u32 v52, v57;
	v4 =	vld.idx.msk [tilespmem:v4+s11+$0x0], $0xffff;
	[tilespmem:s13+$0xFFFFF0A0] =	vst v5  }
0x2c2: {  	v48 =	vor.u32 $0x18, v48;
	v6 =	vld.idx.msk [tilespmem:v6+s11+$0x0], $0xffff;
	v5 =	vor.u32 s15, v14;
	[tilespmem:s13+$0xFFFFF120] =	vst v8  }
0x2c3: {  	v15 =	vor.u32 v55, v48;
	v61 =	vld.idx.msk [tilespmem:v13+s11+$0x0], $0xffff;
	[tilespmem:s12+$0x1110] =	vst v56  }
0x2c4: {  	v16 =	vor.u32 s16, v14;
	v7 =	vld.idx.msk [tilespmem:v7+s11+$0x0], $0xffff;
	[tilespmem:s12+$0x1020] =	vst v1  }
0x2c5: {  	v60 =	vor.u32 s17, v14;
	v17 =	vld.idx.msk [tilespmem:v12+s11+$0x0], $0xffff;
	[tilespmem:s13+$0xFFFFF1B0] =	vst v3  }
0x2c6: {  	v2 =	vld.idx.msk [tilespmem:v2+s11+$0x0], $0xffff;
	v3 =	vor.u32 s5, v14;
	[tilespmem:s13+$0xFFFFF030] =	vst v4  }
0x2c7: {  	v4 =	vor.u32 v54, v0;
	[tilespmem:s12+$0x11E0] =	vst v6;
	v5 =	vld.idx.msk [tilespmem:v5+s11+$0x0], $0xffff  }
0x2c8: {  	[tilespmem:s12+$0x10A0] =	vst v61;
	v6 =	vor.u32 v53, v0;
	v8 =	vld.idx.msk [tilespmem:v15+s11+$0x0], $0xffff  }
0x2c9: {  	v62 =	vor.u32 $0x8, v45;
	v0 =	vor.u32 v52, v0;
	[tilespmem:s13+$0xFFFFF0B0] =	vst v7;
	v7 =	vld.idx.msk [tilespmem:v16+s11+$0x0], $0xffff  }
0x2ca: {  	v63 =	vor.u32 s15, v62;
	[tilespmem:s13+$0xFFFFF130] =	vst v17;
	v56 =	vld.idx.msk [tilespmem:v60+s11+$0x0], $0xffff  }
0x2cb: {  	v12 =	vor.u32 s16, v62;
	[tilespmem:s12+$0x1120] =	vst v2;
	v3 =	vld.idx.msk [tilespmem:v3+s11+$0x0], $0xffff  }
0x2cc: {  	v1 =	vor.u32 s17, v62;
	v4 =	vld.idx.msk [tilespmem:v4+s11+$0x0], $0xffff;
	[tilespmem:s13+$0xFFFFF1C0] =	vst v5  }
0x2cd: {  	v57 =	vor.u32 s5, v62;
	v6 =	vld.idx.msk [tilespmem:v6+s11+$0x0], $0xffff;
	[tilespmem:s12+$0x11F0] =	vst v8  }
0x2ce: {  	v16 =	vor.u32 v54, v51;
	v0 =	vld.idx.msk [tilespmem:v0+s11+$0x0], $0xffff;
	[tilespmem:s13+$0xFFFFF040] =	vst v7  }
0x2cf: {  	v5 =	vor.u32 v53, v51;
	v13 =	vld.idx.msk [tilespmem:v63+s11+$0x0], $0xffff;
	v7 =	vor.u32 $0x8, v46;
	[tilespmem:s13+$0xFFFFF0C0] =	vst v56  }
0x2d0: {  	v14 =	vld.idx.msk [tilespmem:v12+s11+$0x0], $0xffff;
	v15 =	vor.u32 s15, v7;
	[tilespmem:s13+$0xFFFFF140] =	vst v3  }
0x2d1: {  	v1 =	vld.idx.msk [tilespmem:v1+s11+$0x0], $0xffff;
	v3 =	vor.u32 s16, v7;
	[tilespmem:s12+$0x10B0] =	vst v4  }
0x2d2: {  	v2 =	vor.u32 s17, v7;
	v57 =	vld.idx.msk [tilespmem:v57+s11+$0x0], $0xffff;
	[tilespmem:s12+$0x1030] =	vst v6  }
0x2d3: {  	v6 =	vor.u32 s5, v7;
	v60 =	vld.idx.msk [tilespmem:v16+s11+$0x0], $0xffff;
	[tilespmem:s12+$0x1130] =	vst v0  }
0x2d4: {  	v7 =	vor.u32 v52, v51;
	[tilespmem:s13+$0xFFFFF1D0] =	vst v13;
	v5 =	vld.idx.msk [tilespmem:v5+s11+$0x0], $0xffff  }
0x2d5: {  	v61 =	vor.u32 v54, v50;
	v8 =	vld.idx.msk [tilespmem:v15+s11+$0x0], $0xffff;
	[tilespmem:s13+$0xFFFFF050] =	vst v14  }
0x2d6: {  	v17 =	vor.u32 $0x8, v47;
	v4 =	vor.u32 v53, v50;
	[tilespmem:s13+$0xFFFFF0D0] =	vst v1;
	v3 =	vld.idx.msk [tilespmem:v3+s11+$0x0], $0xffff  }
0x2d7: {  	v1 =	vor.u32 s15, v17;
	v2 =	vld.idx.msk [tilespmem:v2+s11+$0x0], $0xffff;
	[tilespmem:s13+$0xFFFFF150] =	vst v57  }
0x2d8: {  	v62 =	vor.u32 s16, v17;
	[tilespmem:s12+$0x10C0] =	vst v60;
	v6 =	vld.idx.msk [tilespmem:v6+s11+$0x0], $0xffff  }
0x2d9: {  	v0 =	vor.u32 s17, v17;
	[tilespmem:s12+$0x1040] =	vst v5;
	v5 =	vld.idx.msk [tilespmem:v7+s11+$0x0], $0xffff  }
0x2da: {  	v7 =	vor.u32 s5, v17;
	v13 =	vld.idx.msk [tilespmem:v61+s11+$0x0], $0xffff;
	[tilespmem:s13+$0xFFFFF1E0] =	vst v8  }
0x2db: {  	v63 =	vor.u32 v52, v50;
	v4 =	vld.idx.msk [tilespmem:v4+s11+$0x0], $0xffff;
	[tilespmem:s13+$0xFFFFF060] =	vst v3  }
0x2dc: {  	v15 =	vor.u32 v54, v49;
	v1 =	vld.idx.msk [tilespmem:v1+s11+$0x0], $0xffff;
	[tilespmem:s13+$0xFFFFF0E0] =	vst v2  }
0x2dd: {  	v12 =	vor.u32 v53, v49;
	v3 =	vor.u32 $0x10, v40;
	v14 =	vld.idx.msk [tilespmem:v62+s11+$0x0], $0xffff;
	[tilespmem:s13+$0xFFFFF160] =	vst v6  }
0x2de: {  	v2 =	vor.u32 s15, v3;
	v0 =	vld.idx.msk [tilespmem:v0+s11+$0x0], $0xffff;
	[tilespmem:s12+$0x1140] =	vst v5  }
0x2df: {  	v6 =	vor.u32 s16, v3;
	[tilespmem:s12+$0x10D0] =	vst v13;
	v7 =	vld.idx.msk [tilespmem:v7+s11+$0x0], $0xffff  }
0x2e0: {  	v5 =	vor.u32 s17, v3;
	[tilespmem:s12+$0x1050] =	vst v4;
	v4 =	vld.idx.msk [tilespmem:v63+s11+$0x0], $0xffff  }
0x2e1: {  	v3 =	vor.u32 s5, v3;
	v61 =	vld.idx.msk [tilespmem:v15+s11+$0x0], $0xffff  }
0x2e2: {  	v16 =	vor.u32 v52, v49;
	[tilespmem:s13+$0xFFFFF1F0] =	vst v1;
	v1 =	vld.idx.msk [tilespmem:v12+s11+$0x0], $0xffff  }
0x2e3: {  	v54 =	vor.u32 v54, v48;
	v2 =	vld.idx.msk [tilespmem:v2+s11+$0x0], $0xffff;
	[tilespmem:s13+$0xFFFFF070] =	vst v14  }
0x2e4: {  	v60 =	vor.u32 $0x10, v41;
	v17 =	vor.u32 v53, v48;
	[tilespmem:s13+$0xFFFFF0F0] =	vst v0;
	v6 =	vld.idx.msk [tilespmem:v6+s11+$0x0], $0xffff  }
0x2e5: {  	v0 =	vor.u32 s15, v60;
	v5 =	vld.idx.msk [tilespmem:v5+s11+$0x0], $0xffff;
	[tilespmem:s13+$0xFFFFF170] =	vst v7  }
0x2e6: {  	v7 =	vor.u32 s16, v60;
	[tilespmem:s12+$0x1150] =	vst v4;
	v62 =	vld.idx.msk [tilespmem:v3+s11+$0x0], $0xffff  }
0x2e7: {  	v63 =	vor.u32 s17, v60;
	[tilespmem:s12+$0x10E0] =	vst v61;
	v51 =	vld.idx.msk [tilespmem:v16+s11+$0x0], $0xffff  }
0x2e8: {  	v53 =	vor.u32 s5, v60;
	[tilespmem:s12+$0x1060] =	vst v1;
	v49 =	vld.idx.msk [tilespmem:v54+s11+$0x0], $0xffff  }
0x2e9: {  	v48 =	vor.u32 v52, v48;
	v50 =	vld.idx.msk [tilespmem:v17+s11+$0x0], $0xffff;
	[tilespmem:s13+$0x180] =	vst v2  }
0x2ea: {  	v4 =	vld.idx.msk [tilespmem:v0+s11+$0x0], $0xffff;
	[tilespmem:s13+$0x0] =	vst v6;
	v0 =	vor.u32 $0x10, v42  }
0x2eb: {  	[tilespmem:s13+$0x80] =	vst v5;
	v3 =	vld.idx.msk [tilespmem:v7+s11+$0x0], $0xffff;
	v1 =	vor.u32 s16, v0;
	v52 =	vor.u32 s15, v0  }
0x2ec: {  	s8 =	simm.s32 $0x80;
	s7 =	simm.s32 $0x8;
	v5 =	vld.idx.msk [tilespmem:v63+s11+$0x0], $0xffff;
	v2 =	vor.u32 s17, v0;
	v0 =	vor.u32 s5, v0;
	[tilespmem:s13+$0x100] =	vst v62  }
.LBB2_5:
0x2ed: {  	s19 =	sand.u32 $0x180, s8;
	p0 =	slt.u32 s7, $0x1C;
	v6 =	vld.idx.msk [tilespmem:v53+s11+$0x0], $0xffff;
	[tilespmem:s12+$0x1160] =	vst v51  }
0x2ee: {  	v7 =	vmov s19;
	[tilespmem:s12+$0x1070] =	vst v50;
	v8 =	vld.idx.msk [tilespmem:v48+s11+$0x0], $0xffff  }
0x2ef: {  	s20 =	sadd.s32 $0x3, s7;
	s19 =	sand.u32 $0x4, s7;
	v51 =	vshll.u32 v7, $0x5;
	[tilespmem:s13+$0x190] =	vst v4  }
0x2f0: {  	s29 =	sadd.s32 $0x1, s7;
	s21 =	sadd.s32 $0x2, s7;
	s31 =	sand.u32 $0x7, s20;
	v55 =	vor.u32 v27, v51;
	v4 =	vld.idx.msk [tilespmem:v52+s11+$0x0], $0xffff;
	[tilespmem:s12+$0x10F0] =	vst v49  }
0x2f1: {  	s20 =	sand.u32 $0x5, s29;
	s29 =	sand.u32 $0x6, s21;
	v7 =	vor.u32 s19, v55;
	v9 =	vor.u32 s31, v55;
	[tilespmem:s13+$0x10] =	vst v3;
	v3 =	vor.u32 $0x10, v43  }
0x2f2: {  	v48 =	vor.u32 s20, v55;
	v49 =	vor.u32 s29, v55;
	[tilespmem:s13+$0x90] =	vst v5;
	v5 =	vor.u32 s15, v3  }
0x2f3: {  	v50 =	vor.u32 s16, v3;
	v52 =	vor.u32 s17, v3;
	v1 =	vld.idx.msk [tilespmem:v1+s11+$0x0], $0xffff;
	[tilespmem:s13+$0x110] =	vst v6  }
0x2f4: {  	v3 =	vor.u32 s5, v3;
	v2 =	vld.idx.msk [tilespmem:v2+s11+$0x0], $0xffff;
	[tilespmem:s12+$0x1170] =	vst v8;
	s12 =	smov.u32 s13  }
0x2f5: {  	v0 =	vld.idx.msk [tilespmem:v0+s11+$0x0], $0xffff  }
0x2f6: {  	v6 =	vld.idx.msk [tilespmem:v9+s11+$0x0], $0xffff;
	[tilespmem:s13+$0x1A0] =	vst v4  }
0x2f7: {  	v57 =	vor.u32 v39, v51;
	v4 =	vld.idx.msk [tilespmem:v5+s11+$0x0], $0xffff  }
0x2f8: {  	v8 =	vor.u32 s31, v57;
	v9 =	vor.u32 $0x10, v44;
	v5 =	vld.idx.msk [tilespmem:v7+s11+$0x0], $0xffff;
	v7 =	vor.u32 s19, v57  }
0x2f9: {  	v53 =	vor.u32 s20, v57;
	v54 =	vor.u32 s29, v57;
	v58 =	vor.u32 s15, v9;
	v48 =	vld.idx.msk [tilespmem:v48+s11+$0x0], $0xffff  }
0x2fa: {  	v59 =	vor.u32 s17, v9;
	v49 =	vld.idx.msk [tilespmem:v49+s11+$0x0], $0xffff;
	[tilespmem:s13+$0x20] =	vst v1;
	v1 =	vor.u32 s16, v9  }
0x2fb: {  	s13 =	sadd.s32 $0x200, s13;
	v50 =	vld.idx.msk [tilespmem:v50+s11+$0x0], $0xffff;
	[tilespmem:s12+$0xA0] =	vst v2;
	v2 =	vor.u32 s5, v9  }
0x2fc: {  	[tilespmem:s13+$0xFFFFE180] =	vst v6;
	v6 =	vld.idx.msk [tilespmem:v52+s11+$0x0], $0xffff  }
0x2fd: {  	v8 =	vld.idx.msk [tilespmem:v8+s11+$0x0], $0xffff;
	[tilespmem:s12+$0x1B0] =	vst v4  }
0x2fe: {  	v56 =	vor.u32 v38, v51;
	[tilespmem:s13+$0xFFFFE000] =	vst v5;
	v4 =	vld.idx.msk [tilespmem:v58+s11+$0x0], $0xffff  }
0x2ff: {  	v9 =	vor.u32 s31, v56;
	v5 =	vld.idx.msk [tilespmem:v7+s11+$0x0], $0xffff;
	v7 =	vor.u32 s19, v56;
	[tilespmem:s13+$0xFFFFE080] =	vst v48;
	v48 =	vor.u32 $0x10, v45  }
0x300: {  	v61 =	vor.u32 s29, v56;
	v52 =	vld.idx.msk [tilespmem:v53+s11+$0x0], $0xffff  }
0x301: {  	v53 =	vor.u32 s20, v56;
	[tilespmem:s13+$0xFFFFE100] =	vst v49;
	v49 =	vor.u32 s17, v48;
	v58 =	vor.u32 s15, v48  }
0x302: {  	v62 =	vor.u32 s16, v48;
	v63 =	vor.u32 s5, v48;
	v60 =	vld.idx.msk [tilespmem:v54+s11+$0x0], $0xffff;
	[tilespmem:s12+$0x120] =	vst v0  }
0x303: {  	[tilespmem:s12+$0x30] =	vst v50;
	v0 =	vld.idx.msk [tilespmem:v3+s11+$0x0], $0xffff  }
0x304: {  	[tilespmem:s13+$0xFFFFE190] =	vst v8;
	v1 =	vld.idx.msk [tilespmem:v1+s11+$0x0], $0xffff  }
0x305: {  	v54 =	vor.u32 v37, v51;
	v3 =	vld.idx.msk [tilespmem:v9+s11+$0x0], $0xffff;
	[tilespmem:s12+$0x1C0] =	vst v4  }
0x306: {  	v50 =	vor.u32 s20, v54;
	v8 =	vor.u32 s31, v54;
	v9 =	vor.u32 $0x10, v46;
	[tilespmem:s13+$0xFFFFE010] =	vst v5;
	v4 =	vld.idx.msk [tilespmem:v58+s11+$0x0], $0xffff  }
0x307: {  	v10 =	vor.u32 s16, v9;
	v5 =	vld.idx.msk [tilespmem:v7+s11+$0x0], $0xffff;
	v7 =	vor.u32 s19, v54;
	[tilespmem:s13+$0xFFFFE090] =	vst v52  }
0x308: {  	v52 =	vor.u32 s15, v9;
	v48 =	vld.idx.msk [tilespmem:v53+s11+$0x0], $0xffff;
	[tilespmem:s13+$0xFFFFE110] =	vst v60;
	v60 =	vor.u32 s17, v9  }
0x309: {  	v58 =	vld.idx.msk [tilespmem:v61+s11+$0x0], $0xffff;
	v61 =	vor.u32 s29, v54;
	[tilespmem:s12+$0xB0] =	vst v6;
	v6 =	vor.u32 s5, v9  }
0x30a: {  	v9 =	vld.idx.msk [tilespmem:v59+s11+$0x0], $0xffff;
	[tilespmem:s12+$0x130] =	vst v0  }
0x30b: {  	v53 =	vor.u32 v36, v51;
	[tilespmem:s13+$0xFFFFE1A0] =	vst v3;
	v3 =	vld.idx.msk [tilespmem:v2+s11+$0x0], $0xffff  }
0x30c: {  	v11 =	vor.u32 s20, v53;
	v2 =	vld.idx.msk [tilespmem:v8+s11+$0x0], $0xffff;
	[tilespmem:s12+$0x1D0] =	vst v4  }
0x30d: {  	v14 =	vor.u32 s29, v53;
	v4 =	vmov s14;
	[tilespmem:s13+$0xFFFFE020] =	vst v5;
	v5 =	vld.idx.msk [tilespmem:v52+s11+$0x0], $0xffff  }
0x30e: {  	v0 =	vor.u32 $0x10, v47;
	v8 =	vor.u32 s19, v53;
	v52 =	vor.u32 s31, v53;
	v7 =	vld.idx.msk [tilespmem:v7+s11+$0x0], $0xffff;
	[tilespmem:s13+$0xFFFFE0A0] =	vst v48  }
0x30f: {  	v12 =	vor.u32 s17, v0;
	v13 =	vor.u32 s15, v0;
	s15 =	smov.u32 s31;
	s17 =	smov.u32 s20;
	v59 =	vld.idx.msk [tilespmem:v50+s11+$0x0], $0xffff;
	[tilespmem:s13+$0xFFFFE120] =	vst v58  }
0x310: {  	v15 =	vor.u32 s16, v0;
	s20 =	sor.u32 $0x19, s14;
	v0 =	vor.u32 s5, v0;
	s5 =	sor.u32 $0x1A, s14;
	s16 =	smov.u32 s19;
	v61 =	vld.idx.msk [tilespmem:v61+s11+$0x0], $0xffff;
	[tilespmem:s12+$0x40] =	vst v1  }
0x311: {  	s19 =	sor.u32 $0x1B, s14;
	s14 =	smov.u32 s7;
	v4 =	vand.u32 $0x7, v4;
	v50 =	vmov s5;
	s5 =	smov.u32 s29;
	v1 =	vld.idx.msk [tilespmem:v62+s11+$0x0], $0xffff;
	[tilespmem:s12+$0xC0] =	vst v9;
	v9 =	vmov s20  }
0x312: {  	v48 =	vbroadcast v4, $0x0;
	[tilespmem:s13+$0xFFFFE1B0] =	vst v2;
	v4 =	vld.idx.msk [tilespmem:v49+s11+$0x0], $0xffff;
	v2 =	vand.u32 $0x7, v9;
	v9 =	vmov s19  }
0x313: {  	v62 =	vld.idx.msk [tilespmem:v52+s11+$0x0], $0xffff;
	v49 =	vbroadcast v2, $0x0;
	v2 =	vand.u32 $0x7, v50;
	[tilespmem:s12+$0x1E0] =	vst v5;
	v5 =	vand.u32 $0x7, v9  }
0x314: {  	v58 =	vor.u32 v35, v51;
	[tilespmem:s13+$0xFFFFE030] =	vst v7;
	v50 =	vbroadcast v2, $0x0;
	v7 =	vld.idx.msk [tilespmem:v13+s11+$0x0], $0xffff;
	v52 =	vbroadcast v5, $0x0  }
0x315: {  	v9 =	vor.u32 s16, v58;
	v13 =	vor.u32 s15, v58;
	v5 =	vor.u32 $0x18, v40;
	v40 =	vmovc v55;
	v8 =	vld.idx.msk [tilespmem:v8+s11+$0x0], $0xffff;
	[tilespmem:s13+$0xFFFFE0B0] =	vst v59  }
0x316: {  	v59 =	vor.u32 s17, v58;
	v11 =	vld.idx.msk [tilespmem:v11+s11+$0x0], $0xffff;
	[tilespmem:s13+$0xFFFFE130] =	vst v61;
	v61 =	vor.u32 s5, v58;
	v16 =	vor.u32 v52, v5  }
0x317: {  	v17 =	vor.u32 v48, v5;
	v2 =	vor.u32 v49, v5;
	v14 =	vld.idx.msk [tilespmem:v14+s11+$0x0], $0xffff;
	[tilespmem:s12+$0x140] =	vst v3  }
0x318: {  	v5 =	vor.u32 v50, v5;
	[tilespmem:s12+$0x50] =	vst v1;
	v63 =	vld.idx.msk [tilespmem:v63+s11+$0x0], $0xffff  }
0x319: {  	[tilespmem:s13+$0xFFFFE1C0] =	vst v62;
	v10 =	vld.idx.msk [tilespmem:v10+s11+$0x0], $0xffff  }
0x31a: {  	v13 =	vld.idx.msk [tilespmem:v13+s11+$0x0], $0xffff;
	[tilespmem:s12+$0x1F0] =	vst v7  }
0x31b: {  	v55 =	vor.u32 v34, v51;
	[tilespmem:s13+$0xFFFFE040] =	vst v8;
	v7 =	vld.idx.msk [tilespmem:v16+s11+$0x0], $0xffff  }
0x31c: {  	v16 =	vor.u32 $0x18, v41;
	v41 =	vmovc v57;
	v8 =	vld.idx.msk [tilespmem:v9+s11+$0x0], $0xffff;
	v9 =	vor.u32 s16, v55;
	[tilespmem:s13+$0xFFFFE0C0] =	vst v11;
	v11 =	vor.u32 s15, v55  }
0x31d: {  	v62 =	vor.u32 s17, v55;
	v18 =	vor.u32 v52, v16;
	v59 =	vld.idx.msk [tilespmem:v59+s11+$0x0], $0xffff;
	[tilespmem:s13+$0xFFFFE140] =	vst v14;
	v14 =	vor.u32 s5, v55  }
0x31e: {  	v3 =	vor.u32 v48, v16;
	v1 =	vor.u32 v49, v16;
	v61 =	vld.idx.msk [tilespmem:v61+s11+$0x0], $0xffff;
	[tilespmem:s12+$0xD0] =	vst v4  }
0x31f: {  	v60 =	vld.idx.msk [tilespmem:v60+s11+$0x0], $0xffff;
	[tilespmem:s12+$0x150] =	vst v63;
	v63 =	vor.u32 v50, v16  }
0x320: {  	[tilespmem:s13+$0xFFFFE1D0] =	vst v13;
	v6 =	vld.idx.msk [tilespmem:v6+s11+$0x0], $0xffff  }
0x321: {  	v11 =	vld.idx.msk [tilespmem:v11+s11+$0x0], $0xffff;
	[tilespmem:s12+$0x1180] =	vst v7  }
0x322: {  	v57 =	vor.u32 v33, v51;
	[tilespmem:s13+$0xFFFFE050] =	vst v8;
	v7 =	vld.idx.msk [tilespmem:v18+s11+$0x0], $0xffff  }
0x323: {  	v16 =	vor.u32 $0x18, v42;
	v42 =	vmovc v56;
	v13 =	vor.u32 s15, v57;
	v8 =	vld.idx.msk [tilespmem:v9+s11+$0x0], $0xffff;
	v9 =	vor.u32 s16, v57;
	[tilespmem:s13+$0xFFFFE0D0] =	vst v59  }
0x324: {  	v51 =	vor.u32 s17, v57;
	v18 =	vld.idx.msk [tilespmem:v62+s11+$0x0], $0xffff;
	[tilespmem:s13+$0xFFFFE150] =	vst v61;
	v61 =	vor.u32 s5, v57;
	v62 =	vor.u32 v52, v16  }
0x325: {  	v4 =	vor.u32 v48, v16;
	v59 =	vor.u32 v49, v16;
	v14 =	vld.idx.msk [tilespmem:v14+s11+$0x0], $0xffff;
	[tilespmem:s12+$0x60] =	vst v10  }
0x326: {  	v56 =	vor.u32 v50, v16;
	v10 =	vld.idx.msk [tilespmem:v15+s11+$0x0], $0xffff;
	[tilespmem:s12+$0xE0] =	vst v60  }
0x327: {  	[tilespmem:s13+$0xFFFFE1E0] =	vst v11;
	v11 =	vld.idx.msk [tilespmem:v12+s11+$0x0], $0xffff  }
0x328: {  	v12 =	vld.idx.msk [tilespmem:v13+s11+$0x0], $0xffff;
	[tilespmem:s12+$0x1190] =	vst v7  }
0x329: {  	v7 =	vor.u32 $0x8, v40;
	[tilespmem:s13+$0xFFFFE060] =	vst v8;
	v8 =	vld.idx.msk [tilespmem:v62+s11+$0x0], $0xffff  }
0x32a: {  	v16 =	vor.u32 $0x18, v43;
	v43 =	vmovc v54;
	v13 =	vor.u32 s16, v7;
	v15 =	vor.u32 s15, v7;
	v9 =	vld.idx.msk [tilespmem:v9+s11+$0x0], $0xffff;
	[tilespmem:s13+$0xFFFFE0E0] =	vst v18  }
0x32b: {  	v54 =	vor.u32 s17, v7;
	v7 =	vor.u32 s5, v7;
	v18 =	vld.idx.msk [tilespmem:v51+s11+$0x0], $0xffff;
	[tilespmem:s13+$0xFFFFE160] =	vst v14;
	v14 =	vor.u32 v52, v16  }
0x32c: {  	v60 =	vor.u32 v49, v16;
	v62 =	vor.u32 v48, v16;
	v61 =	vld.idx.msk [tilespmem:v61+s11+$0x0], $0xffff;
	[tilespmem:s12+$0x160] =	vst v6  }
0x32d: {  	v51 =	vor.u32 v50, v16;
	[tilespmem:s12+$0x70] =	vst v10;
	v6 =	vld.idx.msk [tilespmem:v0+s11+$0x0], $0xffff  }
0x32e: {  	[tilespmem:s13+$0xFFFFE1F0] =	vst v12;
	v10 =	vld.idx.msk [tilespmem:v17+s11+$0x0], $0xffff  }
0x32f: {  	v12 =	vld.idx.msk [tilespmem:v15+s11+$0x0], $0xffff;
	[tilespmem:s12+$0x11A0] =	vst v8  }
0x330: {  	v0 =	vor.u32 $0x8, v41;
	[tilespmem:s13+$0xFFFFE070] =	vst v9;
	v8 =	vld.idx.msk [tilespmem:v14+s11+$0x0], $0xffff  }
0x331: {  	v15 =	vor.u32 $0x18, v44;
	v44 =	vmovc v53;
	v14 =	vor.u32 s15, v0;
	v9 =	vld.idx.msk [tilespmem:v13+s11+$0x0], $0xffff;
	v13 =	vor.u32 s16, v0;
	[tilespmem:s13+$0xFFFFE0F0] =	vst v18  }
0x332: {  	v17 =	vor.u32 s17, v0;
	v18 =	vor.u32 s5, v0;
	v16 =	vld.idx.msk [tilespmem:v54+s11+$0x0], $0xffff;
	[tilespmem:s13+$0xFFFFE170] =	vst v61;
	v54 =	vor.u32 v52, v15  }
0x333: {  	v0 =	vor.u32 v48, v15;
	v61 =	vor.u32 v49, v15;
	v7 =	vld.idx.msk [tilespmem:v7+s11+$0x0], $0xffff;
	[tilespmem:s12+$0xF0] =	vst v11  }
0x334: {  	v53 =	vor.u32 v50, v15;
	v11 =	vld.idx.msk [tilespmem:v2+s11+$0x0], $0xffff;
	[tilespmem:s12+$0x170] =	vst v6  }
0x335: {  	[tilespmem:s13+$0xFFFFF180] =	vst v12;
	v5 =	vld.idx.msk [tilespmem:v5+s11+$0x0], $0xffff  }
0x336: {  	v6 =	vld.idx.msk [tilespmem:v14+s11+$0x0], $0xffff;
	[tilespmem:s12+$0x11B0] =	vst v8  }
0x337: {  	v2 =	vor.u32 $0x8, v42;
	[tilespmem:s13+$0xFFFFF000] =	vst v9;
	v8 =	vld.idx.msk [tilespmem:v54+s11+$0x0], $0xffff  }
0x338: {  	v12 =	vor.u32 s16, v2;
	v14 =	vor.u32 $0x18, v45;
	v45 =	vmovc v58;
	v9 =	vld.idx.msk [tilespmem:v13+s11+$0x0], $0xffff;
	[tilespmem:s13+$0xFFFFF080] =	vst v16;
	v13 =	vor.u32 s15, v2  }
0x339: {  	v16 =	vor.u32 s17, v2;
	v15 =	vld.idx.msk [tilespmem:v17+s11+$0x0], $0xffff;
	[tilespmem:s13+$0xFFFFF100] =	vst v7;
	v7 =	vor.u32 s5, v2;
	v17 =	vor.u32 v52, v14  }
0x33a: {  	v58 =	vor.u32 v49, v14;
	v2 =	vor.u32 v48, v14;
	v18 =	vld.idx.msk [tilespmem:v18+s11+$0x0], $0xffff;
	[tilespmem:s12+$0x1000] =	vst v10  }
0x33b: {  	v54 =	vor.u32 v50, v14;
	v10 =	vld.idx.msk [tilespmem:v3+s11+$0x0], $0xffff;
	[tilespmem:s12+$0x1080] =	vst v11  }
0x33c: {  	[tilespmem:s13+$0xFFFFF190] =	vst v6;
	v6 =	vld.idx.msk [tilespmem:v1+s11+$0x0], $0xffff  }
0x33d: {  	v11 =	vld.idx.msk [tilespmem:v13+s11+$0x0], $0xffff;
	[tilespmem:s12+$0x11C0] =	vst v8  }
0x33e: {  	v1 =	vor.u32 $0x8, v43;
	[tilespmem:s13+$0xFFFFF010] =	vst v9;
	v8 =	vld.idx.msk [tilespmem:v17+s11+$0x0], $0xffff  }
0x33f: {  	v14 =	vor.u32 $0x18, v46;
	v46 =	vmovc v55;
	v13 =	vor.u32 s15, v1;
	v9 =	vld.idx.msk [tilespmem:v12+s11+$0x0], $0xffff;
	v12 =	vor.u32 s16, v1;
	[tilespmem:s13+$0xFFFFF090] =	vst v15  }
0x340: {  	v17 =	vor.u32 s5, v1;
	v15 =	vld.idx.msk [tilespmem:v16+s11+$0x0], $0xffff;
	v16 =	vor.u32 s17, v1;
	[tilespmem:s13+$0xFFFFF110] =	vst v18;
	v18 =	vor.u32 v52, v14  }
0x341: {  	v3 =	vor.u32 v48, v14;
	v1 =	vor.u32 v49, v14;
	v7 =	vld.idx.msk [tilespmem:v7+s11+$0x0], $0xffff;
	[tilespmem:s12+$0x1100] =	vst v5  }
0x342: {  	v55 =	vor.u32 v50, v14;
	[tilespmem:s12+$0x1010] =	vst v10;
	v5 =	vld.idx.msk [tilespmem:v63+s11+$0x0], $0xffff  }
0x343: {  	[tilespmem:s13+$0xFFFFF1A0] =	vst v11;
	v4 =	vld.idx.msk [tilespmem:v4+s11+$0x0], $0xffff  }
0x344: {  	v10 =	vld.idx.msk [tilespmem:v13+s11+$0x0], $0xffff;
	[tilespmem:s12+$0x11D0] =	vst v8  }
0x345: {  	v8 =	vor.u32 $0x8, v44;
	[tilespmem:s13+$0xFFFFF020] =	vst v9;
	v9 =	vld.idx.msk [tilespmem:v18+s11+$0x0], $0xffff  }
0x346: {  	v14 =	vor.u32 $0x18, v47;
	v47 =	vmovc v57;
	v13 =	vor.u32 s15, v8;
	v11 =	vld.idx.msk [tilespmem:v12+s11+$0x0], $0xffff;
	v12 =	vor.u32 s16, v8;
	[tilespmem:s13+$0xFFFFF0A0] =	vst v15  }
0x347: {  	v15 =	vld.idx.msk [tilespmem:v16+s11+$0x0], $0xffff;
	v16 =	vor.u32 s17, v8;
	[tilespmem:s13+$0xFFFFF120] =	vst v7;
	v7 =	vor.u32 s5, v8;
	v8 =	vor.u32 v52, v14  }
0x348: {  	v49 =	vor.u32 v49, v14;
	v52 =	vor.u32 v48, v14;
	v17 =	vld.idx.msk [tilespmem:v17+s11+$0x0], $0xffff;
	[tilespmem:s12+$0x1090] =	vst v6  }
0x349: {  	v48 =	vor.u32 v50, v14;
	v6 =	vld.idx.msk [tilespmem:v59+s11+$0x0], $0xffff;
	[tilespmem:s12+$0x1110] =	vst v5  }
0x34a: {  	[tilespmem:s13+$0xFFFFF1B0] =	vst v10;
	v5 =	vld.idx.msk [tilespmem:v56+s11+$0x0], $0xffff  }
0x34b: {  	v10 =	vld.idx.msk [tilespmem:v13+s11+$0x0], $0xffff;
	[tilespmem:s12+$0x11E0] =	vst v9  }
0x34c: {  	v9 =	vor.u32 $0x8, v45;
	[tilespmem:s13+$0xFFFFF030] =	vst v11;
	v8 =	vld.idx.msk [tilespmem:v8+s11+$0x0], $0xffff  }
0x34d: {  	v13 =	vor.u32 s15, v9;
	v11 =	vld.idx.msk [tilespmem:v12+s11+$0x0], $0xffff;
	v12 =	vor.u32 s16, v9;
	[tilespmem:s13+$0xFFFFF0B0] =	vst v15  }
0x34e: {  	v15 =	vor.u32 s17, v9;
	v9 =	vor.u32 s5, v9;
	v14 =	vld.idx.msk [tilespmem:v16+s11+$0x0], $0xffff;
	[tilespmem:s13+$0xFFFFF130] =	vst v17  }
0x34f: {  	v7 =	vld.idx.msk [tilespmem:v7+s11+$0x0], $0xffff;
	[tilespmem:s12+$0x1020] =	vst v4  }
0x350: {  	v4 =	vld.idx.msk [tilespmem:v62+s11+$0x0], $0xffff;
	[tilespmem:s12+$0x10A0] =	vst v6  }
0x351: {  	[tilespmem:s13+$0xFFFFF1C0] =	vst v10;
	v6 =	vld.idx.msk [tilespmem:v60+s11+$0x0], $0xffff  }
0x352: {  	v10 =	vld.idx.msk [tilespmem:v13+s11+$0x0], $0xffff;
	[tilespmem:s12+$0x11F0] =	vst v8  }
0x353: {  	v8 =	vor.u32 $0x8, v46;
	[tilespmem:s13+$0xFFFFF040] =	vst v11  }
0x354: {  	v13 =	vor.u32 s15, v8;
	v11 =	vld.idx.msk [tilespmem:v12+s11+$0x0], $0xffff;
	v12 =	vor.u32 s16, v8;
	[tilespmem:s13+$0xFFFFF0C0] =	vst v14  }
0x355: {  	v14 =	vld.idx.msk [tilespmem:v15+s11+$0x0], $0xffff;
	v15 =	vor.u32 s17, v8;
	[tilespmem:s13+$0xFFFFF140] =	vst v7;
	v7 =	vor.u32 s5, v8  }
0x356: {  	v8 =	vld.idx.msk [tilespmem:v9+s11+$0x0], $0xffff;
	[tilespmem:s12+$0x1120] =	vst v5  }
0x357: {  	[tilespmem:s12+$0x1030] =	vst v4;
	v4 =	vld.idx.msk [tilespmem:v51+s11+$0x0], $0xffff  }
0x358: {  	[tilespmem:s13+$0xFFFFF1D0] =	vst v10;
	v0 =	vld.idx.msk [tilespmem:v0+s11+$0x0], $0xffff  }
0x359: {  	v5 =	vld.idx.msk [tilespmem:v13+s11+$0x0], $0xffff;
	[tilespmem:s12+$0x10B0] =	vst v6  }
0x35a: {  	v6 =	vor.u32 $0x8, v47;
	[tilespmem:s13+$0xFFFFF050] =	vst v11;
	v9 =	vld.idx.msk [tilespmem:v61+s11+$0x0], $0xffff  }
0x35b: {  	v11 =	vor.u32 s16, v6;
	v10 =	vld.idx.msk [tilespmem:v12+s11+$0x0], $0xffff;
	[tilespmem:s13+$0xFFFFF0D0] =	vst v14;
	v12 =	vor.u32 s15, v6  }
0x35c: {  	v14 =	vor.u32 s17, v6;
	v6 =	vor.u32 s5, v6;
	v13 =	vld.idx.msk [tilespmem:v15+s11+$0x0], $0xffff;
	[tilespmem:s13+$0xFFFFF150] =	vst v8  }
0x35d: {  	v7 =	vld.idx.msk [tilespmem:v7+s11+$0x0], $0xffff;
	[tilespmem:s12+$0x1130] =	vst v4  }
0x35e: {  	[tilespmem:s12+$0x1040] =	vst v0;
	v0 =	vld.idx.msk [tilespmem:v53+s11+$0x0], $0xffff  }
0x35f: {  	[tilespmem:s13+$0xFFFFF1E0] =	vst v5;
	v2 =	vld.idx.msk [tilespmem:v2+s11+$0x0], $0xffff  }
0x360: {  	v4 =	vld.idx.msk [tilespmem:v12+s11+$0x0], $0xffff;
	[tilespmem:s12+$0x10C0] =	vst v9  }
0x361: {  	v5 =	vor.u32 $0x10, v40;
	[tilespmem:s13+$0xFFFFF060] =	vst v10;
	v8 =	vld.idx.msk [tilespmem:v58+s11+$0x0], $0xffff  }
0x362: {  	v10 =	vor.u32 s16, v5;
	v9 =	vld.idx.msk [tilespmem:v11+s11+$0x0], $0xffff;
	[tilespmem:s13+$0xFFFFF0E0] =	vst v13;
	v11 =	vor.u32 s15, v5  }
0x363: {  	v13 =	vor.u32 s17, v5;
	v5 =	vor.u32 s5, v5;
	v12 =	vld.idx.msk [tilespmem:v14+s11+$0x0], $0xffff;
	[tilespmem:s13+$0xFFFFF160] =	vst v7  }
0x364: {  	v6 =	vld.idx.msk [tilespmem:v6+s11+$0x0], $0xffff;
	[tilespmem:s12+$0x1140] =	vst v0  }
0x365: {  	[tilespmem:s12+$0x1050] =	vst v2;
	v0 =	vld.idx.msk [tilespmem:v54+s11+$0x0], $0xffff  }
0x366: {  	[tilespmem:s13+$0xFFFFF1F0] =	vst v4;
	v2 =	vld.idx.msk [tilespmem:v3+s11+$0x0], $0xffff  }
0x367: {  	v3 =	vld.idx.msk [tilespmem:v11+s11+$0x0], $0xffff;
	[tilespmem:s12+$0x10D0] =	vst v8  }
0x368: {  	v4 =	vor.u32 $0x10, v41;
	[tilespmem:s13+$0xFFFFF070] =	vst v9;
	v1 =	vld.idx.msk [tilespmem:v1+s11+$0x0], $0xffff  }
0x369: {  	v8 =	vor.u32 s16, v4;
	v9 =	vor.u32 s15, v4;
	v7 =	vld.idx.msk [tilespmem:v10+s11+$0x0], $0xffff;
	[tilespmem:s13+$0xFFFFF0F0] =	vst v12  }
0x36a: {  	v11 =	vor.u32 s17, v4;
	v53 =	vor.u32 s5, v4;
	v10 =	vld.idx.msk [tilespmem:v13+s11+$0x0], $0xffff;
	[tilespmem:s13+$0xFFFFF170] =	vst v6  }
0x36b: {  	v6 =	vld.idx.msk [tilespmem:v5+s11+$0x0], $0xffff;
	[tilespmem:s12+$0x1150] =	vst v0  }
0x36c: {  	[tilespmem:s12+$0x1060] =	vst v2;
	v51 =	vld.idx.msk [tilespmem:v55+s11+$0x0], $0xffff  }
.Ltmp1:
0x36d: {  	[tilespmem:s13+$0x180] =	vst v3;
	v50 =	vld.idx.msk [tilespmem:v52+s11+$0x0], $0xffff;
	(pc) =	sbr.rel @p0 .LBB2_5-.Ltmp1, $4  }
0x36e: {  	v4 =	vld.idx.msk [tilespmem:v9+s11+$0x0], $0xffff;
	[tilespmem:s12+$0x10E0] =	vst v1  }
0x36f: {  	v0 =	vor.u32 $0x10, v42;
	[tilespmem:s13+$0x0] =	vst v7;
	v49 =	vld.idx.msk [tilespmem:v49+s11+$0x0], $0xffff  }
0x370: {  	v52 =	vor.u32 s15, v0;
	v1 =	vor.u32 s16, v0;
	v3 =	vld.idx.msk [tilespmem:v8+s11+$0x0], $0xffff;
	[tilespmem:s13+$0x80] =	vst v10  }
0x371: {  	s8 =	sadd.s32 $0x40, s8;
	s7 =	sadd.s32 $0x4, s7;
	v2 =	vor.u32 s17, v0;
	v0 =	vor.u32 s5, v0;
	v5 =	vld.idx.msk [tilespmem:v11+s11+$0x0], $0xffff;
	[tilespmem:s13+$0x100] =	vst v6  }
0x372: {  	_ =	sdelay $0x3  }
0x373: {  	v6 =	vld.idx.msk [tilespmem:v53+s11+$0x0], $0xffff;
	_ =	sdelay $0x1  }
0x374: {  	[tilespmem:s13+$0x190] =	vst v4  }
0x375: {  	v4 =	vld.idx.msk [tilespmem:v52+s11+$0x0], $0xffff;
	[tilespmem:s13+$0x10] =	vst v3;
	v3 =	vor.u32 $0x10, v43  }
0x376: {  	[tilespmem:s13+$0x90] =	vst v5;
	v5 =	vor.u32 s15, v3;
	v1 =	vld.idx.msk [tilespmem:v1+s11+$0x0], $0xffff  }
0x377: {  	v7 =	vor.u32 s16, v3;
	[tilespmem:s13+$0x110] =	vst v6;
	v2 =	vld.idx.msk [tilespmem:v2+s11+$0x0], $0xffff  }
0x378: {  	v6 =	vor.u32 s17, v3;
	v0 =	vld.idx.msk [tilespmem:v0+s11+$0x0], $0xffff  }
0x379: {  	v3 =	vor.u32 s5, v3  }
0x37a: {  	[tilespmem:s13+$0x1A0] =	vst v4  }
0x37b: {  	v4 =	vld.idx.msk [tilespmem:v5+s11+$0x0], $0xffff;
	v5 =	vor.u32 $0x10, v44;
	[tilespmem:s13+$0x20] =	vst v1  }
0x37c: {  	v1 =	vor.u32 s15, v5;
	v7 =	vld.idx.msk [tilespmem:v7+s11+$0x0], $0xffff;
	[tilespmem:s13+$0xA0] =	vst v2  }
0x37d: {  	v2 =	vor.u32 s16, v5;
	v6 =	vld.idx.msk [tilespmem:v6+s11+$0x0], $0xffff;
	[tilespmem:s13+$0x120] =	vst v0  }
0x37e: {  	v0 =	vor.u32 s17, v5;
	v3 =	vld.idx.msk [tilespmem:v3+s11+$0x0], $0xffff  }
0x37f: {  	v5 =	vor.u32 s5, v5  }
0x380: {  	[tilespmem:s13+$0x1B0] =	vst v4  }
0x381: {  	v4 =	vor.u32 $0x10, v45;
	v1 =	vld.idx.msk [tilespmem:v1+s11+$0x0], $0xffff;
	[tilespmem:s13+$0x30] =	vst v7  }
0x382: {  	v7 =	vor.u32 s15, v4;
	v2 =	vld.idx.msk [tilespmem:v2+s11+$0x0], $0xffff;
	[tilespmem:s13+$0xB0] =	vst v6  }
0x383: {  	v6 =	vor.u32 s16, v4;
	v0 =	vld.idx.msk [tilespmem:v0+s11+$0x0], $0xffff;
	[tilespmem:s13+$0x130] =	vst v3  }
0x384: {  	v3 =	vor.u32 s17, v4;
	v5 =	vld.idx.msk [tilespmem:v5+s11+$0x0], $0xffff  }
0x385: {  	v4 =	vor.u32 s5, v4  }
0x386: {  	[tilespmem:s13+$0x1C0] =	vst v1  }
0x387: {  	v1 =	vld.idx.msk [tilespmem:v7+s11+$0x0], $0xffff;
	v7 =	vor.u32 $0x10, v46;
	[tilespmem:s13+$0x40] =	vst v2  }
0x388: {  	v2 =	vor.u32 s15, v7;
	v6 =	vld.idx.msk [tilespmem:v6+s11+$0x0], $0xffff;
	[tilespmem:s13+$0xC0] =	vst v0  }
0x389: {  	v0 =	vor.u32 s16, v7;
	v3 =	vld.idx.msk [tilespmem:v3+s11+$0x0], $0xffff;
	[tilespmem:s13+$0x140] =	vst v5  }
0x38a: {  	v5 =	vor.u32 s17, v7;
	v4 =	vld.idx.msk [tilespmem:v4+s11+$0x0], $0xffff  }
0x38b: {  	v7 =	vor.u32 s5, v7  }
0x38c: {  	[tilespmem:s13+$0x1D0] =	vst v1  }
0x38d: {  	v1 =	vld.idx.msk [tilespmem:v2+s11+$0x0], $0xffff;
	v2 =	vor.u32 $0x10, v47;
	[tilespmem:s13+$0x50] =	vst v6  }
0x38e: {  	v6 =	vor.u32 s15, v2;
	v0 =	vld.idx.msk [tilespmem:v0+s11+$0x0], $0xffff;
	[tilespmem:s13+$0xD0] =	vst v3  }
0x38f: {  	s7 =	sor.u32 $0x1B, s14;
	v3 =	vor.u32 s16, v2;
	v5 =	vld.idx.msk [tilespmem:v5+s11+$0x0], $0xffff;
	[tilespmem:s13+$0x150] =	vst v4  }
0x390: {  	v40 =	vor.u32 $0x18, v40;
	v9 =	vmov s7;
	v8 =	vor.u32 s17, v2;
	v7 =	vld.idx.msk [tilespmem:v7+s11+$0x0], $0xffff  }
0x391: {  	s29 =	sor.u32 $0x19, s14;
	v9 =	vand.u32 $0x7, v9;
	v2 =	vor.u32 s5, v2;
	v4 =	vmov s14  }
0x392: {  	s31 =	sor.u32 $0x1A, s14;
	v10 =	vmov s29;
	v4 =	vand.u32 $0x7, v4;
	[tilespmem:s13+$0x1E0] =	vst v1;
	v1 =	vbroadcast v9, $0x0  }
0x393: {  	v11 =	vmov s31;
	v17 =	vand.u32 $0x7, v10;
	v4 =	vbroadcast v4, $0x0;
	v6 =	vld.idx.msk [tilespmem:v6+s11+$0x0], $0xffff;
	[tilespmem:s13+$0x60] =	vst v0  }
0x394: {  	v52 =	vand.u32 $0x7, v11;
	v0 =	vbroadcast v17, $0x0;
	v53 =	vor.u32 v1, v40;
	v3 =	vld.idx.msk [tilespmem:v3+s11+$0x0], $0xffff;
	[tilespmem:s13+$0xE0] =	vst v5  }
0x395: {  	v54 =	vor.u32 v4, v40;
	v5 =	vbroadcast v52, $0x0;
	v8 =	vld.idx.msk [tilespmem:v8+s11+$0x0], $0xffff;
	[tilespmem:s13+$0x160] =	vst v7  }
0x396: {  	v7 =	vor.u32 v0, v40;
	v2 =	vld.idx.msk [tilespmem:v2+s11+$0x0], $0xffff  }
0x397: {  	v10 =	vor.u32 v5, v40  }
0x398: {  	[tilespmem:s13+$0x1F0] =	vst v6  }
0x399: {  	v55 =	vor.u32 $0x18, v41;
	v6 =	vld.idx.msk [tilespmem:v53+s11+$0x0], $0xffff;
	[tilespmem:s13+$0x70] =	vst v3  }
0x39a: {  	v3 =	vor.u32 v1, v55;
	v9 =	vld.idx.msk [tilespmem:v54+s11+$0x0], $0xffff;
	[tilespmem:s13+$0xF0] =	vst v8  }
0x39b: {  	v56 =	vor.u32 v4, v55;
	v7 =	vld.idx.msk [tilespmem:v7+s11+$0x0], $0xffff;
	[tilespmem:s13+$0x170] =	vst v2  }
0x39c: {  	v2 =	vor.u32 v0, v55;
	v10 =	vld.idx.msk [tilespmem:v10+s11+$0x0], $0xffff  }
0x39d: {  	v11 =	vor.u32 v5, v55  }
0x39e: {  	[tilespmem:s13+$0x1180] =	vst v6  }
0x39f: {  	v6 =	vor.u32 $0x18, v42;
	v3 =	vld.idx.msk [tilespmem:v3+s11+$0x0], $0xffff;
	[tilespmem:s13+$0x1000] =	vst v9  }
0x3a0: {  	v57 =	vor.u32 v1, v6;
	v8 =	vld.idx.msk [tilespmem:v56+s11+$0x0], $0xffff;
	[tilespmem:s13+$0x1080] =	vst v7  }
0x3a1: {  	v7 =	vor.u32 v4, v6;
	v2 =	vld.idx.msk [tilespmem:v2+s11+$0x0], $0xffff;
	[tilespmem:s13+$0x1100] =	vst v10  }
0x3a2: {  	v58 =	vor.u32 v0, v6;
	v11 =	vld.idx.msk [tilespmem:v11+s11+$0x0], $0xffff  }
0x3a3: {  	v6 =	vor.u32 v5, v6  }
0x3a4: {  	[tilespmem:s13+$0x1190] =	vst v3  }
0x3a5: {  	v59 =	vor.u32 $0x18, v43;
	v3 =	vld.idx.msk [tilespmem:v57+s11+$0x0], $0xffff;
	[tilespmem:s13+$0x1010] =	vst v8  }
0x3a6: {  	v60 =	vor.u32 v1, v59;
	v7 =	vld.idx.msk [tilespmem:v7+s11+$0x0], $0xffff;
	[tilespmem:s13+$0x1090] =	vst v2  }
0x3a7: {  	v2 =	vor.u32 v4, v59;
	v10 =	vld.idx.msk [tilespmem:v58+s11+$0x0], $0xffff;
	[tilespmem:s13+$0x1110] =	vst v11  }
0x3a8: {  	v61 =	vor.u32 v0, v59;
	v6 =	vld.idx.msk [tilespmem:v6+s11+$0x0], $0xffff  }
0x3a9: {  	v9 =	vor.u32 v5, v59  }
0x3aa: {  	[tilespmem:s13+$0x11A0] =	vst v3  }
0x3ab: {  	v62 =	vor.u32 $0x18, v44;
	v3 =	vld.idx.msk [tilespmem:v60+s11+$0x0], $0xffff;
	[tilespmem:s13+$0x1020] =	vst v7  }
0x3ac: {  	v7 =	vor.u32 v1, v62;
	v2 =	vld.idx.msk [tilespmem:v2+s11+$0x0], $0xffff;
	[tilespmem:s13+$0x10A0] =	vst v10  }
0x3ad: {  	v63 =	vor.u32 v4, v62;
	v11 =	vld.idx.msk [tilespmem:v61+s11+$0x0], $0xffff;
	[tilespmem:s13+$0x1120] =	vst v6  }
0x3ae: {  	v6 =	vor.u32 v0, v62;
	v9 =	vld.idx.msk [tilespmem:v9+s11+$0x0], $0xffff  }
0x3af: {  	v8 =	vor.u32 v5, v62  }
0x3b0: {  	[tilespmem:s13+$0x11B0] =	vst v3  }
0x3b1: {  	v3 =	vld.idx.msk [tilespmem:v7+s11+$0x0], $0xffff;
	v7 =	vor.u32 $0x18, v45;
	[tilespmem:s13+$0x1030] =	vst v2  }
0x3b2: {  	v2 =	vor.u32 v1, v7;
	v10 =	vld.idx.msk [tilespmem:v63+s11+$0x0], $0xffff;
	[tilespmem:s13+$0x10B0] =	vst v11  }
0x3b3: {  	v12 =	vor.u32 v4, v7;
	v6 =	vld.idx.msk [tilespmem:v6+s11+$0x0], $0xffff;
	[tilespmem:s13+$0x1130] =	vst v9  }
0x3b4: {  	v13 =	vor.u32 v0, v7;
	v8 =	vld.idx.msk [tilespmem:v8+s11+$0x0], $0xffff  }
0x3b5: {  	v7 =	vor.u32 v5, v7  }
0x3b6: {  	[tilespmem:s13+$0x11C0] =	vst v3  }
0x3b7: {  	v3 =	vor.u32 $0x18, v46;
	v2 =	vld.idx.msk [tilespmem:v2+s11+$0x0], $0xffff;
	[tilespmem:s13+$0x1040] =	vst v10  }
0x3b8: {  	v14 =	vor.u32 v1, v3;
	v11 =	vld.idx.msk [tilespmem:v12+s11+$0x0], $0xffff;
	[tilespmem:s13+$0x10C0] =	vst v6  }
0x3b9: {  	v6 =	vor.u32 v4, v3;
	v9 =	vld.idx.msk [tilespmem:v13+s11+$0x0], $0xffff;
	[tilespmem:s13+$0x1140] =	vst v8  }
0x3ba: {  	v15 =	vor.u32 v0, v3;
	v7 =	vld.idx.msk [tilespmem:v7+s11+$0x0], $0xffff  }
0x3bb: {  	v3 =	vor.u32 v5, v3  }
0x3bc: {  	[tilespmem:s13+$0x11D0] =	vst v2  }
0x3bd: {  	v16 =	vor.u32 $0x18, v47;
	v2 =	vld.idx.msk [tilespmem:v14+s11+$0x0], $0xffff;
	[tilespmem:s13+$0x1050] =	vst v11  }
0x3be: {  	v1 =	vor.u32 v1, v16;
	v6 =	vld.idx.msk [tilespmem:v6+s11+$0x0], $0xffff;
	[tilespmem:s13+$0x10D0] =	vst v9  }
0x3bf: {  	v4 =	vor.u32 v4, v16;
	v8 =	vld.idx.msk [tilespmem:v15+s11+$0x0], $0xffff;
	[tilespmem:s13+$0x1150] =	vst v7  }
0x3c0: {  	[tilespmem:s12+$0x1160] =	vst v51;
	v0 =	vor.u32 v0, v16;
	v3 =	vld.idx.msk [tilespmem:v3+s11+$0x0], $0xffff  }
0x3c1: {  	[tilespmem:s12+$0x1070] =	vst v50;
	v5 =	vor.u32 v5, v16  }
0x3c2: {  	v7 =	vld.idx.msk [tilespmem:v48+s11+$0x0], $0xffff;
	[tilespmem:s13+$0x11E0] =	vst v2  }
0x3c3: {  	v1 =	vld.idx.msk [tilespmem:v1+s11+$0x0], $0xffff;
	[tilespmem:s13+$0x1060] =	vst v6  }
0x3c4: {  	v2 =	vld.idx.msk [tilespmem:v4+s11+$0x0], $0xffff;
	[tilespmem:s13+$0x10E0] =	vst v8  }
0x3c5: {  	v0 =	vld.idx.msk [tilespmem:v0+s11+$0x0], $0xffff;
	[tilespmem:s13+$0x1160] =	vst v3  }
0x3c6: {  	[tilespmem:s12+$0x10F0] =	vst v49;
	v3 =	vld.idx.msk [tilespmem:v5+s11+$0x0], $0xffff  }
0x3c7: {  	[tilespmem:s12+$0x1170] =	vst v7  }
0x3c8: {  	s7 =	sshll.u32 s0, $0x14;
	[tilespmem:s13+$0x11F0] =	vst v1  }
0x3c9: {  	s5 =	sor.u32 s6, s7;
	[tilespmem:s13+$0x1070] =	vst v2  }
0x3ca: {  	s5 =	sshrl.u32 s5, $0x3;
	[tilespmem:s13+$0x10F0] =	vst v0  }
0x3cb: {  	p0 =	seq.s32 s0, $0x18;
	s5 =	sadd.s32 s2, s5;
	[tilespmem:s13+$0x1170] =	vst v3  }
0x3cc: {  	[hbm4b:s5+s23] =	stream.strided.scatter [tilespmem:s25], [sflag:$0x3], $0x4000, s24, s23, $0x38;
	[tilespmem:$0x1D400] =	vst v63  }
0x3cd: {  	s5 =	sshll.u32 @!p0 s0, $0xA  }
0x3ce: {  	s5 =	sand.u32 @!p0 $0x3FFFFC00, s5  }
0x3cf: {  	s8 =	simm.s32 @!p0 $0x80;
	s12 =	simm.s32 @!p0 $0xD400;
	s7 =	sadd.s32 @!p0 $0x7400, s5  }
0x3d0: {  	[tilespmem:s12], [sflag:$0x1] =	stream.indirect.gather @!p0 [hbm4b:s4+s8], $0x20, s7, s8, $0xb8;
	[tilespmem:$0x1D400] =	vst v63  }
0x3d1: {  	s7 =	sadd.s32 @!p0 $0x7480, s5;
	s12 =	simm.s32 @!p0 $0xE400  }
0x3d2: {  	[tilespmem:s12], [sflag:$0x1] =	stream.indirect.gather @!p0 [hbm4b:s4+s8], $0x20, s7, s8, $0xb8;
	[tilespmem:$0x1D400] =	vst v63  }
0x3d3: {  	s7 =	sadd.s32 @!p0 $0x7500, s5;
	s12 =	simm.s32 @!p0 $0xF400  }
0x3d4: {  	[tilespmem:s12], [sflag:$0x1] =	stream.indirect.gather @!p0 [hbm4b:s4+s8], $0x20, s7, s8, $0xb8;
	[tilespmem:$0x1D400] =	vst v63  }
0x3d5: {  	p1 =	seq.s32 @!p0 s0, $0x0;
	s5 =	sadd.s32 @!p0 $0x7580, s5;
	s7 =	simm.s32 @!p0 $0x10400  }
0x3d6: {  	[tilespmem:s7], [sflag:$0x1] =	stream.indirect.gather @!p0 [hbm4b:s4+s8], $0x20, s5, s8, $0xb8;
	[tilespmem:$0x1D400] =	vst v63  }
0x3d7: {  	p0 =	por p0, !p1  }
0x3d8: {  	_ =	swait.ge @p0 [sflag:s30], $0x4000  }
0x3d9: {  	[sflag:s30] =	ssyncset.done @p0 $0x0  }
0x3da: {  	[sflag:s30] =	ssyncadd.s32 @p0 $0xFFFFC000  }
0x3db: {  	_ =	swait.ge [sflag:s26], $0x1000  }
0x3dc: {  	[sflag:s26] =	ssyncset.done $0x0  }
0x3dd: {  	s7 =	simm.s32 $0x0;
	[sflag:s26] =	ssyncadd.s32 $0xFFFFF000  }
0x3de: {  	s8 =	sand.u32 $0x180, s7;
	_ =	swait.ge [sflag:s26], $0x1000  }
0x3df: {  	v0 =	vmov s8;
	[sflag:s26] =	ssyncset.done $0x0  }
0x3e0: {  	s12 =	simm.s32 $0x3;
	v0 =	vshll.u32 v0, $0x5;
	[sflag:s26] =	ssyncadd.s32 $0xFFFFF000  }
0x3e1: {  	s19 =	sand.u32 $0x7, s12;
	v46 =	vor.u32 v27, v0;
	_ =	swait.ge [sflag:s26], $0x1000  }
0x3e2: {  	s13 =	simm.s32 $0x1;
	s29 =	sand.u32 $0x4, s7;
	v1 =	vor.u32 s19, v46;
	[sflag:s26] =	ssyncset.done $0x0  }
0x3e3: {  	s31 =	sand.u32 $0x5, s13;
	v2 =	vor.u32 s29, v46;
	[sflag:s26] =	ssyncadd.s32 $0xFFFFF000  }
0x3e4: {  	s14 =	simm.s32 $0x2;
	v3 =	vor.u32 s31, v46;
	_ =	swait.ge [sflag:s26], $0x1000  }
0x3e5: {  	s8 =	sand.u32 $0x6, s14;
	[sflag:s26] =	ssyncset.done $0x0  }
0x3e6: {  	v4 =	vor.u32 s8, v46;
	[sflag:s26] =	ssyncadd.s32 $0xFFFFF000  }
0x3e7: {  	v47 =	vor.u32 v39, v0;
	v1 =	vld.idx.msk [tilespmem:v1+s18+$0x0], $0xffff  }
0x3e8: {  	v5 =	vor.u32 s19, v47;
	v2 =	vld.idx.msk [tilespmem:v2+s18+$0x0], $0xffff  }
0x3e9: {  	v6 =	vor.u32 s29, v47;
	v3 =	vld.idx.msk [tilespmem:v3+s18+$0x0], $0xffff  }
0x3ea: {  	v7 =	vor.u32 s31, v47  }
0x3eb: {  	s12 =	simm.s32 $0x1B400;
	v4 =	vld.idx.msk [tilespmem:v4+s18+$0x0], $0xffff  }
0x3ec: {  	v17 =	vor.u32 s8, v47;
	[tilespmem:s12+$0xFFFFE180] =	vst v1  }
0x3ed: {  	v53 =	vor.u32 v38, v0;
	[tilespmem:s12+$0xFFFFE000] =	vst v2;
	v1 =	vld.idx.msk [tilespmem:v5+s18+$0x0], $0xffff  }
0x3ee: {  	v2 =	vor.u32 s19, v53;
	[tilespmem:s12+$0xFFFFE080] =	vst v3;
	v5 =	vld.idx.msk [tilespmem:v6+s18+$0x0], $0xffff  }
0x3ef: {  	v3 =	vor.u32 s29, v53;
	v6 =	vld.idx.msk [tilespmem:v7+s18+$0x0], $0xffff  }
0x3f0: {  	[tilespmem:s12+$0xFFFFE100] =	vst v4;
	v4 =	vor.u32 s31, v53  }
0x3f1: {  	v7 =	vld.idx.msk [tilespmem:v17+s18+$0x0], $0xffff  }
0x3f2: {  	v40 =	vor.u32 s8, v53;
	[tilespmem:s12+$0xFFFFE190] =	vst v1  }
0x3f3: {  	v52 =	vor.u32 v37, v0;
	[tilespmem:s12+$0xFFFFE010] =	vst v5;
	v1 =	vld.idx.msk [tilespmem:v2+s18+$0x0], $0xffff  }
0x3f4: {  	[tilespmem:s12+$0xFFFFE090] =	vst v6;
	v2 =	vor.u32 s19, v52;
	v3 =	vld.idx.msk [tilespmem:v3+s18+$0x0], $0xffff  }
0x3f5: {  	v5 =	vor.u32 s29, v52;
	v4 =	vld.idx.msk [tilespmem:v4+s18+$0x0], $0xffff  }
0x3f6: {  	[tilespmem:s12+$0xFFFFE110] =	vst v7;
	v6 =	vor.u32 s31, v52  }
0x3f7: {  	v7 =	vld.idx.msk [tilespmem:v40+s18+$0x0], $0xffff  }
0x3f8: {  	v41 =	vor.u32 s8, v52;
	[tilespmem:s12+$0xFFFFE1A0] =	vst v1  }
0x3f9: {  	v51 =	vor.u32 v36, v0;
	[tilespmem:s12+$0xFFFFE020] =	vst v3;
	v1 =	vld.idx.msk [tilespmem:v2+s18+$0x0], $0xffff  }
0x3fa: {  	[tilespmem:s12+$0xFFFFE0A0] =	vst v4;
	v2 =	vor.u32 s19, v51;
	v3 =	vld.idx.msk [tilespmem:v5+s18+$0x0], $0xffff  }
0x3fb: {  	v4 =	vor.u32 s29, v51;
	v5 =	vld.idx.msk [tilespmem:v6+s18+$0x0], $0xffff  }
0x3fc: {  	[tilespmem:s12+$0xFFFFE120] =	vst v7;
	v6 =	vor.u32 s31, v51  }
0x3fd: {  	v7 =	vld.idx.msk [tilespmem:v41+s18+$0x0], $0xffff  }
0x3fe: {  	v42 =	vor.u32 s8, v51;
	[tilespmem:s12+$0xFFFFE1B0] =	vst v1  }
0x3ff: {  	v50 =	vor.u32 v35, v0;
	[tilespmem:s12+$0xFFFFE030] =	vst v3;
	v1 =	vld.idx.msk [tilespmem:v2+s18+$0x0], $0xffff  }
0x400: {  	[tilespmem:s12+$0xFFFFE0B0] =	vst v5;
	v2 =	vor.u32 s19, v50;
	v3 =	vld.idx.msk [tilespmem:v4+s18+$0x0], $0xffff  }
0x401: {  	v4 =	vor.u32 s29, v50;
	v5 =	vld.idx.msk [tilespmem:v6+s18+$0x0], $0xffff  }
0x402: {  	[tilespmem:s12+$0xFFFFE130] =	vst v7;
	v6 =	vor.u32 s31, v50  }
0x403: {  	v7 =	vld.idx.msk [tilespmem:v42+s18+$0x0], $0xffff  }
0x404: {  	v43 =	vor.u32 s8, v50;
	[tilespmem:s12+$0xFFFFE1C0] =	vst v1  }
0x405: {  	v49 =	vor.u32 v34, v0;
	[tilespmem:s12+$0xFFFFE040] =	vst v3;
	v1 =	vld.idx.msk [tilespmem:v2+s18+$0x0], $0xffff  }
0x406: {  	[tilespmem:s12+$0xFFFFE0C0] =	vst v5;
	v2 =	vor.u32 s19, v49;
	v3 =	vld.idx.msk [tilespmem:v4+s18+$0x0], $0xffff  }
0x407: {  	v4 =	vor.u32 s29, v49;
	v5 =	vld.idx.msk [tilespmem:v6+s18+$0x0], $0xffff  }
0x408: {  	[tilespmem:s12+$0xFFFFE140] =	vst v7;
	v6 =	vor.u32 s31, v49  }
0x409: {  	v7 =	vld.idx.msk [tilespmem:v43+s18+$0x0], $0xffff  }
0x40a: {  	v44 =	vor.u32 s8, v49;
	[tilespmem:s12+$0xFFFFE1D0] =	vst v1  }
0x40b: {  	v48 =	vor.u32 v33, v0;
	[tilespmem:s12+$0xFFFFE050] =	vst v3;
	v1 =	vld.idx.msk [tilespmem:v2+s18+$0x0], $0xffff  }
0x40c: {  	v0 =	vor.u32 s19, v48;
	[tilespmem:s12+$0xFFFFE0D0] =	vst v5;
	v2 =	vld.idx.msk [tilespmem:v4+s18+$0x0], $0xffff  }
0x40d: {  	v3 =	vor.u32 s29, v48;
	v4 =	vld.idx.msk [tilespmem:v6+s18+$0x0], $0xffff  }
0x40e: {  	[tilespmem:s12+$0xFFFFE150] =	vst v7;
	v5 =	vor.u32 s31, v48  }
0x40f: {  	v6 =	vld.idx.msk [tilespmem:v44+s18+$0x0], $0xffff  }
0x410: {  	v7 =	vor.u32 s8, v48;
	[tilespmem:s12+$0xFFFFE1E0] =	vst v1  }
0x411: {  	v1 =	vor.u32 $0x8, v46;
	[tilespmem:s12+$0xFFFFE060] =	vst v2;
	v0 =	vld.idx.msk [tilespmem:v0+s18+$0x0], $0xffff  }
0x412: {  	[tilespmem:s12+$0xFFFFE0E0] =	vst v4;
	v2 =	vor.u32 s19, v1;
	v3 =	vld.idx.msk [tilespmem:v3+s18+$0x0], $0xffff  }
0x413: {  	v4 =	vor.u32 s29, v1;
	v5 =	vld.idx.msk [tilespmem:v5+s18+$0x0], $0xffff  }
0x414: {  	[tilespmem:s12+$0xFFFFE160] =	vst v6;
	v6 =	vor.u32 s31, v1  }
0x415: {  	v7 =	vld.idx.msk [tilespmem:v7+s18+$0x0], $0xffff  }
0x416: {  	v1 =	vor.u32 s8, v1;
	[tilespmem:s12+$0xFFFFE1F0] =	vst v0  }
0x417: {  	[tilespmem:s12+$0xFFFFE070] =	vst v3;
	v0 =	vld.idx.msk [tilespmem:v2+s18+$0x0], $0xffff;
	v2 =	vor.u32 $0x8, v47  }
0x418: {  	[tilespmem:s12+$0xFFFFE0F0] =	vst v5;
	v4 =	vld.idx.msk [tilespmem:v4+s18+$0x0], $0xffff;
	v3 =	vor.u32 s19, v2  }
0x419: {  	v6 =	vld.idx.msk [tilespmem:v6+s18+$0x0], $0xffff;
	v5 =	vor.u32 s29, v2  }
0x41a: {  	[tilespmem:s12+$0xFFFFE170] =	vst v7;
	v7 =	vor.u32 s31, v2  }
0x41b: {  	v1 =	vld.idx.msk [tilespmem:v1+s18+$0x0], $0xffff  }
0x41c: {  	v2 =	vor.u32 s8, v2;
	[tilespmem:s12+$0xFFFFF180] =	vst v0  }
0x41d: {  	[tilespmem:s12+$0xFFFFF000] =	vst v4;
	v0 =	vld.idx.msk [tilespmem:v3+s18+$0x0], $0xffff;
	v3 =	vor.u32 $0x8, v53  }
0x41e: {  	[tilespmem:s12+$0xFFFFF080] =	vst v6;
	v5 =	vld.idx.msk [tilespmem:v5+s18+$0x0], $0xffff;
	v4 =	vor.u32 s19, v3  }
0x41f: {  	v7 =	vld.idx.msk [tilespmem:v7+s18+$0x0], $0xffff;
	v6 =	vor.u32 s29, v3  }
0x420: {  	[tilespmem:s12+$0xFFFFF100] =	vst v1;
	v1 =	vor.u32 s31, v3  }
0x421: {  	v2 =	vld.idx.msk [tilespmem:v2+s18+$0x0], $0xffff  }
0x422: {  	v3 =	vor.u32 s8, v3;
	[tilespmem:s12+$0xFFFFF190] =	vst v0  }
0x423: {  	[tilespmem:s12+$0xFFFFF010] =	vst v5;
	v0 =	vld.idx.msk [tilespmem:v4+s18+$0x0], $0xffff;
	v4 =	vor.u32 $0x8, v52  }
0x424: {  	[tilespmem:s12+$0xFFFFF090] =	vst v7;
	v6 =	vld.idx.msk [tilespmem:v6+s18+$0x0], $0xffff;
	v5 =	vor.u32 s19, v4  }
0x425: {  	v1 =	vld.idx.msk [tilespmem:v1+s18+$0x0], $0xffff;
	v7 =	vor.u32 s29, v4  }
0x426: {  	[tilespmem:s12+$0xFFFFF110] =	vst v2;
	v2 =	vor.u32 s31, v4  }
0x427: {  	v3 =	vld.idx.msk [tilespmem:v3+s18+$0x0], $0xffff  }
0x428: {  	v4 =	vor.u32 s8, v4;
	[tilespmem:s12+$0xFFFFF1A0] =	vst v0  }
0x429: {  	[tilespmem:s12+$0xFFFFF020] =	vst v6;
	v0 =	vld.idx.msk [tilespmem:v5+s18+$0x0], $0xffff;
	v5 =	vor.u32 $0x8, v51  }
0x42a: {  	[tilespmem:s12+$0xFFFFF0A0] =	vst v1;
	v7 =	vld.idx.msk [tilespmem:v7+s18+$0x0], $0xffff;
	v6 =	vor.u32 s19, v5  }
0x42b: {  	v2 =	vld.idx.msk [tilespmem:v2+s18+$0x0], $0xffff;
	v1 =	vor.u32 s29, v5  }
0x42c: {  	[tilespmem:s12+$0xFFFFF120] =	vst v3;
	v3 =	vor.u32 s31, v5  }
0x42d: {  	v4 =	vld.idx.msk [tilespmem:v4+s18+$0x0], $0xffff  }
0x42e: {  	v5 =	vor.u32 s8, v5;
	[tilespmem:s12+$0xFFFFF1B0] =	vst v0  }
0x42f: {  	[tilespmem:s12+$0xFFFFF030] =	vst v7;
	v0 =	vld.idx.msk [tilespmem:v6+s18+$0x0], $0xffff;
	v6 =	vor.u32 $0x8, v50  }
0x430: {  	[tilespmem:s12+$0xFFFFF0B0] =	vst v2;
	v1 =	vld.idx.msk [tilespmem:v1+s18+$0x0], $0xffff;
	v7 =	vor.u32 s19, v6  }
0x431: {  	v3 =	vld.idx.msk [tilespmem:v3+s18+$0x0], $0xffff;
	v2 =	vor.u32 s29, v6  }
0x432: {  	[tilespmem:s12+$0xFFFFF130] =	vst v4;
	v4 =	vor.u32 s31, v6  }
0x433: {  	v5 =	vld.idx.msk [tilespmem:v5+s18+$0x0], $0xffff  }
0x434: {  	v6 =	vor.u32 s8, v6;
	[tilespmem:s12+$0xFFFFF1C0] =	vst v0  }
0x435: {  	[tilespmem:s12+$0xFFFFF040] =	vst v1;
	v0 =	vld.idx.msk [tilespmem:v7+s18+$0x0], $0xffff;
	v7 =	vor.u32 $0x8, v49  }
0x436: {  	[tilespmem:s12+$0xFFFFF0C0] =	vst v3;
	v2 =	vld.idx.msk [tilespmem:v2+s18+$0x0], $0xffff;
	v1 =	vor.u32 s19, v7  }
0x437: {  	v4 =	vld.idx.msk [tilespmem:v4+s18+$0x0], $0xffff;
	v3 =	vor.u32 s29, v7  }
0x438: {  	[tilespmem:s12+$0xFFFFF140] =	vst v5;
	v5 =	vor.u32 s31, v7  }
0x439: {  	v6 =	vld.idx.msk [tilespmem:v6+s18+$0x0], $0xffff  }
0x43a: {  	v7 =	vor.u32 s8, v7;
	[tilespmem:s12+$0xFFFFF1D0] =	vst v0  }
0x43b: {  	[tilespmem:s12+$0xFFFFF050] =	vst v2;
	v0 =	vld.idx.msk [tilespmem:v1+s18+$0x0], $0xffff;
	v1 =	vor.u32 $0x8, v48  }
0x43c: {  	[tilespmem:s12+$0xFFFFF0D0] =	vst v4;
	v3 =	vld.idx.msk [tilespmem:v3+s18+$0x0], $0xffff;
	v2 =	vor.u32 s19, v1  }
0x43d: {  	v5 =	vld.idx.msk [tilespmem:v5+s18+$0x0], $0xffff;
	v4 =	vor.u32 s29, v1  }
0x43e: {  	[tilespmem:s12+$0xFFFFF150] =	vst v6;
	v6 =	vor.u32 s31, v1  }
0x43f: {  	v7 =	vld.idx.msk [tilespmem:v7+s18+$0x0], $0xffff  }
0x440: {  	v1 =	vor.u32 s8, v1;
	[tilespmem:s12+$0xFFFFF1E0] =	vst v0  }
0x441: {  	[tilespmem:s12+$0xFFFFF060] =	vst v3;
	v0 =	vld.idx.msk [tilespmem:v2+s18+$0x0], $0xffff;
	v2 =	vor.u32 $0x10, v46  }
0x442: {  	[tilespmem:s12+$0xFFFFF0E0] =	vst v5;
	v4 =	vld.idx.msk [tilespmem:v4+s18+$0x0], $0xffff;
	v3 =	vor.u32 s19, v2  }
0x443: {  	v6 =	vld.idx.msk [tilespmem:v6+s18+$0x0], $0xffff;
	v5 =	vor.u32 s29, v2  }
0x444: {  	[tilespmem:s12+$0xFFFFF160] =	vst v7;
	v7 =	vor.u32 s31, v2  }
0x445: {  	v1 =	vld.idx.msk [tilespmem:v1+s18+$0x0], $0xffff  }
0x446: {  	v2 =	vor.u32 s8, v2;
	[tilespmem:s12+$0xFFFFF1F0] =	vst v0  }
0x447: {  	[tilespmem:s12+$0xFFFFF070] =	vst v4;
	v0 =	vld.idx.msk [tilespmem:v3+s18+$0x0], $0xffff;
	v3 =	vor.u32 $0x10, v47  }
0x448: {  	[tilespmem:s12+$0xFFFFF0F0] =	vst v6;
	v5 =	vld.idx.msk [tilespmem:v5+s18+$0x0], $0xffff;
	v4 =	vor.u32 s19, v3  }
0x449: {  	v7 =	vld.idx.msk [tilespmem:v7+s18+$0x0], $0xffff;
	v6 =	vor.u32 s29, v3  }
0x44a: {  	[tilespmem:s12+$0xFFFFF170] =	vst v1;
	v1 =	vor.u32 s31, v3  }
0x44b: {  	v2 =	vld.idx.msk [tilespmem:v2+s18+$0x0], $0xffff  }
0x44c: {  	v3 =	vor.u32 s8, v3;
	[tilespmem:s12+$0x180] =	vst v0  }
0x44d: {  	[tilespmem:s12+$0x0] =	vst v5;
	v0 =	vld.idx.msk [tilespmem:v4+s18+$0x0], $0xffff  }
0x44e: {  	s15 =	simm.s32 $0x40;
	[tilespmem:s12+$0x80] =	vst v7;
	v4 =	vor.u32 $0x10, v53;
	v6 =	vld.idx.msk [tilespmem:v6+s18+$0x0], $0xffff  }
0x44f: {  	s5 =	sand.u32 $0x180, s15;
	v1 =	vld.idx.msk [tilespmem:v1+s18+$0x0], $0xffff;
	v7 =	vor.u32 s29, v4  }
0x450: {  	[tilespmem:s12+$0x100] =	vst v2;
	v2 =	vmov s5;
	v5 =	vor.u32 s19, v4  }
0x451: {  	s16 =	simm.s32 $0x7;
	s14 =	simm.s32 $0x4;
	v3 =	vld.idx.msk [tilespmem:v3+s18+$0x0], $0xffff;
	v54 =	vshll.u32 v2, $0x5;
	v45 =	vor.u32 s31, v4  }
0x452: {  	s15 =	sand.u32 $0x7, s16;
	s16 =	sand.u32 $0x4, s14;
	v2 =	vor.u32 s8, v4;
	v40 =	vor.u32 v27, v54;
	[tilespmem:s12+$0x190] =	vst v0  }
0x453: {  	s20 =	simm.s32 $0x6;
	v57 =	vor.u32 s16, v40;
	[tilespmem:s12+$0x10] =	vst v6  }
0x454: {  	s17 =	simm.s32 $0x5;
	s5 =	sand.u32 $0x6, s20;
	v4 =	vor.u32 s15, v40;
	[tilespmem:s12+$0x90] =	vst v1;
	v1 =	vld.idx.msk [tilespmem:v7+s18+$0x0], $0xffff  }
0x455: {  	s17 =	sand.u32 $0x5, s17;
	v58 =	vor.u32 s5, v40;
	v0 =	vld.idx.msk [tilespmem:v5+s18+$0x0], $0xffff  }
0x456: {  	[tilespmem:s12+$0x110] =	vst v3;
	v5 =	vor.u32 $0x10, v52;
	v7 =	vor.u32 s17, v40;
	v3 =	vld.idx.msk [tilespmem:v45+s18+$0x0], $0xffff  }
0x457: {  	v2 =	vld.idx.msk [tilespmem:v2+s18+$0x0], $0xffff;
	v6 =	vor.u32 s19, v5  }
0x458: {  	v41 =	vor.u32 v39, v54;
	v59 =	vor.u32 s29, v5;
	v9 =	vld.idx.msk [tilespmem:v57+s18+$0x0], $0xffff  }
0x459: {  	v4 =	vld.idx.msk [tilespmem:v4+s18+$0x0], $0xffff;
	[tilespmem:s12+$0x20] =	vst v1;
	v1 =	vor.u32 s16, v41  }
0x45a: {  	v8 =	vld.idx.msk [tilespmem:v58+s18+$0x0], $0xffff;
	[tilespmem:s12+$0x1A0] =	vst v0;
	v0 =	vor.u32 s31, v5  }
0x45b: {  	v7 =	vld.idx.msk [tilespmem:v7+s18+$0x0], $0xffff;
	[tilespmem:s12+$0xA0] =	vst v3;
	v5 =	vor.u32 s8, v5  }
0x45c: {  	s13 =	simm.s32 $0x1B600;
	v60 =	vor.u32 s15, v41;
	[tilespmem:s12+$0x120] =	vst v2;
	v6 =	vld.idx.msk [tilespmem:v6+s18+$0x0], $0xffff  }
0x45d: {  	v3 =	vor.u32 s17, v41;
	v10 =	vld.idx.msk [tilespmem:v59+s18+$0x0], $0xffff;
	[tilespmem:s13+$0xFFFFE000] =	vst v9  }
0x45e: {  	v12 =	vor.u32 $0x10, v51;
	[tilespmem:s13+$0xFFFFE180] =	vst v4;
	v4 =	vor.u32 s5, v41;
	v1 =	vld.idx.msk [tilespmem:v1+s18+$0x0], $0xffff  }
0x45f: {  	v13 =	vor.u32 s19, v12;
	[tilespmem:s13+$0xFFFFE100] =	vst v8;
	v0 =	vld.idx.msk [tilespmem:v0+s18+$0x0], $0xffff  }
0x460: {  	v61 =	vor.u32 s29, v12;
	v42 =	vor.u32 v38, v54;
	[tilespmem:s13+$0xFFFFE080] =	vst v7;
	v5 =	vld.idx.msk [tilespmem:v5+s18+$0x0], $0xffff  }
0x461: {  	v2 =	vor.u32 s16, v42;
	[tilespmem:s12+$0x1B0] =	vst v6;
	v6 =	vld.idx.msk [tilespmem:v60+s18+$0x0], $0xffff  }
0x462: {  	v56 =	vor.u32 s31, v12;
	v3 =	vld.idx.msk [tilespmem:v3+s18+$0x0], $0xffff;
	[tilespmem:s12+$0x30] =	vst v10  }
0x463: {  	v7 =	vor.u32 s15, v42;
	v4 =	vld.idx.msk [tilespmem:v4+s18+$0x0], $0xffff;
	[tilespmem:s13+$0xFFFFE010] =	vst v1  }
0x464: {  	v63 =	vor.u32 $0x10, v50;
	v55 =	vor.u32 s17, v42;
	v62 =	vld.idx.msk [tilespmem:v13+s18+$0x0], $0xffff;
	[tilespmem:s12+$0xB0] =	vst v0  }
0x465: {  	v45 =	vor.u32 s19, v63;
	v9 =	vld.idx.msk [tilespmem:v61+s18+$0x0], $0xffff;
	[tilespmem:s12+$0x130] =	vst v5  }
0x466: {  	v1 =	vor.u32 s8, v12;
	[tilespmem:s13+$0xFFFFE190] =	vst v6;
	v2 =	vld.idx.msk [tilespmem:v2+s18+$0x0], $0xffff  }
0x467: {  	v43 =	vor.u32 v37, v54;
	v6 =	vor.u32 s5, v42;
	[tilespmem:s13+$0xFFFFE090] =	vst v3;
	v11 =	vld.idx.msk [tilespmem:v56+s18+$0x0], $0xffff  }
0x468: {  	v0 =	vor.u32 s16, v43;
	[tilespmem:s13+$0xFFFFE110] =	vst v4;
	v7 =	vld.idx.msk [tilespmem:v7+s18+$0x0], $0xffff  }
0x469: {  	v3 =	vor.u32 s15, v43;
	[tilespmem:s12+$0x1C0] =	vst v62;
	v4 =	vld.idx.msk [tilespmem:v55+s18+$0x0], $0xffff  }
0x46a: {  	v5 =	vor.u32 s17, v43;
	[tilespmem:s12+$0x40] =	vst v9;
	v8 =	vld.idx.msk [tilespmem:v45+s18+$0x0], $0xffff  }
0x46b: {  	v58 =	vor.u32 s29, v63;
	v12 =	vor.u32 $0x10, v49;
	v1 =	vld.idx.msk [tilespmem:v1+s18+$0x0], $0xffff;
	[tilespmem:s13+$0xFFFFE020] =	vst v2  }
0x46c: {  	v57 =	vor.u32 s19, v12;
	v6 =	vld.idx.msk [tilespmem:v6+s18+$0x0], $0xffff;
	[tilespmem:s12+$0xC0] =	vst v11  }
0x46d: {  	v2 =	vor.u32 s31, v63;
	[tilespmem:s13+$0xFFFFE1A0] =	vst v7;
	v0 =	vld.idx.msk [tilespmem:v0+s18+$0x0], $0xffff  }
0x46e: {  	v44 =	vor.u32 v36, v54;
	v7 =	vor.u32 s5, v43;
	[tilespmem:s13+$0xFFFFE0A0] =	vst v4;
	v3 =	vld.idx.msk [tilespmem:v3+s18+$0x0], $0xffff  }
0x46f: {  	v59 =	vor.u32 s16, v44;
	[tilespmem:s12+$0x1D0] =	vst v8;
	v5 =	vld.idx.msk [tilespmem:v5+s18+$0x0], $0xffff  }
0x470: {  	v4 =	vor.u32 s15, v44;
	v8 =	vld.idx.msk [tilespmem:v58+s18+$0x0], $0xffff;
	[tilespmem:s12+$0x140] =	vst v1  }
0x471: {  	v14 =	vor.u32 $0x10, v48;
	v61 =	vor.u32 s8, v63;
	v10 =	vld.idx.msk [tilespmem:v57+s18+$0x0], $0xffff;
	[tilespmem:s13+$0xFFFFE120] =	vst v6  }
0x472: {  	v6 =	vor.u32 s19, v14;
	v2 =	vld.idx.msk [tilespmem:v2+s18+$0x0], $0xffff;
	[tilespmem:s13+$0xFFFFE030] =	vst v0  }
0x473: {  	s21 =	sor.u32 $0x1B, s7;
	v60 =	vor.u32 s17, v44;
	v7 =	vld.idx.msk [tilespmem:v7+s18+$0x0], $0xffff;
	[tilespmem:s13+$0xFFFFE1B0] =	vst v3  }
0x474: {  	v15 =	vmov s21;
	v3 =	vor.u32 s5, v44;
	[tilespmem:s13+$0xFFFFE0B0] =	vst v5;
	v5 =	vld.idx.msk [tilespmem:v59+s18+$0x0], $0xffff  }
0x475: {  	v62 =	vand.u32 $0x7, v15;
	v45 =	vor.u32 v35, v54;
	v0 =	vor.u32 s29, v12;
	[tilespmem:s12+$0x50] =	vst v8;
	v4 =	vld.idx.msk [tilespmem:v4+s18+$0x0], $0xffff  }
0x476: {  	v55 =	vbroadcast v62, $0x0;
	v1 =	vor.u32 s16, v45;
	[tilespmem:s12+$0x1E0] =	vst v10;
	v10 =	vld.idx.msk [tilespmem:v61+s18+$0x0], $0xffff  }
0x477: {  	v13 =	vor.u32 $0x18, v46;
	v63 =	vor.u32 s15, v45;
	v6 =	vld.idx.msk [tilespmem:v6+s18+$0x0], $0xffff;
	[tilespmem:s12+$0xD0] =	vst v2  }
0x478: {  	v16 =	vor.u32 v55, v13;
	[tilespmem:s13+$0xFFFFE130] =	vst v7;
	v7 =	vld.idx.msk [tilespmem:v60+s18+$0x0], $0xffff  }
0x479: {  	v17 =	vor.u32 s17, v45;
	v3 =	vld.idx.msk [tilespmem:v3+s18+$0x0], $0xffff;
	[tilespmem:s13+$0xFFFFE040] =	vst v5  }
0x47a: {  	v0 =	vld.idx.msk [tilespmem:v0+s18+$0x0], $0xffff;
	v5 =	vor.u32 s8, v12;
	[tilespmem:s13+$0xFFFFE1C0] =	vst v4  }
0x47b: {  	v46 =	vor.u32 v34, v54;
	v4 =	vor.u32 s5, v45;
	v1 =	vld.idx.msk [tilespmem:v1+s18+$0x0], $0xffff;
	[tilespmem:s12+$0x150] =	vst v10  }
0x47c: {  	v2 =	vor.u32 s16, v46;
	v9 =	vld.idx.msk [tilespmem:v63+s18+$0x0], $0xffff;
	[tilespmem:s12+$0x1F0] =	vst v6  }
0x47d: {  	v6 =	vor.u32 s31, v12;
	v11 =	vld.idx.msk [tilespmem:v16+s18+$0x0], $0xffff;
	[tilespmem:s13+$0xFFFFE0C0] =	vst v7  }
0x47e: {  	v12 =	vor.u32 $0x18, v47;
	v7 =	vor.u32 s15, v46;
	[tilespmem:s13+$0xFFFFE140] =	vst v3;
	v3 =	vld.idx.msk [tilespmem:v17+s18+$0x0], $0xffff  }
0x47f: {  	v56 =	vor.u32 v55, v12;
	v5 =	vld.idx.msk [tilespmem:v5+s18+$0x0], $0xffff  }
0x480: {  	v59 =	vor.u32 s29, v14;
	v4 =	vld.idx.msk [tilespmem:v4+s18+$0x0], $0xffff;
	[tilespmem:s13+$0xFFFFE050] =	vst v1  }
0x481: {  	v57 =	vor.u32 s17, v46;
	[tilespmem:s12+$0x60] =	vst v0;
	v2 =	vld.idx.msk [tilespmem:v2+s18+$0x0], $0xffff  }
0x482: {  	v58 =	vor.u32 s5, v46;
	[tilespmem:s13+$0xFFFFE1D0] =	vst v9;
	v6 =	vld.idx.msk [tilespmem:v6+s18+$0x0], $0xffff  }
0x483: {  	v47 =	vor.u32 v33, v54;
	v0 =	vmov s7;
	v1 =	vor.u32 s31, v14;
	[tilespmem:s12+$0x1180] =	vst v11;
	v7 =	vld.idx.msk [tilespmem:v7+s18+$0x0], $0xffff  }
0x484: {  	v15 =	vor.u32 $0x18, v53;
	v0 =	vand.u32 $0x7, v0;
	v8 =	vld.idx.msk [tilespmem:v56+s18+$0x0], $0xffff;
	[tilespmem:s13+$0xFFFFE0D0] =	vst v3;
	v3 =	vor.u32 s15, v47  }
0x485: {  	v60 =	vor.u32 v55, v15;
	v53 =	vbroadcast v0, $0x0;
	v11 =	vld.idx.msk [tilespmem:v59+s18+$0x0], $0xffff;
	[tilespmem:s13+$0xFFFFE150] =	vst v4  }
0x486: {  	v16 =	vor.u32 s16, v47;
	v4 =	vld.idx.msk [tilespmem:v57+s18+$0x0], $0xffff;
	[tilespmem:s13+$0xFFFFE060] =	vst v2  }
0x487: {  	v9 =	vld.idx.msk [tilespmem:v58+s18+$0x0], $0xffff;
	v2 =	vor.u32 v53, v13;
	[tilespmem:s12+$0xE0] =	vst v6  }
0x488: {  	v6 =	vor.u32 s17, v47;
	[tilespmem:s13+$0xFFFFE1E0] =	vst v7;
	v1 =	vld.idx.msk [tilespmem:v1+s18+$0x0], $0xffff  }
0x489: {  	v61 =	vor.u32 s8, v14;
	[tilespmem:s12+$0x1190] =	vst v8;
	v3 =	vld.idx.msk [tilespmem:v3+s18+$0x0], $0xffff  }
0x48a: {  	v62 =	vor.u32 $0x8, v40;
	v7 =	vor.u32 s5, v47;
	[tilespmem:s12+$0x70] =	vst v11;
	v10 =	vld.idx.msk [tilespmem:v60+s18+$0x0], $0xffff  }
0x48b: {  	v63 =	vor.u32 s15, v62;
	v0 =	vor.u32 $0x18, v52;
	[tilespmem:s13+$0xFFFFE0E0] =	vst v4;
	v4 =	vld.idx.msk [tilespmem:v16+s18+$0x0], $0xffff  }
0x48c: {  	s31 =	sor.u32 $0x19, s7;
	v17 =	vor.u32 v55, v0;
	[tilespmem:s12+$0x160] =	vst v5;
	v2 =	vld.idx.msk [tilespmem:v2+s18+$0x0], $0xffff  }
0x48d: {  	v18 =	vor.u32 s16, v62;
	s7 =	sor.u32 $0x1A, s7;
	v56 =	vmov s31;
	[tilespmem:s13+$0xFFFFE160] =	vst v9;
	v6 =	vld.idx.msk [tilespmem:v6+s18+$0x0], $0xffff  }
0x48e: {  	v5 =	vmov s7;
	v8 =	vld.idx.msk [tilespmem:v61+s18+$0x0], $0xffff;
	v9 =	vand.u32 $0x7, v56;
	v56 =	vor.u32 v53, v12;
	[tilespmem:s13+$0xFFFFE1F0] =	vst v3  }
0x48f: {  	v5 =	vand.u32 $0x7, v5;
	v57 =	vor.u32 s17, v62;
	v54 =	vbroadcast v9, $0x0;
	v7 =	vld.idx.msk [tilespmem:v7+s18+$0x0], $0xffff;
	[tilespmem:s12+$0x11A0] =	vst v10  }
0x490: {  	v52 =	vbroadcast v5, $0x0;
	v3 =	vor.u32 s5, v62;
	v58 =	vld.idx.msk [tilespmem:v63+s18+$0x0], $0xffff;
	[tilespmem:s13+$0xFFFFE070] =	vst v4  }
0x491: {  	v5 =	vor.u32 v54, v13;
	v60 =	vld.idx.msk [tilespmem:v17+s18+$0x0], $0xffff;
	[tilespmem:s12+$0x1000] =	vst v2  }
0x492: {  	v59 =	vor.u32 $0x8, v41;
	v4 =	vor.u32 v52, v13;
	[tilespmem:s13+$0xFFFFE0F0] =	vst v6;
	v6 =	vld.idx.msk [tilespmem:v18+s18+$0x0], $0xffff  }
0x493: {  	v61 =	vor.u32 s15, v59;
	v16 =	vor.u32 $0x18, v51;
	[tilespmem:s12+$0xF0] =	vst v1;
	v11 =	vld.idx.msk [tilespmem:v56+s18+$0x0], $0xffff  }
0x494: {  	v62 =	vor.u32 v55, v16;
	[tilespmem:s13+$0xFFFFE170] =	vst v7;
	v7 =	vld.idx.msk [tilespmem:v57+s18+$0x0], $0xffff  }
0x495: {  	v1 =	vor.u32 s16, v59;
	[tilespmem:s12+$0x170] =	vst v8;
	v3 =	vld.idx.msk [tilespmem:v3+s18+$0x0], $0xffff  }
0x496: {  	v63 =	vor.u32 s17, v59;
	v5 =	vld.idx.msk [tilespmem:v5+s18+$0x0], $0xffff;
	[tilespmem:s13+$0xFFFFF180] =	vst v58  }
0x497: {  	v51 =	vor.u32 s5, v59;
	v4 =	vld.idx.msk [tilespmem:v4+s18+$0x0], $0xffff;
	[tilespmem:s12+$0x11B0] =	vst v60  }
0x498: {  	v57 =	vld.idx.msk [tilespmem:v61+s18+$0x0], $0xffff;
	[tilespmem:s13+$0xFFFFF000] =	vst v6;
	v6 =	vor.u32 v54, v12  }
0x499: {  	v58 =	vor.u32 $0x8, v42;
	v61 =	vor.u32 v52, v12;
	v9 =	vld.idx.msk [tilespmem:v62+s18+$0x0], $0xffff;
	[tilespmem:s13+$0xFFFFF080] =	vst v7  }
0x49a: {  	v17 =	vor.u32 $0x18, v50;
	v1 =	vld.idx.msk [tilespmem:v1+s18+$0x0], $0xffff;
	v7 =	vor.u32 s15, v58;
	[tilespmem:s13+$0xFFFFF100] =	vst v3  }
0x49b: {  	v59 =	vor.u32 v55, v17;
	v3 =	vld.idx.msk [tilespmem:v63+s18+$0x0], $0xffff;
	[tilespmem:s12+$0x1080] =	vst v5  }
0x49c: {  	v2 =	vor.u32 s16, v58;
	v10 =	vld.idx.msk [tilespmem:v51+s18+$0x0], $0xffff;
	[tilespmem:s12+$0x1100] =	vst v4  }
0x49d: {  	v5 =	vor.u32 s17, v58;
	[tilespmem:s13+$0xFFFFF190] =	vst v57;
	v6 =	vld.idx.msk [tilespmem:v6+s18+$0x0], $0xffff  }
0x49e: {  	v60 =	vor.u32 s5, v58;
	[tilespmem:s12+$0x11C0] =	vst v9;
	v9 =	vld.idx.msk [tilespmem:v61+s18+$0x0], $0xffff  }
0x49f: {  	v7 =	vld.idx.msk [tilespmem:v7+s18+$0x0], $0xffff;
	[tilespmem:s13+$0xFFFFF010] =	vst v1;
	v1 =	vor.u32 v53, v15  }
0x4a0: {  	v50 =	vor.u32 v54, v15;
	v62 =	vor.u32 $0x8, v43;
	[tilespmem:s12+$0x1010] =	vst v11;
	v8 =	vld.idx.msk [tilespmem:v59+s18+$0x0], $0xffff  }
0x4a1: {  	v14 =	vor.u32 $0x18, v49;
	[tilespmem:s13+$0xFFFFF090] =	vst v3;
	v2 =	vld.idx.msk [tilespmem:v2+s18+$0x0], $0xffff;
	v3 =	vor.u32 s15, v62  }
0x4a2: {  	v63 =	vor.u32 v55, v14;
	[tilespmem:s13+$0xFFFFF110] =	vst v10;
	v5 =	vld.idx.msk [tilespmem:v5+s18+$0x0], $0xffff  }
0x4a3: {  	v4 =	vor.u32 s16, v62;
	v13 =	vld.idx.msk [tilespmem:v60+s18+$0x0], $0xffff;
	[tilespmem:s12+$0x1090] =	vst v6  }
0x4a4: {  	v49 =	vor.u32 s17, v62;
	[tilespmem:s13+$0xFFFFF1A0] =	vst v7;
	v1 =	vld.idx.msk [tilespmem:v1+s18+$0x0], $0xffff  }
0x4a5: {  	v7 =	vor.u32 s5, v62;
	[tilespmem:s12+$0x11D0] =	vst v8;
	v8 =	vld.idx.msk [tilespmem:v50+s18+$0x0], $0xffff  }
0x4a6: {  	v3 =	vld.idx.msk [tilespmem:v3+s18+$0x0], $0xffff;
	[tilespmem:s13+$0xFFFFF020] =	vst v2;
	v2 =	vor.u32 v52, v15  }
0x4a7: {  	v58 =	vor.u32 v53, v0;
	v51 =	vor.u32 $0x8, v44;
	[tilespmem:s12+$0x1110] =	vst v9;
	v10 =	vld.idx.msk [tilespmem:v63+s18+$0x0], $0xffff  }
0x4a8: {  	v15 =	vor.u32 $0x18, v48;
	[tilespmem:s13+$0xFFFFF0A0] =	vst v5;
	v4 =	vld.idx.msk [tilespmem:v4+s18+$0x0], $0xffff;
	v5 =	vor.u32 s15, v51  }
0x4a9: {  	v56 =	vor.u32 v55, v15;
	[tilespmem:s13+$0xFFFFF120] =	vst v13;
	v11 =	vld.idx.msk [tilespmem:v49+s18+$0x0], $0xffff  }
0x4aa: {  	v6 =	vor.u32 s16, v51;
	v7 =	vld.idx.msk [tilespmem:v7+s18+$0x0], $0xffff;
	[tilespmem:s12+$0x1020] =	vst v1  }
0x4ab: {  	v57 =	vor.u32 s17, v51;
	[tilespmem:s13+$0xFFFFF1B0] =	vst v3;
	v2 =	vld.idx.msk [tilespmem:v2+s18+$0x0], $0xffff  }
0x4ac: {  	v3 =	vor.u32 s5, v51;
	[tilespmem:s12+$0x11E0] =	vst v10;
	v10 =	vld.idx.msk [tilespmem:v58+s18+$0x0], $0xffff  }
0x4ad: {  	v5 =	vld.idx.msk [tilespmem:v5+s18+$0x0], $0xffff;
	[tilespmem:s13+$0xFFFFF030] =	vst v4;
	v4 =	vor.u32 v54, v0  }
0x4ae: {  	v59 =	vor.u32 $0x8, v45;
	[tilespmem:s12+$0x10A0] =	vst v8;
	v13 =	vld.idx.msk [tilespmem:v56+s18+$0x0], $0xffff;
	v0 =	vor.u32 v52, v0  }
0x4af: {  	v60 =	vor.u32 s15, v59;
	[tilespmem:s13+$0xFFFFF0B0] =	vst v11;
	v6 =	vld.idx.msk [tilespmem:v6+s18+$0x0], $0xffff  }
0x4b0: {  	v9 =	vld.idx.msk [tilespmem:v57+s18+$0x0], $0xffff;
	[tilespmem:s13+$0xFFFFF130] =	vst v7;
	v7 =	vor.u32 s16, v59  }
0x4b1: {  	v1 =	vor.u32 s17, v59;
	v3 =	vld.idx.msk [tilespmem:v3+s18+$0x0], $0xffff;
	[tilespmem:s12+$0x1120] =	vst v2  }
0x4b2: {  	v61 =	vor.u32 s5, v59;
	[tilespmem:s12+$0x1030] =	vst v10;
	v4 =	vld.idx.msk [tilespmem:v4+s18+$0x0], $0xffff  }
0x4b3: {  	[tilespmem:s13+$0xFFFFF1C0] =	vst v5;
	v5 =	vor.u32 v53, v16;
	v0 =	vld.idx.msk [tilespmem:v0+s18+$0x0], $0xffff  }
0x4b4: {  	v63 =	vor.u32 v54, v16;
	v11 =	vld.idx.msk [tilespmem:v60+s18+$0x0], $0xffff;
	[tilespmem:s13+$0xFFFFF040] =	vst v6;
	v6 =	vor.u32 $0x8, v46  }
0x4b5: {  	[tilespmem:s13+$0xFFFFF0C0] =	vst v9;
	v62 =	vor.u32 s15, v6;
	v7 =	vld.idx.msk [tilespmem:v7+s18+$0x0], $0xffff  }
0x4b6: {  	v1 =	vld.idx.msk [tilespmem:v1+s18+$0x0], $0xffff;
	[tilespmem:s13+$0xFFFFF140] =	vst v3;
	v3 =	vor.u32 s16, v6  }
0x4b7: {  	v2 =	vor.u32 s17, v6;
	v8 =	vld.idx.msk [tilespmem:v61+s18+$0x0], $0xffff;
	[tilespmem:s12+$0x10B0] =	vst v4  }
0x4b8: {  	v48 =	vor.u32 v52, v16;
	v5 =	vld.idx.msk [tilespmem:v5+s18+$0x0], $0xffff;
	[tilespmem:s12+$0x1130] =	vst v0  }
0x4b9: {  	v6 =	vor.u32 s5, v6;
	[tilespmem:s13+$0xFFFFF1D0] =	vst v11;
	v49 =	vld.idx.msk [tilespmem:v63+s18+$0x0], $0xffff  }
0x4ba: {  	v4 =	vor.u32 v53, v17;
	v9 =	vld.idx.msk [tilespmem:v62+s18+$0x0], $0xffff;
	[tilespmem:s13+$0xFFFFF050] =	vst v7  }
0x4bb: {  	v50 =	vor.u32 v54, v17;
	v7 =	vor.u32 $0x8, v47;
	[tilespmem:s13+$0xFFFFF0D0] =	vst v1;
	v3 =	vld.idx.msk [tilespmem:v3+s18+$0x0], $0xffff  }
0x4bc: {  	v1 =	vor.u32 s15, v7;
	v2 =	vld.idx.msk [tilespmem:v2+s18+$0x0], $0xffff;
	[tilespmem:s13+$0xFFFFF150] =	vst v8  }
0x4bd: {  	v51 =	vor.u32 s16, v7;
	[tilespmem:s12+$0x1040] =	vst v5;
	v5 =	vld.idx.msk [tilespmem:v48+s18+$0x0], $0xffff  }
0x4be: {  	v0 =	vor.u32 s17, v7;
	v6 =	vld.idx.msk [tilespmem:v6+s18+$0x0], $0xffff;
	[tilespmem:s12+$0x10C0] =	vst v49  }
0x4bf: {  	v55 =	vor.u32 v52, v17;
	v4 =	vld.idx.msk [tilespmem:v4+s18+$0x0], $0xffff;
	[tilespmem:s13+$0xFFFFF1E0] =	vst v9  }
0x4c0: {  	v7 =	vor.u32 s5, v7;
	v11 =	vld.idx.msk [tilespmem:v50+s18+$0x0], $0xffff;
	[tilespmem:s13+$0xFFFFF060] =	vst v3  }
0x4c1: {  	v57 =	vor.u32 v54, v14;
	v1 =	vld.idx.msk [tilespmem:v1+s18+$0x0], $0xffff;
	[tilespmem:s13+$0xFFFFF0E0] =	vst v2  }
0x4c2: {  	v56 =	vor.u32 v53, v14;
	v3 =	vor.u32 $0x10, v40;
	v8 =	vld.idx.msk [tilespmem:v51+s18+$0x0], $0xffff;
	[tilespmem:s12+$0x1140] =	vst v5  }
0x4c3: {  	v2 =	vor.u32 s15, v3;
	v0 =	vld.idx.msk [tilespmem:v0+s18+$0x0], $0xffff;
	[tilespmem:s13+$0xFFFFF160] =	vst v6  }
0x4c4: {  	v6 =	vor.u32 s16, v3;
	[tilespmem:s12+$0x1050] =	vst v4;
	v4 =	vld.idx.msk [tilespmem:v55+s18+$0x0], $0xffff  }
0x4c5: {  	v5 =	vor.u32 s17, v3;
	v7 =	vld.idx.msk [tilespmem:v7+s18+$0x0], $0xffff;
	[tilespmem:s12+$0x10D0] =	vst v11  }
0x4c6: {  	v58 =	vor.u32 v52, v14;
	[tilespmem:s12+$0x11F0] =	vst v13;
	v11 =	vld.idx.msk [tilespmem:v57+s18+$0x0], $0xffff  }
0x4c7: {  	v3 =	vor.u32 s5, v3;
	[tilespmem:s13+$0xFFFFF1F0] =	vst v1;
	v1 =	vld.idx.msk [tilespmem:v56+s18+$0x0], $0xffff  }
0x4c8: {  	v61 =	vor.u32 v54, v15;
	v2 =	vld.idx.msk [tilespmem:v2+s18+$0x0], $0xffff;
	[tilespmem:s13+$0xFFFFF070] =	vst v8  }
0x4c9: {  	v59 =	vor.u32 v53, v15;
	v60 =	vor.u32 $0x10, v41;
	[tilespmem:s13+$0xFFFFF0F0] =	vst v0;
	v6 =	vld.idx.msk [tilespmem:v6+s18+$0x0], $0xffff  }
0x4ca: {  	v0 =	vor.u32 s15, v60;
	v5 =	vld.idx.msk [tilespmem:v5+s18+$0x0], $0xffff;
	[tilespmem:s12+$0x1150] =	vst v4  }
0x4cb: {  	[tilespmem:s13+$0xFFFFF170] =	vst v7;
	v7 =	vor.u32 s16, v60;
	v51 =	vld.idx.msk [tilespmem:v58+s18+$0x0], $0xffff  }
0x4cc: {  	v63 =	vor.u32 s17, v60;
	v62 =	vld.idx.msk [tilespmem:v3+s18+$0x0], $0xffff;
	[tilespmem:s12+$0x10E0] =	vst v11  }
0x4cd: {  	v53 =	vor.u32 s5, v60;
	[tilespmem:s12+$0x1060] =	vst v1;
	v49 =	vld.idx.msk [tilespmem:v61+s18+$0x0], $0xffff  }
0x4ce: {  	v48 =	vor.u32 v52, v15;
	[tilespmem:s13+$0x180] =	vst v2;
	v50 =	vld.idx.msk [tilespmem:v59+s18+$0x0], $0xffff  }
0x4cf: {  	v4 =	vld.idx.msk [tilespmem:v0+s18+$0x0], $0xffff;
	[tilespmem:s13+$0x0] =	vst v6;
	v0 =	vor.u32 $0x10, v42  }
0x4d0: {  	[tilespmem:s13+$0x80] =	vst v5;
	v3 =	vld.idx.msk [tilespmem:v7+s18+$0x0], $0xffff;
	v1 =	vor.u32 s16, v0;
	v52 =	vor.u32 s15, v0  }
0x4d1: {  	s8 =	simm.s32 $0x80;
	s7 =	simm.s32 $0x8;
	v5 =	vld.idx.msk [tilespmem:v63+s18+$0x0], $0xffff;
	v2 =	vor.u32 s17, v0;
	v0 =	vor.u32 s5, v0;
	[tilespmem:s13+$0x100] =	vst v62  }
.LBB2_7:
0x4d2: {  	s19 =	sand.u32 $0x180, s8;
	p0 =	slt.u32 s7, $0x1C;
	v6 =	vld.idx.msk [tilespmem:v53+s18+$0x0], $0xffff;
	[tilespmem:s12+$0x1160] =	vst v51  }
0x4d3: {  	v7 =	vmov s19;
	[tilespmem:s12+$0x1070] =	vst v50;
	v8 =	vld.idx.msk [tilespmem:v48+s18+$0x0], $0xffff  }
0x4d4: {  	s20 =	sadd.s32 $0x3, s7;
	s19 =	sand.u32 $0x4, s7;
	v51 =	vshll.u32 v7, $0x5;
	[tilespmem:s13+$0x190] =	vst v4  }
0x4d5: {  	s21 =	sadd.s32 $0x1, s7;
	s29 =	sadd.s32 $0x2, s7;
	s31 =	sand.u32 $0x7, s20;
	v55 =	vor.u32 v27, v51;
	v4 =	vld.idx.msk [tilespmem:v52+s18+$0x0], $0xffff;
	[tilespmem:s12+$0x10F0] =	vst v49  }
0x4d6: {  	s20 =	sand.u32 $0x5, s21;
	s29 =	sand.u32 $0x6, s29;
	v7 =	vor.u32 s19, v55;
	v9 =	vor.u32 s31, v55;
	[tilespmem:s13+$0x10] =	vst v3;
	v3 =	vor.u32 $0x10, v43  }
0x4d7: {  	v10 =	vor.u32 s20, v55;
	v11 =	vor.u32 s29, v55;
	[tilespmem:s13+$0x90] =	vst v5;
	v5 =	vor.u32 s15, v3  }
0x4d8: {  	v12 =	vor.u32 s16, v3;
	v13 =	vor.u32 s17, v3;
	v1 =	vld.idx.msk [tilespmem:v1+s18+$0x0], $0xffff;
	[tilespmem:s13+$0x110] =	vst v6  }
0x4d9: {  	v3 =	vor.u32 s5, v3;
	v2 =	vld.idx.msk [tilespmem:v2+s18+$0x0], $0xffff;
	[tilespmem:s12+$0x1170] =	vst v8;
	s12 =	smov.u32 s13  }
0x4da: {  	v0 =	vld.idx.msk [tilespmem:v0+s18+$0x0], $0xffff  }
0x4db: {  	v6 =	vld.idx.msk [tilespmem:v9+s18+$0x0], $0xffff;
	[tilespmem:s13+$0x1A0] =	vst v4  }
0x4dc: {  	v57 =	vor.u32 v39, v51;
	v4 =	vld.idx.msk [tilespmem:v5+s18+$0x0], $0xffff  }
0x4dd: {  	v8 =	vor.u32 s31, v57;
	v9 =	vor.u32 $0x10, v44;
	v5 =	vld.idx.msk [tilespmem:v7+s18+$0x0], $0xffff;
	v7 =	vor.u32 s19, v57  }
0x4de: {  	v14 =	vor.u32 s20, v57;
	v15 =	vor.u32 s29, v57;
	v16 =	vor.u32 s15, v9;
	v10 =	vld.idx.msk [tilespmem:v10+s18+$0x0], $0xffff  }
0x4df: {  	v17 =	vor.u32 s17, v9;
	v11 =	vld.idx.msk [tilespmem:v11+s18+$0x0], $0xffff;
	[tilespmem:s13+$0x20] =	vst v1;
	v1 =	vor.u32 s16, v9  }
0x4e0: {  	s13 =	sadd.s32 $0x200, s13;
	v12 =	vld.idx.msk [tilespmem:v12+s18+$0x0], $0xffff;
	[tilespmem:s12+$0xA0] =	vst v2;
	v2 =	vor.u32 s5, v9  }
0x4e1: {  	[tilespmem:s13+$0xFFFFE180] =	vst v6;
	v6 =	vld.idx.msk [tilespmem:v13+s18+$0x0], $0xffff  }
0x4e2: {  	v8 =	vld.idx.msk [tilespmem:v8+s18+$0x0], $0xffff;
	[tilespmem:s12+$0x1B0] =	vst v4  }
0x4e3: {  	v56 =	vor.u32 v38, v51;
	[tilespmem:s13+$0xFFFFE000] =	vst v5;
	v4 =	vld.idx.msk [tilespmem:v16+s18+$0x0], $0xffff  }
0x4e4: {  	v9 =	vor.u32 s31, v56;
	v5 =	vld.idx.msk [tilespmem:v7+s18+$0x0], $0xffff;
	v7 =	vor.u32 s19, v56;
	[tilespmem:s13+$0xFFFFE080] =	vst v10;
	v10 =	vor.u32 $0x10, v45  }
0x4e5: {  	v18 =	vor.u32 s29, v56;
	v13 =	vld.idx.msk [tilespmem:v14+s18+$0x0], $0xffff  }
0x4e6: {  	v14 =	vor.u32 s20, v56;
	[tilespmem:s13+$0xFFFFE100] =	vst v11;
	v11 =	vor.u32 s17, v10;
	v16 =	vor.u32 s15, v10  }
0x4e7: {  	v48 =	vor.u32 s16, v10;
	v10 =	vor.u32 s5, v10;
	v15 =	vld.idx.msk [tilespmem:v15+s18+$0x0], $0xffff;
	[tilespmem:s12+$0x120] =	vst v0  }
0x4e8: {  	[tilespmem:s12+$0x30] =	vst v12;
	v0 =	vld.idx.msk [tilespmem:v3+s18+$0x0], $0xffff  }
0x4e9: {  	[tilespmem:s13+$0xFFFFE190] =	vst v8;
	v1 =	vld.idx.msk [tilespmem:v1+s18+$0x0], $0xffff  }
0x4ea: {  	v54 =	vor.u32 v37, v51;
	v3 =	vld.idx.msk [tilespmem:v9+s18+$0x0], $0xffff;
	[tilespmem:s12+$0x1C0] =	vst v4;
	v9 =	vor.u32 $0x10, v46  }
0x4eb: {  	v8 =	vor.u32 s31, v54;
	[tilespmem:s13+$0xFFFFE010] =	vst v5;
	v4 =	vld.idx.msk [tilespmem:v16+s18+$0x0], $0xffff;
	v59 =	vor.u32 s16, v9  }
0x4ec: {  	v5 =	vld.idx.msk [tilespmem:v7+s18+$0x0], $0xffff;
	v7 =	vor.u32 s19, v54;
	[tilespmem:s13+$0xFFFFE090] =	vst v13;
	v13 =	vor.u32 s20, v54  }
0x4ed: {  	v12 =	vld.idx.msk [tilespmem:v14+s18+$0x0], $0xffff;
	[tilespmem:s13+$0xFFFFE110] =	vst v15;
	v14 =	vor.u32 s17, v9;
	v15 =	vor.u32 s15, v9  }
0x4ee: {  	v16 =	vld.idx.msk [tilespmem:v18+s18+$0x0], $0xffff;
	v18 =	vor.u32 s29, v54;
	[tilespmem:s12+$0xB0] =	vst v6;
	v6 =	vor.u32 s5, v9  }
0x4ef: {  	v9 =	vld.idx.msk [tilespmem:v17+s18+$0x0], $0xffff;
	[tilespmem:s12+$0x130] =	vst v0  }
0x4f0: {  	v53 =	vor.u32 v36, v51;
	[tilespmem:s13+$0xFFFFE1A0] =	vst v3;
	v3 =	vld.idx.msk [tilespmem:v2+s18+$0x0], $0xffff  }
0x4f1: {  	v60 =	vor.u32 s29, v53;
	v0 =	vor.u32 $0x10, v47;
	v2 =	vld.idx.msk [tilespmem:v8+s18+$0x0], $0xffff;
	[tilespmem:s12+$0x1D0] =	vst v4  }
0x4f2: {  	v17 =	vor.u32 s15, v0;
	v4 =	vmov s14;
	[tilespmem:s13+$0xFFFFE020] =	vst v5;
	v5 =	vld.idx.msk [tilespmem:v15+s18+$0x0], $0xffff  }
0x4f3: {  	v8 =	vor.u32 s19, v53;
	v7 =	vld.idx.msk [tilespmem:v7+s18+$0x0], $0xffff;
	[tilespmem:s13+$0xFFFFE0A0] =	vst v12;
	v12 =	vor.u32 s31, v53  }
0x4f4: {  	s15 =	smov.u32 s31;
	v15 =	vor.u32 s20, v53;
	v13 =	vld.idx.msk [tilespmem:v13+s18+$0x0], $0xffff;
	[tilespmem:s13+$0xFFFFE120] =	vst v16;
	v16 =	vor.u32 s17, v0;
	s17 =	smov.u32 s20  }
0x4f5: {  	v61 =	vor.u32 s16, v0;
	s16 =	smov.u32 s19;
	s20 =	sor.u32 $0x19, s14;
	v0 =	vor.u32 s5, v0;
	s5 =	sor.u32 $0x1A, s14;
	v18 =	vld.idx.msk [tilespmem:v18+s18+$0x0], $0xffff;
	[tilespmem:s12+$0x40] =	vst v1  }
0x4f6: {  	s19 =	sor.u32 $0x1B, s14;
	v4 =	vand.u32 $0x7, v4;
	s14 =	smov.u32 s7;
	v50 =	vmov s5;
	s5 =	smov.u32 s29;
	v1 =	vld.idx.msk [tilespmem:v48+s18+$0x0], $0xffff;
	[tilespmem:s12+$0xC0] =	vst v9;
	v9 =	vmov s20  }
0x4f7: {  	v48 =	vbroadcast v4, $0x0;
	[tilespmem:s13+$0xFFFFE1B0] =	vst v2;
	v4 =	vld.idx.msk [tilespmem:v11+s18+$0x0], $0xffff;
	v2 =	vand.u32 $0x7, v9;
	v9 =	vmov s19  }
0x4f8: {  	v11 =	vld.idx.msk [tilespmem:v12+s18+$0x0], $0xffff;
	v49 =	vbroadcast v2, $0x0;
	v2 =	vand.u32 $0x7, v50;
	[tilespmem:s12+$0x1E0] =	vst v5;
	v5 =	vand.u32 $0x7, v9  }
0x4f9: {  	v58 =	vor.u32 v35, v51;
	[tilespmem:s13+$0xFFFFE030] =	vst v7;
	v50 =	vbroadcast v2, $0x0;
	v7 =	vld.idx.msk [tilespmem:v17+s18+$0x0], $0xffff;
	v52 =	vbroadcast v5, $0x0  }
0x4fa: {  	v9 =	vor.u32 s16, v58;
	v12 =	vor.u32 s15, v58;
	v5 =	vor.u32 $0x18, v40;
	v40 =	vmovc v55;
	v8 =	vld.idx.msk [tilespmem:v8+s18+$0x0], $0xffff;
	[tilespmem:s13+$0xFFFFE0B0] =	vst v13  }
0x4fb: {  	v17 =	vor.u32 s5, v58;
	v13 =	vld.idx.msk [tilespmem:v15+s18+$0x0], $0xffff;
	v15 =	vor.u32 s17, v58;
	[tilespmem:s13+$0xFFFFE130] =	vst v18;
	v18 =	vor.u32 v52, v5  }
0x4fc: {  	v19 =	vor.u32 v48, v5;
	v2 =	vor.u32 v49, v5;
	v60 =	vld.idx.msk [tilespmem:v60+s18+$0x0], $0xffff;
	[tilespmem:s12+$0x140] =	vst v3  }
0x4fd: {  	v5 =	vor.u32 v50, v5;
	[tilespmem:s12+$0x50] =	vst v1;
	v10 =	vld.idx.msk [tilespmem:v10+s18+$0x0], $0xffff  }
0x4fe: {  	[tilespmem:s13+$0xFFFFE1C0] =	vst v11;
	v11 =	vld.idx.msk [tilespmem:v59+s18+$0x0], $0xffff  }
0x4ff: {  	v12 =	vld.idx.msk [tilespmem:v12+s18+$0x0], $0xffff;
	[tilespmem:s12+$0x1F0] =	vst v7  }
0x500: {  	v55 =	vor.u32 v34, v51;
	[tilespmem:s13+$0xFFFFE040] =	vst v8;
	v7 =	vld.idx.msk [tilespmem:v18+s18+$0x0], $0xffff  }
0x501: {  	v18 =	vor.u32 $0x18, v41;
	v41 =	vmovc v57;
	v8 =	vld.idx.msk [tilespmem:v9+s18+$0x0], $0xffff;
	v9 =	vor.u32 s16, v55;
	[tilespmem:s13+$0xFFFFE0C0] =	vst v13;
	v13 =	vor.u32 s15, v55  }
0x502: {  	v59 =	vor.u32 s17, v55;
	v62 =	vor.u32 v52, v18;
	v15 =	vld.idx.msk [tilespmem:v15+s18+$0x0], $0xffff;
	[tilespmem:s13+$0xFFFFE140] =	vst v60;
	v60 =	vor.u32 s5, v55  }
0x503: {  	v3 =	vor.u32 v48, v18;
	v1 =	vor.u32 v49, v18;
	v17 =	vld.idx.msk [tilespmem:v17+s18+$0x0], $0xffff;
	[tilespmem:s12+$0xD0] =	vst v4  }
0x504: {  	v63 =	vor.u32 v50, v18;
	v14 =	vld.idx.msk [tilespmem:v14+s18+$0x0], $0xffff;
	[tilespmem:s12+$0x150] =	vst v10  }
0x505: {  	[tilespmem:s13+$0xFFFFE1D0] =	vst v12;
	v6 =	vld.idx.msk [tilespmem:v6+s18+$0x0], $0xffff  }
0x506: {  	v10 =	vld.idx.msk [tilespmem:v13+s18+$0x0], $0xffff;
	[tilespmem:s12+$0x1180] =	vst v7  }
0x507: {  	v57 =	vor.u32 v33, v51;
	[tilespmem:s13+$0xFFFFE050] =	vst v8;
	v7 =	vld.idx.msk [tilespmem:v62+s18+$0x0], $0xffff  }
0x508: {  	v12 =	vor.u32 s15, v57;
	v13 =	vor.u32 $0x18, v42;
	v42 =	vmovc v56;
	v8 =	vld.idx.msk [tilespmem:v9+s18+$0x0], $0xffff;
	v9 =	vor.u32 s16, v57;
	[tilespmem:s13+$0xFFFFE0D0] =	vst v15  }
0x509: {  	v18 =	vor.u32 s17, v57;
	v51 =	vor.u32 v52, v13;
	v15 =	vld.idx.msk [tilespmem:v59+s18+$0x0], $0xffff;
	[tilespmem:s13+$0xFFFFE150] =	vst v17;
	v17 =	vor.u32 s5, v57  }
0x50a: {  	v4 =	vor.u32 v48, v13;
	v59 =	vor.u32 v49, v13;
	v60 =	vld.idx.msk [tilespmem:v60+s18+$0x0], $0xffff;
	[tilespmem:s12+$0x60] =	vst v11  }
0x50b: {  	v56 =	vor.u32 v50, v13;
	v11 =	vld.idx.msk [tilespmem:v61+s18+$0x0], $0xffff;
	[tilespmem:s12+$0xE0] =	vst v14  }
0x50c: {  	[tilespmem:s13+$0xFFFFE1E0] =	vst v10;
	v10 =	vld.idx.msk [tilespmem:v16+s18+$0x0], $0xffff  }
0x50d: {  	v12 =	vld.idx.msk [tilespmem:v12+s18+$0x0], $0xffff;
	[tilespmem:s12+$0x1190] =	vst v7  }
0x50e: {  	v7 =	vor.u32 $0x8, v40;
	[tilespmem:s13+$0xFFFFE060] =	vst v8;
	v8 =	vld.idx.msk [tilespmem:v51+s18+$0x0], $0xffff  }
0x50f: {  	v13 =	vor.u32 s16, v7;
	v14 =	vor.u32 s15, v7;
	v9 =	vld.idx.msk [tilespmem:v9+s18+$0x0], $0xffff;
	[tilespmem:s13+$0xFFFFE0E0] =	vst v15;
	v15 =	vor.u32 $0x18, v43;
	v43 =	vmovc v54  }
0x510: {  	v16 =	vld.idx.msk [tilespmem:v18+s18+$0x0], $0xffff;
	v18 =	vor.u32 s17, v7;
	[tilespmem:s13+$0xFFFFE160] =	vst v60;
	v7 =	vor.u32 s5, v7;
	v54 =	vor.u32 v52, v15  }
0x511: {  	v62 =	vor.u32 v48, v15;
	v60 =	vor.u32 v49, v15;
	v17 =	vld.idx.msk [tilespmem:v17+s18+$0x0], $0xffff;
	[tilespmem:s12+$0x160] =	vst v6  }
0x512: {  	v51 =	vor.u32 v50, v15;
	[tilespmem:s12+$0x70] =	vst v11;
	v6 =	vld.idx.msk [tilespmem:v0+s18+$0x0], $0xffff  }
0x513: {  	[tilespmem:s13+$0xFFFFE1F0] =	vst v12;
	v11 =	vld.idx.msk [tilespmem:v19+s18+$0x0], $0xffff  }
0x514: {  	v12 =	vld.idx.msk [tilespmem:v14+s18+$0x0], $0xffff;
	[tilespmem:s12+$0x11A0] =	vst v8  }
0x515: {  	v0 =	vor.u32 $0x8, v41;
	[tilespmem:s13+$0xFFFFE070] =	vst v9;
	v8 =	vld.idx.msk [tilespmem:v54+s18+$0x0], $0xffff  }
0x516: {  	v15 =	vor.u32 $0x18, v44;
	v44 =	vmovc v53;
	v14 =	vor.u32 s15, v0;
	v9 =	vld.idx.msk [tilespmem:v13+s18+$0x0], $0xffff;
	v13 =	vor.u32 s16, v0;
	[tilespmem:s13+$0xFFFFE0F0] =	vst v16  }
0x517: {  	v19 =	vor.u32 v52, v15;
	v16 =	vld.idx.msk [tilespmem:v18+s18+$0x0], $0xffff;
	v18 =	vor.u32 s17, v0;
	[tilespmem:s13+$0xFFFFE170] =	vst v17;
	v17 =	vor.u32 s5, v0  }
0x518: {  	v61 =	vor.u32 v49, v15;
	v0 =	vor.u32 v48, v15;
	v7 =	vld.idx.msk [tilespmem:v7+s18+$0x0], $0xffff;
	[tilespmem:s12+$0xF0] =	vst v10  }
0x519: {  	v53 =	vor.u32 v50, v15;
	v10 =	vld.idx.msk [tilespmem:v2+s18+$0x0], $0xffff;
	[tilespmem:s12+$0x170] =	vst v6  }
0x51a: {  	[tilespmem:s13+$0xFFFFF180] =	vst v12;
	v5 =	vld.idx.msk [tilespmem:v5+s18+$0x0], $0xffff  }
0x51b: {  	v6 =	vld.idx.msk [tilespmem:v14+s18+$0x0], $0xffff;
	[tilespmem:s12+$0x11B0] =	vst v8  }
0x51c: {  	v2 =	vor.u32 $0x8, v42;
	[tilespmem:s13+$0xFFFFF000] =	vst v9;
	v8 =	vld.idx.msk [tilespmem:v19+s18+$0x0], $0xffff  }
0x51d: {  	v12 =	vor.u32 s16, v2;
	v14 =	vor.u32 $0x18, v45;
	v45 =	vmovc v58;
	v9 =	vld.idx.msk [tilespmem:v13+s18+$0x0], $0xffff;
	[tilespmem:s13+$0xFFFFF080] =	vst v16;
	v13 =	vor.u32 s15, v2  }
0x51e: {  	v16 =	vor.u32 s17, v2;
	v15 =	vld.idx.msk [tilespmem:v18+s18+$0x0], $0xffff;
	[tilespmem:s13+$0xFFFFF100] =	vst v7;
	v7 =	vor.u32 s5, v2;
	v18 =	vor.u32 v52, v14  }
0x51f: {  	v58 =	vor.u32 v49, v14;
	v2 =	vor.u32 v48, v14;
	v17 =	vld.idx.msk [tilespmem:v17+s18+$0x0], $0xffff;
	[tilespmem:s12+$0x1000] =	vst v11  }
0x520: {  	v54 =	vor.u32 v50, v14;
	v11 =	vld.idx.msk [tilespmem:v3+s18+$0x0], $0xffff;
	[tilespmem:s12+$0x1080] =	vst v10  }
0x521: {  	[tilespmem:s13+$0xFFFFF190] =	vst v6;
	v6 =	vld.idx.msk [tilespmem:v1+s18+$0x0], $0xffff  }
0x522: {  	v10 =	vld.idx.msk [tilespmem:v13+s18+$0x0], $0xffff;
	[tilespmem:s12+$0x11C0] =	vst v8  }
0x523: {  	v1 =	vor.u32 $0x8, v43;
	[tilespmem:s13+$0xFFFFF010] =	vst v9;
	v8 =	vld.idx.msk [tilespmem:v18+s18+$0x0], $0xffff  }
0x524: {  	v14 =	vor.u32 $0x18, v46;
	v46 =	vmovc v55;
	v13 =	vor.u32 s15, v1;
	v9 =	vld.idx.msk [tilespmem:v12+s18+$0x0], $0xffff;
	v12 =	vor.u32 s16, v1;
	[tilespmem:s13+$0xFFFFF090] =	vst v15  }
0x525: {  	v18 =	vor.u32 v52, v14;
	v15 =	vld.idx.msk [tilespmem:v16+s18+$0x0], $0xffff;
	v16 =	vor.u32 s17, v1;
	[tilespmem:s13+$0xFFFFF110] =	vst v17;
	v17 =	vor.u32 s5, v1  }
0x526: {  	v3 =	vor.u32 v48, v14;
	v1 =	vor.u32 v49, v14;
	v7 =	vld.idx.msk [tilespmem:v7+s18+$0x0], $0xffff;
	[tilespmem:s12+$0x1100] =	vst v5  }
0x527: {  	v55 =	vor.u32 v50, v14;
	[tilespmem:s12+$0x1010] =	vst v11;
	v5 =	vld.idx.msk [tilespmem:v63+s18+$0x0], $0xffff  }
0x528: {  	[tilespmem:s13+$0xFFFFF1A0] =	vst v10;
	v4 =	vld.idx.msk [tilespmem:v4+s18+$0x0], $0xffff  }
0x529: {  	v10 =	vld.idx.msk [tilespmem:v13+s18+$0x0], $0xffff;
	[tilespmem:s12+$0x11D0] =	vst v8  }
0x52a: {  	v8 =	vor.u32 $0x8, v44;
	[tilespmem:s13+$0xFFFFF020] =	vst v9;
	v9 =	vld.idx.msk [tilespmem:v18+s18+$0x0], $0xffff  }
0x52b: {  	v14 =	vor.u32 $0x18, v47;
	v47 =	vmovc v57;
	v13 =	vor.u32 s15, v8;
	v11 =	vld.idx.msk [tilespmem:v12+s18+$0x0], $0xffff;
	v12 =	vor.u32 s16, v8;
	[tilespmem:s13+$0xFFFFF0A0] =	vst v15  }
0x52c: {  	v15 =	vld.idx.msk [tilespmem:v16+s18+$0x0], $0xffff;
	v16 =	vor.u32 s17, v8;
	[tilespmem:s13+$0xFFFFF120] =	vst v7;
	v7 =	vor.u32 s5, v8;
	v8 =	vor.u32 v52, v14  }
0x52d: {  	v49 =	vor.u32 v49, v14;
	v52 =	vor.u32 v48, v14;
	v17 =	vld.idx.msk [tilespmem:v17+s18+$0x0], $0xffff;
	[tilespmem:s12+$0x1090] =	vst v6  }
0x52e: {  	v48 =	vor.u32 v50, v14;
	v6 =	vld.idx.msk [tilespmem:v59+s18+$0x0], $0xffff;
	[tilespmem:s12+$0x1110] =	vst v5  }
0x52f: {  	[tilespmem:s13+$0xFFFFF1B0] =	vst v10;
	v5 =	vld.idx.msk [tilespmem:v56+s18+$0x0], $0xffff  }
0x530: {  	v10 =	vld.idx.msk [tilespmem:v13+s18+$0x0], $0xffff;
	[tilespmem:s12+$0x11E0] =	vst v9  }
0x531: {  	v9 =	vor.u32 $0x8, v45;
	[tilespmem:s13+$0xFFFFF030] =	vst v11;
	v8 =	vld.idx.msk [tilespmem:v8+s18+$0x0], $0xffff  }
0x532: {  	v13 =	vor.u32 s15, v9;
	v11 =	vld.idx.msk [tilespmem:v12+s18+$0x0], $0xffff;
	v12 =	vor.u32 s16, v9;
	[tilespmem:s13+$0xFFFFF0B0] =	vst v15  }
0x533: {  	v15 =	vor.u32 s17, v9;
	v9 =	vor.u32 s5, v9;
	v14 =	vld.idx.msk [tilespmem:v16+s18+$0x0], $0xffff;
	[tilespmem:s13+$0xFFFFF130] =	vst v17  }
0x534: {  	v7 =	vld.idx.msk [tilespmem:v7+s18+$0x0], $0xffff;
	[tilespmem:s12+$0x1020] =	vst v4  }
0x535: {  	v4 =	vld.idx.msk [tilespmem:v62+s18+$0x0], $0xffff;
	[tilespmem:s12+$0x10A0] =	vst v6  }
0x536: {  	[tilespmem:s13+$0xFFFFF1C0] =	vst v10;
	v6 =	vld.idx.msk [tilespmem:v60+s18+$0x0], $0xffff  }
0x537: {  	v10 =	vld.idx.msk [tilespmem:v13+s18+$0x0], $0xffff;
	[tilespmem:s12+$0x11F0] =	vst v8  }
0x538: {  	v8 =	vor.u32 $0x8, v46;
	[tilespmem:s13+$0xFFFFF040] =	vst v11  }
0x539: {  	v13 =	vor.u32 s15, v8;
	v11 =	vld.idx.msk [tilespmem:v12+s18+$0x0], $0xffff;
	v12 =	vor.u32 s16, v8;
	[tilespmem:s13+$0xFFFFF0C0] =	vst v14  }
0x53a: {  	v14 =	vld.idx.msk [tilespmem:v15+s18+$0x0], $0xffff;
	v15 =	vor.u32 s17, v8;
	[tilespmem:s13+$0xFFFFF140] =	vst v7;
	v7 =	vor.u32 s5, v8  }
0x53b: {  	v8 =	vld.idx.msk [tilespmem:v9+s18+$0x0], $0xffff;
	[tilespmem:s12+$0x1120] =	vst v5  }
0x53c: {  	[tilespmem:s12+$0x1030] =	vst v4;
	v4 =	vld.idx.msk [tilespmem:v51+s18+$0x0], $0xffff  }
0x53d: {  	[tilespmem:s13+$0xFFFFF1D0] =	vst v10;
	v0 =	vld.idx.msk [tilespmem:v0+s18+$0x0], $0xffff  }
0x53e: {  	v5 =	vld.idx.msk [tilespmem:v13+s18+$0x0], $0xffff;
	[tilespmem:s12+$0x10B0] =	vst v6  }
0x53f: {  	v6 =	vor.u32 $0x8, v47;
	[tilespmem:s13+$0xFFFFF050] =	vst v11;
	v9 =	vld.idx.msk [tilespmem:v61+s18+$0x0], $0xffff  }
0x540: {  	v11 =	vor.u32 s16, v6;
	v10 =	vld.idx.msk [tilespmem:v12+s18+$0x0], $0xffff;
	[tilespmem:s13+$0xFFFFF0D0] =	vst v14;
	v12 =	vor.u32 s15, v6  }
0x541: {  	v14 =	vor.u32 s17, v6;
	v6 =	vor.u32 s5, v6;
	v13 =	vld.idx.msk [tilespmem:v15+s18+$0x0], $0xffff;
	[tilespmem:s13+$0xFFFFF150] =	vst v8  }
0x542: {  	v7 =	vld.idx.msk [tilespmem:v7+s18+$0x0], $0xffff;
	[tilespmem:s12+$0x1130] =	vst v4  }
0x543: {  	[tilespmem:s12+$0x1040] =	vst v0;
	v0 =	vld.idx.msk [tilespmem:v53+s18+$0x0], $0xffff  }
0x544: {  	[tilespmem:s13+$0xFFFFF1E0] =	vst v5;
	v2 =	vld.idx.msk [tilespmem:v2+s18+$0x0], $0xffff  }
0x545: {  	v4 =	vld.idx.msk [tilespmem:v12+s18+$0x0], $0xffff;
	[tilespmem:s12+$0x10C0] =	vst v9  }
0x546: {  	v5 =	vor.u32 $0x10, v40;
	[tilespmem:s13+$0xFFFFF060] =	vst v10;
	v8 =	vld.idx.msk [tilespmem:v58+s18+$0x0], $0xffff  }
0x547: {  	v10 =	vor.u32 s16, v5;
	v9 =	vld.idx.msk [tilespmem:v11+s18+$0x0], $0xffff;
	[tilespmem:s13+$0xFFFFF0E0] =	vst v13;
	v11 =	vor.u32 s15, v5  }
0x548: {  	v13 =	vor.u32 s17, v5;
	v5 =	vor.u32 s5, v5;
	v12 =	vld.idx.msk [tilespmem:v14+s18+$0x0], $0xffff;
	[tilespmem:s13+$0xFFFFF160] =	vst v7  }
0x549: {  	v6 =	vld.idx.msk [tilespmem:v6+s18+$0x0], $0xffff;
	[tilespmem:s12+$0x1140] =	vst v0  }
0x54a: {  	[tilespmem:s12+$0x1050] =	vst v2;
	v0 =	vld.idx.msk [tilespmem:v54+s18+$0x0], $0xffff  }
0x54b: {  	[tilespmem:s13+$0xFFFFF1F0] =	vst v4;
	v2 =	vld.idx.msk [tilespmem:v3+s18+$0x0], $0xffff  }
0x54c: {  	v3 =	vld.idx.msk [tilespmem:v11+s18+$0x0], $0xffff;
	[tilespmem:s12+$0x10D0] =	vst v8  }
0x54d: {  	v4 =	vor.u32 $0x10, v41;
	[tilespmem:s13+$0xFFFFF070] =	vst v9;
	v1 =	vld.idx.msk [tilespmem:v1+s18+$0x0], $0xffff  }
0x54e: {  	v8 =	vor.u32 s16, v4;
	v9 =	vor.u32 s15, v4;
	v7 =	vld.idx.msk [tilespmem:v10+s18+$0x0], $0xffff;
	[tilespmem:s13+$0xFFFFF0F0] =	vst v12  }
0x54f: {  	v11 =	vor.u32 s17, v4;
	v53 =	vor.u32 s5, v4;
	v10 =	vld.idx.msk [tilespmem:v13+s18+$0x0], $0xffff;
	[tilespmem:s13+$0xFFFFF170] =	vst v6  }
0x550: {  	v6 =	vld.idx.msk [tilespmem:v5+s18+$0x0], $0xffff;
	[tilespmem:s12+$0x1150] =	vst v0  }
0x551: {  	[tilespmem:s12+$0x1060] =	vst v2;
	v51 =	vld.idx.msk [tilespmem:v55+s18+$0x0], $0xffff  }
.Ltmp2:
0x552: {  	[tilespmem:s13+$0x180] =	vst v3;
	v50 =	vld.idx.msk [tilespmem:v52+s18+$0x0], $0xffff;
	(pc) =	sbr.rel @p0 .LBB2_7-.Ltmp2, $4  }
0x553: {  	v4 =	vld.idx.msk [tilespmem:v9+s18+$0x0], $0xffff;
	[tilespmem:s12+$0x10E0] =	vst v1  }
0x554: {  	v0 =	vor.u32 $0x10, v42;
	[tilespmem:s13+$0x0] =	vst v7;
	v49 =	vld.idx.msk [tilespmem:v49+s18+$0x0], $0xffff  }
0x555: {  	v52 =	vor.u32 s15, v0;
	v1 =	vor.u32 s16, v0;
	v3 =	vld.idx.msk [tilespmem:v8+s18+$0x0], $0xffff;
	[tilespmem:s13+$0x80] =	vst v10  }
0x556: {  	s8 =	sadd.s32 $0x40, s8;
	s7 =	sadd.s32 $0x4, s7;
	v2 =	vor.u32 s17, v0;
	v0 =	vor.u32 s5, v0;
	v5 =	vld.idx.msk [tilespmem:v11+s18+$0x0], $0xffff;
	[tilespmem:s13+$0x100] =	vst v6  }
0x557: {  	_ =	sdelay $0x3  }
0x558: {  	v6 =	vld.idx.msk [tilespmem:v53+s18+$0x0], $0xffff;
	_ =	sdelay $0x1  }
0x559: {  	[tilespmem:s13+$0x190] =	vst v4  }
0x55a: {  	v56 =	vor.u32 $0x10, v43;
	v4 =	vld.idx.msk [tilespmem:v52+s18+$0x0], $0xffff;
	[tilespmem:s13+$0x10] =	vst v3  }
0x55b: {  	v57 =	vor.u32 s15, v56;
	[tilespmem:s13+$0x90] =	vst v5;
	v1 =	vld.idx.msk [tilespmem:v1+s18+$0x0], $0xffff  }
0x55c: {  	v7 =	vor.u32 s16, v56;
	[tilespmem:s13+$0x110] =	vst v6;
	v2 =	vld.idx.msk [tilespmem:v2+s18+$0x0], $0xffff  }
0x55d: {  	v58 =	vor.u32 s17, v56;
	v0 =	vld.idx.msk [tilespmem:v0+s18+$0x0], $0xffff  }
0x55e: {  	v3 =	vor.u32 s5, v56  }
0x55f: {  	[tilespmem:s13+$0x1A0] =	vst v4  }
0x560: {  	v59 =	vor.u32 $0x10, v44;
	v4 =	vld.idx.msk [tilespmem:v57+s18+$0x0], $0xffff;
	[tilespmem:s13+$0x20] =	vst v1  }
0x561: {  	v60 =	vor.u32 s15, v59;
	v7 =	vld.idx.msk [tilespmem:v7+s18+$0x0], $0xffff;
	[tilespmem:s13+$0xA0] =	vst v2  }
0x562: {  	v61 =	vor.u32 s16, v59;
	v6 =	vld.idx.msk [tilespmem:v58+s18+$0x0], $0xffff;
	[tilespmem:s13+$0x120] =	vst v0  }
0x563: {  	v62 =	vor.u32 s17, v59;
	v3 =	vld.idx.msk [tilespmem:v3+s18+$0x0], $0xffff  }
0x564: {  	v5 =	vor.u32 s5, v59  }
0x565: {  	[tilespmem:s13+$0x1B0] =	vst v4  }
0x566: {  	v63 =	vor.u32 $0x10, v45;
	v1 =	vld.idx.msk [tilespmem:v60+s18+$0x0], $0xffff;
	[tilespmem:s13+$0x30] =	vst v7  }
0x567: {  	v9 =	vor.u32 s15, v63;
	v2 =	vld.idx.msk [tilespmem:v61+s18+$0x0], $0xffff;
	[tilespmem:s13+$0xB0] =	vst v6  }
0x568: {  	v10 =	vor.u32 s16, v63;
	v0 =	vld.idx.msk [tilespmem:v62+s18+$0x0], $0xffff;
	[tilespmem:s13+$0x130] =	vst v3  }
0x569: {  	v11 =	vor.u32 s17, v63;
	v5 =	vld.idx.msk [tilespmem:v5+s18+$0x0], $0xffff  }
0x56a: {  	v4 =	vor.u32 s5, v63  }
0x56b: {  	[tilespmem:s13+$0x1C0] =	vst v1  }
0x56c: {  	v12 =	vor.u32 $0x10, v46;
	v1 =	vld.idx.msk [tilespmem:v9+s18+$0x0], $0xffff;
	[tilespmem:s13+$0x40] =	vst v2  }
0x56d: {  	v13 =	vor.u32 s15, v12;
	v6 =	vld.idx.msk [tilespmem:v10+s18+$0x0], $0xffff;
	[tilespmem:s13+$0xC0] =	vst v0  }
0x56e: {  	v14 =	vor.u32 s16, v12;
	v3 =	vld.idx.msk [tilespmem:v11+s18+$0x0], $0xffff;
	[tilespmem:s13+$0x140] =	vst v5  }
0x56f: {  	v15 =	vor.u32 s17, v12;
	v4 =	vld.idx.msk [tilespmem:v4+s18+$0x0], $0xffff  }
0x570: {  	v7 =	vor.u32 s5, v12  }
0x571: {  	[tilespmem:s13+$0x1D0] =	vst v1  }
0x572: {  	v16 =	vor.u32 $0x10, v47;
	v1 =	vld.idx.msk [tilespmem:v13+s18+$0x0], $0xffff;
	[tilespmem:s13+$0x50] =	vst v6  }
0x573: {  	v17 =	vor.u32 s15, v16;
	v0 =	vld.idx.msk [tilespmem:v14+s18+$0x0], $0xffff;
	[tilespmem:s13+$0xD0] =	vst v3  }
0x574: {  	s7 =	sor.u32 $0x1B, s14;
	v52 =	vor.u32 s16, v16;
	v5 =	vld.idx.msk [tilespmem:v15+s18+$0x0], $0xffff;
	[tilespmem:s13+$0x150] =	vst v4  }
0x575: {  	v53 =	vmov s14;
	v8 =	vor.u32 s17, v16;
	v9 =	vmov s7;
	v7 =	vld.idx.msk [tilespmem:v7+s18+$0x0], $0xffff  }
0x576: {  	s21 =	sor.u32 $0x19, s14;
	v55 =	vor.u32 $0x18, v40;
	v2 =	vor.u32 s5, v16;
	v9 =	vand.u32 $0x7, v9  }
0x577: {  	s29 =	sor.u32 $0x1A, s14;
	v10 =	vmov s21;
	v4 =	vand.u32 $0x7, v53;
	[tilespmem:s13+$0x1E0] =	vst v1;
	v1 =	vbroadcast v9, $0x0  }
0x578: {  	v11 =	vmov s29;
	v54 =	vand.u32 $0x7, v10;
	v4 =	vbroadcast v4, $0x0;
	v6 =	vld.idx.msk [tilespmem:v17+s18+$0x0], $0xffff;
	[tilespmem:s13+$0x60] =	vst v0  }
0x579: {  	v56 =	vand.u32 $0x7, v11;
	v0 =	vbroadcast v54, $0x0;
	v57 =	vor.u32 v1, v55;
	v3 =	vld.idx.msk [tilespmem:v52+s18+$0x0], $0xffff;
	[tilespmem:s13+$0xE0] =	vst v5  }
0x57a: {  	v58 =	vor.u32 v4, v55;
	v5 =	vbroadcast v56, $0x0;
	v8 =	vld.idx.msk [tilespmem:v8+s18+$0x0], $0xffff;
	[tilespmem:s13+$0x160] =	vst v7  }
0x57b: {  	v59 =	vor.u32 v0, v55;
	v2 =	vld.idx.msk [tilespmem:v2+s18+$0x0], $0xffff  }
0x57c: {  	v10 =	vor.u32 v5, v55  }
0x57d: {  	[tilespmem:s13+$0x1F0] =	vst v6  }
0x57e: {  	v60 =	vor.u32 $0x18, v41;
	v6 =	vld.idx.msk [tilespmem:v57+s18+$0x0], $0xffff;
	[tilespmem:s13+$0x70] =	vst v3  }
0x57f: {  	v61 =	vor.u32 v1, v60;
	v9 =	vld.idx.msk [tilespmem:v58+s18+$0x0], $0xffff;
	[tilespmem:s13+$0xF0] =	vst v8  }
0x580: {  	v62 =	vor.u32 v4, v60;
	v7 =	vld.idx.msk [tilespmem:v59+s18+$0x0], $0xffff;
	[tilespmem:s13+$0x170] =	vst v2  }
0x581: {  	v63 =	vor.u32 v0, v60;
	v10 =	vld.idx.msk [tilespmem:v10+s18+$0x0], $0xffff  }
0x582: {  	v11 =	vor.u32 v5, v60  }
0x583: {  	[tilespmem:s13+$0x1180] =	vst v6  }
0x584: {  	v12 =	vor.u32 $0x18, v42;
	v3 =	vld.idx.msk [tilespmem:v61+s18+$0x0], $0xffff;
	[tilespmem:s13+$0x1000] =	vst v9  }
0x585: {  	v13 =	vor.u32 v1, v12;
	v8 =	vld.idx.msk [tilespmem:v62+s18+$0x0], $0xffff;
	[tilespmem:s13+$0x1080] =	vst v7  }
0x586: {  	v14 =	vor.u32 v4, v12;
	v2 =	vld.idx.msk [tilespmem:v63+s18+$0x0], $0xffff;
	[tilespmem:s13+$0x1100] =	vst v10  }
0x587: {  	v15 =	vor.u32 v0, v12;
	v11 =	vld.idx.msk [tilespmem:v11+s18+$0x0], $0xffff  }
0x588: {  	v6 =	vor.u32 v5, v12  }
0x589: {  	[tilespmem:s13+$0x1190] =	vst v3  }
0x58a: {  	v16 =	vor.u32 $0x18, v43;
	v3 =	vld.idx.msk [tilespmem:v13+s18+$0x0], $0xffff;
	[tilespmem:s13+$0x1010] =	vst v8  }
0x58b: {  	v17 =	vor.u32 v1, v16;
	v7 =	vld.idx.msk [tilespmem:v14+s18+$0x0], $0xffff;
	[tilespmem:s13+$0x1090] =	vst v2  }
0x58c: {  	v40 =	vor.u32 v4, v16;
	v10 =	vld.idx.msk [tilespmem:v15+s18+$0x0], $0xffff;
	[tilespmem:s13+$0x1110] =	vst v11  }
0x58d: {  	v41 =	vor.u32 v0, v16;
	v6 =	vld.idx.msk [tilespmem:v6+s18+$0x0], $0xffff  }
0x58e: {  	v9 =	vor.u32 v5, v16  }
0x58f: {  	[tilespmem:s13+$0x11A0] =	vst v3  }
0x590: {  	v42 =	vor.u32 $0x18, v44;
	v3 =	vld.idx.msk [tilespmem:v17+s18+$0x0], $0xffff;
	[tilespmem:s13+$0x1020] =	vst v7  }
0x591: {  	v43 =	vor.u32 v1, v42;
	v2 =	vld.idx.msk [tilespmem:v40+s18+$0x0], $0xffff;
	[tilespmem:s13+$0x10A0] =	vst v10  }
0x592: {  	v44 =	vor.u32 v4, v42;
	v11 =	vld.idx.msk [tilespmem:v41+s18+$0x0], $0xffff;
	[tilespmem:s13+$0x1120] =	vst v6  }
0x593: {  	v52 =	vor.u32 v0, v42;
	v9 =	vld.idx.msk [tilespmem:v9+s18+$0x0], $0xffff  }
0x594: {  	v8 =	vor.u32 v5, v42  }
0x595: {  	[tilespmem:s13+$0x11B0] =	vst v3  }
0x596: {  	v53 =	vor.u32 $0x18, v45;
	v3 =	vld.idx.msk [tilespmem:v43+s18+$0x0], $0xffff;
	[tilespmem:s13+$0x1030] =	vst v2  }
0x597: {  	v54 =	vor.u32 v1, v53;
	v10 =	vld.idx.msk [tilespmem:v44+s18+$0x0], $0xffff;
	[tilespmem:s13+$0x10B0] =	vst v11  }
0x598: {  	v55 =	vor.u32 v4, v53;
	v6 =	vld.idx.msk [tilespmem:v52+s18+$0x0], $0xffff;
	[tilespmem:s13+$0x1130] =	vst v9  }
0x599: {  	v56 =	vor.u32 v0, v53;
	v8 =	vld.idx.msk [tilespmem:v8+s18+$0x0], $0xffff  }
0x59a: {  	v7 =	vor.u32 v5, v53  }
0x59b: {  	[tilespmem:s13+$0x11C0] =	vst v3  }
0x59c: {  	v57 =	vor.u32 $0x18, v46;
	v2 =	vld.idx.msk [tilespmem:v54+s18+$0x0], $0xffff;
	[tilespmem:s13+$0x1040] =	vst v10  }
0x59d: {  	v58 =	vor.u32 v1, v57;
	v11 =	vld.idx.msk [tilespmem:v55+s18+$0x0], $0xffff;
	[tilespmem:s13+$0x10C0] =	vst v6  }
0x59e: {  	v59 =	vor.u32 v4, v57;
	v9 =	vld.idx.msk [tilespmem:v56+s18+$0x0], $0xffff;
	[tilespmem:s13+$0x1140] =	vst v8  }
0x59f: {  	v60 =	vor.u32 v0, v57;
	v7 =	vld.idx.msk [tilespmem:v7+s18+$0x0], $0xffff  }
0x5a0: {  	v3 =	vor.u32 v5, v57  }
0x5a1: {  	[tilespmem:s13+$0x11D0] =	vst v2  }
0x5a2: {  	v61 =	vor.u32 $0x18, v47;
	v2 =	vld.idx.msk [tilespmem:v58+s18+$0x0], $0xffff;
	[tilespmem:s13+$0x1050] =	vst v11  }
0x5a3: {  	v1 =	vor.u32 v1, v61;
	v6 =	vld.idx.msk [tilespmem:v59+s18+$0x0], $0xffff;
	[tilespmem:s13+$0x10D0] =	vst v9  }
0x5a4: {  	v4 =	vor.u32 v4, v61;
	v8 =	vld.idx.msk [tilespmem:v60+s18+$0x0], $0xffff;
	[tilespmem:s13+$0x1150] =	vst v7  }
0x5a5: {  	[tilespmem:s12+$0x1160] =	vst v51;
	v0 =	vor.u32 v0, v61;
	v3 =	vld.idx.msk [tilespmem:v3+s18+$0x0], $0xffff  }
0x5a6: {  	[tilespmem:s12+$0x1070] =	vst v50;
	v5 =	vor.u32 v5, v61  }
0x5a7: {  	v62 =	vld.idx.msk [tilespmem:v48+s18+$0x0], $0xffff;
	[tilespmem:s13+$0x11E0] =	vst v2  }
0x5a8: {  	v1 =	vld.idx.msk [tilespmem:v1+s18+$0x0], $0xffff;
	[tilespmem:s13+$0x1060] =	vst v6  }
0x5a9: {  	v63 =	vld.idx.msk [tilespmem:v4+s18+$0x0], $0xffff;
	[tilespmem:s13+$0x10E0] =	vst v8  }
0x5aa: {  	v0 =	vld.idx.msk [tilespmem:v0+s18+$0x0], $0xffff;
	[tilespmem:s13+$0x1160] =	vst v3  }
0x5ab: {  	s0 =	sadd.s32 $0x1, s0;
	[tilespmem:s12+$0x10F0] =	vst v49;
	v3 =	vld.idx.msk [tilespmem:v5+s18+$0x0], $0xffff  }
0x5ac: {  	p0 =	sne.s32 s0, $0x19;
	[tilespmem:s12+$0x1170] =	vst v62  }
.Ltmp3:
0x5ad: {  	s31 =	sshll.u32 s10, $0x13;
	[tilespmem:s13+$0x11F0] =	vst v1;
	(pc) =	sbr.rel @p0 .LBB2_4-.Ltmp3, $4  }
0x5ae: {  	s5 =	sor.u32 s6, s31;
	[tilespmem:s13+$0x1070] =	vst v63  }
0x5af: {  	s5 =	sshrl.u32 s5, $0x3;
	[tilespmem:s13+$0x10F0] =	vst v0  }
0x5b0: {  	s5 =	sadd.s32 s2, s5;
	[tilespmem:s13+$0x1170] =	vst v3  }
0x5b1: {  	[hbm4b:s5+s23] =	stream.strided.scatter [tilespmem:s28], [sflag:$0x4], $0x4000, s24, s23, $0x38;
	[tilespmem:$0x1D400] =	vst v63  }
0x5b2: {  	s0 =	simm.s32 $0x3  }
0x5b3: {  	_ =	swait.ge [sflag:s0], $0x4000  }
0x5b4: {  	[sflag:s0] =	ssyncset.done $0x0  }
0x5b5: {  	[sflag:s0] =	ssyncadd.s32 $0xFFFFC000  }
0x5b6: {  	_ =	swait.ge [sflag:s30], $0x4000  }
0x5b7: {  	v6 =	vld [tilespmem:$0x1FEC0]  }
0x5b8: {  	v7 =	vld [tilespmem:$0x1FED0]  }
0x5b9: {  	v8 =	vld [tilespmem:$0x1FEE0]  }
0x5ba: {  	v9 =	vld [tilespmem:$0x1FEF0]  }
0x5bb: {  	v10 =	vld [tilespmem:$0x1FF00]  }
0x5bc: {  	v11 =	vld [tilespmem:$0x1FF10]  }
0x5bd: {  	v12 =	vld [tilespmem:$0x1FF20]  }
0x5be: {  	v13 =	vld [tilespmem:$0x1FF30]  }
0x5bf: {  	v14 =	vld [tilespmem:$0x1FF40]  }
0x5c0: {  	v15 =	vld [tilespmem:$0x1FF50]  }
0x5c1: {  	v16 =	vld [tilespmem:$0x1FF60]  }
0x5c2: {  	v17 =	vld [tilespmem:$0x1FF70]  }
0x5c3: {  	s1 =	rddreg [dreg:$0x5];
	v18 =	vld [tilespmem:$0x1FF80]  }
0x5c4: {  	s31 =	rddreg [dreg:$0x4];
	v19 =	vld [tilespmem:$0x1FF90];
	s1 =	sadd.s32 $0x1, s1  }
0x5c5: {  	v59 =	vld [tilespmem:$0x1FFA0];
	p0 =	sne.s32 s1, s31  }
.Ltmp4:
0x5c6: {  	v63 =	vld [tilespmem:$0x1FFE0];
	(pc) =	sbr.rel @p0 .LBB2_1-.Ltmp4, $4  }
0x5c7: {  	v60 =	vld [tilespmem:$0x1FFB0]  }
0x5c8: {  	v61 =	vld [tilespmem:$0x1FFC0]  }
0x5c9: {  	[sflag:s30] =	ssyncset.done $0x0;
	v62 =	vld [tilespmem:$0x1FFD0]  }
0x5ca: {  	v58 =	vld [tilespmem:$0x1FFF0];
	[sflag:s30] =	ssyncadd.s32 $0xFFFFC000  }
0x5cb: {  	_ =	sfence.sel $0x180000  }
0x5cc: {  	[bflag:$0x0] =	sbarrier.arrive $0xFFFF  }
0x5cd: {  	_ =	strace $0x90000047  }
0x5ce: {  	s0 =	stileid.u32;
	[bflag:$0x2] =	sbarrier.arrive $0xFFFF  }
0x5cf: {  	p0 =	sne.s32 s0, $0x0;
	s0 =	rddreg [dreg:$0x2]  }
0x5d0: {  	s0 =	sadd.s32 @!p0 $0x100000, s0  }
0x5d1: {  	[sflag:s0] =	ssyncadd.tile.s32 @!p0 $0x1;
	_ =	shalt  }
.Lfunc_end2:
_tile_overlayer_lowered:
.L_overlay_start_2:
0x5d2: {  	(tag) =	ssettag $0x2  }
0x5d3: {  	s0 =	rddreg [dreg:$0x0];
	s2 =	stileid.u32  }
0x5d4: {  	s1 =	rddreg [dreg:$0x1];
	p0 =	sne.s32 s2, $0x0  }
0x5d5: {  	s3 =	rddreg [dreg:$0x2];
	[bflag:$0x3] =	sbarrier.arrive $0xFFFF;
	s2 =	simm.s32 @!p0 $0x1C05  }
0x5d6: {  	[timem:s3], [sflag:s2] =	dma.local @!p0 [hbm:s0], s1  }
0x5d7: {  	s0 =	simm.s32 @!p0 $0x5  }
0x5d8: {  	_ =	swait.ge @!p0 [sflag:s0], s1  }
0x5d9: {  	s1 =	ssub.s32 @!p0 $0x0, s1;
	[sflag:s0] =	ssyncset.done @!p0 $0x0  }
0x5da: {  	[sflag:s0] =	ssyncadd.s32 @!p0 s1  }
0x5db: {  	[bflag:$0x3] =	sbarrier.arrive $0xFFFF  }
0x5dc: {  	_ =	shalt  }

</sc_bundles>
